<compile_context>
chip_gen: v7x
topology: tpu7x:2x2x1
jax: 0.10.2.dev20260603
libtpu: 0.0.44.dev20260713+nightly
codegen_flags: <defaults>
</compile_context>

<pallas_src>
import functools
import jax
import jax.numpy as jnp
from jax import lax
from jax.experimental import pallas as pl
from jax.experimental.pallas import tpu as pltpu
from jax.experimental.pallas import tpu_sc as plsc

N = 10000
E = 320000
D_IN = 128
D_H = 128
D_OUT = 40

NC = 2
NS = 16
NW = NC * NS
EPW = 10240
E_PAD = NW * EPW
N_PAD = 10112
DSH = 128


def _sc_seg_sum(d_feat, with_deg, ch, g_sz, ngrp):
  mesh = plsc.VectorSubcoreMesh(core_axis_name="c", subcore_axis_name="s",
                                num_cores=NC, num_subcores=NS)
  out_type = [jax.ShapeDtypeStruct((NC * N, d_feat), jnp.float32)]
  if with_deg:
    out_type.append(jax.ShapeDtypeStruct((NW, N_PAD // DSH, DSH), jnp.float32))
  scratch = [
      pltpu.VMEM((g_sz, ch), jnp.int32),
      pltpu.VMEM((g_sz, ch), jnp.int32),
      pltpu.VMEM((ch, d_feat), jnp.float32),
      pltpu.VMEM((ch, d_feat), jnp.float32),
      pltpu.VMEM((N_PAD // DSH, DSH), jnp.float32),
      pltpu.VMEM_SHARED((N_PAD, d_feat), jnp.float32),
      pltpu.SemaphoreType.DMA,
      pltpu.SemaphoreType.DMA,
      pltpu.SemaphoreType.DMA,
      pltpu.SemaphoreType.DMA,
  ]

  def body(src_hbm, dst_hbm, table_hbm, zrows_hbm, zdeg_hbm,
           out_hbm, *rest):
    if with_deg:
      deg_hbm = rest[0]
      rest = rest[1:]
    sidx, didx, rows0, rows1, degv, acc, g0, g1, s0, s1 = rest
    rows = (rows0, rows1)
    gsem = (g0, g1)
    ssem = (s0, s1)
    c = lax.axis_index("c")
    s = lax.axis_index("s")
    wid = c * NS + s

    zslab = N_PAD // NS
    pltpu.sync_copy(zrows_hbm.at[pl.ds(s * zslab, zslab)],
                    acc.at[pl.ds(s * zslab, zslab)])
    if with_deg:
      pltpu.sync_copy(zdeg_hbm, degv)

    plsc.subcore_barrier()
    ones16 = jnp.full((16,), 1.0, jnp.float32)

    def deg_update(t):
      for k in range(ch // 16):
        idx16 = didx[t, pl.ds(k * 16, 16)]
        hi = lax.shift_right_logical(idx16, 7)
        lo = lax.bitwise_and(idx16, DSH - 1)
        plsc.addupdate_scatter(degv, [hi, lo], ones16)

    def group(g, _):
      pltpu.sync_copy(src_hbm.at[wid, pl.ds(g * g_sz, g_sz)], sidx)
      pltpu.sync_copy(dst_hbm.at[wid, pl.ds(g * g_sz, g_sz)], didx)
      gd = [None, None]
      sd = [None, None]
      gd[0] = pltpu.async_copy(table_hbm.at[sidx.at[0]], rows[0], gsem[0])
      for t in range(1, g_sz):
        b, pb = t % 2, (t - 1) % 2
        if t >= 2:
          sd[b].wait()
        gd[b] = pltpu.async_copy(table_hbm.at[sidx.at[t]], rows[b], gsem[b])
        gd[pb].wait()
        sd[pb] = pltpu.async_copy(rows[pb], acc.at[didx.at[t - 1]], ssem[pb],
                                  add=True)
        if with_deg:
          deg_update(t - 1)
      lb, plb = (g_sz - 1) % 2, (g_sz - 2) % 2
      gd[lb].wait()
      sd[lb] = pltpu.async_copy(rows[lb], acc.at[didx.at[g_sz - 1]], ssem[lb],
                                add=True)
      if with_deg:
        deg_update(g_sz - 1)
      sd[plb].wait()
      sd[lb].wait()
      return _

    lax.fori_loop(0, ngrp, group, None)
    plsc.subcore_barrier()

    wslab = 624
    pltpu.sync_copy(acc.at[pl.ds(s * wslab, wslab)],
                    out_hbm.at[pl.ds(c * N + s * wslab, wslab)])
    @pl.when(s == NS - 1)
    def _():
      rem = N - NS * wslab
      pltpu.sync_copy(acc.at[pl.ds(NS * wslab, rem)],
                      out_hbm.at[pl.ds(c * N + NS * wslab, rem)])
    if with_deg:
      pltpu.sync_copy(degv, deg_hbm.at[wid])

  return pl.kernel(body, out_type=out_type, mesh=mesh, scratch_types=scratch,
                   compiler_params=pltpu.CompilerParams(
                       needs_layout_passes=False),
                   name=f"sc_seg_sum_{d_feat}")


CH1, G1, NGRP1 = 80, 16, 8
_seg_sum_deg = _sc_seg_sum(D_IN, True, CH1, G1, NGRP1)
_seg_sum_h = _sc_seg_sum(D_H, False, CH1, G1, NGRP1)

_R = 1000


def _tc_rcp_body(dg_ref, rcp_ref):
  deg = jnp.sum(dg_ref[...], axis=0)
  rcp_ref[...] = 1.0 / jnp.maximum(deg, 1.0)


def _tc_rcp(dg):
  nb = N_PAD // DSH
  return pl.pallas_call(
      _tc_rcp_body,
      in_specs=[pl.BlockSpec((NW, nb, DSH), lambda: (0, 0, 0))],
      out_specs=pl.BlockSpec((nb, DSH), lambda: (0, 0)),
      out_shape=jax.ShapeDtypeStruct((nb, DSH), jnp.float32),
      name="tc_rcp",
  )(dg)


def _tc_mid_body(x_ref, p1_ref, rcp_ref, ws1_ref, wn1_ref, b1_ref, h_ref):
  agg = p1_ref[0] + p1_ref[1]
  hn = agg * rcp_ref[...]
  x = x_ref[...]
  h = jnp.dot(x, ws1_ref[...], preferred_element_type=jnp.float32)
  h += jnp.dot(hn, wn1_ref[...], preferred_element_type=jnp.float32)
  h_ref[...] = jnp.maximum(h + b1_ref[...], 0.0)


def _tc_mid(x, p1, rcp, ws1, wn1, b1):
  grid = (N // _R,)
  return pl.pallas_call(
      _tc_mid_body,
      grid=grid,
      in_specs=[
          pl.BlockSpec((_R, D_IN), lambda i: (i, 0)),
          pl.BlockSpec((NC, _R, D_H), lambda i: (0, i, 0)),
          pl.BlockSpec((_R, 1), lambda i: (i, 0)),
          pl.BlockSpec((D_IN, D_H), lambda i: (0, 0)),
          pl.BlockSpec((D_IN, D_H), lambda i: (0, 0)),
          pl.BlockSpec((1, D_H), lambda i: (0, 0)),
      ],
      out_specs=pl.BlockSpec((_R, D_H), lambda i: (i, 0)),
      out_shape=jax.ShapeDtypeStruct((N, D_H), jnp.float32),
      name="tc_mid",
  )(x, p1, rcp, ws1, wn1, b1)


def _tc_final_body(h_ref, p2_ref, rcp_ref, ws2_ref, wn2_ref, b2_ref, out_ref):
  agg = p2_ref[0] + p2_ref[1]
  hn = agg * rcp_ref[...]
  out = jnp.dot(h_ref[...], ws2_ref[...], preferred_element_type=jnp.float32)
  out += jnp.dot(hn, wn2_ref[...], preferred_element_type=jnp.float32)
  out_ref[...] = out + b2_ref[...]


def _tc_final(h, p2, rcp, ws2, wn2, b2):
  grid = (N // _R,)
  return pl.pallas_call(
      _tc_final_body,
      grid=grid,
      in_specs=[
          pl.BlockSpec((_R, D_H), lambda i: (i, 0)),
          pl.BlockSpec((NC, _R, D_H), lambda i: (0, i, 0)),
          pl.BlockSpec((_R, 1), lambda i: (i, 0)),
          pl.BlockSpec((D_H, D_OUT), lambda i: (0, 0)),
          pl.BlockSpec((D_H, D_OUT), lambda i: (0, 0)),
          pl.BlockSpec((1, D_OUT), lambda i: (0, 0)),
      ],
      out_specs=pl.BlockSpec((_R, D_OUT), lambda i: (i, 0)),
      out_shape=jax.ShapeDtypeStruct((N, D_OUT), jnp.float32),
      name="tc_final",
  )(h, p2, rcp, ws2, wn2, b2)


@jax.jit
def kernel(x, edge_index, W_self1, W_neigh1, b1, W_self2, W_neigh2, b2):
  src = edge_index[0]
  dst = edge_index[1]
  pad = E_PAD - E
  pad_i = jnp.arange(pad, dtype=jnp.int32)
  src_flat = jnp.concatenate([src, pad_i % N])
  dst_flat = jnp.concatenate([dst, N + pad_i % (N_PAD - N)])
  src_l1 = src_flat.reshape(NW, EPW // CH1, CH1)
  dst_l1 = dst_flat.reshape(NW, EPW // CH1, CH1)
  zrows = jnp.zeros((N_PAD, D_IN), jnp.float32)
  zdeg = jnp.zeros((N_PAD // DSH, DSH), jnp.float32)

  p1, dg = _seg_sum_deg(src_l1, dst_l1, x, zrows, zdeg)
  p1 = p1.reshape(NC, N, D_H)

  rcp = _tc_rcp(dg).reshape(N_PAD, 1)

  b1r = b1.reshape(1, D_H)
  b2r = b2.reshape(1, D_OUT)
  h = _tc_mid(x, p1, rcp, W_self1, W_neigh1, b1r)

  p2 = _seg_sum_h(src_l1, dst_l1, h, zrows, zdeg)[0]
  p2 = p2.reshape(NC, N, D_H)

  return _tc_final(h, p2, rcp, W_self2, W_neigh2, b2r)

# --- scband reference (transcript-rebuilt; emitter-appended) ---
"""Pipeline reference for scband-graph-sage-43671227466485 (READ-ONLY COPY).

The authoritative reference and input builder live on the scoring server;
editing this copy changes nothing except your own understanding.
"""

import jax, jax.numpy as jnp
import numpy as np

N = 10000
E = 320000
D_IN = 128
D_H = 128
D_OUT = 40


def setup_inputs(seed: int = 0) -> dict:
    key = jax.random.key(seed)
    ks = jax.random.split(key, 8)
    x = jax.random.normal(ks[0], (N, D_IN), dtype=jnp.float32)
    edge_index = jax.random.randint(ks[1], (2, E), 0, N, dtype=jnp.int32)
    s1 = 1.0 / np.sqrt(D_IN)
    s2 = 1.0 / np.sqrt(D_H)
    W_self1 = jax.random.uniform(ks[2], (D_IN, D_H), dtype=jnp.float32, minval=-s1, maxval=s1)
    W_neigh1 = jax.random.uniform(ks[3], (D_IN, D_H), dtype=jnp.float32, minval=-s1, maxval=s1)
    b1 = jnp.zeros((D_H,), dtype=jnp.float32)
    W_self2 = jax.random.uniform(ks[4], (D_H, D_OUT), dtype=jnp.float32, minval=-s2, maxval=s2)
    W_neigh2 = jax.random.uniform(ks[5], (D_H, D_OUT), dtype=jnp.float32, minval=-s2, maxval=s2)
    b2 = jnp.zeros((D_OUT,), dtype=jnp.float32)
    return {"x": x, "edge_index": edge_index, "W_self1": W_self1, "W_neigh1": W_neigh1,
            "b1": b1, "W_self2": W_self2, "W_neigh2": W_neigh2, "b2": b2}


def _sage_conv(h, src, dst, W_self, W_neigh, b):
    # DGL SAGEConv 'mean': out = fc_self(h) + fc_neigh(mean_{u in N(v)} h_u) + bias
    msg = jnp.take(h, src, axis=0)                       # gather from source nodes
    agg = jax.ops.segment_sum(msg, dst, num_segments=N)  # scatter-add to dst nodes
    deg = jax.ops.segment_sum(jnp.ones((E,), dtype=h.dtype), dst, num_segments=N)
    h_neigh = agg / jnp.clip(deg, 1.0, None)[:, None]
    return h @ W_self + h_neigh @ W_neigh + b


def reference(x, edge_index, W_self1, W_neigh1, b1, W_self2, W_neigh2, b2):
    src = edge_index[0]
    dst = edge_index[1]
    h = _sage_conv(x, src, dst, W_self1, W_neigh1, b1)
    h = jax.nn.relu(h)
    out = _sage_conv(h, src, dst, W_self2, W_neigh2, b2)
    return out

if __name__ == "__main__":
    import jax
    _d = setup_inputs()
    print(jax.jit(kernel)(*tuple(_d.values())))

</pallas_src>

<mosaic_0001>
#map = affine_map<(d0, d1) -> (0, 0, 0)>
#map1 = affine_map<(d0, d1) -> (0, 0)>
module attributes {stable_mosaic.version = 14 : i64} {
  func.func @sc_seg_sum_128(%arg0: i32, %arg1: i32, %arg2: memref<32x128x80xi32, #tpu.memory_space<hbm>>, %arg3: memref<32x128x80xi32, #tpu.memory_space<hbm>>, %arg4: memref<10000x128xf32, #tpu.memory_space<hbm>>, %arg5: memref<10112x128xf32, #tpu.memory_space<hbm>>, %arg6: memref<79x128xf32, #tpu.memory_space<hbm>>, %arg7: memref<20000x128xf32, #tpu.memory_space<hbm>>, %arg8: memref<32x79x128xf32, #tpu.memory_space<hbm>>, %arg9: memref<16x80xi32, #tpu.memory_space<vmem>>, %arg10: memref<16x80xi32, #tpu.memory_space<vmem>>, %arg11: memref<80x128xf32, #tpu.memory_space<vmem>>, %arg12: memref<80x128xf32, #tpu.memory_space<vmem>>, %arg13: memref<79x128xf32, #tpu.memory_space<vmem>>, %arg14: memref<10112x128xf32, #tpu.memory_space<vmem_shared>>, %arg15: memref<!tpu.dma_semaphore, #tpu.memory_space<semaphore_mem>>, %arg16: memref<!tpu.dma_semaphore, #tpu.memory_space<semaphore_mem>>, %arg17: memref<!tpu.dma_semaphore, #tpu.memory_space<semaphore_mem>>, %arg18: memref<!tpu.dma_semaphore, #tpu.memory_space<semaphore_mem>>) attributes {dimension_semantics = [#tpu.dimension_semantics<core_parallel>, #tpu.dimension_semantics<subcore_parallel>], iteration_bounds = array<i64: 2, 16>, scalar_prefetch = 0 : i64, scratch_operands = 10 : i64, tpu.core_type = #tpu.core_type<sc_vector_subcore>, window_params = [{transform_indices = #map}, {transform_indices = #map}, {transform_indices = #map1}, {transform_indices = #map1}, {transform_indices = #map1}, {transform_indices = #map1}, {transform_indices = #map}]} {
    %mul3A = arith.constant 16 : i32
    %mul3A_0 = arith.muli %arg0, %mul3A : i32
    %add3A = arith.addi %mul3A_0, %arg1 : i32
    %mul3A_1 = arith.constant 632 : i32
    %mul3A_2 = arith.muli %arg1, %mul3A_1 : i32
    %mul3A_3 = arith.constant 632 : i32
    %mul3A_4 = arith.muli %arg1, %mul3A_3 : i32
    "tpu.region"() ({
      %run_scoped3A = tpu.sem_alloc : memref<!tpu.dma_semaphore, #tpu.memory_space<semaphore_mem>>
      %dma_start3A = arith.constant 0 : i32
      %dma_start3A_20 = tpu.memref_slice %arg14[%mul3A_4, %dma_start3A] : memref<10112x128xf32, #tpu.memory_space<vmem_shared>> -> memref<632x128xf32, #tpu.memory_space<vmem_shared>>
      %dma_start3A_21 = arith.constant 0 : i32
      %dma_start3A_22 = tpu.memref_slice %arg5[%mul3A_2, %dma_start3A_21] : memref<10112x128xf32, #tpu.memory_space<hbm>> -> memref<632x128xf32, #tpu.memory_space<hbm>>
      tpu.enqueue_dma source(%dma_start3A_22 : memref<632x128xf32, #tpu.memory_space<hbm>>) target(%dma_start3A_20 : memref<632x128xf32, #tpu.memory_space<vmem_shared>>) target_semaphore(%run_scoped3A : memref<!tpu.dma_semaphore, #tpu.memory_space<semaphore_mem>>)
      %dma_wait3A = arith.constant 0 : i32
      %dma_wait3A_23 = tpu.memref_slice %arg14[%mul3A_4, %dma_wait3A] : memref<10112x128xf32, #tpu.memory_space<vmem_shared>> -> memref<632x128xf32, #tpu.memory_space<vmem_shared>>
      %dma_wait3A_24 = arith.constant 0 : i32
      %dma_wait3A_25 = tpu.memref_slice %arg5[%mul3A_2, %dma_wait3A_24] : memref<10112x128xf32, #tpu.memory_space<hbm>> -> memref<632x128xf32, #tpu.memory_space<hbm>>
      tpu.wait_dma2 semaphore(%run_scoped3A : memref<!tpu.dma_semaphore, #tpu.memory_space<semaphore_mem>>) src(%dma_wait3A_25 : memref<632x128xf32, #tpu.memory_space<hbm>>) dst(%dma_wait3A_23 : memref<632x128xf32, #tpu.memory_space<vmem_shared>>)
      tpu.yield
    }) : () -> ()
    "tpu.region"() ({
      %run_scoped3A = tpu.sem_alloc : memref<!tpu.dma_semaphore, #tpu.memory_space<semaphore_mem>>
      tpu.enqueue_dma source(%arg6 : memref<79x128xf32, #tpu.memory_space<hbm>>) target(%arg13 : memref<79x128xf32, #tpu.memory_space<vmem>>) target_semaphore(%run_scoped3A : memref<!tpu.dma_semaphore, #tpu.memory_space<semaphore_mem>>)
      tpu.wait_dma2 semaphore(%run_scoped3A : memref<!tpu.dma_semaphore, #tpu.memory_space<semaphore_mem>>) src(%arg6 : memref<79x128xf32, #tpu.memory_space<hbm>>) dst(%arg13 : memref<79x128xf32, #tpu.memory_space<vmem>>)
      tpu.yield
    }) : () -> ()
    %barrier3A = arith.constant 0 : index
    tpu.barrier barrier_id(%barrier3A)
    %broadcast_in_dim3A = arith.constant 1.000000e+00 : f32
    %broadcast_in_dim3A_5 = vector.broadcast %broadcast_in_dim3A : f32 to vector<16xf32>
    %scan3A = arith.constant 0 : i32
    %scan3A_6 = arith.constant 8 : i32
    %scan3A_7 = arith.addi %scan3A, %scan3A_6 : i32
    %scan3A_8 = arith.constant 1 : i32
    scf.for %scan3A_20 = %scan3A to %scan3A_7 step %scan3A_8  : i32 {
      %mul3A_21 = arith.constant 16 : i32
      %mul3A_22 = arith.muli %scan3A_20, %mul3A_21 : i32
      "tpu.region"() ({
        %run_scoped3A = tpu.sem_alloc : memref<!tpu.dma_semaphore, #tpu.memory_space<semaphore_mem>>
        %dma_start3A_1268 = arith.constant 0 : i32
        %dma_start3A_1269 = tpu.memref_slice %arg2[%add3A, %mul3A_22, %dma_start3A_1268] : memref<32x128x80xi32, #tpu.memory_space<hbm>> -> memref<1x16x80xi32, #tpu.memory_space<hbm>>
        %dma_start3A_1270 = tpu.memref_squeeze %dma_start3A_1269 : memref<1x16x80xi32, #tpu.memory_space<hbm>> -> memref<16x80xi32, #tpu.memory_space<hbm>>
        %dma_start3A_1271 = arith.constant 0 : i32
        %dma_start3A_1272 = tpu.memref_slice %arg2[%add3A, %mul3A_22, %dma_start3A_1271] : memref<32x128x80xi32, #tpu.memory_space<hbm>> -> memref<1x16x80xi32, #tpu.memory_space<hbm>>
        %dma_start3A_1273 = tpu.memref_squeeze %dma_start3A_1272 : memref<1x16x80xi32, #tpu.memory_space<hbm>> -> memref<16x80xi32, #tpu.memory_space<hbm>>
        tpu.enqueue_dma source(%dma_start3A_1273 : memref<16x80xi32, #tpu.memory_space<hbm>>) target(%arg9 : memref<16x80xi32, #tpu.memory_space<vmem>>) target_semaphore(%run_scoped3A : memref<!tpu.dma_semaphore, #tpu.memory_space<semaphore_mem>>)
        %dma_wait3A_1274 = arith.constant 0 : i32
        %dma_wait3A_1275 = tpu.memref_slice %arg2[%add3A, %mul3A_22, %dma_wait3A_1274] : memref<32x128x80xi32, #tpu.memory_space<hbm>> -> memref<1x16x80xi32, #tpu.memory_space<hbm>>
        %dma_wait3A_1276 = tpu.memref_squeeze %dma_wait3A_1275 : memref<1x16x80xi32, #tpu.memory_space<hbm>> -> memref<16x80xi32, #tpu.memory_space<hbm>>
        %dma_wait3A_1277 = arith.constant 0 : i32
        %dma_wait3A_1278 = tpu.memref_slice %arg2[%add3A, %mul3A_22, %dma_wait3A_1277] : memref<32x128x80xi32, #tpu.memory_space<hbm>> -> memref<1x16x80xi32, #tpu.memory_space<hbm>>
        %dma_wait3A_1279 = tpu.memref_squeeze %dma_wait3A_1278 : memref<1x16x80xi32, #tpu.memory_space<hbm>> -> memref<16x80xi32, #tpu.memory_space<hbm>>
        tpu.wait_dma2 semaphore(%run_scoped3A : memref<!tpu.dma_semaphore, #tpu.memory_space<semaphore_mem>>) src(%dma_wait3A_1279 : memref<16x80xi32, #tpu.memory_space<hbm>>) dst(%arg9 : memref<16x80xi32, #tpu.memory_space<vmem>>)
        tpu.yield
      }) : () -> ()
      %mul3A_23 = arith.constant 16 : i32
      %mul3A_24 = arith.muli %scan3A_20, %mul3A_23 : i32
      "tpu.region"() ({
        %run_scoped3A = tpu.sem_alloc : memref<!tpu.dma_semaphore, #tpu.memory_space<semaphore_mem>>
        %dma_start3A_1268 = arith.constant 0 : i32
        %dma_start3A_1269 = tpu.memref_slice %arg3[%add3A, %mul3A_24, %dma_start3A_1268] : memref<32x128x80xi32, #tpu.memory_space<hbm>> -> memref<1x16x80xi32, #tpu.memory_space<hbm>>
        %dma_start3A_1270 = tpu.memref_squeeze %dma_start3A_1269 : memref<1x16x80xi32, #tpu.memory_space<hbm>> -> memref<16x80xi32, #tpu.memory_space<hbm>>
        %dma_start3A_1271 = arith.constant 0 : i32
        %dma_start3A_1272 = tpu.memref_slice %arg3[%add3A, %mul3A_24, %dma_start3A_1271] : memref<32x128x80xi32, #tpu.memory_space<hbm>> -> memref<1x16x80xi32, #tpu.memory_space<hbm>>
        %dma_start3A_1273 = tpu.memref_squeeze %dma_start3A_1272 : memref<1x16x80xi32, #tpu.memory_space<hbm>> -> memref<16x80xi32, #tpu.memory_space<hbm>>
        tpu.enqueue_dma source(%dma_start3A_1273 : memref<16x80xi32, #tpu.memory_space<hbm>>) target(%arg10 : memref<16x80xi32, #tpu.memory_space<vmem>>) target_semaphore(%run_scoped3A : memref<!tpu.dma_semaphore, #tpu.memory_space<semaphore_mem>>)
        %dma_wait3A_1274 = arith.constant 0 : i32
        %dma_wait3A_1275 = tpu.memref_slice %arg3[%add3A, %mul3A_24, %dma_wait3A_1274] : memref<32x128x80xi32, #tpu.memory_space<hbm>> -> memref<1x16x80xi32, #tpu.memory_space<hbm>>
        %dma_wait3A_1276 = tpu.memref_squeeze %dma_wait3A_1275 : memref<1x16x80xi32, #tpu.memory_space<hbm>> -> memref<16x80xi32, #tpu.memory_space<hbm>>
        %dma_wait3A_1277 = arith.constant 0 : i32
        %dma_wait3A_1278 = tpu.memref_slice %arg3[%add3A, %mul3A_24, %dma_wait3A_1277] : memref<32x128x80xi32, #tpu.memory_space<hbm>> -> memref<1x16x80xi32, #tpu.memory_space<hbm>>
        %dma_wait3A_1279 = tpu.memref_squeeze %dma_wait3A_1278 : memref<1x16x80xi32, #tpu.memory_space<hbm>> -> memref<16x80xi32, #tpu.memory_space<hbm>>
        tpu.wait_dma2 semaphore(%run_scoped3A : memref<!tpu.dma_semaphore, #tpu.memory_space<semaphore_mem>>) src(%dma_wait3A_1279 : memref<16x80xi32, #tpu.memory_space<hbm>>) dst(%arg10 : memref<16x80xi32, #tpu.memory_space<vmem>>)
        tpu.yield
      }) : () -> ()
      %dma_start3A = arith.constant 0 : i32
      %dma_start3A_25 = arith.constant 0 : i32
      %dma_start3A_26 = tpu.memref_slice %arg9[%dma_start3A, %dma_start3A_25] : memref<16x80xi32, #tpu.memory_space<vmem>> -> memref<1x80xi32, #tpu.memory_space<vmem>>
      %dma_start3A_27 = tpu.memref_squeeze %dma_start3A_26 : memref<1x80xi32, #tpu.memory_space<vmem>> -> memref<80xi32, #tpu.memory_space<vmem>>
      %dma_start3A_28 = arith.constant 0 : i32
      %dma_start3A_29 = arith.constant 0 : i32
      %dma_start3A_30 = tpu.memref_slice %arg4[%dma_start3A_28, %dma_start3A_29] : memref<10000x128xf32, #tpu.memory_space<hbm>> -> memref<10000x128xf32, #tpu.memory_space<hbm>>
      tpu.enqueue_indirect_dma source(%dma_start3A_30 : memref<10000x128xf32, #tpu.memory_space<hbm>>) target(%arg11 : memref<80x128xf32, #tpu.memory_space<vmem>>) offsets(%dma_start3A_27 : memref<80xi32, #tpu.memory_space<vmem>>) semaphore(%arg15 : memref<!tpu.dma_semaphore, #tpu.memory_space<semaphore_mem>>)
      %dma_start3A_31 = arith.constant 1 : i32
      %dma_start3A_32 = arith.constant 0 : i32
      %dma_start3A_33 = tpu.memref_slice %arg9[%dma_start3A_31, %dma_start3A_32] : memref<16x80xi32, #tpu.memory_space<vmem>> -> memref<1x80xi32, #tpu.memory_space<vmem>>
      %dma_start3A_34 = tpu.memref_squeeze %dma_start3A_33 : memref<1x80xi32, #tpu.memory_space<vmem>> -> memref<80xi32, #tpu.memory_space<vmem>>
      %dma_start3A_35 = arith.constant 0 : i32
      %dma_start3A_36 = arith.constant 0 : i32
      %dma_start3A_37 = tpu.memref_slice %arg4[%dma_start3A_35, %dma_start3A_36] : memref<10000x128xf32, #tpu.memory_space<hbm>> -> memref<10000x128xf32, #tpu.memory_space<hbm>>
      tpu.enqueue_indirect_dma source(%dma_start3A_37 : memref<10000x128xf32, #tpu.memory_space<hbm>>) target(%arg12 : memref<80x128xf32, #tpu.memory_space<vmem>>) offsets(%dma_start3A_34 : memref<80xi32, #tpu.memory_space<vmem>>) semaphore(%arg16 : memref<!tpu.dma_semaphore, #tpu.memory_space<semaphore_mem>>)
      %dma_wait3A = arith.constant 0 : i32
      %dma_wait3A_38 = arith.constant 0 : i32
      %dma_wait3A_39 = tpu.memref_slice %arg9[%dma_wait3A, %dma_wait3A_38] : memref<16x80xi32, #tpu.memory_space<vmem>> -> memref<1x80xi32, #tpu.memory_space<vmem>>
      %dma_wait3A_40 = tpu.memref_squeeze %dma_wait3A_39 : memref<1x80xi32, #tpu.memory_space<vmem>> -> memref<80xi32, #tpu.memory_space<vmem>>
      %dma_wait3A_41 = arith.constant 0 : i32
      %dma_wait3A_42 = arith.constant 0 : i32
      %dma_wait3A_43 = tpu.memref_slice %arg4[%dma_wait3A_41, %dma_wait3A_42] : memref<10000x128xf32, #tpu.memory_space<hbm>> -> memref<10000x128xf32, #tpu.memory_space<hbm>>
      tpu.wait_indirect_dma semaphore(%arg15 : memref<!tpu.dma_semaphore, #tpu.memory_space<semaphore_mem>>) src(%dma_wait3A_43 : memref<10000x128xf32, #tpu.memory_space<hbm>>) dst(%arg11 : memref<80x128xf32, #tpu.memory_space<vmem>>)
      %dma_start3A_44 = arith.constant 0 : i32
      %dma_start3A_45 = arith.constant 0 : i32
      %dma_start3A_46 = tpu.memref_slice %arg10[%dma_start3A_44, %dma_start3A_45] : memref<16x80xi32, #tpu.memory_space<vmem>> -> memref<1x80xi32, #tpu.memory_space<vmem>>
      %dma_start3A_47 = tpu.memref_squeeze %dma_start3A_46 : memref<1x80xi32, #tpu.memory_space<vmem>> -> memref<80xi32, #tpu.memory_space<vmem>>
      %dma_start3A_48 = arith.constant 0 : i32
      %dma_start3A_49 = arith.constant 0 : i32
      %dma_start3A_50 = tpu.memref_slice %arg14[%dma_start3A_48, %dma_start3A_49] : memref<10112x128xf32, #tpu.memory_space<vmem_shared>> -> memref<10112x128xf32, #tpu.memory_space<vmem_shared>>
      tpu.enqueue_indirect_dma source(%arg11 : memref<80x128xf32, #tpu.memory_space<vmem>>) target(%dma_start3A_50 : memref<10112x128xf32, #tpu.memory_space<vmem_shared>>) offsets(%dma_start3A_47 : memref<80xi32, #tpu.memory_space<vmem>>) semaphore(%arg17 : memref<!tpu.dma_semaphore, #tpu.memory_space<semaphore_mem>>) {add = true}
      %get3A = arith.constant 0 : i32
      %get3A_51 = arith.index_cast %get3A : i32 to index
      %get3A_52 = arith.constant 0 : index
      %get3A_53 = tpu.vector_load %arg10[%get3A_51, %get3A_52] {strides = array<i32>} : memref<16x80xi32, #tpu.memory_space<vmem>>, vector<16xi32>,
      %shift_right_logical3A = arith.constant 7 : i32
      %shift_right_logical3A_54 = vector.broadcast %shift_right_logical3A : i32 to vector<16xi32>
      %shift_right_logical3A_55 = arith.shrui %get3A_53, %shift_right_logical3A_54 : vector<16xi32>
      %and3A = arith.constant 127 : i32
      %and3A_56 = vector.broadcast %and3A : i32 to vector<16xi32>
      %and3A_57 = arith.andi %get3A_53, %and3A_56 : vector<16xi32>
      tpu.vector_store_idx %arg13[%shift_right_logical3A_55, %and3A_57], %broadcast_in_dim3A_5 {add = true} : memref<79x128xf32, #tpu.memory_space<vmem>>[vector<16xi32>, vector<16xi32>], vector<16xf32>,
      %get3A_58 = arith.constant 0 : i32
      %get3A_59 = arith.index_cast %get3A_58 : i32 to index
      %get3A_60 = arith.constant 16 : index
      %get3A_61 = tpu.vector_load %arg10[%get3A_59, %get3A_60] {strides = array<i32>} : memref<16x80xi32, #tpu.memory_space<vmem>>, vector<16xi32>,
      %shift_right_logical3A_62 = arith.constant 7 : i32
      %shift_right_logical3A_63 = vector.broadcast %shift_right_logical3A_62 : i32 to vector<16xi32>
      %shift_right_logical3A_64 = arith.shrui %get3A_61, %shift_right_logical3A_63 : vector<16xi32>
      %and3A_65 = arith.constant 127 : i32
      %and3A_66 = vector.broadcast %and3A_65 : i32 to vector<16xi32>
      %and3A_67 = arith.andi %get3A_61, %and3A_66 : vector<16xi32>
      tpu.vector_store_idx %arg13[%shift_right_logical3A_64, %and3A_67], %broadcast_in_dim3A_5 {add = true} : memref<79x128xf32, #tpu.memory_space<vmem>>[vector<16xi32>, vector<16xi32>], vector<16xf32>,
      %get3A_68 = arith.constant 0 : i32
      %get3A_69 = arith.index_cast %get3A_68 : i32 to index
      %get3A_70 = arith.constant 32 : index
      %get3A_71 = tpu.vector_load %arg10[%get3A_69, %get3A_70] {strides = array<i32>} : memref<16x80xi32, #tpu.memory_space<vmem>>, vector<16xi32>,
      %shift_right_logical3A_72 = arith.constant 7 : i32
      %shift_right_logical3A_73 = vector.broadcast %shift_right_logical3A_72 : i32 to vector<16xi32>
      %shift_right_logical3A_74 = arith.shrui %get3A_71, %shift_right_logical3A_73 : vector<16xi32>
      %and3A_75 = arith.constant 127 : i32
      %and3A_76 = vector.broadcast %and3A_75 : i32 to vector<16xi32>
      %and3A_77 = arith.andi %get3A_71, %and3A_76 : vector<16xi32>
      tpu.vector_store_idx %arg13[%shift_right_logical3A_74, %and3A_77], %broadcast_in_dim3A_5 {add = true} : memref<79x128xf32, #tpu.memory_space<vmem>>[vector<16xi32>, vector<16xi32>], vector<16xf32>,
      %get3A_78 = arith.constant 0 : i32
      %get3A_79 = arith.index_cast %get3A_78 : i32 to index
      %get3A_80 = arith.constant 48 : index
      %get3A_81 = tpu.vector_load %arg10[%get3A_79, %get3A_80] {strides = array<i32>} : memref<16x80xi32, #tpu.memory_space<vmem>>, vector<16xi32>,
      %shift_right_logical3A_82 = arith.constant 7 : i32
      %shift_right_logical3A_83 = vector.broadcast %shift_right_logical3A_82 : i32 to vector<16xi32>
      %shift_right_logical3A_84 = arith.shrui %get3A_81, %shift_right_logical3A_83 : vector<16xi32>
      %and3A_85 = arith.constant 127 : i32
      %and3A_86 = vector.broadcast %and3A_85 : i32 to vector<16xi32>
      %and3A_87 = arith.andi %get3A_81, %and3A_86 : vector<16xi32>
      tpu.vector_store_idx %arg13[%shift_right_logical3A_84, %and3A_87], %broadcast_in_dim3A_5 {add = true} : memref<79x128xf32, #tpu.memory_space<vmem>>[vector<16xi32>, vector<16xi32>], vector<16xf32>,
      %get3A_88 = arith.constant 0 : i32
      %get3A_89 = arith.index_cast %get3A_88 : i32 to index
      %get3A_90 = arith.constant 64 : index
      %get3A_91 = tpu.vector_load %arg10[%get3A_89, %get3A_90] {strides = array<i32>} : memref<16x80xi32, #tpu.memory_space<vmem>>, vector<16xi32>,
      %shift_right_logical3A_92 = arith.constant 7 : i32
      %shift_right_logical3A_93 = vector.broadcast %shift_right_logical3A_92 : i32 to vector<16xi32>
      %shift_right_logical3A_94 = arith.shrui %get3A_91, %shift_right_logical3A_93 : vector<16xi32>
      %and3A_95 = arith.constant 127 : i32
      %and3A_96 = vector.broadcast %and3A_95 : i32 to vector<16xi32>
      %and3A_97 = arith.andi %get3A_91, %and3A_96 : vector<16xi32>
      tpu.vector_store_idx %arg13[%shift_right_logical3A_94, %and3A_97], %broadcast_in_dim3A_5 {add = true} : memref<79x128xf32, #tpu.memory_space<vmem>>[vector<16xi32>, vector<16xi32>], vector<16xf32>,
      %dma_wait3A_98 = arith.constant 0 : i32
      %dma_wait3A_99 = arith.constant 0 : i32
      %dma_wait3A_100 = tpu.memref_slice %arg10[%dma_wait3A_98, %dma_wait3A_99] : memref<16x80xi32, #tpu.memory_space<vmem>> -> memref<1x80xi32, #tpu.memory_space<vmem>>
      %dma_wait3A_101 = tpu.memref_squeeze %dma_wait3A_100 : memref<1x80xi32, #tpu.memory_space<vmem>> -> memref<80xi32, #tpu.memory_space<vmem>>
      %dma_wait3A_102 = arith.constant 0 : i32
      %dma_wait3A_103 = arith.constant 0 : i32
      %dma_wait3A_104 = tpu.memref_slice %arg14[%dma_wait3A_102, %dma_wait3A_103] : memref<10112x128xf32, #tpu.memory_space<vmem_shared>> -> memref<10112x128xf32, #tpu.memory_space<vmem_shared>>
      tpu.wait_indirect_dma semaphore(%arg17 : memref<!tpu.dma_semaphore, #tpu.memory_space<semaphore_mem>>) src(%arg11 : memref<80x128xf32, #tpu.memory_space<vmem>>) dst(%dma_wait3A_104 : memref<10112x128xf32, #tpu.memory_space<vmem_shared>>)
      %dma_start3A_105 = arith.constant 2 : i32
      %dma_start3A_106 = arith.constant 0 : i32
      %dma_start3A_107 = tpu.memref_slice %arg9[%dma_start3A_105, %dma_start3A_106] : memref<16x80xi32, #tpu.memory_space<vmem>> -> memref<1x80xi32, #tpu.memory_space<vmem>>
      %dma_start3A_108 = tpu.memref_squeeze %dma_start3A_107 : memref<1x80xi32, #tpu.memory_space<vmem>> -> memref<80xi32, #tpu.memory_space<vmem>>
      %dma_start3A_109 = arith.constant 0 : i32
      %dma_start3A_110 = arith.constant 0 : i32
      %dma_start3A_111 = tpu.memref_slice %arg4[%dma_start3A_109, %dma_start3A_110] : memref<10000x128xf32, #tpu.memory_space<hbm>> -> memref<10000x128xf32, #tpu.memory_space<hbm>>
      tpu.enqueue_indirect_dma source(%dma_start3A_111 : memref<10000x128xf32, #tpu.memory_space<hbm>>) target(%arg11 : memref<80x128xf32, #tpu.memory_space<vmem>>) offsets(%dma_start3A_108 : memref<80xi32, #tpu.memory_space<vmem>>) semaphore(%arg15 : memref<!tpu.dma_semaphore, #tpu.memory_space<semaphore_mem>>)
      %dma_wait3A_112 = arith.constant 1 : i32
      %dma_wait3A_113 = arith.constant 0 : i32
      %dma_wait3A_114 = tpu.memref_slice %arg9[%dma_wait3A_112, %dma_wait3A_113] : memref<16x80xi32, #tpu.memory_space<vmem>> -> memref<1x80xi32, #tpu.memory_space<vmem>>
      %dma_wait3A_115 = tpu.memref_squeeze %dma_wait3A_114 : memref<1x80xi32, #tpu.memory_space<vmem>> -> memref<80xi32, #tpu.memory_space<vmem>>
      %dma_wait3A_116 = arith.constant 0 : i32
      %dma_wait3A_117 = arith.constant 0 : i32
      %dma_wait3A_118 = tpu.memref_slice %arg4[%dma_wait3A_116, %dma_wait3A_117] : memref<10000x128xf32, #tpu.memory_space<hbm>> -> memref<10000x128xf32, #tpu.memory_space<hbm>>
      tpu.wait_indirect_dma semaphore(%arg16 : memref<!tpu.dma_semaphore, #tpu.memory_space<semaphore_mem>>) src(%dma_wait3A_118 : memref<10000x128xf32, #tpu.memory_space<hbm>>) dst(%arg12 : memref<80x128xf32, #tpu.memory_space<vmem>>)
      %dma_start3A_119 = arith.constant 1 : i32
      %dma_start3A_120 = arith.constant 0 : i32
      %dma_start3A_121 = tpu.memref_slice %arg10[%dma_start3A_119, %dma_start3A_120] : memref<16x80xi32, #tpu.memory_space<vmem>> -> memref<1x80xi32, #tpu.memory_space<vmem>>
      %dma_start3A_122 = tpu.memref_squeeze %dma_start3A_121 : memref<1x80xi32, #tpu.memory_space<vmem>> -> memref<80xi32, #tpu.memory_space<vmem>>
      %dma_start3A_123 = arith.constant 0 : i32
      %dma_start3A_124 = arith.constant 0 : i32
      %dma_start3A_125 = tpu.memref_slice %arg14[%dma_start3A_123, %dma_start3A_124] : memref<10112x128xf32, #tpu.memory_space<vmem_shared>> -> memref<10112x128xf32, #tpu.memory_space<vmem_shared>>
      tpu.enqueue_indirect_dma source(%arg12 : memref<80x128xf32, #tpu.memory_space<vmem>>) target(%dma_start3A_125 : memref<10112x128xf32, #tpu.memory_space<vmem_shared>>) offsets(%dma_start3A_122 : memref<80xi32, #tpu.memory_space<vmem>>) semaphore(%arg18 : memref<!tpu.dma_semaphore, #tpu.memory_space<semaphore_mem>>) {add = true}
      %get3A_126 = arith.constant 1 : i32
      %get3A_127 = arith.index_cast %get3A_126 : i32 to index
      %get3A_128 = arith.constant 0 : index
      %get3A_129 = tpu.vector_load %arg10[%get3A_127, %get3A_128] {strides = array<i32>} : memref<16x80xi32, #tpu.memory_space<vmem>>, vector<16xi32>,
      %shift_right_logical3A_130 = arith.constant 7 : i32
      %shift_right_logical3A_131 = vector.broadcast %shift_right_logical3A_130 : i32 to vector<16xi32>
      %shift_right_logical3A_132 = arith.shrui %get3A_129, %shift_right_logical3A_131 : vector<16xi32>
      %and3A_133 = arith.constant 127 : i32
      %and3A_134 = vector.broadcast %and3A_133 : i32 to vector<16xi32>
      %and3A_135 = arith.andi %get3A_129, %and3A_134 : vector<16xi32>
      tpu.vector_store_idx %arg13[%shift_right_logical3A_132, %and3A_135], %broadcast_in_dim3A_5 {add = true} : memref<79x128xf32, #tpu.memory_space<vmem>>[vector<16xi32>, vector<16xi32>], vector<16xf32>,
      %get3A_136 = arith.constant 1 : i32
      %get3A_137 = arith.index_cast %get3A_136 : i32 to index
      %get3A_138 = arith.constant 16 : index
      %get3A_139 = tpu.vector_load %arg10[%get3A_137, %get3A_138] {strides = array<i32>} : memref<16x80xi32, #tpu.memory_space<vmem>>, vector<16xi32>,
      %shift_right_logical3A_140 = arith.constant 7 : i32
      %shift_right_logical3A_141 = vector.broadcast %shift_right_logical3A_140 : i32 to vector<16xi32>
      %shift_right_logical3A_142 = arith.shrui %get3A_139, %shift_right_logical3A_141 : vector<16xi32>
      %and3A_143 = arith.constant 127 : i32
      %and3A_144 = vector.broadcast %and3A_143 : i32 to vector<16xi32>
      %and3A_145 = arith.andi %get3A_139, %and3A_144 : vector<16xi32>
      tpu.vector_store_idx %arg13[%shift_right_logical3A_142, %and3A_145], %broadcast_in_dim3A_5 {add = true} : memref<79x128xf32, #tpu.memory_space<vmem>>[vector<16xi32>, vector<16xi32>], vector<16xf32>,
      %get3A_146 = arith.constant 1 : i32
      %get3A_147 = arith.index_cast %get3A_146 : i32 to index
      %get3A_148 = arith.constant 32 : index
      %get3A_149 = tpu.vector_load %arg10[%get3A_147, %get3A_148] {strides = array<i32>} : memref<16x80xi32, #tpu.memory_space<vmem>>, vector<16xi32>,
      %shift_right_logical3A_150 = arith.constant 7 : i32
      %shift_right_logical3A_151 = vector.broadcast %shift_right_logical3A_150 : i32 to vector<16xi32>
      %shift_right_logical3A_152 = arith.shrui %get3A_149, %shift_right_logical3A_151 : vector<16xi32>
      %and3A_153 = arith.constant 127 : i32
      %and3A_154 = vector.broadcast %and3A_153 : i32 to vector<16xi32>
      %and3A_155 = arith.andi %get3A_149, %and3A_154 : vector<16xi32>
      tpu.vector_store_idx %arg13[%shift_right_logical3A_152, %and3A_155], %broadcast_in_dim3A_5 {add = true} : memref<79x128xf32, #tpu.memory_space<vmem>>[vector<16xi32>, vector<16xi32>], vector<16xf32>,
      %get3A_156 = arith.constant 1 : i32
      %get3A_157 = arith.index_cast %get3A_156 : i32 to index
      %get3A_158 = arith.constant 48 : index
      %get3A_159 = tpu.vector_load %arg10[%get3A_157, %get3A_158] {strides = array<i32>} : memref<16x80xi32, #tpu.memory_space<vmem>>, vector<16xi32>,
      %shift_right_logical3A_160 = arith.constant 7 : i32
      %shift_right_logical3A_161 = vector.broadcast %shift_right_logical3A_160 : i32 to vector<16xi32>
      %shift_right_logical3A_162 = arith.shrui %get3A_159, %shift_right_logical3A_161 : vector<16xi32>
      %and3A_163 = arith.constant 127 : i32
      %and3A_164 = vector.broadcast %and3A_163 : i32 to vector<16xi32>
      %and3A_165 = arith.andi %get3A_159, %and3A_164 : vector<16xi32>
      tpu.vector_store_idx %arg13[%shift_right_logical3A_162, %and3A_165], %broadcast_in_dim3A_5 {add = true} : memref<79x128xf32, #tpu.memory_space<vmem>>[vector<16xi32>, vector<16xi32>], vector<16xf32>,
      %get3A_166 = arith.constant 1 : i32
      %get3A_167 = arith.index_cast %get3A_166 : i32 to index
      %get3A_168 = arith.constant 64 : index
      %get3A_169 = tpu.vector_load %arg10[%get3A_167, %get3A_168] {strides = array<i32>} : memref<16x80xi32, #tpu.memory_space<vmem>>, vector<16xi32>,
      %shift_right_logical3A_170 = arith.constant 7 : i32
      %shift_right_logical3A_171 = vector.broadcast %shift_right_logical3A_170 : i32 to vector<16xi32>
      %shift_right_logical3A_172 = arith.shrui %get3A_169, %shift_right_logical3A_171 : vector<16xi32>
      %and3A_173 = arith.constant 127 : i32
      %and3A_174 = vector.broadcast %and3A_173 : i32 to vector<16xi32>
      %and3A_175 = arith.andi %get3A_169, %and3A_174 : vector<16xi32>
      tpu.vector_store_idx %arg13[%shift_right_logical3A_172, %and3A_175], %broadcast_in_dim3A_5 {add = true} : memref<79x128xf32, #tpu.memory_space<vmem>>[vector<16xi32>, vector<16xi32>], vector<16xf32>,
      %dma_wait3A_176 = arith.constant 1 : i32
      %dma_wait3A_177 = arith.constant 0 : i32
      %dma_wait3A_178 = tpu.memref_slice %arg10[%dma_wait3A_176, %dma_wait3A_177] : memref<16x80xi32, #tpu.memory_space<vmem>> -> memref<1x80xi32, #tpu.memory_space<vmem>>
      %dma_wait3A_179 = tpu.memref_squeeze %dma_wait3A_178 : memref<1x80xi32, #tpu.memory_space<vmem>> -> memref<80xi32, #tpu.memory_space<vmem>>
      %dma_wait3A_180 = arith.constant 0 : i32
      %dma_wait3A_181 = arith.constant 0 : i32
      %dma_wait3A_182 = tpu.memref_slice %arg14[%dma_wait3A_180, %dma_wait3A_181] : memref<10112x128xf32, #tpu.memory_space<vmem_shared>> -> memref<10112x128xf32, #tpu.memory_space<vmem_shared>>
      tpu.wait_indirect_dma semaphore(%arg18 : memref<!tpu.dma_semaphore, #tpu.memory_space<semaphore_mem>>) src(%arg12 : memref<80x128xf32, #tpu.memory_space<vmem>>) dst(%dma_wait3A_182 : memref<10112x128xf32, #tpu.memory_space<vmem_shared>>)
      %dma_start3A_183 = arith.constant 3 : i32
      %dma_start3A_184 = arith.constant 0 : i32
      %dma_start3A_185 = tpu.memref_slice %arg9[%dma_start3A_183, %dma_start3A_184] : memref<16x80xi32, #tpu.memory_space<vmem>> -> memref<1x80xi32, #tpu.memory_space<vmem>>
      %dma_start3A_186 = tpu.memref_squeeze %dma_start3A_185 : memref<1x80xi32, #tpu.memory_space<vmem>> -> memref<80xi32, #tpu.memory_space<vmem>>
      %dma_start3A_187 = arith.constant 0 : i32
      %dma_start3A_188 = arith.constant 0 : i32
      %dma_start3A_189 = tpu.memref_slice %arg4[%dma_start3A_187, %dma_start3A_188] : memref<10000x128xf32, #tpu.memory_space<hbm>> -> memref<10000x128xf32, #tpu.memory_space<hbm>>
      tpu.enqueue_indirect_dma source(%dma_start3A_189 : memref<10000x128xf32, #tpu.memory_space<hbm>>) target(%arg12 : memref<80x128xf32, #tpu.memory_space<vmem>>) offsets(%dma_start3A_186 : memref<80xi32, #tpu.memory_space<vmem>>) semaphore(%arg16 : memref<!tpu.dma_semaphore, #tpu.memory_space<semaphore_mem>>)
      %dma_wait3A_190 = arith.constant 2 : i32
      %dma_wait3A_191 = arith.constant 0 : i32
      %dma_wait3A_192 = tpu.memref_slice %arg9[%dma_wait3A_190, %dma_wait3A_191] : memref<16x80xi32, #tpu.memory_space<vmem>> -> memref<1x80xi32, #tpu.memory_space<vmem>>
      %dma_wait3A_193 = tpu.memref_squeeze %dma_wait3A_192 : memref<1x80xi32, #tpu.memory_space<vmem>> -> memref<80xi32, #tpu.memory_space<vmem>>
      %dma_wait3A_194 = arith.constant 0 : i32
      %dma_wait3A_195 = arith.constant 0 : i32
      %dma_wait3A_196 = tpu.memref_slice %arg4[%dma_wait3A_194, %dma_wait3A_195] : memref<10000x128xf32, #tpu.memory_space<hbm>> -> memref<10000x128xf32, #tpu.memory_space<hbm>>
      tpu.wait_indirect_dma semaphore(%arg15 : memref<!tpu.dma_semaphore, #tpu.memory_space<semaphore_mem>>) src(%dma_wait3A_196 : memref<10000x128xf32, #tpu.memory_space<hbm>>) dst(%arg11 : memref<80x128xf32, #tpu.memory_space<vmem>>)
      %dma_start3A_197 = arith.constant 2 : i32
      %dma_start3A_198 = arith.constant 0 : i32
      %dma_start3A_199 = tpu.memref_slice %arg10[%dma_start3A_197, %dma_start3A_198] : memref<16x80xi32, #tpu.memory_space<vmem>> -> memref<1x80xi32, #tpu.memory_space<vmem>>
      %dma_start3A_200 = tpu.memref_squeeze %dma_start3A_199 : memref<1x80xi32, #tpu.memory_space<vmem>> -> memref<80xi32, #tpu.memory_space<vmem>>
      %dma_start3A_201 = arith.constant 0 : i32
      %dma_start3A_202 = arith.constant 0 : i32
      %dma_start3A_203 = tpu.memref_slice %arg14[%dma_start3A_201, %dma_start3A_202] : memref<10112x128xf32, #tpu.memory_space<vmem_shared>> -> memref<10112x128xf32, #tpu.memory_space<vmem_shared>>
      tpu.enqueue_indirect_dma source(%arg11 : memref<80x128xf32, #tpu.memory_space<vmem>>) target(%dma_start3A_203 : memref<10112x128xf32, #tpu.memory_space<vmem_shared>>) offsets(%dma_start3A_200 : memref<80xi32, #tpu.memory_space<vmem>>) semaphore(%arg17 : memref<!tpu.dma_semaphore, #tpu.memory_space<semaphore_mem>>) {add = true}
      %get3A_204 = arith.constant 2 : i32
      %get3A_205 = arith.index_cast %get3A_204 : i32 to index
      %get3A_206 = arith.constant 0 : index
      %get3A_207 = tpu.vector_load %arg10[%get3A_205, %get3A_206] {strides = array<i32>} : memref<16x80xi32, #tpu.memory_space<vmem>>, vector<16xi32>,
      %shift_right_logical3A_208 = arith.constant 7 : i32
      %shift_right_logical3A_209 = vector.broadcast %shift_right_logical3A_208 : i32 to vector<16xi32>
      %shift_right_logical3A_210 = arith.shrui %get3A_207, %shift_right_logical3A_209 : vector<16xi32>
      %and3A_211 = arith.constant 127 : i32
      %and3A_212 = vector.broadcast %and3A_211 : i32 to vector<16xi32>
      %and3A_213 = arith.andi %get3A_207, %and3A_212 : vector<16xi32>
      tpu.vector_store_idx %arg13[%shift_right_logical3A_210, %and3A_213], %broadcast_in_dim3A_5 {add = true} : memref<79x128xf32, #tpu.memory_space<vmem>>[vector<16xi32>, vector<16xi32>], vector<16xf32>,
      %get3A_214 = arith.constant 2 : i32
      %get3A_215 = arith.index_cast %get3A_214 : i32 to index
      %get3A_216 = arith.constant 16 : index
      %get3A_217 = tpu.vector_load %arg10[%get3A_215, %get3A_216] {strides = array<i32>} : memref<16x80xi32, #tpu.memory_space<vmem>>, vector<16xi32>,
      %shift_right_logical3A_218 = arith.constant 7 : i32
      %shift_right_logical3A_219 = vector.broadcast %shift_right_logical3A_218 : i32 to vector<16xi32>
      %shift_right_logical3A_220 = arith.shrui %get3A_217, %shift_right_logical3A_219 : vector<16xi32>
      %and3A_221 = arith.constant 127 : i32
      %and3A_222 = vector.broadcast %and3A_221 : i32 to vector<16xi32>
      %and3A_223 = arith.andi %get3A_217, %and3A_222 : vector<16xi32>
      tpu.vector_store_idx %arg13[%shift_right_logical3A_220, %and3A_223], %broadcast_in_dim3A_5 {add = true} : memref<79x128xf32, #tpu.memory_space<vmem>>[vector<16xi32>, vector<16xi32>], vector<16xf32>,
      %get3A_224 = arith.constant 2 : i32
      %get3A_225 = arith.index_cast %get3A_224 : i32 to index
      %get3A_226 = arith.constant 32 : index
      %get3A_227 = tpu.vector_load %arg10[%get3A_225, %get3A_226] {strides = array<i32>} : memref<16x80xi32, #tpu.memory_space<vmem>>, vector<16xi32>,
      %shift_right_logical3A_228 = arith.constant 7 : i32
      %shift_right_logical3A_229 = vector.broadcast %shift_right_logical3A_228 : i32 to vector<16xi32>
      %shift_right_logical3A_230 = arith.shrui %get3A_227, %shift_right_logical3A_229 : vector<16xi32>
      %and3A_231 = arith.constant 127 : i32
      %and3A_232 = vector.broadcast %and3A_231 : i32 to vector<16xi32>
      %and3A_233 = arith.andi %get3A_227, %and3A_232 : vector<16xi32>
      tpu.vector_store_idx %arg13[%shift_right_logical3A_230, %and3A_233], %broadcast_in_dim3A_5 {add = true} : memref<79x128xf32, #tpu.memory_space<vmem>>[vector<16xi32>, vector<16xi32>], vector<16xf32>,
      %get3A_234 = arith.constant 2 : i32
      %get3A_235 = arith.index_cast %get3A_234 : i32 to index
      %get3A_236 = arith.constant 48 : index
      %get3A_237 = tpu.vector_load %arg10[%get3A_235, %get3A_236] {strides = array<i32>} : memref<16x80xi32, #tpu.memory_space<vmem>>, vector<16xi32>,
      %shift_right_logical3A_238 = arith.constant 7 : i32
      %shift_right_logical3A_239 = vector.broadcast %shift_right_logical3A_238 : i32 to vector<16xi32>
      %shift_right_logical3A_240 = arith.shrui %get3A_237, %shift_right_logical3A_239 : vector<16xi32>
      %and3A_241 = arith.constant 127 : i32
      %and3A_242 = vector.broadcast %and3A_241 : i32 to vector<16xi32>
      %and3A_243 = arith.andi %get3A_237, %and3A_242 : vector<16xi32>
      tpu.vector_store_idx %arg13[%shift_right_logical3A_240, %and3A_243], %broadcast_in_dim3A_5 {add = true} : memref<79x128xf32, #tpu.memory_space<vmem>>[vector<16xi32>, vector<16xi32>], vector<16xf32>,
      %get3A_244 = arith.constant 2 : i32
      %get3A_245 = arith.index_cast %get3A_244 : i32 to index
      %get3A_246 = arith.constant 64 : index
      %get3A_247 = tpu.vector_load %arg10[%get3A_245, %get3A_246] {strides = array<i32>} : memref<16x80xi32, #tpu.memory_space<vmem>>, vector<16xi32>,
      %shift_right_logical3A_248 = arith.constant 7 : i32
      %shift_right_logical3A_249 = vector.broadcast %shift_right_logical3A_248 : i32 to vector<16xi32>
      %shift_right_logical3A_250 = arith.shrui %get3A_247, %shift_right_logical3A_249 : vector<16xi32>
      %and3A_251 = arith.constant 127 : i32
      %and3A_252 = vector.broadcast %and3A_251 : i32 to vector<16xi32>
      %and3A_253 = arith.andi %get3A_247, %and3A_252 : vector<16xi32>
      tpu.vector_store_idx %arg13[%shift_right_logical3A_250, %and3A_253], %broadcast_in_dim3A_5 {add = true} : memref<79x128xf32, #tpu.memory_space<vmem>>[vector<16xi32>, vector<16xi32>], vector<16xf32>,
      %dma_wait3A_254 = arith.constant 2 : i32
      %dma_wait3A_255 = arith.constant 0 : i32
      %dma_wait3A_256 = tpu.memref_slice %arg10[%dma_wait3A_254, %dma_wait3A_255] : memref<16x80xi32, #tpu.memory_space<vmem>> -> memref<1x80xi32, #tpu.memory_space<vmem>>
      %dma_wait3A_257 = tpu.memref_squeeze %dma_wait3A_256 : memref<1x80xi32, #tpu.memory_space<vmem>> -> memref<80xi32, #tpu.memory_space<vmem>>
      %dma_wait3A_258 = arith.constant 0 : i32
      %dma_wait3A_259 = arith.constant 0 : i32
      %dma_wait3A_260 = tpu.memref_slice %arg14[%dma_wait3A_258, %dma_wait3A_259] : memref<10112x128xf32, #tpu.memory_space<vmem_shared>> -> memref<10112x128xf32, #tpu.memory_space<vmem_shared>>
      tpu.wait_indirect_dma semaphore(%arg17 : memref<!tpu.dma_semaphore, #tpu.memory_space<semaphore_mem>>) src(%arg11 : memref<80x128xf32, #tpu.memory_space<vmem>>) dst(%dma_wait3A_260 : memref<10112x128xf32, #tpu.memory_space<vmem_shared>>)
      %dma_start3A_261 = arith.constant 4 : i32
      %dma_start3A_262 = arith.constant 0 : i32
      %dma_start3A_263 = tpu.memref_slice %arg9[%dma_start3A_261, %dma_start3A_262] : memref<16x80xi32, #tpu.memory_space<vmem>> -> memref<1x80xi32, #tpu.memory_space<vmem>>
      %dma_start3A_264 = tpu.memref_squeeze %dma_start3A_263 : memref<1x80xi32, #tpu.memory_space<vmem>> -> memref<80xi32, #tpu.memory_space<vmem>>
      %dma_start3A_265 = arith.constant 0 : i32
      %dma_start3A_266 = arith.constant 0 : i32
      %dma_start3A_267 = tpu.memref_slice %arg4[%dma_start3A_265, %dma_start3A_266] : memref<10000x128xf32, #tpu.memory_space<hbm>> -> memref<10000x128xf32, #tpu.memory_space<hbm>>
      tpu.enqueue_indirect_dma source(%dma_start3A_267 : memref<10000x128xf32, #tpu.memory_space<hbm>>) target(%arg11 : memref<80x128xf32, #tpu.memory_space<vmem>>) offsets(%dma_start3A_264 : memref<80xi32, #tpu.memory_space<vmem>>) semaphore(%arg15 : memref<!tpu.dma_semaphore, #tpu.memory_space<semaphore_mem>>)
      %dma_wait3A_268 = arith.constant 3 : i32
      %dma_wait3A_269 = arith.constant 0 : i32
      %dma_wait3A_270 = tpu.memref_slice %arg9[%dma_wait3A_268, %dma_wait3A_269] : memref<16x80xi32, #tpu.memory_space<vmem>> -> memref<1x80xi32, #tpu.memory_space<vmem>>
      %dma_wait3A_271 = tpu.memref_squeeze %dma_wait3A_270 : memref<1x80xi32, #tpu.memory_space<vmem>> -> memref<80xi32, #tpu.memory_space<vmem>>
      %dma_wait3A_272 = arith.constant 0 : i32
      %dma_wait3A_273 = arith.constant 0 : i32
      %dma_wait3A_274 = tpu.memref_slice %arg4[%dma_wait3A_272, %dma_wait3A_273] : memref<10000x128xf32, #tpu.memory_space<hbm>> -> memref<10000x128xf32, #tpu.memory_space<hbm>>
      tpu.wait_indirect_dma semaphore(%arg16 : memref<!tpu.dma_semaphore, #tpu.memory_space<semaphore_mem>>) src(%dma_wait3A_274 : memref<10000x128xf32, #tpu.memory_space<hbm>>) dst(%arg12 : memref<80x128xf32, #tpu.memory_space<vmem>>)
      %dma_start3A_275 = arith.constant 3 : i32
      %dma_start3A_276 = arith.constant 0 : i32
      %dma_start3A_277 = tpu.memref_slice %arg10[%dma_start3A_275, %dma_start3A_276] : memref<16x80xi32, #tpu.memory_space<vmem>> -> memref<1x80xi32, #tpu.memory_space<vmem>>
      %dma_start3A_278 = tpu.memref_squeeze %dma_start3A_277 : memref<1x80xi32, #tpu.memory_space<vmem>> -> memref<80xi32, #tpu.memory_space<vmem>>
      %dma_start3A_279 = arith.constant 0 : i32
      %dma_start3A_280 = arith.constant 0 : i32
      %dma_start3A_281 = tpu.memref_slice %arg14[%dma_start3A_279, %dma_start3A_280] : memref<10112x128xf32, #tpu.memory_space<vmem_shared>> -> memref<10112x128xf32, #tpu.memory_space<vmem_shared>>
      tpu.enqueue_indirect_dma source(%arg12 : memref<80x128xf32, #tpu.memory_space<vmem>>) target(%dma_start3A_281 : memref<10112x128xf32, #tpu.memory_space<vmem_shared>>) offsets(%dma_start3A_278 : memref<80xi32, #tpu.memory_space<vmem>>) semaphore(%arg18 : memref<!tpu.dma_semaphore, #tpu.memory_space<semaphore_mem>>) {add = true}
      %get3A_282 = arith.constant 3 : i32
      %get3A_283 = arith.index_cast %get3A_282 : i32 to index
      %get3A_284 = arith.constant 0 : index
      %get3A_285 = tpu.vector_load %arg10[%get3A_283, %get3A_284] {strides = array<i32>} : memref<16x80xi32, #tpu.memory_space<vmem>>, vector<16xi32>,
      %shift_right_logical3A_286 = arith.constant 7 : i32
      %shift_right_logical3A_287 = vector.broadcast %shift_right_logical3A_286 : i32 to vector<16xi32>
      %shift_right_logical3A_288 = arith.shrui %get3A_285, %shift_right_logical3A_287 : vector<16xi32>
      %and3A_289 = arith.constant 127 : i32
      %and3A_290 = vector.broadcast %and3A_289 : i32 to vector<16xi32>
      %and3A_291 = arith.andi %get3A_285, %and3A_290 : vector<16xi32>
      tpu.vector_store_idx %arg13[%shift_right_logical3A_288, %and3A_291], %broadcast_in_dim3A_5 {add = true} : memref<79x128xf32, #tpu.memory_space<vmem>>[vector<16xi32>, vector<16xi32>], vector<16xf32>,
      %get3A_292 = arith.constant 3 : i32
      %get3A_293 = arith.index_cast %get3A_292 : i32 to index
      %get3A_294 = arith.constant 16 : index
      %get3A_295 = tpu.vector_load %arg10[%get3A_293, %get3A_294] {strides = array<i32>} : memref<16x80xi32, #tpu.memory_space<vmem>>, vector<16xi32>,
      %shift_right_logical3A_296 = arith.constant 7 : i32
      %shift_right_logical3A_297 = vector.broadcast %shift_right_logical3A_296 : i32 to vector<16xi32>
      %shift_right_logical3A_298 = arith.shrui %get3A_295, %shift_right_logical3A_297 : vector<16xi32>
      %and3A_299 = arith.constant 127 : i32
      %and3A_300 = vector.broadcast %and3A_299 : i32 to vector<16xi32>
      %and3A_301 = arith.andi %get3A_295, %and3A_300 : vector<16xi32>
      tpu.vector_store_idx %arg13[%shift_right_logical3A_298, %and3A_301], %broadcast_in_dim3A_5 {add = true} : memref<79x128xf32, #tpu.memory_space<vmem>>[vector<16xi32>, vector<16xi32>], vector<16xf32>,
      %get3A_302 = arith.constant 3 : i32
      %get3A_303 = arith.index_cast %get3A_302 : i32 to index
      %get3A_304 = arith.constant 32 : index
      %get3A_305 = tpu.vector_load %arg10[%get3A_303, %get3A_304] {strides = array<i32>} : memref<16x80xi32, #tpu.memory_space<vmem>>, vector<16xi32>,
      %shift_right_logical3A_306 = arith.constant 7 : i32
      %shift_right_logical3A_307 = vector.broadcast %shift_right_logical3A_306 : i32 to vector<16xi32>
      %shift_right_logical3A_308 = arith.shrui %get3A_305, %shift_right_logical3A_307 : vector<16xi32>
      %and3A_309 = arith.constant 127 : i32
      %and3A_310 = vector.broadcast %and3A_309 : i32 to vector<16xi32>
      %and3A_311 = arith.andi %get3A_305, %and3A_310 : vector<16xi32>
      tpu.vector_store_idx %arg13[%shift_right_logical3A_308, %and3A_311], %broadcast_in_dim3A_5 {add = true} : memref<79x128xf32, #tpu.memory_space<vmem>>[vector<16xi32>, vector<16xi32>], vector<16xf32>,
      %get3A_312 = arith.constant 3 : i32
      %get3A_313 = arith.index_cast %get3A_312 : i32 to index
      %get3A_314 = arith.constant 48 : index
      %get3A_315 = tpu.vector_load %arg10[%get3A_313, %get3A_314] {strides = array<i32>} : memref<16x80xi32, #tpu.memory_space<vmem>>, vector<16xi32>,
      %shift_right_logical3A_316 = arith.constant 7 : i32
      %shift_right_logical3A_317 = vector.broadcast %shift_right_logical3A_316 : i32 to vector<16xi32>
      %shift_right_logical3A_318 = arith.shrui %get3A_315, %shift_right_logical3A_317 : vector<16xi32>
      %and3A_319 = arith.constant 127 : i32
      %and3A_320 = vector.broadcast %and3A_319 : i32 to vector<16xi32>
      %and3A_321 = arith.andi %get3A_315, %and3A_320 : vector<16xi32>
      tpu.vector_store_idx %arg13[%shift_right_logical3A_318, %and3A_321], %broadcast_in_dim3A_5 {add = true} : memref<79x128xf32, #tpu.memory_space<vmem>>[vector<16xi32>, vector<16xi32>], vector<16xf32>,
      %get3A_322 = arith.constant 3 : i32
      %get3A_323 = arith.index_cast %get3A_322 : i32 to index
      %get3A_324 = arith.constant 64 : index
      %get3A_325 = tpu.vector_load %arg10[%get3A_323, %get3A_324] {strides = array<i32>} : memref<16x80xi32, #tpu.memory_space<vmem>>, vector<16xi32>,
      %shift_right_logical3A_326 = arith.constant 7 : i32
      %shift_right_logical3A_327 = vector.broadcast %shift_right_logical3A_326 : i32 to vector<16xi32>
      %shift_right_logical3A_328 = arith.shrui %get3A_325, %shift_right_logical3A_327 : vector<16xi32>
      %and3A_329 = arith.constant 127 : i32
      %and3A_330 = vector.broadcast %and3A_329 : i32 to vector<16xi32>
      %and3A_331 = arith.andi %get3A_325, %and3A_330 : vector<16xi32>
      tpu.vector_store_idx %arg13[%shift_right_logical3A_328, %and3A_331], %broadcast_in_dim3A_5 {add = true} : memref<79x128xf32, #tpu.memory_space<vmem>>[vector<16xi32>, vector<16xi32>], vector<16xf32>,
      %dma_wait3A_332 = arith.constant 3 : i32
      %dma_wait3A_333 = arith.constant 0 : i32
      %dma_wait3A_334 = tpu.memref_slice %arg10[%dma_wait3A_332, %dma_wait3A_333] : memref<16x80xi32, #tpu.memory_space<vmem>> -> memref<1x80xi32, #tpu.memory_space<vmem>>
      %dma_wait3A_335 = tpu.memref_squeeze %dma_wait3A_334 : memref<1x80xi32, #tpu.memory_space<vmem>> -> memref<80xi32, #tpu.memory_space<vmem>>
      %dma_wait3A_336 = arith.constant 0 : i32
      %dma_wait3A_337 = arith.constant 0 : i32
      %dma_wait3A_338 = tpu.memref_slice %arg14[%dma_wait3A_336, %dma_wait3A_337] : memref<10112x128xf32, #tpu.memory_space<vmem_shared>> -> memref<10112x128xf32, #tpu.memory_space<vmem_shared>>
      tpu.wait_indirect_dma semaphore(%arg18 : memref<!tpu.dma_semaphore, #tpu.memory_space<semaphore_mem>>) src(%arg12 : memref<80x128xf32, #tpu.memory_space<vmem>>) dst(%dma_wait3A_338 : memref<10112x128xf32, #tpu.memory_space<vmem_shared>>)
      %dma_start3A_339 = arith.constant 5 : i32
      %dma_start3A_340 = arith.constant 0 : i32
      %dma_start3A_341 = tpu.memref_slice %arg9[%dma_start3A_339, %dma_start3A_340] : memref<16x80xi32, #tpu.memory_space<vmem>> -> memref<1x80xi32, #tpu.memory_space<vmem>>
      %dma_start3A_342 = tpu.memref_squeeze %dma_start3A_341 : memref<1x80xi32, #tpu.memory_space<vmem>> -> memref<80xi32, #tpu.memory_space<vmem>>
      %dma_start3A_343 = arith.constant 0 : i32
      %dma_start3A_344 = arith.constant 0 : i32
      %dma_start3A_345 = tpu.memref_slice %arg4[%dma_start3A_343, %dma_start3A_344] : memref<10000x128xf32, #tpu.memory_space<hbm>> -> memref<10000x128xf32, #tpu.memory_space<hbm>>
      tpu.enqueue_indirect_dma source(%dma_start3A_345 : memref<10000x128xf32, #tpu.memory_space<hbm>>) target(%arg12 : memref<80x128xf32, #tpu.memory_space<vmem>>) offsets(%dma_start3A_342 : memref<80xi32, #tpu.memory_space<vmem>>) semaphore(%arg16 : memref<!tpu.dma_semaphore, #tpu.memory_space<semaphore_mem>>)
      %dma_wait3A_346 = arith.constant 4 : i32
      %dma_wait3A_347 = arith.constant 0 : i32
      %dma_wait3A_348 = tpu.memref_slice %arg9[%dma_wait3A_346, %dma_wait3A_347] : memref<16x80xi32, #tpu.memory_space<vmem>> -> memref<1x80xi32, #tpu.memory_space<vmem>>
      %dma_wait3A_349 = tpu.memref_squeeze %dma_wait3A_348 : memref<1x80xi32, #tpu.memory_space<vmem>> -> memref<80xi32, #tpu.memory_space<vmem>>
      %dma_wait3A_350 = arith.constant 0 : i32
      %dma_wait3A_351 = arith.constant 0 : i32
      %dma_wait3A_352 = tpu.memref_slice %arg4[%dma_wait3A_350, %dma_wait3A_351] : memref<10000x128xf32, #tpu.memory_space<hbm>> -> memref<10000x128xf32, #tpu.memory_space<hbm>>
      tpu.wait_indirect_dma semaphore(%arg15 : memref<!tpu.dma_semaphore, #tpu.memory_space<semaphore_mem>>) src(%dma_wait3A_352 : memref<10000x128xf32, #tpu.memory_space<hbm>>) dst(%arg11 : memref<80x128xf32, #tpu.memory_space<vmem>>)
      %dma_start3A_353 = arith.constant 4 : i32
      %dma_start3A_354 = arith.constant 0 : i32
      %dma_start3A_355 = tpu.memref_slice %arg10[%dma_start3A_353, %dma_start3A_354] : memref<16x80xi32, #tpu.memory_space<vmem>> -> memref<1x80xi32, #tpu.memory_space<vmem>>
      %dma_start3A_356 = tpu.memref_squeeze %dma_start3A_355 : memref<1x80xi32, #tpu.memory_space<vmem>> -> memref<80xi32, #tpu.memory_space<vmem>>
      %dma_start3A_357 = arith.constant 0 : i32
      %dma_start3A_358 = arith.constant 0 : i32
      %dma_start3A_359 = tpu.memref_slice %arg14[%dma_start3A_357, %dma_start3A_358] : memref<10112x128xf32, #tpu.memory_space<vmem_shared>> -> memref<10112x128xf32, #tpu.memory_space<vmem_shared>>
      tpu.enqueue_indirect_dma source(%arg11 : memref<80x128xf32, #tpu.memory_space<vmem>>) target(%dma_start3A_359 : memref<10112x128xf32, #tpu.memory_space<vmem_shared>>) offsets(%dma_start3A_356 : memref<80xi32, #tpu.memory_space<vmem>>) semaphore(%arg17 : memref<!tpu.dma_semaphore, #tpu.memory_space<semaphore_mem>>) {add = true}
      %get3A_360 = arith.constant 4 : i32
      %get3A_361 = arith.index_cast %get3A_360 : i32 to index
      %get3A_362 = arith.constant 0 : index
      %get3A_363 = tpu.vector_load %arg10[%get3A_361, %get3A_362] {strides = array<i32>} : memref<16x80xi32, #tpu.memory_space<vmem>>, vector<16xi32>,
      %shift_right_logical3A_364 = arith.constant 7 : i32
      %shift_right_logical3A_365 = vector.broadcast %shift_right_logical3A_364 : i32 to vector<16xi32>
      %shift_right_logical3A_366 = arith.shrui %get3A_363, %shift_right_logical3A_365 : vector<16xi32>
      %and3A_367 = arith.constant 127 : i32
      %and3A_368 = vector.broadcast %and3A_367 : i32 to vector<16xi32>
      %and3A_369 = arith.andi %get3A_363, %and3A_368 : vector<16xi32>
      tpu.vector_store_idx %arg13[%shift_right_logical3A_366, %and3A_369], %broadcast_in_dim3A_5 {add = true} : memref<79x128xf32, #tpu.memory_space<vmem>>[vector<16xi32>, vector<16xi32>], vector<16xf32>,
      %get3A_370 = arith.constant 4 : i32
      %get3A_371 = arith.index_cast %get3A_370 : i32 to index
      %get3A_372 = arith.constant 16 : index
      %get3A_373 = tpu.vector_load %arg10[%get3A_371, %get3A_372] {strides = array<i32>} : memref<16x80xi32, #tpu.memory_space<vmem>>, vector<16xi32>,
      %shift_right_logical3A_374 = arith.constant 7 : i32
      %shift_right_logical3A_375 = vector.broadcast %shift_right_logical3A_374 : i32 to vector<16xi32>
      %shift_right_logical3A_376 = arith.shrui %get3A_373, %shift_right_logical3A_375 : vector<16xi32>
      %and3A_377 = arith.constant 127 : i32
      %and3A_378 = vector.broadcast %and3A_377 : i32 to vector<16xi32>
      %and3A_379 = arith.andi %get3A_373, %and3A_378 : vector<16xi32>
      tpu.vector_store_idx %arg13[%shift_right_logical3A_376, %and3A_379], %broadcast_in_dim3A_5 {add = true} : memref<79x128xf32, #tpu.memory_space<vmem>>[vector<16xi32>, vector<16xi32>], vector<16xf32>,
      %get3A_380 = arith.constant 4 : i32
      %get3A_381 = arith.index_cast %get3A_380 : i32 to index
      %get3A_382 = arith.constant 32 : index
      %get3A_383 = tpu.vector_load %arg10[%get3A_381, %get3A_382] {strides = array<i32>} : memref<16x80xi32, #tpu.memory_space<vmem>>, vector<16xi32>,
      %shift_right_logical3A_384 = arith.constant 7 : i32
      %shift_right_logical3A_385 = vector.broadcast %shift_right_logical3A_384 : i32 to vector<16xi32>
      %shift_right_logical3A_386 = arith.shrui %get3A_383, %shift_right_logical3A_385 : vector<16xi32>
      %and3A_387 = arith.constant 127 : i32
      %and3A_388 = vector.broadcast %and3A_387 : i32 to vector<16xi32>
      %and3A_389 = arith.andi %get3A_383, %and3A_388 : vector<16xi32>
      tpu.vector_store_idx %arg13[%shift_right_logical3A_386, %and3A_389], %broadcast_in_dim3A_5 {add = true} : memref<79x128xf32, #tpu.memory_space<vmem>>[vector<16xi32>, vector<16xi32>], vector<16xf32>,
      %get3A_390 = arith.constant 4 : i32
      %get3A_391 = arith.index_cast %get3A_390 : i32 to index
      %get3A_392 = arith.constant 48 : index
      %get3A_393 = tpu.vector_load %arg10[%get3A_391, %get3A_392] {strides = array<i32>} : memref<16x80xi32, #tpu.memory_space<vmem>>, vector<16xi32>,
      %shift_right_logical3A_394 = arith.constant 7 : i32
      %shift_right_logical3A_395 = vector.broadcast %shift_right_logical3A_394 : i32 to vector<16xi32>
      %shift_right_logical3A_396 = arith.shrui %get3A_393, %shift_right_logical3A_395 : vector<16xi32>
      %and3A_397 = arith.constant 127 : i32
      %and3A_398 = vector.broadcast %and3A_397 : i32 to vector<16xi32>
      %and3A_399 = arith.andi %get3A_393, %and3A_398 : vector<16xi32>
      tpu.vector_store_idx %arg13[%shift_right_logical3A_396, %and3A_399], %broadcast_in_dim3A_5 {add = true} : memref<79x128xf32, #tpu.memory_space<vmem>>[vector<16xi32>, vector<16xi32>], vector<16xf32>,
      %get3A_400 = arith.constant 4 : i32
      %get3A_401 = arith.index_cast %get3A_400 : i32 to index
      %get3A_402 = arith.constant 64 : index
      %get3A_403 = tpu.vector_load %arg10[%get3A_401, %get3A_402] {strides = array<i32>} : memref<16x80xi32, #tpu.memory_space<vmem>>, vector<16xi32>,
      %shift_right_logical3A_404 = arith.constant 7 : i32
      %shift_right_logical3A_405 = vector.broadcast %shift_right_logical3A_404 : i32 to vector<16xi32>
      %shift_right_logical3A_406 = arith.shrui %get3A_403, %shift_right_logical3A_405 : vector<16xi32>
      %and3A_407 = arith.constant 127 : i32
      %and3A_408 = vector.broadcast %and3A_407 : i32 to vector<16xi32>
      %and3A_409 = arith.andi %get3A_403, %and3A_408 : vector<16xi32>
      tpu.vector_store_idx %arg13[%shift_right_logical3A_406, %and3A_409], %broadcast_in_dim3A_5 {add = true} : memref<79x128xf32, #tpu.memory_space<vmem>>[vector<16xi32>, vector<16xi32>], vector<16xf32>,
      %dma_wait3A_410 = arith.constant 4 : i32
      %dma_wait3A_411 = arith.constant 0 : i32
      %dma_wait3A_412 = tpu.memref_slice %arg10[%dma_wait3A_410, %dma_wait3A_411] : memref<16x80xi32, #tpu.memory_space<vmem>> -> memref<1x80xi32, #tpu.memory_space<vmem>>
      %dma_wait3A_413 = tpu.memref_squeeze %dma_wait3A_412 : memref<1x80xi32, #tpu.memory_space<vmem>> -> memref<80xi32, #tpu.memory_space<vmem>>
      %dma_wait3A_414 = arith.constant 0 : i32
      %dma_wait3A_415 = arith.constant 0 : i32
      %dma_wait3A_416 = tpu.memref_slice %arg14[%dma_wait3A_414, %dma_wait3A_415] : memref<10112x128xf32, #tpu.memory_space<vmem_shared>> -> memref<10112x128xf32, #tpu.memory_space<vmem_shared>>
      tpu.wait_indirect_dma semaphore(%arg17 : memref<!tpu.dma_semaphore, #tpu.memory_space<semaphore_mem>>) src(%arg11 : memref<80x128xf32, #tpu.memory_space<vmem>>) dst(%dma_wait3A_416 : memref<10112x128xf32, #tpu.memory_space<vmem_shared>>)
      %dma_start3A_417 = arith.constant 6 : i32
      %dma_start3A_418 = arith.constant 0 : i32
      %dma_start3A_419 = tpu.memref_slice %arg9[%dma_start3A_417, %dma_start3A_418] : memref<16x80xi32, #tpu.memory_space<vmem>> -> memref<1x80xi32, #tpu.memory_space<vmem>>
      %dma_start3A_420 = tpu.memref_squeeze %dma_start3A_419 : memref<1x80xi32, #tpu.memory_space<vmem>> -> memref<80xi32, #tpu.memory_space<vmem>>
      %dma_start3A_421 = arith.constant 0 : i32
      %dma_start3A_422 = arith.constant 0 : i32
      %dma_start3A_423 = tpu.memref_slice %arg4[%dma_start3A_421, %dma_start3A_422] : memref<10000x128xf32, #tpu.memory_space<hbm>> -> memref<10000x128xf32, #tpu.memory_space<hbm>>
      tpu.enqueue_indirect_dma source(%dma_start3A_423 : memref<10000x128xf32, #tpu.memory_space<hbm>>) target(%arg11 : memref<80x128xf32, #tpu.memory_space<vmem>>) offsets(%dma_start3A_420 : memref<80xi32, #tpu.memory_space<vmem>>) semaphore(%arg15 : memref<!tpu.dma_semaphore, #tpu.memory_space<semaphore_mem>>)
      %dma_wait3A_424 = arith.constant 5 : i32
      %dma_wait3A_425 = arith.constant 0 : i32
      %dma_wait3A_426 = tpu.memref_slice %arg9[%dma_wait3A_424, %dma_wait3A_425] : memref<16x80xi32, #tpu.memory_space<vmem>> -> memref<1x80xi32, #tpu.memory_space<vmem>>
      %dma_wait3A_427 = tpu.memref_squeeze %dma_wait3A_426 : memref<1x80xi32, #tpu.memory_space<vmem>> -> memref<80xi32, #tpu.memory_space<vmem>>
      %dma_wait3A_428 = arith.constant 0 : i32
      %dma_wait3A_429 = arith.constant 0 : i32
      %dma_wait3A_430 = tpu.memref_slice %arg4[%dma_wait3A_428, %dma_wait3A_429] : memref<10000x128xf32, #tpu.memory_space<hbm>> -> memref<10000x128xf32, #tpu.memory_space<hbm>>
      tpu.wait_indirect_dma semaphore(%arg16 : memref<!tpu.dma_semaphore, #tpu.memory_space<semaphore_mem>>) src(%dma_wait3A_430 : memref<10000x128xf32, #tpu.memory_space<hbm>>) dst(%arg12 : memref<80x128xf32, #tpu.memory_space<vmem>>)
      %dma_start3A_431 = arith.constant 5 : i32
      %dma_start3A_432 = arith.constant 0 : i32
      %dma_start3A_433 = tpu.memref_slice %arg10[%dma_start3A_431, %dma_start3A_432] : memref<16x80xi32, #tpu.memory_space<vmem>> -> memref<1x80xi32, #tpu.memory_space<vmem>>
      %dma_start3A_434 = tpu.memref_squeeze %dma_start3A_433 : memref<1x80xi32, #tpu.memory_space<vmem>> -> memref<80xi32, #tpu.memory_space<vmem>>
      %dma_start3A_435 = arith.constant 0 : i32
      %dma_start3A_436 = arith.constant 0 : i32
      %dma_start3A_437 = tpu.memref_slice %arg14[%dma_start3A_435, %dma_start3A_436] : memref<10112x128xf32, #tpu.memory_space<vmem_shared>> -> memref<10112x128xf32, #tpu.memory_space<vmem_shared>>
      tpu.enqueue_indirect_dma source(%arg12 : memref<80x128xf32, #tpu.memory_space<vmem>>) target(%dma_start3A_437 : memref<10112x128xf32, #tpu.memory_space<vmem_shared>>) offsets(%dma_start3A_434 : memref<80xi32, #tpu.memory_space<vmem>>) semaphore(%arg18 : memref<!tpu.dma_semaphore, #tpu.memory_space<semaphore_mem>>) {add = true}
      %get3A_438 = arith.constant 5 : i32
      %get3A_439 = arith.index_cast %get3A_438 : i32 to index
      %get3A_440 = arith.constant 0 : index
      %get3A_441 = tpu.vector_load %arg10[%get3A_439, %get3A_440] {strides = array<i32>} : memref<16x80xi32, #tpu.memory_space<vmem>>, vector<16xi32>,
      %shift_right_logical3A_442 = arith.constant 7 : i32
      %shift_right_logical3A_443 = vector.broadcast %shift_right_logical3A_442 : i32 to vector<16xi32>
      %shift_right_logical3A_444 = arith.shrui %get3A_441, %shift_right_logical3A_443 : vector<16xi32>
      %and3A_445 = arith.constant 127 : i32
      %and3A_446 = vector.broadcast %and3A_445 : i32 to vector<16xi32>
      %and3A_447 = arith.andi %get3A_441, %and3A_446 : vector<16xi32>
      tpu.vector_store_idx %arg13[%shift_right_logical3A_444, %and3A_447], %broadcast_in_dim3A_5 {add = true} : memref<79x128xf32, #tpu.memory_space<vmem>>[vector<16xi32>, vector<16xi32>], vector<16xf32>,
      %get3A_448 = arith.constant 5 : i32
      %get3A_449 = arith.index_cast %get3A_448 : i32 to index
      %get3A_450 = arith.constant 16 : index
      %get3A_451 = tpu.vector_load %arg10[%get3A_449, %get3A_450] {strides = array<i32>} : memref<16x80xi32, #tpu.memory_space<vmem>>, vector<16xi32>,
      %shift_right_logical3A_452 = arith.constant 7 : i32
      %shift_right_logical3A_453 = vector.broadcast %shift_right_logical3A_452 : i32 to vector<16xi32>
      %shift_right_logical3A_454 = arith.shrui %get3A_451, %shift_right_logical3A_453 : vector<16xi32>
      %and3A_455 = arith.constant 127 : i32
      %and3A_456 = vector.broadcast %and3A_455 : i32 to vector<16xi32>
      %and3A_457 = arith.andi %get3A_451, %and3A_456 : vector<16xi32>
      tpu.vector_store_idx %arg13[%shift_right_logical3A_454, %and3A_457], %broadcast_in_dim3A_5 {add = true} : memref<79x128xf32, #tpu.memory_space<vmem>>[vector<16xi32>, vector<16xi32>], vector<16xf32>,
      %get3A_458 = arith.constant 5 : i32
      %get3A_459 = arith.index_cast %get3A_458 : i32 to index
      %get3A_460 = arith.constant 32 : index
      %get3A_461 = tpu.vector_load %arg10[%get3A_459, %get3A_460] {strides = array<i32>} : memref<16x80xi32, #tpu.memory_space<vmem>>, vector<16xi32>,
      %shift_right_logical3A_462 = arith.constant 7 : i32
      %shift_right_logical3A_463 = vector.broadcast %shift_right_logical3A_462 : i32 to vector<16xi32>
      %shift_right_logical3A_464 = arith.shrui %get3A_461, %shift_right_logical3A_463 : vector<16xi32>
      %and3A_465 = arith.constant 127 : i32
      %and3A_466 = vector.broadcast %and3A_465 : i32 to vector<16xi32>
      %and3A_467 = arith.andi %get3A_461, %and3A_466 : vector<16xi32>
      tpu.vector_store_idx %arg13[%shift_right_logical3A_464, %and3A_467], %broadcast_in_dim3A_5 {add = true} : memref<79x128xf32, #tpu.memory_space<vmem>>[vector<16xi32>, vector<16xi32>], vector<16xf32>,
      %get3A_468 = arith.constant 5 : i32
      %get3A_469 = arith.index_cast %get3A_468 : i32 to index
      %get3A_470 = arith.constant 48 : index
      %get3A_471 = tpu.vector_load %arg10[%get3A_469, %get3A_470] {strides = array<i32>} : memref<16x80xi32, #tpu.memory_space<vmem>>, vector<16xi32>,
      %shift_right_logical3A_472 = arith.constant 7 : i32
      %shift_right_logical3A_473 = vector.broadcast %shift_right_logical3A_472 : i32 to vector<16xi32>
      %shift_right_logical3A_474 = arith.shrui %get3A_471, %shift_right_logical3A_473 : vector<16xi32>
      %and3A_475 = arith.constant 127 : i32
      %and3A_476 = vector.broadcast %and3A_475 : i32 to vector<16xi32>
      %and3A_477 = arith.andi %get3A_471, %and3A_476 : vector<16xi32>
      tpu.vector_store_idx %arg13[%shift_right_logical3A_474, %and3A_477], %broadcast_in_dim3A_5 {add = true} : memref<79x128xf32, #tpu.memory_space<vmem>>[vector<16xi32>, vector<16xi32>], vector<16xf32>,
      %get3A_478 = arith.constant 5 : i32
      %get3A_479 = arith.index_cast %get3A_478 : i32 to index
      %get3A_480 = arith.constant 64 : index
      %get3A_481 = tpu.vector_load %arg10[%get3A_479, %get3A_480] {strides = array<i32>} : memref<16x80xi32, #tpu.memory_space<vmem>>, vector<16xi32>,
      %shift_right_logical3A_482 = arith.constant 7 : i32
      %shift_right_logical3A_483 = vector.broadcast %shift_right_logical3A_482 : i32 to vector<16xi32>
      %shift_right_logical3A_484 = arith.shrui %get3A_481, %shift_right_logical3A_483 : vector<16xi32>
      %and3A_485 = arith.constant 127 : i32
      %and3A_486 = vector.broadcast %and3A_485 : i32 to vector<16xi32>
      %and3A_487 = arith.andi %get3A_481, %and3A_486 : vector<16xi32>
      tpu.vector_store_idx %arg13[%shift_right_logical3A_484, %and3A_487], %broadcast_in_dim3A_5 {add = true} : memref<79x128xf32, #tpu.memory_space<vmem>>[vector<16xi32>, vector<16xi32>], vector<16xf32>,
      %dma_wait3A_488 = arith.constant 5 : i32
      %dma_wait3A_489 = arith.constant 0 : i32
      %dma_wait3A_490 = tpu.memref_slice %arg10[%dma_wait3A_488, %dma_wait3A_489] : memref<16x80xi32, #tpu.memory_space<vmem>> -> memref<1x80xi32, #tpu.memory_space<vmem>>
      %dma_wait3A_491 = tpu.memref_squeeze %dma_wait3A_490 : memref<1x80xi32, #tpu.memory_space<vmem>> -> memref<80xi32, #tpu.memory_space<vmem>>
      %dma_wait3A_492 = arith.constant 0 : i32
      %dma_wait3A_493 = arith.constant 0 : i32
      %dma_wait3A_494 = tpu.memref_slice %arg14[%dma_wait3A_492, %dma_wait3A_493] : memref<10112x128xf32, #tpu.memory_space<vmem_shared>> -> memref<10112x128xf32, #tpu.memory_space<vmem_shared>>
      tpu.wait_indirect_dma semaphore(%arg18 : memref<!tpu.dma_semaphore, #tpu.memory_space<semaphore_mem>>) src(%arg12 : memref<80x128xf32, #tpu.memory_space<vmem>>) dst(%dma_wait3A_494 : memref<10112x128xf32, #tpu.memory_space<vmem_shared>>)
      %dma_start3A_495 = arith.constant 7 : i32
      %dma_start3A_496 = arith.constant 0 : i32
      %dma_start3A_497 = tpu.memref_slice %arg9[%dma_start3A_495, %dma_start3A_496] : memref<16x80xi32, #tpu.memory_space<vmem>> -> memref<1x80xi32, #tpu.memory_space<vmem>>
      %dma_start3A_498 = tpu.memref_squeeze %dma_start3A_497 : memref<1x80xi32, #tpu.memory_space<vmem>> -> memref<80xi32, #tpu.memory_space<vmem>>
      %dma_start3A_499 = arith.constant 0 : i32
      %dma_start3A_500 = arith.constant 0 : i32
      %dma_start3A_501 = tpu.memref_slice %arg4[%dma_start3A_499, %dma_start3A_500] : memref<10000x128xf32, #tpu.memory_space<hbm>> -> memref<10000x128xf32, #tpu.memory_space<hbm>>
      tpu.enqueue_indirect_dma source(%dma_start3A_501 : memref<10000x128xf32, #tpu.memory_space<hbm>>) target(%arg12 : memref<80x128xf32, #tpu.memory_space<vmem>>) offsets(%dma_start3A_498 : memref<80xi32, #tpu.memory_space<vmem>>) semaphore(%arg16 : memref<!tpu.dma_semaphore, #tpu.memory_space<semaphore_mem>>)
      %dma_wait3A_502 = arith.constant 6 : i32
      %dma_wait3A_503 = arith.constant 0 : i32
      %dma_wait3A_504 = tpu.memref_slice %arg9[%dma_wait3A_502, %dma_wait3A_503] : memref<16x80xi32, #tpu.memory_space<vmem>> -> memref<1x80xi32, #tpu.memory_space<vmem>>
      %dma_wait3A_505 = tpu.memref_squeeze %dma_wait3A_504 : memref<1x80xi32, #tpu.memory_space<vmem>> -> memref<80xi32, #tpu.memory_space<vmem>>
      %dma_wait3A_506 = arith.constant 0 : i32
      %dma_wait3A_507 = arith.constant 0 : i32
      %dma_wait3A_508 = tpu.memref_slice %arg4[%dma_wait3A_506, %dma_wait3A_507] : memref<10000x128xf32, #tpu.memory_space<hbm>> -> memref<10000x128xf32, #tpu.memory_space<hbm>>
      tpu.wait_indirect_dma semaphore(%arg15 : memref<!tpu.dma_semaphore, #tpu.memory_space<semaphore_mem>>) src(%dma_wait3A_508 : memref<10000x128xf32, #tpu.memory_space<hbm>>) dst(%arg11 : memref<80x128xf32, #tpu.memory_space<vmem>>)
      %dma_start3A_509 = arith.constant 6 : i32
      %dma_start3A_510 = arith.constant 0 : i32
      %dma_start3A_511 = tpu.memref_slice %arg10[%dma_start3A_509, %dma_start3A_510] : memref<16x80xi32, #tpu.memory_space<vmem>> -> memref<1x80xi32, #tpu.memory_space<vmem>>
      %dma_start3A_512 = tpu.memref_squeeze %dma_start3A_511 : memref<1x80xi32, #tpu.memory_space<vmem>> -> memref<80xi32, #tpu.memory_space<vmem>>
      %dma_start3A_513 = arith.constant 0 : i32
      %dma_start3A_514 = arith.constant 0 : i32
      %dma_start3A_515 = tpu.memref_slice %arg14[%dma_start3A_513, %dma_start3A_514] : memref<10112x128xf32, #tpu.memory_space<vmem_shared>> -> memref<10112x128xf32, #tpu.memory_space<vmem_shared>>
      tpu.enqueue_indirect_dma source(%arg11 : memref<80x128xf32, #tpu.memory_space<vmem>>) target(%dma_start3A_515 : memref<10112x128xf32, #tpu.memory_space<vmem_shared>>) offsets(%dma_start3A_512 : memref<80xi32, #tpu.memory_space<vmem>>) semaphore(%arg17 : memref<!tpu.dma_semaphore, #tpu.memory_space<semaphore_mem>>) {add = true}
      %get3A_516 = arith.constant 6 : i32
      %get3A_517 = arith.index_cast %get3A_516 : i32 to index
      %get3A_518 = arith.constant 0 : index
      %get3A_519 = tpu.vector_load %arg10[%get3A_517, %get3A_518] {strides = array<i32>} : memref<16x80xi32, #tpu.memory_space<vmem>>, vector<16xi32>,
      %shift_right_logical3A_520 = arith.constant 7 : i32
      %shift_right_logical3A_521 = vector.broadcast %shift_right_logical3A_520 : i32 to vector<16xi32>
      %shift_right_logical3A_522 = arith.shrui %get3A_519, %shift_right_logical3A_521 : vector<16xi32>
      %and3A_523 = arith.constant 127 : i32
      %and3A_524 = vector.broadcast %and3A_523 : i32 to vector<16xi32>
      %and3A_525 = arith.andi %get3A_519, %and3A_524 : vector<16xi32>
      tpu.vector_store_idx %arg13[%shift_right_logical3A_522, %and3A_525], %broadcast_in_dim3A_5 {add = true} : memref<79x128xf32, #tpu.memory_space<vmem>>[vector<16xi32>, vector<16xi32>], vector<16xf32>,
      %get3A_526 = arith.constant 6 : i32
      %get3A_527 = arith.index_cast %get3A_526 : i32 to index
      %get3A_528 = arith.constant 16 : index
      %get3A_529 = tpu.vector_load %arg10[%get3A_527, %get3A_528] {strides = array<i32>} : memref<16x80xi32, #tpu.memory_space<vmem>>, vector<16xi32>,
      %shift_right_logical3A_530 = arith.constant 7 : i32
      %shift_right_logical3A_531 = vector.broadcast %shift_right_logical3A_530 : i32 to vector<16xi32>
      %shift_right_logical3A_532 = arith.shrui %get3A_529, %shift_right_logical3A_531 : vector<16xi32>
      %and3A_533 = arith.constant 127 : i32
      %and3A_534 = vector.broadcast %and3A_533 : i32 to vector<16xi32>
      %and3A_535 = arith.andi %get3A_529, %and3A_534 : vector<16xi32>
      tpu.vector_store_idx %arg13[%shift_right_logical3A_532, %and3A_535], %broadcast_in_dim3A_5 {add = true} : memref<79x128xf32, #tpu.memory_space<vmem>>[vector<16xi32>, vector<16xi32>], vector<16xf32>,
      %get3A_536 = arith.constant 6 : i32
      %get3A_537 = arith.index_cast %get3A_536 : i32 to index
      %get3A_538 = arith.constant 32 : index
      %get3A_539 = tpu.vector_load %arg10[%get3A_537, %get3A_538] {strides = array<i32>} : memref<16x80xi32, #tpu.memory_space<vmem>>, vector<16xi32>,
      %shift_right_logical3A_540 = arith.constant 7 : i32
      %shift_right_logical3A_541 = vector.broadcast %shift_right_logical3A_540 : i32 to vector<16xi32>
      %shift_right_logical3A_542 = arith.shrui %get3A_539, %shift_right_logical3A_541 : vector<16xi32>
      %and3A_543 = arith.constant 127 : i32
      %and3A_544 = vector.broadcast %and3A_543 : i32 to vector<16xi32>
      %and3A_545 = arith.andi %get3A_539, %and3A_544 : vector<16xi32>
      tpu.vector_store_idx %arg13[%shift_right_logical3A_542, %and3A_545], %broadcast_in_dim3A_5 {add = true} : memref<79x128xf32, #tpu.memory_space<vmem>>[vector<16xi32>, vector<16xi32>], vector<16xf32>,
      %get3A_546 = arith.constant 6 : i32
      %get3A_547 = arith.index_cast %get3A_546 : i32 to index
      %get3A_548 = arith.constant 48 : index
      %get3A_549 = tpu.vector_load %arg10[%get3A_547, %get3A_548] {strides = array<i32>} : memref<16x80xi32, #tpu.memory_space<vmem>>, vector<16xi32>,
      %shift_right_logical3A_550 = arith.constant 7 : i32
      %shift_right_logical3A_551 = vector.broadcast %shift_right_logical3A_550 : i32 to vector<16xi32>
      %shift_right_logical3A_552 = arith.shrui %get3A_549, %shift_right_logical3A_551 : vector<16xi32>
      %and3A_553 = arith.constant 127 : i32
      %and3A_554 = vector.broadcast %and3A_553 : i32 to vector<16xi32>
      %and3A_555 = arith.andi %get3A_549, %and3A_554 : vector<16xi32>
      tpu.vector_store_idx %arg13[%shift_right_logical3A_552, %and3A_555], %broadcast_in_dim3A_5 {add = true} : memref<79x128xf32, #tpu.memory_space<vmem>>[vector<16xi32>, vector<16xi32>], vector<16xf32>,
      %get3A_556 = arith.constant 6 : i32
      %get3A_557 = arith.index_cast %get3A_556 : i32 to index
      %get3A_558 = arith.constant 64 : index
      %get3A_559 = tpu.vector_load %arg10[%get3A_557, %get3A_558] {strides = array<i32>} : memref<16x80xi32, #tpu.memory_space<vmem>>, vector<16xi32>,
      %shift_right_logical3A_560 = arith.constant 7 : i32
      %shift_right_logical3A_561 = vector.broadcast %shift_right_logical3A_560 : i32 to vector<16xi32>
      %shift_right_logical3A_562 = arith.shrui %get3A_559, %shift_right_logical3A_561 : vector<16xi32>
      %and3A_563 = arith.constant 127 : i32
      %and3A_564 = vector.broadcast %and3A_563 : i32 to vector<16xi32>
      %and3A_565 = arith.andi %get3A_559, %and3A_564 : vector<16xi32>
      tpu.vector_store_idx %arg13[%shift_right_logical3A_562, %and3A_565], %broadcast_in_dim3A_5 {add = true} : memref<79x128xf32, #tpu.memory_space<vmem>>[vector<16xi32>, vector<16xi32>], vector<16xf32>,
      %dma_wait3A_566 = arith.constant 6 : i32
      %dma_wait3A_567 = arith.constant 0 : i32
      %dma_wait3A_568 = tpu.memref_slice %arg10[%dma_wait3A_566, %dma_wait3A_567] : memref<16x80xi32, #tpu.memory_space<vmem>> -> memref<1x80xi32, #tpu.memory_space<vmem>>
      %dma_wait3A_569 = tpu.memref_squeeze %dma_wait3A_568 : memref<1x80xi32, #tpu.memory_space<vmem>> -> memref<80xi32, #tpu.memory_space<vmem>>
      %dma_wait3A_570 = arith.constant 0 : i32
      %dma_wait3A_571 = arith.constant 0 : i32
      %dma_wait3A_572 = tpu.memref_slice %arg14[%dma_wait3A_570, %dma_wait3A_571] : memref<10112x128xf32, #tpu.memory_space<vmem_shared>> -> memref<10112x128xf32, #tpu.memory_space<vmem_shared>>
      tpu.wait_indirect_dma semaphore(%arg17 : memref<!tpu.dma_semaphore, #tpu.memory_space<semaphore_mem>>) src(%arg11 : memref<80x128xf32, #tpu.memory_space<vmem>>) dst(%dma_wait3A_572 : memref<10112x128xf32, #tpu.memory_space<vmem_shared>>)
      %dma_start3A_573 = arith.constant 8 : i32
      %dma_start3A_574 = arith.constant 0 : i32
      %dma_start3A_575 = tpu.memref_slice %arg9[%dma_start3A_573, %dma_start3A_574] : memref<16x80xi32, #tpu.memory_space<vmem>> -> memref<1x80xi32, #tpu.memory_space<vmem>>
      %dma_start3A_576 = tpu.memref_squeeze %dma_start3A_575 : memref<1x80xi32, #tpu.memory_space<vmem>> -> memref<80xi32, #tpu.memory_space<vmem>>
      %dma_start3A_577 = arith.constant 0 : i32
      %dma_start3A_578 = arith.constant 0 : i32
      %dma_start3A_579 = tpu.memref_slice %arg4[%dma_start3A_577, %dma_start3A_578] : memref<10000x128xf32, #tpu.memory_space<hbm>> -> memref<10000x128xf32, #tpu.memory_space<hbm>>
      tpu.enqueue_indirect_dma source(%dma_start3A_579 : memref<10000x128xf32, #tpu.memory_space<hbm>>) target(%arg11 : memref<80x128xf32, #tpu.memory_space<vmem>>) offsets(%dma_start3A_576 : memref<80xi32, #tpu.memory_space<vmem>>) semaphore(%arg15 : memref<!tpu.dma_semaphore, #tpu.memory_space<semaphore_mem>>)
      %dma_wait3A_580 = arith.constant 7 : i32
      %dma_wait3A_581 = arith.constant 0 : i32
      %dma_wait3A_582 = tpu.memref_slice %arg9[%dma_wait3A_580, %dma_wait3A_581] : memref<16x80xi32, #tpu.memory_space<vmem>> -> memref<1x80xi32, #tpu.memory_space<vmem>>
      %dma_wait3A_583 = tpu.memref_squeeze %dma_wait3A_582 : memref<1x80xi32, #tpu.memory_space<vmem>> -> memref<80xi32, #tpu.memory_space<vmem>>
      %dma_wait3A_584 = arith.constant 0 : i32
      %dma_wait3A_585 = arith.constant 0 : i32
      %dma_wait3A_586 = tpu.memref_slice %arg4[%dma_wait3A_584, %dma_wait3A_585] : memref<10000x128xf32, #tpu.memory_space<hbm>> -> memref<10000x128xf32, #tpu.memory_space<hbm>>
      tpu.wait_indirect_dma semaphore(%arg16 : memref<!tpu.dma_semaphore, #tpu.memory_space<semaphore_mem>>) src(%dma_wait3A_586 : memref<10000x128xf32, #tpu.memory_space<hbm>>) dst(%arg12 : memref<80x128xf32, #tpu.memory_space<vmem>>)
      %dma_start3A_587 = arith.constant 7 : i32
      %dma_start3A_588 = arith.constant 0 : i32
      %dma_start3A_589 = tpu.memref_slice %arg10[%dma_start3A_587, %dma_start3A_588] : memref<16x80xi32, #tpu.memory_space<vmem>> -> memref<1x80xi32, #tpu.memory_space<vmem>>
      %dma_start3A_590 = tpu.memref_squeeze %dma_start3A_589 : memref<1x80xi32, #tpu.memory_space<vmem>> -> memref<80xi32, #tpu.memory_space<vmem>>
      %dma_start3A_591 = arith.constant 0 : i32
      %dma_start3A_592 = arith.constant 0 : i32
      %dma_start3A_593 = tpu.memref_slice %arg14[%dma_start3A_591, %dma_start3A_592] : memref<10112x128xf32, #tpu.memory_space<vmem_shared>> -> memref<10112x128xf32, #tpu.memory_space<vmem_shared>>
      tpu.enqueue_indirect_dma source(%arg12 : memref<80x128xf32, #tpu.memory_space<vmem>>) target(%dma_start3A_593 : memref<10112x128xf32, #tpu.memory_space<vmem_shared>>) offsets(%dma_start3A_590 : memref<80xi32, #tpu.memory_space<vmem>>) semaphore(%arg18 : memref<!tpu.dma_semaphore, #tpu.memory_space<semaphore_mem>>) {add = true}
      %get3A_594 = arith.constant 7 : i32
      %get3A_595 = arith.index_cast %get3A_594 : i32 to index
      %get3A_596 = arith.constant 0 : index
      %get3A_597 = tpu.vector_load %arg10[%get3A_595, %get3A_596] {strides = array<i32>} : memref<16x80xi32, #tpu.memory_space<vmem>>, vector<16xi32>,
      %shift_right_logical3A_598 = arith.constant 7 : i32
      %shift_right_logical3A_599 = vector.broadcast %shift_right_logical3A_598 : i32 to vector<16xi32>
      %shift_right_logical3A_600 = arith.shrui %get3A_597, %shift_right_logical3A_599 : vector<16xi32>
      %and3A_601 = arith.constant 127 : i32
      %and3A_602 = vector.broadcast %and3A_601 : i32 to vector<16xi32>
      %and3A_603 = arith.andi %get3A_597, %and3A_602 : vector<16xi32>
      tpu.vector_store_idx %arg13[%shift_right_logical3A_600, %and3A_603], %broadcast_in_dim3A_5 {add = true} : memref<79x128xf32, #tpu.memory_space<vmem>>[vector<16xi32>, vector<16xi32>], vector<16xf32>,
      %get3A_604 = arith.constant 7 : i32
      %get3A_605 = arith.index_cast %get3A_604 : i32 to index
      %get3A_606 = arith.constant 16 : index
      %get3A_607 = tpu.vector_load %arg10[%get3A_605, %get3A_606] {strides = array<i32>} : memref<16x80xi32, #tpu.memory_space<vmem>>, vector<16xi32>,
      %shift_right_logical3A_608 = arith.constant 7 : i32
      %shift_right_logical3A_609 = vector.broadcast %shift_right_logical3A_608 : i32 to vector<16xi32>
      %shift_right_logical3A_610 = arith.shrui %get3A_607, %shift_right_logical3A_609 : vector<16xi32>
      %and3A_611 = arith.constant 127 : i32
      %and3A_612 = vector.broadcast %and3A_611 : i32 to vector<16xi32>
      %and3A_613 = arith.andi %get3A_607, %and3A_612 : vector<16xi32>
      tpu.vector_store_idx %arg13[%shift_right_logical3A_610, %and3A_613], %broadcast_in_dim3A_5 {add = true} : memref<79x128xf32, #tpu.memory_space<vmem>>[vector<16xi32>, vector<16xi32>], vector<16xf32>,
      %get3A_614 = arith.constant 7 : i32
      %get3A_615 = arith.index_cast %get3A_614 : i32 to index
      %get3A_616 = arith.constant 32 : index
      %get3A_617 = tpu.vector_load %arg10[%get3A_615, %get3A_616] {strides = array<i32>} : memref<16x80xi32, #tpu.memory_space<vmem>>, vector<16xi32>,
      %shift_right_logical3A_618 = arith.constant 7 : i32
      %shift_right_logical3A_619 = vector.broadcast %shift_right_logical3A_618 : i32 to vector<16xi32>
      %shift_right_logical3A_620 = arith.shrui %get3A_617, %shift_right_logical3A_619 : vector<16xi32>
      %and3A_621 = arith.constant 127 : i32
      %and3A_622 = vector.broadcast %and3A_621 : i32 to vector<16xi32>
      %and3A_623 = arith.andi %get3A_617, %and3A_622 : vector<16xi32>
      tpu.vector_store_idx %arg13[%shift_right_logical3A_620, %and3A_623], %broadcast_in_dim3A_5 {add = true} : memref<79x128xf32, #tpu.memory_space<vmem>>[vector<16xi32>, vector<16xi32>], vector<16xf32>,
      %get3A_624 = arith.constant 7 : i32
      %get3A_625 = arith.index_cast %get3A_624 : i32 to index
      %get3A_626 = arith.constant 48 : index
      %get3A_627 = tpu.vector_load %arg10[%get3A_625, %get3A_626] {strides = array<i32>} : memref<16x80xi32, #tpu.memory_space<vmem>>, vector<16xi32>,
      %shift_right_logical3A_628 = arith.constant 7 : i32
      %shift_right_logical3A_629 = vector.broadcast %shift_right_logical3A_628 : i32 to vector<16xi32>
      %shift_right_logical3A_630 = arith.shrui %get3A_627, %shift_right_logical3A_629 : vector<16xi32>
      %and3A_631 = arith.constant 127 : i32
      %and3A_632 = vector.broadcast %and3A_631 : i32 to vector<16xi32>
      %and3A_633 = arith.andi %get3A_627, %and3A_632 : vector<16xi32>
      tpu.vector_store_idx %arg13[%shift_right_logical3A_630, %and3A_633], %broadcast_in_dim3A_5 {add = true} : memref<79x128xf32, #tpu.memory_space<vmem>>[vector<16xi32>, vector<16xi32>], vector<16xf32>,
      %get3A_634 = arith.constant 7 : i32
      %get3A_635 = arith.index_cast %get3A_634 : i32 to index
      %get3A_636 = arith.constant 64 : index
      %get3A_637 = tpu.vector_load %arg10[%get3A_635, %get3A_636] {strides = array<i32>} : memref<16x80xi32, #tpu.memory_space<vmem>>, vector<16xi32>,
      %shift_right_logical3A_638 = arith.constant 7 : i32
      %shift_right_logical3A_639 = vector.broadcast %shift_right_logical3A_638 : i32 to vector<16xi32>
      %shift_right_logical3A_640 = arith.shrui %get3A_637, %shift_right_logical3A_639 : vector<16xi32>
      %and3A_641 = arith.constant 127 : i32
      %and3A_642 = vector.broadcast %and3A_641 : i32 to vector<16xi32>
      %and3A_643 = arith.andi %get3A_637, %and3A_642 : vector<16xi32>
      tpu.vector_store_idx %arg13[%shift_right_logical3A_640, %and3A_643], %broadcast_in_dim3A_5 {add = true} : memref<79x128xf32, #tpu.memory_space<vmem>>[vector<16xi32>, vector<16xi32>], vector<16xf32>,
      %dma_wait3A_644 = arith.constant 7 : i32
      %dma_wait3A_645 = arith.constant 0 : i32
      %dma_wait3A_646 = tpu.memref_slice %arg10[%dma_wait3A_644, %dma_wait3A_645] : memref<16x80xi32, #tpu.memory_space<vmem>> -> memref<1x80xi32, #tpu.memory_space<vmem>>
      %dma_wait3A_647 = tpu.memref_squeeze %dma_wait3A_646 : memref<1x80xi32, #tpu.memory_space<vmem>> -> memref<80xi32, #tpu.memory_space<vmem>>
      %dma_wait3A_648 = arith.constant 0 : i32
      %dma_wait3A_649 = arith.constant 0 : i32
      %dma_wait3A_650 = tpu.memref_slice %arg14[%dma_wait3A_648, %dma_wait3A_649] : memref<10112x128xf32, #tpu.memory_space<vmem_shared>> -> memref<10112x128xf32, #tpu.memory_space<vmem_shared>>
      tpu.wait_indirect_dma semaphore(%arg18 : memref<!tpu.dma_semaphore, #tpu.memory_space<semaphore_mem>>) src(%arg12 : memref<80x128xf32, #tpu.memory_space<vmem>>) dst(%dma_wait3A_650 : memref<10112x128xf32, #tpu.memory_space<vmem_shared>>)
      %dma_start3A_651 = arith.constant 9 : i32
      %dma_start3A_652 = arith.constant 0 : i32
      %dma_start3A_653 = tpu.memref_slice %arg9[%dma_start3A_651, %dma_start3A_652] : memref<16x80xi32, #tpu.memory_space<vmem>> -> memref<1x80xi32, #tpu.memory_space<vmem>>
      %dma_start3A_654 = tpu.memref_squeeze %dma_start3A_653 : memref<1x80xi32, #tpu.memory_space<vmem>> -> memref<80xi32, #tpu.memory_space<vmem>>
      %dma_start3A_655 = arith.constant 0 : i32
      %dma_start3A_656 = arith.constant 0 : i32
      %dma_start3A_657 = tpu.memref_slice %arg4[%dma_start3A_655, %dma_start3A_656] : memref<10000x128xf32, #tpu.memory_space<hbm>> -> memref<10000x128xf32, #tpu.memory_space<hbm>>
      tpu.enqueue_indirect_dma source(%dma_start3A_657 : memref<10000x128xf32, #tpu.memory_space<hbm>>) target(%arg12 : memref<80x128xf32, #tpu.memory_space<vmem>>) offsets(%dma_start3A_654 : memref<80xi32, #tpu.memory_space<vmem>>) semaphore(%arg16 : memref<!tpu.dma_semaphore, #tpu.memory_space<semaphore_mem>>)
      %dma_wait3A_658 = arith.constant 8 : i32
      %dma_wait3A_659 = arith.constant 0 : i32
      %dma_wait3A_660 = tpu.memref_slice %arg9[%dma_wait3A_658, %dma_wait3A_659] : memref<16x80xi32, #tpu.memory_space<vmem>> -> memref<1x80xi32, #tpu.memory_space<vmem>>
      %dma_wait3A_661 = tpu.memref_squeeze %dma_wait3A_660 : memref<1x80xi32, #tpu.memory_space<vmem>> -> memref<80xi32, #tpu.memory_space<vmem>>
      %dma_wait3A_662 = arith.constant 0 : i32
      %dma_wait3A_663 = arith.constant 0 : i32
      %dma_wait3A_664 = tpu.memref_slice %arg4[%dma_wait3A_662, %dma_wait3A_663] : memref<10000x128xf32, #tpu.memory_space<hbm>> -> memref<10000x128xf32, #tpu.memory_space<hbm>>
      tpu.wait_indirect_dma semaphore(%arg15 : memref<!tpu.dma_semaphore, #tpu.memory_space<semaphore_mem>>) src(%dma_wait3A_664 : memref<10000x128xf32, #tpu.memory_space<hbm>>) dst(%arg11 : memref<80x128xf32, #tpu.memory_space<vmem>>)
      %dma_start3A_665 = arith.constant 8 : i32
      %dma_start3A_666 = arith.constant 0 : i32
      %dma_start3A_667 = tpu.memref_slice %arg10[%dma_start3A_665, %dma_start3A_666] : memref<16x80xi32, #tpu.memory_space<vmem>> -> memref<1x80xi32, #tpu.memory_space<vmem>>
      %dma_start3A_668 = tpu.memref_squeeze %dma_start3A_667 : memref<1x80xi32, #tpu.memory_space<vmem>> -> memref<80xi32, #tpu.memory_space<vmem>>
      %dma_start3A_669 = arith.constant 0 : i32
      %dma_start3A_670 = arith.constant 0 : i32
      %dma_start3A_671 = tpu.memref_slice %arg14[%dma_start3A_669, %dma_start3A_670] : memref<10112x128xf32, #tpu.memory_space<vmem_shared>> -> memref<10112x128xf32, #tpu.memory_space<vmem_shared>>
      tpu.enqueue_indirect_dma source(%arg11 : memref<80x128xf32, #tpu.memory_space<vmem>>) target(%dma_start3A_671 : memref<10112x128xf32, #tpu.memory_space<vmem_shared>>) offsets(%dma_start3A_668 : memref<80xi32, #tpu.memory_space<vmem>>) semaphore(%arg17 : memref<!tpu.dma_semaphore, #tpu.memory_space<semaphore_mem>>) {add = true}
      %get3A_672 = arith.constant 8 : i32
      %get3A_673 = arith.index_cast %get3A_672 : i32 to index
      %get3A_674 = arith.constant 0 : index
      %get3A_675 = tpu.vector_load %arg10[%get3A_673, %get3A_674] {strides = array<i32>} : memref<16x80xi32, #tpu.memory_space<vmem>>, vector<16xi32>,
      %shift_right_logical3A_676 = arith.constant 7 : i32
      %shift_right_logical3A_677 = vector.broadcast %shift_right_logical3A_676 : i32 to vector<16xi32>
      %shift_right_logical3A_678 = arith.shrui %get3A_675, %shift_right_logical3A_677 : vector<16xi32>
      %and3A_679 = arith.constant 127 : i32
      %and3A_680 = vector.broadcast %and3A_679 : i32 to vector<16xi32>
      %and3A_681 = arith.andi %get3A_675, %and3A_680 : vector<16xi32>
      tpu.vector_store_idx %arg13[%shift_right_logical3A_678, %and3A_681], %broadcast_in_dim3A_5 {add = true} : memref<79x128xf32, #tpu.memory_space<vmem>>[vector<16xi32>, vector<16xi32>], vector<16xf32>,
      %get3A_682 = arith.constant 8 : i32
      %get3A_683 = arith.index_cast %get3A_682 : i32 to index
      %get3A_684 = arith.constant 16 : index
      %get3A_685 = tpu.vector_load %arg10[%get3A_683, %get3A_684] {strides = array<i32>} : memref<16x80xi32, #tpu.memory_space<vmem>>, vector<16xi32>,
      %shift_right_logical3A_686 = arith.constant 7 : i32
      %shift_right_logical3A_687 = vector.broadcast %shift_right_logical3A_686 : i32 to vector<16xi32>
      %shift_right_logical3A_688 = arith.shrui %get3A_685, %shift_right_logical3A_687 : vector<16xi32>
      %and3A_689 = arith.constant 127 : i32
      %and3A_690 = vector.broadcast %and3A_689 : i32 to vector<16xi32>
      %and3A_691 = arith.andi %get3A_685, %and3A_690 : vector<16xi32>
      tpu.vector_store_idx %arg13[%shift_right_logical3A_688, %and3A_691], %broadcast_in_dim3A_5 {add = true} : memref<79x128xf32, #tpu.memory_space<vmem>>[vector<16xi32>, vector<16xi32>], vector<16xf32>,
      %get3A_692 = arith.constant 8 : i32
      %get3A_693 = arith.index_cast %get3A_692 : i32 to index
      %get3A_694 = arith.constant 32 : index
      %get3A_695 = tpu.vector_load %arg10[%get3A_693, %get3A_694] {strides = array<i32>} : memref<16x80xi32, #tpu.memory_space<vmem>>, vector<16xi32>,
      %shift_right_logical3A_696 = arith.constant 7 : i32
      %shift_right_logical3A_697 = vector.broadcast %shift_right_logical3A_696 : i32 to vector<16xi32>
      %shift_right_logical3A_698 = arith.shrui %get3A_695, %shift_right_logical3A_697 : vector<16xi32>
      %and3A_699 = arith.constant 127 : i32
      %and3A_700 = vector.broadcast %and3A_699 : i32 to vector<16xi32>
      %and3A_701 = arith.andi %get3A_695, %and3A_700 : vector<16xi32>
      tpu.vector_store_idx %arg13[%shift_right_logical3A_698, %and3A_701], %broadcast_in_dim3A_5 {add = true} : memref<79x128xf32, #tpu.memory_space<vmem>>[vector<16xi32>, vector<16xi32>], vector<16xf32>,
      %get3A_702 = arith.constant 8 : i32
      %get3A_703 = arith.index_cast %get3A_702 : i32 to index
      %get3A_704 = arith.constant 48 : index
      %get3A_705 = tpu.vector_load %arg10[%get3A_703, %get3A_704] {strides = array<i32>} : memref<16x80xi32, #tpu.memory_space<vmem>>, vector<16xi32>,
      %shift_right_logical3A_706 = arith.constant 7 : i32
      %shift_right_logical3A_707 = vector.broadcast %shift_right_logical3A_706 : i32 to vector<16xi32>
      %shift_right_logical3A_708 = arith.shrui %get3A_705, %shift_right_logical3A_707 : vector<16xi32>
      %and3A_709 = arith.constant 127 : i32
      %and3A_710 = vector.broadcast %and3A_709 : i32 to vector<16xi32>
      %and3A_711 = arith.andi %get3A_705, %and3A_710 : vector<16xi32>
      tpu.vector_store_idx %arg13[%shift_right_logical3A_708, %and3A_711], %broadcast_in_dim3A_5 {add = true} : memref<79x128xf32, #tpu.memory_space<vmem>>[vector<16xi32>, vector<16xi32>], vector<16xf32>,
      %get3A_712 = arith.constant 8 : i32
      %get3A_713 = arith.index_cast %get3A_712 : i32 to index
      %get3A_714 = arith.constant 64 : index
      %get3A_715 = tpu.vector_load %arg10[%get3A_713, %get3A_714] {strides = array<i32>} : memref<16x80xi32, #tpu.memory_space<vmem>>, vector<16xi32>,
      %shift_right_logical3A_716 = arith.constant 7 : i32
      %shift_right_logical3A_717 = vector.broadcast %shift_right_logical3A_716 : i32 to vector<16xi32>
      %shift_right_logical3A_718 = arith.shrui %get3A_715, %shift_right_logical3A_717 : vector<16xi32>
      %and3A_719 = arith.constant 127 : i32
      %and3A_720 = vector.broadcast %and3A_719 : i32 to vector<16xi32>
      %and3A_721 = arith.andi %get3A_715, %and3A_720 : vector<16xi32>
      tpu.vector_store_idx %arg13[%shift_right_logical3A_718, %and3A_721], %broadcast_in_dim3A_5 {add = true} : memref<79x128xf32, #tpu.memory_space<vmem>>[vector<16xi32>, vector<16xi32>], vector<16xf32>,
      %dma_wait3A_722 = arith.constant 8 : i32
      %dma_wait3A_723 = arith.constant 0 : i32
      %dma_wait3A_724 = tpu.memref_slice %arg10[%dma_wait3A_722, %dma_wait3A_723] : memref<16x80xi32, #tpu.memory_space<vmem>> -> memref<1x80xi32, #tpu.memory_space<vmem>>
      %dma_wait3A_725 = tpu.memref_squeeze %dma_wait3A_724 : memref<1x80xi32, #tpu.memory_space<vmem>> -> memref<80xi32, #tpu.memory_space<vmem>>
      %dma_wait3A_726 = arith.constant 0 : i32
      %dma_wait3A_727 = arith.constant 0 : i32
      %dma_wait3A_728 = tpu.memref_slice %arg14[%dma_wait3A_726, %dma_wait3A_727] : memref<10112x128xf32, #tpu.memory_space<vmem_shared>> -> memref<10112x128xf32, #tpu.memory_space<vmem_shared>>
      tpu.wait_indirect_dma semaphore(%arg17 : memref<!tpu.dma_semaphore, #tpu.memory_space<semaphore_mem>>) src(%arg11 : memref<80x128xf32, #tpu.memory_space<vmem>>) dst(%dma_wait3A_728 : memref<10112x128xf32, #tpu.memory_space<vmem_shared>>)
      %dma_start3A_729 = arith.constant 10 : i32
      %dma_start3A_730 = arith.constant 0 : i32
      %dma_start3A_731 = tpu.memref_slice %arg9[%dma_start3A_729, %dma_start3A_730] : memref<16x80xi32, #tpu.memory_space<vmem>> -> memref<1x80xi32, #tpu.memory_space<vmem>>
      %dma_start3A_732 = tpu.memref_squeeze %dma_start3A_731 : memref<1x80xi32, #tpu.memory_space<vmem>> -> memref<80xi32, #tpu.memory_space<vmem>>
      %dma_start3A_733 = arith.constant 0 : i32
      %dma_start3A_734 = arith.constant 0 : i32
      %dma_start3A_735 = tpu.memref_slice %arg4[%dma_start3A_733, %dma_start3A_734] : memref<10000x128xf32, #tpu.memory_space<hbm>> -> memref<10000x128xf32, #tpu.memory_space<hbm>>
      tpu.enqueue_indirect_dma source(%dma_start3A_735 : memref<10000x128xf32, #tpu.memory_space<hbm>>) target(%arg11 : memref<80x128xf32, #tpu.memory_space<vmem>>) offsets(%dma_start3A_732 : memref<80xi32, #tpu.memory_space<vmem>>) semaphore(%arg15 : memref<!tpu.dma_semaphore, #tpu.memory_space<semaphore_mem>>)
      %dma_wait3A_736 = arith.constant 9 : i32
      %dma_wait3A_737 = arith.constant 0 : i32
      %dma_wait3A_738 = tpu.memref_slice %arg9[%dma_wait3A_736, %dma_wait3A_737] : memref<16x80xi32, #tpu.memory_space<vmem>> -> memref<1x80xi32, #tpu.memory_space<vmem>>
      %dma_wait3A_739 = tpu.memref_squeeze %dma_wait3A_738 : memref<1x80xi32, #tpu.memory_space<vmem>> -> memref<80xi32, #tpu.memory_space<vmem>>
      %dma_wait3A_740 = arith.constant 0 : i32
      %dma_wait3A_741 = arith.constant 0 : i32
      %dma_wait3A_742 = tpu.memref_slice %arg4[%dma_wait3A_740, %dma_wait3A_741] : memref<10000x128xf32, #tpu.memory_space<hbm>> -> memref<10000x128xf32, #tpu.memory_space<hbm>>
      tpu.wait_indirect_dma semaphore(%arg16 : memref<!tpu.dma_semaphore, #tpu.memory_space<semaphore_mem>>) src(%dma_wait3A_742 : memref<10000x128xf32, #tpu.memory_space<hbm>>) dst(%arg12 : memref<80x128xf32, #tpu.memory_space<vmem>>)
      %dma_start3A_743 = arith.constant 9 : i32
      %dma_start3A_744 = arith.constant 0 : i32
      %dma_start3A_745 = tpu.memref_slice %arg10[%dma_start3A_743, %dma_start3A_744] : memref<16x80xi32, #tpu.memory_space<vmem>> -> memref<1x80xi32, #tpu.memory_space<vmem>>
      %dma_start3A_746 = tpu.memref_squeeze %dma_start3A_745 : memref<1x80xi32, #tpu.memory_space<vmem>> -> memref<80xi32, #tpu.memory_space<vmem>>
      %dma_start3A_747 = arith.constant 0 : i32
      %dma_start3A_748 = arith.constant 0 : i32
      %dma_start3A_749 = tpu.memref_slice %arg14[%dma_start3A_747, %dma_start3A_748] : memref<10112x128xf32, #tpu.memory_space<vmem_shared>> -> memref<10112x128xf32, #tpu.memory_space<vmem_shared>>
      tpu.enqueue_indirect_dma source(%arg12 : memref<80x128xf32, #tpu.memory_space<vmem>>) target(%dma_start3A_749 : memref<10112x128xf32, #tpu.memory_space<vmem_shared>>) offsets(%dma_start3A_746 : memref<80xi32, #tpu.memory_space<vmem>>) semaphore(%arg18 : memref<!tpu.dma_semaphore, #tpu.memory_space<semaphore_mem>>) {add = true}
      %get3A_750 = arith.constant 9 : i32
      %get3A_751 = arith.index_cast %get3A_750 : i32 to index
      %get3A_752 = arith.constant 0 : index
      %get3A_753 = tpu.vector_load %arg10[%get3A_751, %get3A_752] {strides = array<i32>} : memref<16x80xi32, #tpu.memory_space<vmem>>, vector<16xi32>,
      %shift_right_logical3A_754 = arith.constant 7 : i32
      %shift_right_logical3A_755 = vector.broadcast %shift_right_logical3A_754 : i32 to vector<16xi32>
      %shift_right_logical3A_756 = arith.shrui %get3A_753, %shift_right_logical3A_755 : vector<16xi32>
      %and3A_757 = arith.constant 127 : i32
      %and3A_758 = vector.broadcast %and3A_757 : i32 to vector<16xi32>
      %and3A_759 = arith.andi %get3A_753, %and3A_758 : vector<16xi32>
      tpu.vector_store_idx %arg13[%shift_right_logical3A_756, %and3A_759], %broadcast_in_dim3A_5 {add = true} : memref<79x128xf32, #tpu.memory_space<vmem>>[vector<16xi32>, vector<16xi32>], vector<16xf32>,
      %get3A_760 = arith.constant 9 : i32
      %get3A_761 = arith.index_cast %get3A_760 : i32 to index
      %get3A_762 = arith.constant 16 : index
      %get3A_763 = tpu.vector_load %arg10[%get3A_761, %get3A_762] {strides = array<i32>} : memref<16x80xi32, #tpu.memory_space<vmem>>, vector<16xi32>,
      %shift_right_logical3A_764 = arith.constant 7 : i32
      %shift_right_logical3A_765 = vector.broadcast %shift_right_logical3A_764 : i32 to vector<16xi32>
      %shift_right_logical3A_766 = arith.shrui %get3A_763, %shift_right_logical3A_765 : vector<16xi32>
      %and3A_767 = arith.constant 127 : i32
      %and3A_768 = vector.broadcast %and3A_767 : i32 to vector<16xi32>
      %and3A_769 = arith.andi %get3A_763, %and3A_768 : vector<16xi32>
      tpu.vector_store_idx %arg13[%shift_right_logical3A_766, %and3A_769], %broadcast_in_dim3A_5 {add = true} : memref<79x128xf32, #tpu.memory_space<vmem>>[vector<16xi32>, vector<16xi32>], vector<16xf32>,
      %get3A_770 = arith.constant 9 : i32
      %get3A_771 = arith.index_cast %get3A_770 : i32 to index
      %get3A_772 = arith.constant 32 : index
      %get3A_773 = tpu.vector_load %arg10[%get3A_771, %get3A_772] {strides = array<i32>} : memref<16x80xi32, #tpu.memory_space<vmem>>, vector<16xi32>,
      %shift_right_logical3A_774 = arith.constant 7 : i32
      %shift_right_logical3A_775 = vector.broadcast %shift_right_logical3A_774 : i32 to vector<16xi32>
      %shift_right_logical3A_776 = arith.shrui %get3A_773, %shift_right_logical3A_775 : vector<16xi32>
      %and3A_777 = arith.constant 127 : i32
      %and3A_778 = vector.broadcast %and3A_777 : i32 to vector<16xi32>
      %and3A_779 = arith.andi %get3A_773, %and3A_778 : vector<16xi32>
      tpu.vector_store_idx %arg13[%shift_right_logical3A_776, %and3A_779], %broadcast_in_dim3A_5 {add = true} : memref<79x128xf32, #tpu.memory_space<vmem>>[vector<16xi32>, vector<16xi32>], vector<16xf32>,
      %get3A_780 = arith.constant 9 : i32
      %get3A_781 = arith.index_cast %get3A_780 : i32 to index
      %get3A_782 = arith.constant 48 : index
      %get3A_783 = tpu.vector_load %arg10[%get3A_781, %get3A_782] {strides = array<i32>} : memref<16x80xi32, #tpu.memory_space<vmem>>, vector<16xi32>,
      %shift_right_logical3A_784 = arith.constant 7 : i32
      %shift_right_logical3A_785 = vector.broadcast %shift_right_logical3A_784 : i32 to vector<16xi32>
      %shift_right_logical3A_786 = arith.shrui %get3A_783, %shift_right_logical3A_785 : vector<16xi32>
      %and3A_787 = arith.constant 127 : i32
      %and3A_788 = vector.broadcast %and3A_787 : i32 to vector<16xi32>
      %and3A_789 = arith.andi %get3A_783, %and3A_788 : vector<16xi32>
      tpu.vector_store_idx %arg13[%shift_right_logical3A_786, %and3A_789], %broadcast_in_dim3A_5 {add = true} : memref<79x128xf32, #tpu.memory_space<vmem>>[vector<16xi32>, vector<16xi32>], vector<16xf32>,
      %get3A_790 = arith.constant 9 : i32
      %get3A_791 = arith.index_cast %get3A_790 : i32 to index
      %get3A_792 = arith.constant 64 : index
      %get3A_793 = tpu.vector_load %arg10[%get3A_791, %get3A_792] {strides = array<i32>} : memref<16x80xi32, #tpu.memory_space<vmem>>, vector<16xi32>,
      %shift_right_logical3A_794 = arith.constant 7 : i32
      %shift_right_logical3A_795 = vector.broadcast %shift_right_logical3A_794 : i32 to vector<16xi32>
      %shift_right_logical3A_796 = arith.shrui %get3A_793, %shift_right_logical3A_795 : vector<16xi32>
      %and3A_797 = arith.constant 127 : i32
      %and3A_798 = vector.broadcast %and3A_797 : i32 to vector<16xi32>
      %and3A_799 = arith.andi %get3A_793, %and3A_798 : vector<16xi32>
      tpu.vector_store_idx %arg13[%shift_right_logical3A_796, %and3A_799], %broadcast_in_dim3A_5 {add = true} : memref<79x128xf32, #tpu.memory_space<vmem>>[vector<16xi32>, vector<16xi32>], vector<16xf32>,
      %dma_wait3A_800 = arith.constant 9 : i32
      %dma_wait3A_801 = arith.constant 0 : i32
      %dma_wait3A_802 = tpu.memref_slice %arg10[%dma_wait3A_800, %dma_wait3A_801] : memref<16x80xi32, #tpu.memory_space<vmem>> -> memref<1x80xi32, #tpu.memory_space<vmem>>
      %dma_wait3A_803 = tpu.memref_squeeze %dma_wait3A_802 : memref<1x80xi32, #tpu.memory_space<vmem>> -> memref<80xi32, #tpu.memory_space<vmem>>
      %dma_wait3A_804 = arith.constant 0 : i32
      %dma_wait3A_805 = arith.constant 0 : i32
      %dma_wait3A_806 = tpu.memref_slice %arg14[%dma_wait3A_804, %dma_wait3A_805] : memref<10112x128xf32, #tpu.memory_space<vmem_shared>> -> memref<10112x128xf32, #tpu.memory_space<vmem_shared>>
      tpu.wait_indirect_dma semaphore(%arg18 : memref<!tpu.dma_semaphore, #tpu.memory_space<semaphore_mem>>) src(%arg12 : memref<80x128xf32, #tpu.memory_space<vmem>>) dst(%dma_wait3A_806 : memref<10112x128xf32, #tpu.memory_space<vmem_shared>>)
      %dma_start3A_807 = arith.constant 11 : i32
      %dma_start3A_808 = arith.constant 0 : i32
      %dma_start3A_809 = tpu.memref_slice %arg9[%dma_start3A_807, %dma_start3A_808] : memref<16x80xi32, #tpu.memory_space<vmem>> -> memref<1x80xi32, #tpu.memory_space<vmem>>
      %dma_start3A_810 = tpu.memref_squeeze %dma_start3A_809 : memref<1x80xi32, #tpu.memory_space<vmem>> -> memref<80xi32, #tpu.memory_space<vmem>>
      %dma_start3A_811 = arith.constant 0 : i32
      %dma_start3A_812 = arith.constant 0 : i32
      %dma_start3A_813 = tpu.memref_slice %arg4[%dma_start3A_811, %dma_start3A_812] : memref<10000x128xf32, #tpu.memory_space<hbm>> -> memref<10000x128xf32, #tpu.memory_space<hbm>>
      tpu.enqueue_indirect_dma source(%dma_start3A_813 : memref<10000x128xf32, #tpu.memory_space<hbm>>) target(%arg12 : memref<80x128xf32, #tpu.memory_space<vmem>>) offsets(%dma_start3A_810 : memref<80xi32, #tpu.memory_space<vmem>>) semaphore(%arg16 : memref<!tpu.dma_semaphore, #tpu.memory_space<semaphore_mem>>)
      %dma_wait3A_814 = arith.constant 10 : i32
      %dma_wait3A_815 = arith.constant 0 : i32
      %dma_wait3A_816 = tpu.memref_slice %arg9[%dma_wait3A_814, %dma_wait3A_815] : memref<16x80xi32, #tpu.memory_space<vmem>> -> memref<1x80xi32, #tpu.memory_space<vmem>>
      %dma_wait3A_817 = tpu.memref_squeeze %dma_wait3A_816 : memref<1x80xi32, #tpu.memory_space<vmem>> -> memref<80xi32, #tpu.memory_space<vmem>>
      %dma_wait3A_818 = arith.constant 0 : i32
      %dma_wait3A_819 = arith.constant 0 : i32
      %dma_wait3A_820 = tpu.memref_slice %arg4[%dma_wait3A_818, %dma_wait3A_819] : memref<10000x128xf32, #tpu.memory_space<hbm>> -> memref<10000x128xf32, #tpu.memory_space<hbm>>
      tpu.wait_indirect_dma semaphore(%arg15 : memref<!tpu.dma_semaphore, #tpu.memory_space<semaphore_mem>>) src(%dma_wait3A_820 : memref<10000x128xf32, #tpu.memory_space<hbm>>) dst(%arg11 : memref<80x128xf32, #tpu.memory_space<vmem>>)
      %dma_start3A_821 = arith.constant 10 : i32
      %dma_start3A_822 = arith.constant 0 : i32
      %dma_start3A_823 = tpu.memref_slice %arg10[%dma_start3A_821, %dma_start3A_822] : memref<16x80xi32, #tpu.memory_space<vmem>> -> memref<1x80xi32, #tpu.memory_space<vmem>>
      %dma_start3A_824 = tpu.memref_squeeze %dma_start3A_823 : memref<1x80xi32, #tpu.memory_space<vmem>> -> memref<80xi32, #tpu.memory_space<vmem>>
      %dma_start3A_825 = arith.constant 0 : i32
      %dma_start3A_826 = arith.constant 0 : i32
      %dma_start3A_827 = tpu.memref_slice %arg14[%dma_start3A_825, %dma_start3A_826] : memref<10112x128xf32, #tpu.memory_space<vmem_shared>> -> memref<10112x128xf32, #tpu.memory_space<vmem_shared>>
      tpu.enqueue_indirect_dma source(%arg11 : memref<80x128xf32, #tpu.memory_space<vmem>>) target(%dma_start3A_827 : memref<10112x128xf32, #tpu.memory_space<vmem_shared>>) offsets(%dma_start3A_824 : memref<80xi32, #tpu.memory_space<vmem>>) semaphore(%arg17 : memref<!tpu.dma_semaphore, #tpu.memory_space<semaphore_mem>>) {add = true}
      %get3A_828 = arith.constant 10 : i32
      %get3A_829 = arith.index_cast %get3A_828 : i32 to index
      %get3A_830 = arith.constant 0 : index
      %get3A_831 = tpu.vector_load %arg10[%get3A_829, %get3A_830] {strides = array<i32>} : memref<16x80xi32, #tpu.memory_space<vmem>>, vector<16xi32>,
      %shift_right_logical3A_832 = arith.constant 7 : i32
      %shift_right_logical3A_833 = vector.broadcast %shift_right_logical3A_832 : i32 to vector<16xi32>
      %shift_right_logical3A_834 = arith.shrui %get3A_831, %shift_right_logical3A_833 : vector<16xi32>
      %and3A_835 = arith.constant 127 : i32
      %and3A_836 = vector.broadcast %and3A_835 : i32 to vector<16xi32>
      %and3A_837 = arith.andi %get3A_831, %and3A_836 : vector<16xi32>
      tpu.vector_store_idx %arg13[%shift_right_logical3A_834, %and3A_837], %broadcast_in_dim3A_5 {add = true} : memref<79x128xf32, #tpu.memory_space<vmem>>[vector<16xi32>, vector<16xi32>], vector<16xf32>,
      %get3A_838 = arith.constant 10 : i32
      %get3A_839 = arith.index_cast %get3A_838 : i32 to index
      %get3A_840 = arith.constant 16 : index
      %get3A_841 = tpu.vector_load %arg10[%get3A_839, %get3A_840] {strides = array<i32>} : memref<16x80xi32, #tpu.memory_space<vmem>>, vector<16xi32>,
      %shift_right_logical3A_842 = arith.constant 7 : i32
      %shift_right_logical3A_843 = vector.broadcast %shift_right_logical3A_842 : i32 to vector<16xi32>
      %shift_right_logical3A_844 = arith.shrui %get3A_841, %shift_right_logical3A_843 : vector<16xi32>
      %and3A_845 = arith.constant 127 : i32
      %and3A_846 = vector.broadcast %and3A_845 : i32 to vector<16xi32>
      %and3A_847 = arith.andi %get3A_841, %and3A_846 : vector<16xi32>
      tpu.vector_store_idx %arg13[%shift_right_logical3A_844, %and3A_847], %broadcast_in_dim3A_5 {add = true} : memref<79x128xf32, #tpu.memory_space<vmem>>[vector<16xi32>, vector<16xi32>], vector<16xf32>,
      %get3A_848 = arith.constant 10 : i32
      %get3A_849 = arith.index_cast %get3A_848 : i32 to index
      %get3A_850 = arith.constant 32 : index
      %get3A_851 = tpu.vector_load %arg10[%get3A_849, %get3A_850] {strides = array<i32>} : memref<16x80xi32, #tpu.memory_space<vmem>>, vector<16xi32>,
      %shift_right_logical3A_852 = arith.constant 7 : i32
      %shift_right_logical3A_853 = vector.broadcast %shift_right_logical3A_852 : i32 to vector<16xi32>
      %shift_right_logical3A_854 = arith.shrui %get3A_851, %shift_right_logical3A_853 : vector<16xi32>
      %and3A_855 = arith.constant 127 : i32
      %and3A_856 = vector.broadcast %and3A_855 : i32 to vector<16xi32>
      %and3A_857 = arith.andi %get3A_851, %and3A_856 : vector<16xi32>
      tpu.vector_store_idx %arg13[%shift_right_logical3A_854, %and3A_857], %broadcast_in_dim3A_5 {add = true} : memref<79x128xf32, #tpu.memory_space<vmem>>[vector<16xi32>, vector<16xi32>], vector<16xf32>,
      %get3A_858 = arith.constant 10 : i32
      %get3A_859 = arith.index_cast %get3A_858 : i32 to index
      %get3A_860 = arith.constant 48 : index
      %get3A_861 = tpu.vector_load %arg10[%get3A_859, %get3A_860] {strides = array<i32>} : memref<16x80xi32, #tpu.memory_space<vmem>>, vector<16xi32>,
      %shift_right_logical3A_862 = arith.constant 7 : i32
      %shift_right_logical3A_863 = vector.broadcast %shift_right_logical3A_862 : i32 to vector<16xi32>
      %shift_right_logical3A_864 = arith.shrui %get3A_861, %shift_right_logical3A_863 : vector<16xi32>
      %and3A_865 = arith.constant 127 : i32
      %and3A_866 = vector.broadcast %and3A_865 : i32 to vector<16xi32>
      %and3A_867 = arith.andi %get3A_861, %and3A_866 : vector<16xi32>
      tpu.vector_store_idx %arg13[%shift_right_logical3A_864, %and3A_867], %broadcast_in_dim3A_5 {add = true} : memref<79x128xf32, #tpu.memory_space<vmem>>[vector<16xi32>, vector<16xi32>], vector<16xf32>,
      %get3A_868 = arith.constant 10 : i32
      %get3A_869 = arith.index_cast %get3A_868 : i32 to index
      %get3A_870 = arith.constant 64 : index
      %get3A_871 = tpu.vector_load %arg10[%get3A_869, %get3A_870] {strides = array<i32>} : memref<16x80xi32, #tpu.memory_space<vmem>>, vector<16xi32>,
      %shift_right_logical3A_872 = arith.constant 7 : i32
      %shift_right_logical3A_873 = vector.broadcast %shift_right_logical3A_872 : i32 to vector<16xi32>
      %shift_right_logical3A_874 = arith.shrui %get3A_871, %shift_right_logical3A_873 : vector<16xi32>
      %and3A_875 = arith.constant 127 : i32
      %and3A_876 = vector.broadcast %and3A_875 : i32 to vector<16xi32>
      %and3A_877 = arith.andi %get3A_871, %and3A_876 : vector<16xi32>
      tpu.vector_store_idx %arg13[%shift_right_logical3A_874, %and3A_877], %broadcast_in_dim3A_5 {add = true} : memref<79x128xf32, #tpu.memory_space<vmem>>[vector<16xi32>, vector<16xi32>], vector<16xf32>,
      %dma_wait3A_878 = arith.constant 10 : i32
      %dma_wait3A_879 = arith.constant 0 : i32
      %dma_wait3A_880 = tpu.memref_slice %arg10[%dma_wait3A_878, %dma_wait3A_879] : memref<16x80xi32, #tpu.memory_space<vmem>> -> memref<1x80xi32, #tpu.memory_space<vmem>>
      %dma_wait3A_881 = tpu.memref_squeeze %dma_wait3A_880 : memref<1x80xi32, #tpu.memory_space<vmem>> -> memref<80xi32, #tpu.memory_space<vmem>>
      %dma_wait3A_882 = arith.constant 0 : i32
      %dma_wait3A_883 = arith.constant 0 : i32
      %dma_wait3A_884 = tpu.memref_slice %arg14[%dma_wait3A_882, %dma_wait3A_883] : memref<10112x128xf32, #tpu.memory_space<vmem_shared>> -> memref<10112x128xf32, #tpu.memory_space<vmem_shared>>
      tpu.wait_indirect_dma semaphore(%arg17 : memref<!tpu.dma_semaphore, #tpu.memory_space<semaphore_mem>>) src(%arg11 : memref<80x128xf32, #tpu.memory_space<vmem>>) dst(%dma_wait3A_884 : memref<10112x128xf32, #tpu.memory_space<vmem_shared>>)
      %dma_start3A_885 = arith.constant 12 : i32
      %dma_start3A_886 = arith.constant 0 : i32
      %dma_start3A_887 = tpu.memref_slice %arg9[%dma_start3A_885, %dma_start3A_886] : memref<16x80xi32, #tpu.memory_space<vmem>> -> memref<1x80xi32, #tpu.memory_space<vmem>>
      %dma_start3A_888 = tpu.memref_squeeze %dma_start3A_887 : memref<1x80xi32, #tpu.memory_space<vmem>> -> memref<80xi32, #tpu.memory_space<vmem>>
      %dma_start3A_889 = arith.constant 0 : i32
      %dma_start3A_890 = arith.constant 0 : i32
      %dma_start3A_891 = tpu.memref_slice %arg4[%dma_start3A_889, %dma_start3A_890] : memref<10000x128xf32, #tpu.memory_space<hbm>> -> memref<10000x128xf32, #tpu.memory_space<hbm>>
      tpu.enqueue_indirect_dma source(%dma_start3A_891 : memref<10000x128xf32, #tpu.memory_space<hbm>>) target(%arg11 : memref<80x128xf32, #tpu.memory_space<vmem>>) offsets(%dma_start3A_888 : memref<80xi32, #tpu.memory_space<vmem>>) semaphore(%arg15 : memref<!tpu.dma_semaphore, #tpu.memory_space<semaphore_mem>>)
      %dma_wait3A_892 = arith.constant 11 : i32
      %dma_wait3A_893 = arith.constant 0 : i32
      %dma_wait3A_894 = tpu.memref_slice %arg9[%dma_wait3A_892, %dma_wait3A_893] : memref<16x80xi32, #tpu.memory_space<vmem>> -> memref<1x80xi32, #tpu.memory_space<vmem>>
      %dma_wait3A_895 = tpu.memref_squeeze %dma_wait3A_894 : memref<1x80xi32, #tpu.memory_space<vmem>> -> memref<80xi32, #tpu.memory_space<vmem>>
      %dma_wait3A_896 = arith.constant 0 : i32
      %dma_wait3A_897 = arith.constant 0 : i32
      %dma_wait3A_898 = tpu.memref_slice %arg4[%dma_wait3A_896, %dma_wait3A_897] : memref<10000x128xf32, #tpu.memory_space<hbm>> -> memref<10000x128xf32, #tpu.memory_space<hbm>>
      tpu.wait_indirect_dma semaphore(%arg16 : memref<!tpu.dma_semaphore, #tpu.memory_space<semaphore_mem>>) src(%dma_wait3A_898 : memref<10000x128xf32, #tpu.memory_space<hbm>>) dst(%arg12 : memref<80x128xf32, #tpu.memory_space<vmem>>)
      %dma_start3A_899 = arith.constant 11 : i32
      %dma_start3A_900 = arith.constant 0 : i32
      %dma_start3A_901 = tpu.memref_slice %arg10[%dma_start3A_899, %dma_start3A_900] : memref<16x80xi32, #tpu.memory_space<vmem>> -> memref<1x80xi32, #tpu.memory_space<vmem>>
      %dma_start3A_902 = tpu.memref_squeeze %dma_start3A_901 : memref<1x80xi32, #tpu.memory_space<vmem>> -> memref<80xi32, #tpu.memory_space<vmem>>
      %dma_start3A_903 = arith.constant 0 : i32
      %dma_start3A_904 = arith.constant 0 : i32
      %dma_start3A_905 = tpu.memref_slice %arg14[%dma_start3A_903, %dma_start3A_904] : memref<10112x128xf32, #tpu.memory_space<vmem_shared>> -> memref<10112x128xf32, #tpu.memory_space<vmem_shared>>
      tpu.enqueue_indirect_dma source(%arg12 : memref<80x128xf32, #tpu.memory_space<vmem>>) target(%dma_start3A_905 : memref<10112x128xf32, #tpu.memory_space<vmem_shared>>) offsets(%dma_start3A_902 : memref<80xi32, #tpu.memory_space<vmem>>) semaphore(%arg18 : memref<!tpu.dma_semaphore, #tpu.memory_space<semaphore_mem>>) {add = true}
      %get3A_906 = arith.constant 11 : i32
      %get3A_907 = arith.index_cast %get3A_906 : i32 to index
      %get3A_908 = arith.constant 0 : index
      %get3A_909 = tpu.vector_load %arg10[%get3A_907, %get3A_908] {strides = array<i32>} : memref<16x80xi32, #tpu.memory_space<vmem>>, vector<16xi32>,
      %shift_right_logical3A_910 = arith.constant 7 : i32
      %shift_right_logical3A_911 = vector.broadcast %shift_right_logical3A_910 : i32 to vector<16xi32>
      %shift_right_logical3A_912 = arith.shrui %get3A_909, %shift_right_logical3A_911 : vector<16xi32>
      %and3A_913 = arith.constant 127 : i32
      %and3A_914 = vector.broadcast %and3A_913 : i32 to vector<16xi32>
      %and3A_915 = arith.andi %get3A_909, %and3A_914 : vector<16xi32>
      tpu.vector_store_idx %arg13[%shift_right_logical3A_912, %and3A_915], %broadcast_in_dim3A_5 {add = true} : memref<79x128xf32, #tpu.memory_space<vmem>>[vector<16xi32>, vector<16xi32>], vector<16xf32>,
      %get3A_916 = arith.constant 11 : i32
      %get3A_917 = arith.index_cast %get3A_916 : i32 to index
      %get3A_918 = arith.constant 16 : index
      %get3A_919 = tpu.vector_load %arg10[%get3A_917, %get3A_918] {strides = array<i32>} : memref<16x80xi32, #tpu.memory_space<vmem>>, vector<16xi32>,
      %shift_right_logical3A_920 = arith.constant 7 : i32
      %shift_right_logical3A_921 = vector.broadcast %shift_right_logical3A_920 : i32 to vector<16xi32>
      %shift_right_logical3A_922 = arith.shrui %get3A_919, %shift_right_logical3A_921 : vector<16xi32>
      %and3A_923 = arith.constant 127 : i32
      %and3A_924 = vector.broadcast %and3A_923 : i32 to vector<16xi32>
      %and3A_925 = arith.andi %get3A_919, %and3A_924 : vector<16xi32>
      tpu.vector_store_idx %arg13[%shift_right_logical3A_922, %and3A_925], %broadcast_in_dim3A_5 {add = true} : memref<79x128xf32, #tpu.memory_space<vmem>>[vector<16xi32>, vector<16xi32>], vector<16xf32>,
      %get3A_926 = arith.constant 11 : i32
      %get3A_927 = arith.index_cast %get3A_926 : i32 to index
      %get3A_928 = arith.constant 32 : index
      %get3A_929 = tpu.vector_load %arg10[%get3A_927, %get3A_928] {strides = array<i32>} : memref<16x80xi32, #tpu.memory_space<vmem>>, vector<16xi32>,
      %shift_right_logical3A_930 = arith.constant 7 : i32
      %shift_right_logical3A_931 = vector.broadcast %shift_right_logical3A_930 : i32 to vector<16xi32>
      %shift_right_logical3A_932 = arith.shrui %get3A_929, %shift_right_logical3A_931 : vector<16xi32>
      %and3A_933 = arith.constant 127 : i32
      %and3A_934 = vector.broadcast %and3A_933 : i32 to vector<16xi32>
      %and3A_935 = arith.andi %get3A_929, %and3A_934 : vector<16xi32>
      tpu.vector_store_idx %arg13[%shift_right_logical3A_932, %and3A_935], %broadcast_in_dim3A_5 {add = true} : memref<79x128xf32, #tpu.memory_space<vmem>>[vector<16xi32>, vector<16xi32>], vector<16xf32>,
      %get3A_936 = arith.constant 11 : i32
      %get3A_937 = arith.index_cast %get3A_936 : i32 to index
      %get3A_938 = arith.constant 48 : index
      %get3A_939 = tpu.vector_load %arg10[%get3A_937, %get3A_938] {strides = array<i32>} : memref<16x80xi32, #tpu.memory_space<vmem>>, vector<16xi32>,
      %shift_right_logical3A_940 = arith.constant 7 : i32
      %shift_right_logical3A_941 = vector.broadcast %shift_right_logical3A_940 : i32 to vector<16xi32>
      %shift_right_logical3A_942 = arith.shrui %get3A_939, %shift_right_logical3A_941 : vector<16xi32>
      %and3A_943 = arith.constant 127 : i32
      %and3A_944 = vector.broadcast %and3A_943 : i32 to vector<16xi32>
      %and3A_945 = arith.andi %get3A_939, %and3A_944 : vector<16xi32>
      tpu.vector_store_idx %arg13[%shift_right_logical3A_942, %and3A_945], %broadcast_in_dim3A_5 {add = true} : memref<79x128xf32, #tpu.memory_space<vmem>>[vector<16xi32>, vector<16xi32>], vector<16xf32>,
      %get3A_946 = arith.constant 11 : i32
      %get3A_947 = arith.index_cast %get3A_946 : i32 to index
      %get3A_948 = arith.constant 64 : index
      %get3A_949 = tpu.vector_load %arg10[%get3A_947, %get3A_948] {strides = array<i32>} : memref<16x80xi32, #tpu.memory_space<vmem>>, vector<16xi32>,
      %shift_right_logical3A_950 = arith.constant 7 : i32
      %shift_right_logical3A_951 = vector.broadcast %shift_right_logical3A_950 : i32 to vector<16xi32>
      %shift_right_logical3A_952 = arith.shrui %get3A_949, %shift_right_logical3A_951 : vector<16xi32>
      %and3A_953 = arith.constant 127 : i32
      %and3A_954 = vector.broadcast %and3A_953 : i32 to vector<16xi32>
      %and3A_955 = arith.andi %get3A_949, %and3A_954 : vector<16xi32>
      tpu.vector_store_idx %arg13[%shift_right_logical3A_952, %and3A_955], %broadcast_in_dim3A_5 {add = true} : memref<79x128xf32, #tpu.memory_space<vmem>>[vector<16xi32>, vector<16xi32>], vector<16xf32>,
      %dma_wait3A_956 = arith.constant 11 : i32
      %dma_wait3A_957 = arith.constant 0 : i32
      %dma_wait3A_958 = tpu.memref_slice %arg10[%dma_wait3A_956, %dma_wait3A_957] : memref<16x80xi32, #tpu.memory_space<vmem>> -> memref<1x80xi32, #tpu.memory_space<vmem>>
      %dma_wait3A_959 = tpu.memref_squeeze %dma_wait3A_958 : memref<1x80xi32, #tpu.memory_space<vmem>> -> memref<80xi32, #tpu.memory_space<vmem>>
      %dma_wait3A_960 = arith.constant 0 : i32
      %dma_wait3A_961 = arith.constant 0 : i32
      %dma_wait3A_962 = tpu.memref_slice %arg14[%dma_wait3A_960, %dma_wait3A_961] : memref<10112x128xf32, #tpu.memory_space<vmem_shared>> -> memref<10112x128xf32, #tpu.memory_space<vmem_shared>>
      tpu.wait_indirect_dma semaphore(%arg18 : memref<!tpu.dma_semaphore, #tpu.memory_space<semaphore_mem>>) src(%arg12 : memref<80x128xf32, #tpu.memory_space<vmem>>) dst(%dma_wait3A_962 : memref<10112x128xf32, #tpu.memory_space<vmem_shared>>)
      %dma_start3A_963 = arith.constant 13 : i32
      %dma_start3A_964 = arith.constant 0 : i32
      %dma_start3A_965 = tpu.memref_slice %arg9[%dma_start3A_963, %dma_start3A_964] : memref<16x80xi32, #tpu.memory_space<vmem>> -> memref<1x80xi32, #tpu.memory_space<vmem>>
      %dma_start3A_966 = tpu.memref_squeeze %dma_start3A_965 : memref<1x80xi32, #tpu.memory_space<vmem>> -> memref<80xi32, #tpu.memory_space<vmem>>
      %dma_start3A_967 = arith.constant 0 : i32
      %dma_start3A_968 = arith.constant 0 : i32
      %dma_start3A_969 = tpu.memref_slice %arg4[%dma_start3A_967, %dma_start3A_968] : memref<10000x128xf32, #tpu.memory_space<hbm>> -> memref<10000x128xf32, #tpu.memory_space<hbm>>
      tpu.enqueue_indirect_dma source(%dma_start3A_969 : memref<10000x128xf32, #tpu.memory_space<hbm>>) target(%arg12 : memref<80x128xf32, #tpu.memory_space<vmem>>) offsets(%dma_start3A_966 : memref<80xi32, #tpu.memory_space<vmem>>) semaphore(%arg16 : memref<!tpu.dma_semaphore, #tpu.memory_space<semaphore_mem>>)
      %dma_wait3A_970 = arith.constant 12 : i32
      %dma_wait3A_971 = arith.constant 0 : i32
      %dma_wait3A_972 = tpu.memref_slice %arg9[%dma_wait3A_970, %dma_wait3A_971] : memref<16x80xi32, #tpu.memory_space<vmem>> -> memref<1x80xi32, #tpu.memory_space<vmem>>
      %dma_wait3A_973 = tpu.memref_squeeze %dma_wait3A_972 : memref<1x80xi32, #tpu.memory_space<vmem>> -> memref<80xi32, #tpu.memory_space<vmem>>
      %dma_wait3A_974 = arith.constant 0 : i32
      %dma_wait3A_975 = arith.constant 0 : i32
      %dma_wait3A_976 = tpu.memref_slice %arg4[%dma_wait3A_974, %dma_wait3A_975] : memref<10000x128xf32, #tpu.memory_space<hbm>> -> memref<10000x128xf32, #tpu.memory_space<hbm>>
      tpu.wait_indirect_dma semaphore(%arg15 : memref<!tpu.dma_semaphore, #tpu.memory_space<semaphore_mem>>) src(%dma_wait3A_976 : memref<10000x128xf32, #tpu.memory_space<hbm>>) dst(%arg11 : memref<80x128xf32, #tpu.memory_space<vmem>>)
      %dma_start3A_977 = arith.constant 12 : i32
      %dma_start3A_978 = arith.constant 0 : i32
      %dma_start3A_979 = tpu.memref_slice %arg10[%dma_start3A_977, %dma_start3A_978] : memref<16x80xi32, #tpu.memory_space<vmem>> -> memref<1x80xi32, #tpu.memory_space<vmem>>
      %dma_start3A_980 = tpu.memref_squeeze %dma_start3A_979 : memref<1x80xi32, #tpu.memory_space<vmem>> -> memref<80xi32, #tpu.memory_space<vmem>>
      %dma_start3A_981 = arith.constant 0 : i32
      %dma_start3A_982 = arith.constant 0 : i32
      %dma_start3A_983 = tpu.memref_slice %arg14[%dma_start3A_981, %dma_start3A_982] : memref<10112x128xf32, #tpu.memory_space<vmem_shared>> -> memref<10112x128xf32, #tpu.memory_space<vmem_shared>>
      tpu.enqueue_indirect_dma source(%arg11 : memref<80x128xf32, #tpu.memory_space<vmem>>) target(%dma_start3A_983 : memref<10112x128xf32, #tpu.memory_space<vmem_shared>>) offsets(%dma_start3A_980 : memref<80xi32, #tpu.memory_space<vmem>>) semaphore(%arg17 : memref<!tpu.dma_semaphore, #tpu.memory_space<semaphore_mem>>) {add = true}
      %get3A_984 = arith.constant 12 : i32
      %get3A_985 = arith.index_cast %get3A_984 : i32 to index
      %get3A_986 = arith.constant 0 : index
      %get3A_987 = tpu.vector_load %arg10[%get3A_985, %get3A_986] {strides = array<i32>} : memref<16x80xi32, #tpu.memory_space<vmem>>, vector<16xi32>,
      %shift_right_logical3A_988 = arith.constant 7 : i32
      %shift_right_logical3A_989 = vector.broadcast %shift_right_logical3A_988 : i32 to vector<16xi32>
      %shift_right_logical3A_990 = arith.shrui %get3A_987, %shift_right_logical3A_989 : vector<16xi32>
      %and3A_991 = arith.constant 127 : i32
      %and3A_992 = vector.broadcast %and3A_991 : i32 to vector<16xi32>
      %and3A_993 = arith.andi %get3A_987, %and3A_992 : vector<16xi32>
      tpu.vector_store_idx %arg13[%shift_right_logical3A_990, %and3A_993], %broadcast_in_dim3A_5 {add = true} : memref<79x128xf32, #tpu.memory_space<vmem>>[vector<16xi32>, vector<16xi32>], vector<16xf32>,
      %get3A_994 = arith.constant 12 : i32
      %get3A_995 = arith.index_cast %get3A_994 : i32 to index
      %get3A_996 = arith.constant 16 : index
      %get3A_997 = tpu.vector_load %arg10[%get3A_995, %get3A_996] {strides = array<i32>} : memref<16x80xi32, #tpu.memory_space<vmem>>, vector<16xi32>,
      %shift_right_logical3A_998 = arith.constant 7 : i32
      %shift_right_logical3A_999 = vector.broadcast %shift_right_logical3A_998 : i32 to vector<16xi32>
      %shift_right_logical3A_1000 = arith.shrui %get3A_997, %shift_right_logical3A_999 : vector<16xi32>
      %and3A_1001 = arith.constant 127 : i32
      %and3A_1002 = vector.broadcast %and3A_1001 : i32 to vector<16xi32>
      %and3A_1003 = arith.andi %get3A_997, %and3A_1002 : vector<16xi32>
      tpu.vector_store_idx %arg13[%shift_right_logical3A_1000, %and3A_1003], %broadcast_in_dim3A_5 {add = true} : memref<79x128xf32, #tpu.memory_space<vmem>>[vector<16xi32>, vector<16xi32>], vector<16xf32>,
      %get3A_1004 = arith.constant 12 : i32
      %get3A_1005 = arith.index_cast %get3A_1004 : i32 to index
      %get3A_1006 = arith.constant 32 : index
      %get3A_1007 = tpu.vector_load %arg10[%get3A_1005, %get3A_1006] {strides = array<i32>} : memref<16x80xi32, #tpu.memory_space<vmem>>, vector<16xi32>,
      %shift_right_logical3A_1008 = arith.constant 7 : i32
      %shift_right_logical3A_1009 = vector.broadcast %shift_right_logical3A_1008 : i32 to vector<16xi32>
      %shift_right_logical3A_1010 = arith.shrui %get3A_1007, %shift_right_logical3A_1009 : vector<16xi32>
      %and3A_1011 = arith.constant 127 : i32
      %and3A_1012 = vector.broadcast %and3A_1011 : i32 to vector<16xi32>
      %and3A_1013 = arith.andi %get3A_1007, %and3A_1012 : vector<16xi32>
      tpu.vector_store_idx %arg13[%shift_right_logical3A_1010, %and3A_1013], %broadcast_in_dim3A_5 {add = true} : memref<79x128xf32, #tpu.memory_space<vmem>>[vector<16xi32>, vector<16xi32>], vector<16xf32>,
      %get3A_1014 = arith.constant 12 : i32
      %get3A_1015 = arith.index_cast %get3A_1014 : i32 to index
      %get3A_1016 = arith.constant 48 : index
      %get3A_1017 = tpu.vector_load %arg10[%get3A_1015, %get3A_1016] {strides = array<i32>} : memref<16x80xi32, #tpu.memory_space<vmem>>, vector<16xi32>,
      %shift_right_logical3A_1018 = arith.constant 7 : i32
      %shift_right_logical3A_1019 = vector.broadcast %shift_right_logical3A_1018 : i32 to vector<16xi32>
      %shift_right_logical3A_1020 = arith.shrui %get3A_1017, %shift_right_logical3A_1019 : vector<16xi32>
      %and3A_1021 = arith.constant 127 : i32
      %and3A_1022 = vector.broadcast %and3A_1021 : i32 to vector<16xi32>
      %and3A_1023 = arith.andi %get3A_1017, %and3A_1022 : vector<16xi32>
      tpu.vector_store_idx %arg13[%shift_right_logical3A_1020, %and3A_1023], %broadcast_in_dim3A_5 {add = true} : memref<79x128xf32, #tpu.memory_space<vmem>>[vector<16xi32>, vector<16xi32>], vector<16xf32>,
      %get3A_1024 = arith.constant 12 : i32
      %get3A_1025 = arith.index_cast %get3A_1024 : i32 to index
      %get3A_1026 = arith.constant 64 : index
      %get3A_1027 = tpu.vector_load %arg10[%get3A_1025, %get3A_1026] {strides = array<i32>} : memref<16x80xi32, #tpu.memory_space<vmem>>, vector<16xi32>,
      %shift_right_logical3A_1028 = arith.constant 7 : i32
      %shift_right_logical3A_1029 = vector.broadcast %shift_right_logical3A_1028 : i32 to vector<16xi32>
      %shift_right_logical3A_1030 = arith.shrui %get3A_1027, %shift_right_logical3A_1029 : vector<16xi32>
      %and3A_1031 = arith.constant 127 : i32
      %and3A_1032 = vector.broadcast %and3A_1031 : i32 to vector<16xi32>
      %and3A_1033 = arith.andi %get3A_1027, %and3A_1032 : vector<16xi32>
      tpu.vector_store_idx %arg13[%shift_right_logical3A_1030, %and3A_1033], %broadcast_in_dim3A_5 {add = true} : memref<79x128xf32, #tpu.memory_space<vmem>>[vector<16xi32>, vector<16xi32>], vector<16xf32>,
      %dma_wait3A_1034 = arith.constant 12 : i32
      %dma_wait3A_1035 = arith.constant 0 : i32
      %dma_wait3A_1036 = tpu.memref_slice %arg10[%dma_wait3A_1034, %dma_wait3A_1035] : memref<16x80xi32, #tpu.memory_space<vmem>> -> memref<1x80xi32, #tpu.memory_space<vmem>>
      %dma_wait3A_1037 = tpu.memref_squeeze %dma_wait3A_1036 : memref<1x80xi32, #tpu.memory_space<vmem>> -> memref<80xi32, #tpu.memory_space<vmem>>
      %dma_wait3A_1038 = arith.constant 0 : i32
      %dma_wait3A_1039 = arith.constant 0 : i32
      %dma_wait3A_1040 = tpu.memref_slice %arg14[%dma_wait3A_1038, %dma_wait3A_1039] : memref<10112x128xf32, #tpu.memory_space<vmem_shared>> -> memref<10112x128xf32, #tpu.memory_space<vmem_shared>>
      tpu.wait_indirect_dma semaphore(%arg17 : memref<!tpu.dma_semaphore, #tpu.memory_space<semaphore_mem>>) src(%arg11 : memref<80x128xf32, #tpu.memory_space<vmem>>) dst(%dma_wait3A_1040 : memref<10112x128xf32, #tpu.memory_space<vmem_shared>>)
      %dma_start3A_1041 = arith.constant 14 : i32
      %dma_start3A_1042 = arith.constant 0 : i32
      %dma_start3A_1043 = tpu.memref_slice %arg9[%dma_start3A_1041, %dma_start3A_1042] : memref<16x80xi32, #tpu.memory_space<vmem>> -> memref<1x80xi32, #tpu.memory_space<vmem>>
      %dma_start3A_1044 = tpu.memref_squeeze %dma_start3A_1043 : memref<1x80xi32, #tpu.memory_space<vmem>> -> memref<80xi32, #tpu.memory_space<vmem>>
      %dma_start3A_1045 = arith.constant 0 : i32
      %dma_start3A_1046 = arith.constant 0 : i32
      %dma_start3A_1047 = tpu.memref_slice %arg4[%dma_start3A_1045, %dma_start3A_1046] : memref<10000x128xf32, #tpu.memory_space<hbm>> -> memref<10000x128xf32, #tpu.memory_space<hbm>>
      tpu.enqueue_indirect_dma source(%dma_start3A_1047 : memref<10000x128xf32, #tpu.memory_space<hbm>>) target(%arg11 : memref<80x128xf32, #tpu.memory_space<vmem>>) offsets(%dma_start3A_1044 : memref<80xi32, #tpu.memory_space<vmem>>) semaphore(%arg15 : memref<!tpu.dma_semaphore, #tpu.memory_space<semaphore_mem>>)
      %dma_wait3A_1048 = arith.constant 13 : i32
      %dma_wait3A_1049 = arith.constant 0 : i32
      %dma_wait3A_1050 = tpu.memref_slice %arg9[%dma_wait3A_1048, %dma_wait3A_1049] : memref<16x80xi32, #tpu.memory_space<vmem>> -> memref<1x80xi32, #tpu.memory_space<vmem>>
      %dma_wait3A_1051 = tpu.memref_squeeze %dma_wait3A_1050 : memref<1x80xi32, #tpu.memory_space<vmem>> -> memref<80xi32, #tpu.memory_space<vmem>>
      %dma_wait3A_1052 = arith.constant 0 : i32
      %dma_wait3A_1053 = arith.constant 0 : i32
      %dma_wait3A_1054 = tpu.memref_slice %arg4[%dma_wait3A_1052, %dma_wait3A_1053] : memref<10000x128xf32, #tpu.memory_space<hbm>> -> memref<10000x128xf32, #tpu.memory_space<hbm>>
      tpu.wait_indirect_dma semaphore(%arg16 : memref<!tpu.dma_semaphore, #tpu.memory_space<semaphore_mem>>) src(%dma_wait3A_1054 : memref<10000x128xf32, #tpu.memory_space<hbm>>) dst(%arg12 : memref<80x128xf32, #tpu.memory_space<vmem>>)
      %dma_start3A_1055 = arith.constant 13 : i32
      %dma_start3A_1056 = arith.constant 0 : i32
      %dma_start3A_1057 = tpu.memref_slice %arg10[%dma_start3A_1055, %dma_start3A_1056] : memref<16x80xi32, #tpu.memory_space<vmem>> -> memref<1x80xi32, #tpu.memory_space<vmem>>
      %dma_start3A_1058 = tpu.memref_squeeze %dma_start3A_1057 : memref<1x80xi32, #tpu.memory_space<vmem>> -> memref<80xi32, #tpu.memory_space<vmem>>
      %dma_start3A_1059 = arith.constant 0 : i32
      %dma_start3A_1060 = arith.constant 0 : i32
      %dma_start3A_1061 = tpu.memref_slice %arg14[%dma_start3A_1059, %dma_start3A_1060] : memref<10112x128xf32, #tpu.memory_space<vmem_shared>> -> memref<10112x128xf32, #tpu.memory_space<vmem_shared>>
      tpu.enqueue_indirect_dma source(%arg12 : memref<80x128xf32, #tpu.memory_space<vmem>>) target(%dma_start3A_1061 : memref<10112x128xf32, #tpu.memory_space<vmem_shared>>) offsets(%dma_start3A_1058 : memref<80xi32, #tpu.memory_space<vmem>>) semaphore(%arg18 : memref<!tpu.dma_semaphore, #tpu.memory_space<semaphore_mem>>) {add = true}
      %get3A_1062 = arith.constant 13 : i32
      %get3A_1063 = arith.index_cast %get3A_1062 : i32 to index
      %get3A_1064 = arith.constant 0 : index
      %get3A_1065 = tpu.vector_load %arg10[%get3A_1063, %get3A_1064] {strides = array<i32>} : memref<16x80xi32, #tpu.memory_space<vmem>>, vector<16xi32>,
      %shift_right_logical3A_1066 = arith.constant 7 : i32
      %shift_right_logical3A_1067 = vector.broadcast %shift_right_logical3A_1066 : i32 to vector<16xi32>
      %shift_right_logical3A_1068 = arith.shrui %get3A_1065, %shift_right_logical3A_1067 : vector<16xi32>
      %and3A_1069 = arith.constant 127 : i32
      %and3A_1070 = vector.broadcast %and3A_1069 : i32 to vector<16xi32>
      %and3A_1071 = arith.andi %get3A_1065, %and3A_1070 : vector<16xi32>
      tpu.vector_store_idx %arg13[%shift_right_logical3A_1068, %and3A_1071], %broadcast_in_dim3A_5 {add = true} : memref<79x128xf32, #tpu.memory_space<vmem>>[vector<16xi32>, vector<16xi32>], vector<16xf32>,
      %get3A_1072 = arith.constant 13 : i32
      %get3A_1073 = arith.index_cast %get3A_1072 : i32 to index
      %get3A_1074 = arith.constant 16 : index
      %get3A_1075 = tpu.vector_load %arg10[%get3A_1073, %get3A_1074] {strides = array<i32>} : memref<16x80xi32, #tpu.memory_space<vmem>>, vector<16xi32>,
      %shift_right_logical3A_1076 = arith.constant 7 : i32
      %shift_right_logical3A_1077 = vector.broadcast %shift_right_logical3A_1076 : i32 to vector<16xi32>
      %shift_right_logical3A_1078 = arith.shrui %get3A_1075, %shift_right_logical3A_1077 : vector<16xi32>
      %and3A_1079 = arith.constant 127 : i32
      %and3A_1080 = vector.broadcast %and3A_1079 : i32 to vector<16xi32>
      %and3A_1081 = arith.andi %get3A_1075, %and3A_1080 : vector<16xi32>
      tpu.vector_store_idx %arg13[%shift_right_logical3A_1078, %and3A_1081], %broadcast_in_dim3A_5 {add = true} : memref<79x128xf32, #tpu.memory_space<vmem>>[vector<16xi32>, vector<16xi32>], vector<16xf32>,
      %get3A_1082 = arith.constant 13 : i32
      %get3A_1083 = arith.index_cast %get3A_1082 : i32 to index
      %get3A_1084 = arith.constant 32 : index
      %get3A_1085 = tpu.vector_load %arg10[%get3A_1083, %get3A_1084] {strides = array<i32>} : memref<16x80xi32, #tpu.memory_space<vmem>>, vector<16xi32>,
      %shift_right_logical3A_1086 = arith.constant 7 : i32
      %shift_right_logical3A_1087 = vector.broadcast %shift_right_logical3A_1086 : i32 to vector<16xi32>
      %shift_right_logical3A_1088 = arith.shrui %get3A_1085, %shift_right_logical3A_1087 : vector<16xi32>
      %and3A_1089 = arith.constant 127 : i32
      %and3A_1090 = vector.broadcast %and3A_1089 : i32 to vector<16xi32>
      %and3A_1091 = arith.andi %get3A_1085, %and3A_1090 : vector<16xi32>
      tpu.vector_store_idx %arg13[%shift_right_logical3A_1088, %and3A_1091], %broadcast_in_dim3A_5 {add = true} : memref<79x128xf32, #tpu.memory_space<vmem>>[vector<16xi32>, vector<16xi32>], vector<16xf32>,
      %get3A_1092 = arith.constant 13 : i32
      %get3A_1093 = arith.index_cast %get3A_1092 : i32 to index
      %get3A_1094 = arith.constant 48 : index
      %get3A_1095 = tpu.vector_load %arg10[%get3A_1093, %get3A_1094] {strides = array<i32>} : memref<16x80xi32, #tpu.memory_space<vmem>>, vector<16xi32>,
      %shift_right_logical3A_1096 = arith.constant 7 : i32
      %shift_right_logical3A_1097 = vector.broadcast %shift_right_logical3A_1096 : i32 to vector<16xi32>
      %shift_right_logical3A_1098 = arith.shrui %get3A_1095, %shift_right_logical3A_1097 : vector<16xi32>
      %and3A_1099 = arith.constant 127 : i32
      %and3A_1100 = vector.broadcast %and3A_1099 : i32 to vector<16xi32>
      %and3A_1101 = arith.andi %get3A_1095, %and3A_1100 : vector<16xi32>
      tpu.vector_store_idx %arg13[%shift_right_logical3A_1098, %and3A_1101], %broadcast_in_dim3A_5 {add = true} : memref<79x128xf32, #tpu.memory_space<vmem>>[vector<16xi32>, vector<16xi32>], vector<16xf32>,
      %get3A_1102 = arith.constant 13 : i32
      %get3A_1103 = arith.index_cast %get3A_1102 : i32 to index
      %get3A_1104 = arith.constant 64 : index
      %get3A_1105 = tpu.vector_load %arg10[%get3A_1103, %get3A_1104] {strides = array<i32>} : memref<16x80xi32, #tpu.memory_space<vmem>>, vector<16xi32>,
      %shift_right_logical3A_1106 = arith.constant 7 : i32
      %shift_right_logical3A_1107 = vector.broadcast %shift_right_logical3A_1106 : i32 to vector<16xi32>
      %shift_right_logical3A_1108 = arith.shrui %get3A_1105, %shift_right_logical3A_1107 : vector<16xi32>
      %and3A_1109 = arith.constant 127 : i32
      %and3A_1110 = vector.broadcast %and3A_1109 : i32 to vector<16xi32>
      %and3A_1111 = arith.andi %get3A_1105, %and3A_1110 : vector<16xi32>
      tpu.vector_store_idx %arg13[%shift_right_logical3A_1108, %and3A_1111], %broadcast_in_dim3A_5 {add = true} : memref<79x128xf32, #tpu.memory_space<vmem>>[vector<16xi32>, vector<16xi32>], vector<16xf32>,
      %dma_wait3A_1112 = arith.constant 13 : i32
      %dma_wait3A_1113 = arith.constant 0 : i32
      %dma_wait3A_1114 = tpu.memref_slice %arg10[%dma_wait3A_1112, %dma_wait3A_1113] : memref<16x80xi32, #tpu.memory_space<vmem>> -> memref<1x80xi32, #tpu.memory_space<vmem>>
      %dma_wait3A_1115 = tpu.memref_squeeze %dma_wait3A_1114 : memref<1x80xi32, #tpu.memory_space<vmem>> -> memref<80xi32, #tpu.memory_space<vmem>>
      %dma_wait3A_1116 = arith.constant 0 : i32
      %dma_wait3A_1117 = arith.constant 0 : i32
      %dma_wait3A_1118 = tpu.memref_slice %arg14[%dma_wait3A_1116, %dma_wait3A_1117] : memref<10112x128xf32, #tpu.memory_space<vmem_shared>> -> memref<10112x128xf32, #tpu.memory_space<vmem_shared>>
      tpu.wait_indirect_dma semaphore(%arg18 : memref<!tpu.dma_semaphore, #tpu.memory_space<semaphore_mem>>) src(%arg12 : memref<80x128xf32, #tpu.memory_space<vmem>>) dst(%dma_wait3A_1118 : memref<10112x128xf32, #tpu.memory_space<vmem_shared>>)
      %dma_start3A_1119 = arith.constant 15 : i32
      %dma_start3A_1120 = arith.constant 0 : i32
      %dma_start3A_1121 = tpu.memref_slice %arg9[%dma_start3A_1119, %dma_start3A_1120] : memref<16x80xi32, #tpu.memory_space<vmem>> -> memref<1x80xi32, #tpu.memory_space<vmem>>
      %dma_start3A_1122 = tpu.memref_squeeze %dma_start3A_1121 : memref<1x80xi32, #tpu.memory_space<vmem>> -> memref<80xi32, #tpu.memory_space<vmem>>
      %dma_start3A_1123 = arith.constant 0 : i32
      %dma_start3A_1124 = arith.constant 0 : i32
      %dma_start3A_1125 = tpu.memref_slice %arg4[%dma_start3A_1123, %dma_start3A_1124] : memref<10000x128xf32, #tpu.memory_space<hbm>> -> memref<10000x128xf32, #tpu.memory_space<hbm>>
      tpu.enqueue_indirect_dma source(%dma_start3A_1125 : memref<10000x128xf32, #tpu.memory_space<hbm>>) target(%arg12 : memref<80x128xf32, #tpu.memory_space<vmem>>) offsets(%dma_start3A_1122 : memref<80xi32, #tpu.memory_space<vmem>>) semaphore(%arg16 : memref<!tpu.dma_semaphore, #tpu.memory_space<semaphore_mem>>)
      %dma_wait3A_1126 = arith.constant 14 : i32
      %dma_wait3A_1127 = arith.constant 0 : i32
      %dma_wait3A_1128 = tpu.memref_slice %arg9[%dma_wait3A_1126, %dma_wait3A_1127] : memref<16x80xi32, #tpu.memory_space<vmem>> -> memref<1x80xi32, #tpu.memory_space<vmem>>
      %dma_wait3A_1129 = tpu.memref_squeeze %dma_wait3A_1128 : memref<1x80xi32, #tpu.memory_space<vmem>> -> memref<80xi32, #tpu.memory_space<vmem>>
      %dma_wait3A_1130 = arith.constant 0 : i32
      %dma_wait3A_1131 = arith.constant 0 : i32
      %dma_wait3A_1132 = tpu.memref_slice %arg4[%dma_wait3A_1130, %dma_wait3A_1131] : memref<10000x128xf32, #tpu.memory_space<hbm>> -> memref<10000x128xf32, #tpu.memory_space<hbm>>
      tpu.wait_indirect_dma semaphore(%arg15 : memref<!tpu.dma_semaphore, #tpu.memory_space<semaphore_mem>>) src(%dma_wait3A_1132 : memref<10000x128xf32, #tpu.memory_space<hbm>>) dst(%arg11 : memref<80x128xf32, #tpu.memory_space<vmem>>)
      %dma_start3A_1133 = arith.constant 14 : i32
      %dma_start3A_1134 = arith.constant 0 : i32
      %dma_start3A_1135 = tpu.memref_slice %arg10[%dma_start3A_1133, %dma_start3A_1134] : memref<16x80xi32, #tpu.memory_space<vmem>> -> memref<1x80xi32, #tpu.memory_space<vmem>>
      %dma_start3A_1136 = tpu.memref_squeeze %dma_start3A_1135 : memref<1x80xi32, #tpu.memory_space<vmem>> -> memref<80xi32, #tpu.memory_space<vmem>>
      %dma_start3A_1137 = arith.constant 0 : i32
      %dma_start3A_1138 = arith.constant 0 : i32
      %dma_start3A_1139 = tpu.memref_slice %arg14[%dma_start3A_1137, %dma_start3A_1138] : memref<10112x128xf32, #tpu.memory_space<vmem_shared>> -> memref<10112x128xf32, #tpu.memory_space<vmem_shared>>
      tpu.enqueue_indirect_dma source(%arg11 : memref<80x128xf32, #tpu.memory_space<vmem>>) target(%dma_start3A_1139 : memref<10112x128xf32, #tpu.memory_space<vmem_shared>>) offsets(%dma_start3A_1136 : memref<80xi32, #tpu.memory_space<vmem>>) semaphore(%arg17 : memref<!tpu.dma_semaphore, #tpu.memory_space<semaphore_mem>>) {add = true}
      %get3A_1140 = arith.constant 14 : i32
      %get3A_1141 = arith.index_cast %get3A_1140 : i32 to index
      %get3A_1142 = arith.constant 0 : index
      %get3A_1143 = tpu.vector_load %arg10[%get3A_1141, %get3A_1142] {strides = array<i32>} : memref<16x80xi32, #tpu.memory_space<vmem>>, vector<16xi32>,
      %shift_right_logical3A_1144 = arith.constant 7 : i32
      %shift_right_logical3A_1145 = vector.broadcast %shift_right_logical3A_1144 : i32 to vector<16xi32>
      %shift_right_logical3A_1146 = arith.shrui %get3A_1143, %shift_right_logical3A_1145 : vector<16xi32>
      %and3A_1147 = arith.constant 127 : i32
      %and3A_1148 = vector.broadcast %and3A_1147 : i32 to vector<16xi32>
      %and3A_1149 = arith.andi %get3A_1143, %and3A_1148 : vector<16xi32>
      tpu.vector_store_idx %arg13[%shift_right_logical3A_1146, %and3A_1149], %broadcast_in_dim3A_5 {add = true} : memref<79x128xf32, #tpu.memory_space<vmem>>[vector<16xi32>, vector<16xi32>], vector<16xf32>,
      %get3A_1150 = arith.constant 14 : i32
      %get3A_1151 = arith.index_cast %get3A_1150 : i32 to index
      %get3A_1152 = arith.constant 16 : index
      %get3A_1153 = tpu.vector_load %arg10[%get3A_1151, %get3A_1152] {strides = array<i32>} : memref<16x80xi32, #tpu.memory_space<vmem>>, vector<16xi32>,
      %shift_right_logical3A_1154 = arith.constant 7 : i32
      %shift_right_logical3A_1155 = vector.broadcast %shift_right_logical3A_1154 : i32 to vector<16xi32>
      %shift_right_logical3A_1156 = arith.shrui %get3A_1153, %shift_right_logical3A_1155 : vector<16xi32>
      %and3A_1157 = arith.constant 127 : i32
      %and3A_1158 = vector.broadcast %and3A_1157 : i32 to vector<16xi32>
      %and3A_1159 = arith.andi %get3A_1153, %and3A_1158 : vector<16xi32>
      tpu.vector_store_idx %arg13[%shift_right_logical3A_1156, %and3A_1159], %broadcast_in_dim3A_5 {add = true} : memref<79x128xf32, #tpu.memory_space<vmem>>[vector<16xi32>, vector<16xi32>], vector<16xf32>,
      %get3A_1160 = arith.constant 14 : i32
      %get3A_1161 = arith.index_cast %get3A_1160 : i32 to index
      %get3A_1162 = arith.constant 32 : index
      %get3A_1163 = tpu.vector_load %arg10[%get3A_1161, %get3A_1162] {strides = array<i32>} : memref<16x80xi32, #tpu.memory_space<vmem>>, vector<16xi32>,
      %shift_right_logical3A_1164 = arith.constant 7 : i32
      %shift_right_logical3A_1165 = vector.broadcast %shift_right_logical3A_1164 : i32 to vector<16xi32>
      %shift_right_logical3A_1166 = arith.shrui %get3A_1163, %shift_right_logical3A_1165 : vector<16xi32>
      %and3A_1167 = arith.constant 127 : i32
      %and3A_1168 = vector.broadcast %and3A_1167 : i32 to vector<16xi32>
      %and3A_1169 = arith.andi %get3A_1163, %and3A_1168 : vector<16xi32>
      tpu.vector_store_idx %arg13[%shift_right_logical3A_1166, %and3A_1169], %broadcast_in_dim3A_5 {add = true} : memref<79x128xf32, #tpu.memory_space<vmem>>[vector<16xi32>, vector<16xi32>], vector<16xf32>,
      %get3A_1170 = arith.constant 14 : i32
      %get3A_1171 = arith.index_cast %get3A_1170 : i32 to index
      %get3A_1172 = arith.constant 48 : index
      %get3A_1173 = tpu.vector_load %arg10[%get3A_1171, %get3A_1172] {strides = array<i32>} : memref<16x80xi32, #tpu.memory_space<vmem>>, vector<16xi32>,
      %shift_right_logical3A_1174 = arith.constant 7 : i32
      %shift_right_logical3A_1175 = vector.broadcast %shift_right_logical3A_1174 : i32 to vector<16xi32>
      %shift_right_logical3A_1176 = arith.shrui %get3A_1173, %shift_right_logical3A_1175 : vector<16xi32>
      %and3A_1177 = arith.constant 127 : i32
      %and3A_1178 = vector.broadcast %and3A_1177 : i32 to vector<16xi32>
      %and3A_1179 = arith.andi %get3A_1173, %and3A_1178 : vector<16xi32>
      tpu.vector_store_idx %arg13[%shift_right_logical3A_1176, %and3A_1179], %broadcast_in_dim3A_5 {add = true} : memref<79x128xf32, #tpu.memory_space<vmem>>[vector<16xi32>, vector<16xi32>], vector<16xf32>,
      %get3A_1180 = arith.constant 14 : i32
      %get3A_1181 = arith.index_cast %get3A_1180 : i32 to index
      %get3A_1182 = arith.constant 64 : index
      %get3A_1183 = tpu.vector_load %arg10[%get3A_1181, %get3A_1182] {strides = array<i32>} : memref<16x80xi32, #tpu.memory_space<vmem>>, vector<16xi32>,
      %shift_right_logical3A_1184 = arith.constant 7 : i32
      %shift_right_logical3A_1185 = vector.broadcast %shift_right_logical3A_1184 : i32 to vector<16xi32>
      %shift_right_logical3A_1186 = arith.shrui %get3A_1183, %shift_right_logical3A_1185 : vector<16xi32>
      %and3A_1187 = arith.constant 127 : i32
      %and3A_1188 = vector.broadcast %and3A_1187 : i32 to vector<16xi32>
      %and3A_1189 = arith.andi %get3A_1183, %and3A_1188 : vector<16xi32>
      tpu.vector_store_idx %arg13[%shift_right_logical3A_1186, %and3A_1189], %broadcast_in_dim3A_5 {add = true} : memref<79x128xf32, #tpu.memory_space<vmem>>[vector<16xi32>, vector<16xi32>], vector<16xf32>,
      %dma_wait3A_1190 = arith.constant 15 : i32
      %dma_wait3A_1191 = arith.constant 0 : i32
      %dma_wait3A_1192 = tpu.memref_slice %arg9[%dma_wait3A_1190, %dma_wait3A_1191] : memref<16x80xi32, #tpu.memory_space<vmem>> -> memref<1x80xi32, #tpu.memory_space<vmem>>
      %dma_wait3A_1193 = tpu.memref_squeeze %dma_wait3A_1192 : memref<1x80xi32, #tpu.memory_space<vmem>> -> memref<80xi32, #tpu.memory_space<vmem>>
      %dma_wait3A_1194 = arith.constant 0 : i32
      %dma_wait3A_1195 = arith.constant 0 : i32
      %dma_wait3A_1196 = tpu.memref_slice %arg4[%dma_wait3A_1194, %dma_wait3A_1195] : memref<10000x128xf32, #tpu.memory_space<hbm>> -> memref<10000x128xf32, #tpu.memory_space<hbm>>
      tpu.wait_indirect_dma semaphore(%arg16 : memref<!tpu.dma_semaphore, #tpu.memory_space<semaphore_mem>>) src(%dma_wait3A_1196 : memref<10000x128xf32, #tpu.memory_space<hbm>>) dst(%arg12 : memref<80x128xf32, #tpu.memory_space<vmem>>)
      %dma_start3A_1197 = arith.constant 15 : i32
      %dma_start3A_1198 = arith.constant 0 : i32
      %dma_start3A_1199 = tpu.memref_slice %arg10[%dma_start3A_1197, %dma_start3A_1198] : memref<16x80xi32, #tpu.memory_space<vmem>> -> memref<1x80xi32, #tpu.memory_space<vmem>>
      %dma_start3A_1200 = tpu.memref_squeeze %dma_start3A_1199 : memref<1x80xi32, #tpu.memory_space<vmem>> -> memref<80xi32, #tpu.memory_space<vmem>>
      %dma_start3A_1201 = arith.constant 0 : i32
      %dma_start3A_1202 = arith.constant 0 : i32
      %dma_start3A_1203 = tpu.memref_slice %arg14[%dma_start3A_1201, %dma_start3A_1202] : memref<10112x128xf32, #tpu.memory_space<vmem_shared>> -> memref<10112x128xf32, #tpu.memory_space<vmem_shared>>
      tpu.enqueue_indirect_dma source(%arg12 : memref<80x128xf32, #tpu.memory_space<vmem>>) target(%dma_start3A_1203 : memref<10112x128xf32, #tpu.memory_space<vmem_shared>>) offsets(%dma_start3A_1200 : memref<80xi32, #tpu.memory_space<vmem>>) semaphore(%arg18 : memref<!tpu.dma_semaphore, #tpu.memory_space<semaphore_mem>>) {add = true}
      %get3A_1204 = arith.constant 15 : i32
      %get3A_1205 = arith.index_cast %get3A_1204 : i32 to index
      %get3A_1206 = arith.constant 0 : index
      %get3A_1207 = tpu.vector_load %arg10[%get3A_1205, %get3A_1206] {strides = array<i32>} : memref<16x80xi32, #tpu.memory_space<vmem>>, vector<16xi32>,
      %shift_right_logical3A_1208 = arith.constant 7 : i32
      %shift_right_logical3A_1209 = vector.broadcast %shift_right_logical3A_1208 : i32 to vector<16xi32>
      %shift_right_logical3A_1210 = arith.shrui %get3A_1207, %shift_right_logical3A_1209 : vector<16xi32>
      %and3A_1211 = arith.constant 127 : i32
      %and3A_1212 = vector.broadcast %and3A_1211 : i32 to vector<16xi32>
      %and3A_1213 = arith.andi %get3A_1207, %and3A_1212 : vector<16xi32>
      tpu.vector_store_idx %arg13[%shift_right_logical3A_1210, %and3A_1213], %broadcast_in_dim3A_5 {add = true} : memref<79x128xf32, #tpu.memory_space<vmem>>[vector<16xi32>, vector<16xi32>], vector<16xf32>,
      %get3A_1214 = arith.constant 15 : i32
      %get3A_1215 = arith.index_cast %get3A_1214 : i32 to index
      %get3A_1216 = arith.constant 16 : index
      %get3A_1217 = tpu.vector_load %arg10[%get3A_1215, %get3A_1216] {strides = array<i32>} : memref<16x80xi32, #tpu.memory_space<vmem>>, vector<16xi32>,
      %shift_right_logical3A_1218 = arith.constant 7 : i32
      %shift_right_logical3A_1219 = vector.broadcast %shift_right_logical3A_1218 : i32 to vector<16xi32>
      %shift_right_logical3A_1220 = arith.shrui %get3A_1217, %shift_right_logical3A_1219 : vector<16xi32>
      %and3A_1221 = arith.constant 127 : i32
      %and3A_1222 = vector.broadcast %and3A_1221 : i32 to vector<16xi32>
      %and3A_1223 = arith.andi %get3A_1217, %and3A_1222 : vector<16xi32>
      tpu.vector_store_idx %arg13[%shift_right_logical3A_1220, %and3A_1223], %broadcast_in_dim3A_5 {add = true} : memref<79x128xf32, #tpu.memory_space<vmem>>[vector<16xi32>, vector<16xi32>], vector<16xf32>,
      %get3A_1224 = arith.constant 15 : i32
      %get3A_1225 = arith.index_cast %get3A_1224 : i32 to index
      %get3A_1226 = arith.constant 32 : index
      %get3A_1227 = tpu.vector_load %arg10[%get3A_1225, %get3A_1226] {strides = array<i32>} : memref<16x80xi32, #tpu.memory_space<vmem>>, vector<16xi32>,
      %shift_right_logical3A_1228 = arith.constant 7 : i32
      %shift_right_logical3A_1229 = vector.broadcast %shift_right_logical3A_1228 : i32 to vector<16xi32>
      %shift_right_logical3A_1230 = arith.shrui %get3A_1227, %shift_right_logical3A_1229 : vector<16xi32>
      %and3A_1231 = arith.constant 127 : i32
      %and3A_1232 = vector.broadcast %and3A_1231 : i32 to vector<16xi32>
      %and3A_1233 = arith.andi %get3A_1227, %and3A_1232 : vector<16xi32>
      tpu.vector_store_idx %arg13[%shift_right_logical3A_1230, %and3A_1233], %broadcast_in_dim3A_5 {add = true} : memref<79x128xf32, #tpu.memory_space<vmem>>[vector<16xi32>, vector<16xi32>], vector<16xf32>,
      %get3A_1234 = arith.constant 15 : i32
      %get3A_1235 = arith.index_cast %get3A_1234 : i32 to index
      %get3A_1236 = arith.constant 48 : index
      %get3A_1237 = tpu.vector_load %arg10[%get3A_1235, %get3A_1236] {strides = array<i32>} : memref<16x80xi32, #tpu.memory_space<vmem>>, vector<16xi32>,
      %shift_right_logical3A_1238 = arith.constant 7 : i32
      %shift_right_logical3A_1239 = vector.broadcast %shift_right_logical3A_1238 : i32 to vector<16xi32>
      %shift_right_logical3A_1240 = arith.shrui %get3A_1237, %shift_right_logical3A_1239 : vector<16xi32>
      %and3A_1241 = arith.constant 127 : i32
      %and3A_1242 = vector.broadcast %and3A_1241 : i32 to vector<16xi32>
      %and3A_1243 = arith.andi %get3A_1237, %and3A_1242 : vector<16xi32>
      tpu.vector_store_idx %arg13[%shift_right_logical3A_1240, %and3A_1243], %broadcast_in_dim3A_5 {add = true} : memref<79x128xf32, #tpu.memory_space<vmem>>[vector<16xi32>, vector<16xi32>], vector<16xf32>,
      %get3A_1244 = arith.constant 15 : i32
      %get3A_1245 = arith.index_cast %get3A_1244 : i32 to index
      %get3A_1246 = arith.constant 64 : index
      %get3A_1247 = tpu.vector_load %arg10[%get3A_1245, %get3A_1246] {strides = array<i32>} : memref<16x80xi32, #tpu.memory_space<vmem>>, vector<16xi32>,
      %shift_right_logical3A_1248 = arith.constant 7 : i32
      %shift_right_logical3A_1249 = vector.broadcast %shift_right_logical3A_1248 : i32 to vector<16xi32>
      %shift_right_logical3A_1250 = arith.shrui %get3A_1247, %shift_right_logical3A_1249 : vector<16xi32>
      %and3A_1251 = arith.constant 127 : i32
      %and3A_1252 = vector.broadcast %and3A_1251 : i32 to vector<16xi32>
      %and3A_1253 = arith.andi %get3A_1247, %and3A_1252 : vector<16xi32>
      tpu.vector_store_idx %arg13[%shift_right_logical3A_1250, %and3A_1253], %broadcast_in_dim3A_5 {add = true} : memref<79x128xf32, #tpu.memory_space<vmem>>[vector<16xi32>, vector<16xi32>], vector<16xf32>,
      %dma_wait3A_1254 = arith.constant 14 : i32
      %dma_wait3A_1255 = arith.constant 0 : i32
      %dma_wait3A_1256 = tpu.memref_slice %arg10[%dma_wait3A_1254, %dma_wait3A_1255] : memref<16x80xi32, #tpu.memory_space<vmem>> -> memref<1x80xi32, #tpu.memory_space<vmem>>
      %dma_wait3A_1257 = tpu.memref_squeeze %dma_wait3A_1256 : memref<1x80xi32, #tpu.memory_space<vmem>> -> memref<80xi32, #tpu.memory_space<vmem>>
      %dma_wait3A_1258 = arith.constant 0 : i32
      %dma_wait3A_1259 = arith.constant 0 : i32
      %dma_wait3A_1260 = tpu.memref_slice %arg14[%dma_wait3A_1258, %dma_wait3A_1259] : memref<10112x128xf32, #tpu.memory_space<vmem_shared>> -> memref<10112x128xf32, #tpu.memory_space<vmem_shared>>
      tpu.wait_indirect_dma semaphore(%arg17 : memref<!tpu.dma_semaphore, #tpu.memory_space<semaphore_mem>>) src(%arg11 : memref<80x128xf32, #tpu.memory_space<vmem>>) dst(%dma_wait3A_1260 : memref<10112x128xf32, #tpu.memory_space<vmem_shared>>)
      %dma_wait3A_1261 = arith.constant 15 : i32
      %dma_wait3A_1262 = arith.constant 0 : i32
      %dma_wait3A_1263 = tpu.memref_slice %arg10[%dma_wait3A_1261, %dma_wait3A_1262] : memref<16x80xi32, #tpu.memory_space<vmem>> -> memref<1x80xi32, #tpu.memory_space<vmem>>
      %dma_wait3A_1264 = tpu.memref_squeeze %dma_wait3A_1263 : memref<1x80xi32, #tpu.memory_space<vmem>> -> memref<80xi32, #tpu.memory_space<vmem>>
      %dma_wait3A_1265 = arith.constant 0 : i32
      %dma_wait3A_1266 = arith.constant 0 : i32
      %dma_wait3A_1267 = tpu.memref_slice %arg14[%dma_wait3A_1265, %dma_wait3A_1266] : memref<10112x128xf32, #tpu.memory_space<vmem_shared>> -> memref<10112x128xf32, #tpu.memory_space<vmem_shared>>
      tpu.wait_indirect_dma semaphore(%arg18 : memref<!tpu.dma_semaphore, #tpu.memory_space<semaphore_mem>>) src(%arg12 : memref<80x128xf32, #tpu.memory_space<vmem>>) dst(%dma_wait3A_1267 : memref<10112x128xf32, #tpu.memory_space<vmem_shared>>)
    }
    %scan3A_9 = arith.constant 8 : i32
    %barrier3A_10 = arith.constant 0 : index
    tpu.barrier barrier_id(%barrier3A_10)
    %mul3A_11 = arith.constant 624 : i32
    %mul3A_12 = arith.muli %arg1, %mul3A_11 : i32
    %mul3A_13 = arith.constant 10000 : i32
    %mul3A_14 = arith.muli %arg0, %mul3A_13 : i32
    %mul3A_15 = arith.constant 624 : i32
    %mul3A_16 = arith.muli %arg1, %mul3A_15 : i32
    %add3A_17 = arith.addi %mul3A_14, %mul3A_16 : i32
    "tpu.region"() ({
      %run_scoped3A = tpu.sem_alloc : memref<!tpu.dma_semaphore, #tpu.memory_space<semaphore_mem>>
      %dma_start3A = arith.constant 0 : i32
      %dma_start3A_20 = tpu.memref_slice %arg7[%add3A_17, %dma_start3A] : memref<20000x128xf32, #tpu.memory_space<hbm>> -> memref<624x128xf32, #tpu.memory_space<hbm>>
      %dma_start3A_21 = arith.constant 0 : i32
      %dma_start3A_22 = tpu.memref_slice %arg14[%mul3A_12, %dma_start3A_21] : memref<10112x128xf32, #tpu.memory_space<vmem_shared>> -> memref<624x128xf32, #tpu.memory_space<vmem_shared>>
      tpu.enqueue_dma source(%dma_start3A_22 : memref<624x128xf32, #tpu.memory_space<vmem_shared>>) target(%dma_start3A_20 : memref<624x128xf32, #tpu.memory_space<hbm>>) target_semaphore(%run_scoped3A : memref<!tpu.dma_semaphore, #tpu.memory_space<semaphore_mem>>)
      %dma_wait3A = arith.constant 0 : i32
      %dma_wait3A_23 = tpu.memref_slice %arg7[%add3A_17, %dma_wait3A] : memref<20000x128xf32, #tpu.memory_space<hbm>> -> memref<624x128xf32, #tpu.memory_space<hbm>>
      %dma_wait3A_24 = arith.constant 0 : i32
      %dma_wait3A_25 = tpu.memref_slice %arg14[%mul3A_12, %dma_wait3A_24] : memref<10112x128xf32, #tpu.memory_space<vmem_shared>> -> memref<624x128xf32, #tpu.memory_space<vmem_shared>>
      tpu.wait_dma2 semaphore(%run_scoped3A : memref<!tpu.dma_semaphore, #tpu.memory_space<semaphore_mem>>) src(%dma_wait3A_25 : memref<624x128xf32, #tpu.memory_space<vmem_shared>>) dst(%dma_wait3A_23 : memref<624x128xf32, #tpu.memory_space<hbm>>)
      tpu.yield
    }) : () -> ()
    %eq3A = arith.constant 15 : i32
    %eq3A_18 = arith.cmpi eq, %arg1, %eq3A : i32
    %convert_element_type3A = arith.extui %eq3A_18 : i1 to i32
    %cond3A = arith.constant 0 : i32
    %cond3A_19 = arith.cmpi ne, %convert_element_type3A, %cond3A : i32
    scf.if %cond3A_19 {
      %mul3A_20 = arith.constant 10000 : i32
      %mul3A_21 = arith.muli %arg0, %mul3A_20 : i32
      %add3A_22 = arith.constant 9984 : i32
      %add3A_23 = arith.addi %mul3A_21, %add3A_22 : i32
      "tpu.region"() ({
        %run_scoped3A = tpu.sem_alloc : memref<!tpu.dma_semaphore, #tpu.memory_space<semaphore_mem>>
        %dma_start3A = arith.constant 0 : i32
        %dma_start3A_24 = tpu.memref_slice %arg7[%add3A_23, %dma_start3A] : memref<20000x128xf32, #tpu.memory_space<hbm>> -> memref<16x128xf32, #tpu.memory_space<hbm>>
        %dma_start3A_25 = arith.constant 9984 : i32
        %dma_start3A_26 = arith.constant 0 : i32
        %dma_start3A_27 = tpu.memref_slice %arg14[%dma_start3A_25, %dma_start3A_26] : memref<10112x128xf32, #tpu.memory_space<vmem_shared>> -> memref<16x128xf32, #tpu.memory_space<vmem_shared>>
        tpu.enqueue_dma source(%dma_start3A_27 : memref<16x128xf32, #tpu.memory_space<vmem_shared>>) target(%dma_start3A_24 : memref<16x128xf32, #tpu.memory_space<hbm>>) target_semaphore(%run_scoped3A : memref<!tpu.dma_semaphore, #tpu.memory_space<semaphore_mem>>)
        %dma_wait3A = arith.constant 0 : i32
        %dma_wait3A_28 = tpu.memref_slice %arg7[%add3A_23, %dma_wait3A] : memref<20000x128xf32, #tpu.memory_space<hbm>> -> memref<16x128xf32, #tpu.memory_space<hbm>>
        %dma_wait3A_29 = arith.constant 9984 : i32
        %dma_wait3A_30 = arith.constant 0 : i32
        %dma_wait3A_31 = tpu.memref_slice %arg14[%dma_wait3A_29, %dma_wait3A_30] : memref<10112x128xf32, #tpu.memory_space<vmem_shared>> -> memref<16x128xf32, #tpu.memory_space<vmem_shared>>
        tpu.wait_dma2 semaphore(%run_scoped3A : memref<!tpu.dma_semaphore, #tpu.memory_space<semaphore_mem>>) src(%dma_wait3A_31 : memref<16x128xf32, #tpu.memory_space<vmem_shared>>) dst(%dma_wait3A_28 : memref<16x128xf32, #tpu.memory_space<hbm>>)
        tpu.yield
      }) : () -> ()
    } else {
    }
    "tpu.region"() ({
      %run_scoped3A = tpu.sem_alloc : memref<!tpu.dma_semaphore, #tpu.memory_space<semaphore_mem>>
      %dma_start3A = arith.constant 0 : i32
      %dma_start3A_20 = arith.constant 0 : i32
      %dma_start3A_21 = tpu.memref_slice %arg8[%add3A, %dma_start3A, %dma_start3A_20] : memref<32x79x128xf32, #tpu.memory_space<hbm>> -> memref<1x79x128xf32, #tpu.memory_space<hbm>>
      %dma_start3A_22 = tpu.memref_squeeze %dma_start3A_21 : memref<1x79x128xf32, #tpu.memory_space<hbm>> -> memref<79x128xf32, #tpu.memory_space<hbm>>
      %dma_start3A_23 = arith.constant 0 : i32
      %dma_start3A_24 = arith.constant 0 : i32
      %dma_start3A_25 = tpu.memref_slice %arg8[%add3A, %dma_start3A_23, %dma_start3A_24] : memref<32x79x128xf32, #tpu.memory_space<hbm>> -> memref<1x79x128xf32, #tpu.memory_space<hbm>>
      %dma_start3A_26 = tpu.memref_squeeze %dma_start3A_25 : memref<1x79x128xf32, #tpu.memory_space<hbm>> -> memref<79x128xf32, #tpu.memory_space<hbm>>
      tpu.enqueue_dma source(%arg13 : memref<79x128xf32, #tpu.memory_space<vmem>>) target(%dma_start3A_26 : memref<79x128xf32, #tpu.memory_space<hbm>>) target_semaphore(%run_scoped3A : memref<!tpu.dma_semaphore, #tpu.memory_space<semaphore_mem>>)
      %dma_wait3A = arith.constant 0 : i32
      %dma_wait3A_27 = arith.constant 0 : i32
      %dma_wait3A_28 = tpu.memref_slice %arg8[%add3A, %dma_wait3A, %dma_wait3A_27] : memref<32x79x128xf32, #tpu.memory_space<hbm>> -> memref<1x79x128xf32, #tpu.memory_space<hbm>>
      %dma_wait3A_29 = tpu.memref_squeeze %dma_wait3A_28 : memref<1x79x128xf32, #tpu.memory_space<hbm>> -> memref<79x128xf32, #tpu.memory_space<hbm>>
      %dma_wait3A_30 = arith.constant 0 : i32
      %dma_wait3A_31 = arith.constant 0 : i32
      %dma_wait3A_32 = tpu.memref_slice %arg8[%add3A, %dma_wait3A_30, %dma_wait3A_31] : memref<32x79x128xf32, #tpu.memory_space<hbm>> -> memref<1x79x128xf32, #tpu.memory_space<hbm>>
      %dma_wait3A_33 = tpu.memref_squeeze %dma_wait3A_32 : memref<1x79x128xf32, #tpu.memory_space<hbm>> -> memref<79x128xf32, #tpu.memory_space<hbm>>
      tpu.wait_dma2 semaphore(%run_scoped3A : memref<!tpu.dma_semaphore, #tpu.memory_space<semaphore_mem>>) src(%arg13 : memref<79x128xf32, #tpu.memory_space<vmem>>) dst(%dma_wait3A_33 : memref<79x128xf32, #tpu.memory_space<hbm>>)
      tpu.yield
    }) : () -> ()
    return
  }
}

#map = affine_map<(d0, d1) -> (0, 0, 0)>
#map1 = affine_map<(d0, d1) -> (0, 0)>
module attributes {stable_mosaic.version = 14 : i64} {
  func.func @sc_seg_sum_128(%arg0: i32, %arg1: i32, %arg2: memref<32x128x80xi32, #tpu.memory_space<hbm>>, %arg3: memref<32x128x80xi32, #tpu.memory_space<hbm>>, %arg4: memref<10000x128xf32, #tpu.memory_space<hbm>>, %arg5: memref<10112x128xf32, #tpu.memory_space<hbm>>, %arg6: memref<79x128xf32, #tpu.memory_space<hbm>>, %arg7: memref<20000x128xf32, #tpu.memory_space<hbm>>, %arg8: memref<16x80xi32, #tpu.memory_space<vmem>>, %arg9: memref<16x80xi32, #tpu.memory_space<vmem>>, %arg10: memref<80x128xf32, #tpu.memory_space<vmem>>, %arg11: memref<80x128xf32, #tpu.memory_space<vmem>>, %arg12: memref<79x128xf32, #tpu.memory_space<vmem>>, %arg13: memref<10112x128xf32, #tpu.memory_space<vmem_shared>>, %arg14: memref<!tpu.dma_semaphore, #tpu.memory_space<semaphore_mem>>, %arg15: memref<!tpu.dma_semaphore, #tpu.memory_space<semaphore_mem>>, %arg16: memref<!tpu.dma_semaphore, #tpu.memory_space<semaphore_mem>>, %arg17: memref<!tpu.dma_semaphore, #tpu.memory_space<semaphore_mem>>) attributes {dimension_semantics = [#tpu.dimension_semantics<core_parallel>, #tpu.dimension_semantics<subcore_parallel>], iteration_bounds = array<i64: 2, 16>, scalar_prefetch = 0 : i64, scratch_operands = 10 : i64, tpu.core_type = #tpu.core_type<sc_vector_subcore>, window_params = [{transform_indices = #map}, {transform_indices = #map}, {transform_indices = #map1}, {transform_indices = #map1}, {transform_indices = #map1}, {transform_indices = #map1}]} {
    %mul3A = arith.constant 16 : i32
    %mul3A_0 = arith.muli %arg0, %mul3A : i32
    %add3A = arith.addi %mul3A_0, %arg1 : i32
    %mul3A_1 = arith.constant 632 : i32
    %mul3A_2 = arith.muli %arg1, %mul3A_1 : i32
    %mul3A_3 = arith.constant 632 : i32
    %mul3A_4 = arith.muli %arg1, %mul3A_3 : i32
    "tpu.region"() ({
      %run_scoped3A = tpu.sem_alloc : memref<!tpu.dma_semaphore, #tpu.memory_space<semaphore_mem>>
      %dma_start3A = arith.constant 0 : i32
      %dma_start3A_20 = tpu.memref_slice %arg13[%mul3A_4, %dma_start3A] : memref<10112x128xf32, #tpu.memory_space<vmem_shared>> -> memref<632x128xf32, #tpu.memory_space<vmem_shared>>
      %dma_start3A_21 = arith.constant 0 : i32
      %dma_start3A_22 = tpu.memref_slice %arg5[%mul3A_2, %dma_start3A_21] : memref<10112x128xf32, #tpu.memory_space<hbm>> -> memref<632x128xf32, #tpu.memory_space<hbm>>
      tpu.enqueue_dma source(%dma_start3A_22 : memref<632x128xf32, #tpu.memory_space<hbm>>) target(%dma_start3A_20 : memref<632x128xf32, #tpu.memory_space<vmem_shared>>) target_semaphore(%run_scoped3A : memref<!tpu.dma_semaphore, #tpu.memory_space<semaphore_mem>>)
      %dma_wait3A = arith.constant 0 : i32
      %dma_wait3A_23 = tpu.memref_slice %arg13[%mul3A_4, %dma_wait3A] : memref<10112x128xf32, #tpu.memory_space<vmem_shared>> -> memref<632x128xf32, #tpu.memory_space<vmem_shared>>
      %dma_wait3A_24 = arith.constant 0 : i32
      %dma_wait3A_25 = tpu.memref_slice %arg5[%mul3A_2, %dma_wait3A_24] : memref<10112x128xf32, #tpu.memory_space<hbm>> -> memref<632x128xf32, #tpu.memory_space<hbm>>
      tpu.wait_dma2 semaphore(%run_scoped3A : memref<!tpu.dma_semaphore, #tpu.memory_space<semaphore_mem>>) src(%dma_wait3A_25 : memref<632x128xf32, #tpu.memory_space<hbm>>) dst(%dma_wait3A_23 : memref<632x128xf32, #tpu.memory_space<vmem_shared>>)
      tpu.yield
    }) : () -> ()
    %barrier3A = arith.constant 0 : index
    tpu.barrier barrier_id(%barrier3A)
    %broadcast_in_dim3A = arith.constant 1.000000e+00 : f32
    %broadcast_in_dim3A_5 = vector.broadcast %broadcast_in_dim3A : f32 to vector<16xf32>
    %scan3A = arith.constant 0 : i32
    %scan3A_6 = arith.constant 8 : i32
    %scan3A_7 = arith.addi %scan3A, %scan3A_6 : i32
    %scan3A_8 = arith.constant 1 : i32
    scf.for %scan3A_20 = %scan3A to %scan3A_7 step %scan3A_8  : i32 {
      %mul3A_21 = arith.constant 16 : i32
      %mul3A_22 = arith.muli %scan3A_20, %mul3A_21 : i32
      "tpu.region"() ({
        %run_scoped3A = tpu.sem_alloc : memref<!tpu.dma_semaphore, #tpu.memory_space<semaphore_mem>>
        %dma_start3A_471 = arith.constant 0 : i32
        %dma_start3A_472 = tpu.memref_slice %arg2[%add3A, %mul3A_22, %dma_start3A_471] : memref<32x128x80xi32, #tpu.memory_space<hbm>> -> memref<1x16x80xi32, #tpu.memory_space<hbm>>
        %dma_start3A_473 = tpu.memref_squeeze %dma_start3A_472 : memref<1x16x80xi32, #tpu.memory_space<hbm>> -> memref<16x80xi32, #tpu.memory_space<hbm>>
        %dma_start3A_474 = arith.constant 0 : i32
        %dma_start3A_475 = tpu.memref_slice %arg2[%add3A, %mul3A_22, %dma_start3A_474] : memref<32x128x80xi32, #tpu.memory_space<hbm>> -> memref<1x16x80xi32, #tpu.memory_space<hbm>>
        %dma_start3A_476 = tpu.memref_squeeze %dma_start3A_475 : memref<1x16x80xi32, #tpu.memory_space<hbm>> -> memref<16x80xi32, #tpu.memory_space<hbm>>
        tpu.enqueue_dma source(%dma_start3A_476 : memref<16x80xi32, #tpu.memory_space<hbm>>) target(%arg8 : memref<16x80xi32, #tpu.memory_space<vmem>>) target_semaphore(%run_scoped3A : memref<!tpu.dma_semaphore, #tpu.memory_space<semaphore_mem>>)
        %dma_wait3A_477 = arith.constant 0 : i32
        %dma_wait3A_478 = tpu.memref_slice %arg2[%add3A, %mul3A_22, %dma_wait3A_477] : memref<32x128x80xi32, #tpu.memory_space<hbm>> -> memref<1x16x80xi32, #tpu.memory_space<hbm>>
        %dma_wait3A_479 = tpu.memref_squeeze %dma_wait3A_478 : memref<1x16x80xi32, #tpu.memory_space<hbm>> -> memref<16x80xi32, #tpu.memory_space<hbm>>
        %dma_wait3A_480 = arith.constant 0 : i32
        %dma_wait3A_481 = tpu.memref_slice %arg2[%add3A, %mul3A_22, %dma_wait3A_480] : memref<32x128x80xi32, #tpu.memory_space<hbm>> -> memref<1x16x80xi32, #tpu.memory_space<hbm>>
        %dma_wait3A_482 = tpu.memref_squeeze %dma_wait3A_481 : memref<1x16x80xi32, #tpu.memory_space<hbm>> -> memref<16x80xi32, #tpu.memory_space<hbm>>
        tpu.wait_dma2 semaphore(%run_scoped3A : memref<!tpu.dma_semaphore, #tpu.memory_space<semaphore_mem>>) src(%dma_wait3A_482 : memref<16x80xi32, #tpu.memory_space<hbm>>) dst(%arg8 : memref<16x80xi32, #tpu.memory_space<vmem>>)
        tpu.yield
      }) : () -> ()
      %mul3A_23 = arith.constant 16 : i32
      %mul3A_24 = arith.muli %scan3A_20, %mul3A_23 : i32
      "tpu.region"() ({
        %run_scoped3A = tpu.sem_alloc : memref<!tpu.dma_semaphore, #tpu.memory_space<semaphore_mem>>
        %dma_start3A_471 = arith.constant 0 : i32
        %dma_start3A_472 = tpu.memref_slice %arg3[%add3A, %mul3A_24, %dma_start3A_471] : memref<32x128x80xi32, #tpu.memory_space<hbm>> -> memref<1x16x80xi32, #tpu.memory_space<hbm>>
        %dma_start3A_473 = tpu.memref_squeeze %dma_start3A_472 : memref<1x16x80xi32, #tpu.memory_space<hbm>> -> memref<16x80xi32, #tpu.memory_space<hbm>>
        %dma_start3A_474 = arith.constant 0 : i32
        %dma_start3A_475 = tpu.memref_slice %arg3[%add3A, %mul3A_24, %dma_start3A_474] : memref<32x128x80xi32, #tpu.memory_space<hbm>> -> memref<1x16x80xi32, #tpu.memory_space<hbm>>
        %dma_start3A_476 = tpu.memref_squeeze %dma_start3A_475 : memref<1x16x80xi32, #tpu.memory_space<hbm>> -> memref<16x80xi32, #tpu.memory_space<hbm>>
        tpu.enqueue_dma source(%dma_start3A_476 : memref<16x80xi32, #tpu.memory_space<hbm>>) target(%arg9 : memref<16x80xi32, #tpu.memory_space<vmem>>) target_semaphore(%run_scoped3A : memref<!tpu.dma_semaphore, #tpu.memory_space<semaphore_mem>>)
        %dma_wait3A_477 = arith.constant 0 : i32
        %dma_wait3A_478 = tpu.memref_slice %arg3[%add3A, %mul3A_24, %dma_wait3A_477] : memref<32x128x80xi32, #tpu.memory_space<hbm>> -> memref<1x16x80xi32, #tpu.memory_space<hbm>>
        %dma_wait3A_479 = tpu.memref_squeeze %dma_wait3A_478 : memref<1x16x80xi32, #tpu.memory_space<hbm>> -> memref<16x80xi32, #tpu.memory_space<hbm>>
        %dma_wait3A_480 = arith.constant 0 : i32
        %dma_wait3A_481 = tpu.memref_slice %arg3[%add3A, %mul3A_24, %dma_wait3A_480] : memref<32x128x80xi32, #tpu.memory_space<hbm>> -> memref<1x16x80xi32, #tpu.memory_space<hbm>>
        %dma_wait3A_482 = tpu.memref_squeeze %dma_wait3A_481 : memref<1x16x80xi32, #tpu.memory_space<hbm>> -> memref<16x80xi32, #tpu.memory_space<hbm>>
        tpu.wait_dma2 semaphore(%run_scoped3A : memref<!tpu.dma_semaphore, #tpu.memory_space<semaphore_mem>>) src(%dma_wait3A_482 : memref<16x80xi32, #tpu.memory_space<hbm>>) dst(%arg9 : memref<16x80xi32, #tpu.memory_space<vmem>>)
        tpu.yield
      }) : () -> ()
      %dma_start3A = arith.constant 0 : i32
      %dma_start3A_25 = arith.constant 0 : i32
      %dma_start3A_26 = tpu.memref_slice %arg8[%dma_start3A, %dma_start3A_25] : memref<16x80xi32, #tpu.memory_space<vmem>> -> memref<1x80xi32, #tpu.memory_space<vmem>>
      %dma_start3A_27 = tpu.memref_squeeze %dma_start3A_26 : memref<1x80xi32, #tpu.memory_space<vmem>> -> memref<80xi32, #tpu.memory_space<vmem>>
      %dma_start3A_28 = arith.constant 0 : i32
      %dma_start3A_29 = arith.constant 0 : i32
      %dma_start3A_30 = tpu.memref_slice %arg4[%dma_start3A_28, %dma_start3A_29] : memref<10000x128xf32, #tpu.memory_space<hbm>> -> memref<10000x128xf32, #tpu.memory_space<hbm>>
      tpu.enqueue_indirect_dma source(%dma_start3A_30 : memref<10000x128xf32, #tpu.memory_space<hbm>>) target(%arg10 : memref<80x128xf32, #tpu.memory_space<vmem>>) offsets(%dma_start3A_27 : memref<80xi32, #tpu.memory_space<vmem>>) semaphore(%arg14 : memref<!tpu.dma_semaphore, #tpu.memory_space<semaphore_mem>>)
      %dma_start3A_31 = arith.constant 1 : i32
      %dma_start3A_32 = arith.constant 0 : i32
      %dma_start3A_33 = tpu.memref_slice %arg8[%dma_start3A_31, %dma_start3A_32] : memref<16x80xi32, #tpu.memory_space<vmem>> -> memref<1x80xi32, #tpu.memory_space<vmem>>
      %dma_start3A_34 = tpu.memref_squeeze %dma_start3A_33 : memref<1x80xi32, #tpu.memory_space<vmem>> -> memref<80xi32, #tpu.memory_space<vmem>>
      %dma_start3A_35 = arith.constant 0 : i32
      %dma_start3A_36 = arith.constant 0 : i32
      %dma_start3A_37 = tpu.memref_slice %arg4[%dma_start3A_35, %dma_start3A_36] : memref<10000x128xf32, #tpu.memory_space<hbm>> -> memref<10000x128xf32, #tpu.memory_space<hbm>>
      tpu.enqueue_indirect_dma source(%dma_start3A_37 : memref<10000x128xf32, #tpu.memory_space<hbm>>) target(%arg11 : memref<80x128xf32, #tpu.memory_space<vmem>>) offsets(%dma_start3A_34 : memref<80xi32, #tpu.memory_space<vmem>>) semaphore(%arg15 : memref<!tpu.dma_semaphore, #tpu.memory_space<semaphore_mem>>)
      %dma_wait3A = arith.constant 0 : i32
      %dma_wait3A_38 = arith.constant 0 : i32
      %dma_wait3A_39 = tpu.memref_slice %arg8[%dma_wait3A, %dma_wait3A_38] : memref<16x80xi32, #tpu.memory_space<vmem>> -> memref<1x80xi32, #tpu.memory_space<vmem>>
      %dma_wait3A_40 = tpu.memref_squeeze %dma_wait3A_39 : memref<1x80xi32, #tpu.memory_space<vmem>> -> memref<80xi32, #tpu.memory_space<vmem>>
      %dma_wait3A_41 = arith.constant 0 : i32
      %dma_wait3A_42 = arith.constant 0 : i32
      %dma_wait3A_43 = tpu.memref_slice %arg4[%dma_wait3A_41, %dma_wait3A_42] : memref<10000x128xf32, #tpu.memory_space<hbm>> -> memref<10000x128xf32, #tpu.memory_space<hbm>>
      tpu.wait_indirect_dma semaphore(%arg14 : memref<!tpu.dma_semaphore, #tpu.memory_space<semaphore_mem>>) src(%dma_wait3A_43 : memref<10000x128xf32, #tpu.memory_space<hbm>>) dst(%arg10 : memref<80x128xf32, #tpu.memory_space<vmem>>)
      %dma_start3A_44 = arith.constant 0 : i32
      %dma_start3A_45 = arith.constant 0 : i32
      %dma_start3A_46 = tpu.memref_slice %arg9[%dma_start3A_44, %dma_start3A_45] : memref<16x80xi32, #tpu.memory_space<vmem>> -> memref<1x80xi32, #tpu.memory_space<vmem>>
      %dma_start3A_47 = tpu.memref_squeeze %dma_start3A_46 : memref<1x80xi32, #tpu.memory_space<vmem>> -> memref<80xi32, #tpu.memory_space<vmem>>
      %dma_start3A_48 = arith.constant 0 : i32
      %dma_start3A_49 = arith.constant 0 : i32
      %dma_start3A_50 = tpu.memref_slice %arg13[%dma_start3A_48, %dma_start3A_49] : memref<10112x128xf32, #tpu.memory_space<vmem_shared>> -> memref<10112x128xf32, #tpu.memory_space<vmem_shared>>
      tpu.enqueue_indirect_dma source(%arg10 : memref<80x128xf32, #tpu.memory_space<vmem>>) target(%dma_start3A_50 : memref<10112x128xf32, #tpu.memory_space<vmem_shared>>) offsets(%dma_start3A_47 : memref<80xi32, #tpu.memory_space<vmem>>) semaphore(%arg16 : memref<!tpu.dma_semaphore, #tpu.memory_space<semaphore_mem>>) {add = true}
      %dma_wait3A_51 = arith.constant 0 : i32
      %dma_wait3A_52 = arith.constant 0 : i32
      %dma_wait3A_53 = tpu.memref_slice %arg9[%dma_wait3A_51, %dma_wait3A_52] : memref<16x80xi32, #tpu.memory_space<vmem>> -> memref<1x80xi32, #tpu.memory_space<vmem>>
      %dma_wait3A_54 = tpu.memref_squeeze %dma_wait3A_53 : memref<1x80xi32, #tpu.memory_space<vmem>> -> memref<80xi32, #tpu.memory_space<vmem>>
      %dma_wait3A_55 = arith.constant 0 : i32
      %dma_wait3A_56 = arith.constant 0 : i32
      %dma_wait3A_57 = tpu.memref_slice %arg13[%dma_wait3A_55, %dma_wait3A_56] : memref<10112x128xf32, #tpu.memory_space<vmem_shared>> -> memref<10112x128xf32, #tpu.memory_space<vmem_shared>>
      tpu.wait_indirect_dma semaphore(%arg16 : memref<!tpu.dma_semaphore, #tpu.memory_space<semaphore_mem>>) src(%arg10 : memref<80x128xf32, #tpu.memory_space<vmem>>) dst(%dma_wait3A_57 : memref<10112x128xf32, #tpu.memory_space<vmem_shared>>)
      %dma_start3A_58 = arith.constant 2 : i32
      %dma_start3A_59 = arith.constant 0 : i32
      %dma_start3A_60 = tpu.memref_slice %arg8[%dma_start3A_58, %dma_start3A_59] : memref<16x80xi32, #tpu.memory_space<vmem>> -> memref<1x80xi32, #tpu.memory_space<vmem>>
      %dma_start3A_61 = tpu.memref_squeeze %dma_start3A_60 : memref<1x80xi32, #tpu.memory_space<vmem>> -> memref<80xi32, #tpu.memory_space<vmem>>
      %dma_start3A_62 = arith.constant 0 : i32
      %dma_start3A_63 = arith.constant 0 : i32
      %dma_start3A_64 = tpu.memref_slice %arg4[%dma_start3A_62, %dma_start3A_63] : memref<10000x128xf32, #tpu.memory_space<hbm>> -> memref<10000x128xf32, #tpu.memory_space<hbm>>
      tpu.enqueue_indirect_dma source(%dma_start3A_64 : memref<10000x128xf32, #tpu.memory_space<hbm>>) target(%arg10 : memref<80x128xf32, #tpu.memory_space<vmem>>) offsets(%dma_start3A_61 : memref<80xi32, #tpu.memory_space<vmem>>) semaphore(%arg14 : memref<!tpu.dma_semaphore, #tpu.memory_space<semaphore_mem>>)
      %dma_wait3A_65 = arith.constant 1 : i32
      %dma_wait3A_66 = arith.constant 0 : i32
      %dma_wait3A_67 = tpu.memref_slice %arg8[%dma_wait3A_65, %dma_wait3A_66] : memref<16x80xi32, #tpu.memory_space<vmem>> -> memref<1x80xi32, #tpu.memory_space<vmem>>
      %dma_wait3A_68 = tpu.memref_squeeze %dma_wait3A_67 : memref<1x80xi32, #tpu.memory_space<vmem>> -> memref<80xi32, #tpu.memory_space<vmem>>
      %dma_wait3A_69 = arith.constant 0 : i32
      %dma_wait3A_70 = arith.constant 0 : i32
      %dma_wait3A_71 = tpu.memref_slice %arg4[%dma_wait3A_69, %dma_wait3A_70] : memref<10000x128xf32, #tpu.memory_space<hbm>> -> memref<10000x128xf32, #tpu.memory_space<hbm>>
      tpu.wait_indirect_dma semaphore(%arg15 : memref<!tpu.dma_semaphore, #tpu.memory_space<semaphore_mem>>) src(%dma_wait3A_71 : memref<10000x128xf32, #tpu.memory_space<hbm>>) dst(%arg11 : memref<80x128xf32, #tpu.memory_space<vmem>>)
      %dma_start3A_72 = arith.constant 1 : i32
      %dma_start3A_73 = arith.constant 0 : i32
      %dma_start3A_74 = tpu.memref_slice %arg9[%dma_start3A_72, %dma_start3A_73] : memref<16x80xi32, #tpu.memory_space<vmem>> -> memref<1x80xi32, #tpu.memory_space<vmem>>
      %dma_start3A_75 = tpu.memref_squeeze %dma_start3A_74 : memref<1x80xi32, #tpu.memory_space<vmem>> -> memref<80xi32, #tpu.memory_space<vmem>>
      %dma_start3A_76 = arith.constant 0 : i32
      %dma_start3A_77 = arith.constant 0 : i32
      %dma_start3A_78 = tpu.memref_slice %arg13[%dma_start3A_76, %dma_start3A_77] : memref<10112x128xf32, #tpu.memory_space<vmem_shared>> -> memref<10112x128xf32, #tpu.memory_space<vmem_shared>>
      tpu.enqueue_indirect_dma source(%arg11 : memref<80x128xf32, #tpu.memory_space<vmem>>) target(%dma_start3A_78 : memref<10112x128xf32, #tpu.memory_space<vmem_shared>>) offsets(%dma_start3A_75 : memref<80xi32, #tpu.memory_space<vmem>>) semaphore(%arg17 : memref<!tpu.dma_semaphore, #tpu.memory_space<semaphore_mem>>) {add = true}
      %dma_wait3A_79 = arith.constant 1 : i32
      %dma_wait3A_80 = arith.constant 0 : i32
      %dma_wait3A_81 = tpu.memref_slice %arg9[%dma_wait3A_79, %dma_wait3A_80] : memref<16x80xi32, #tpu.memory_space<vmem>> -> memref<1x80xi32, #tpu.memory_space<vmem>>
      %dma_wait3A_82 = tpu.memref_squeeze %dma_wait3A_81 : memref<1x80xi32, #tpu.memory_space<vmem>> -> memref<80xi32, #tpu.memory_space<vmem>>
      %dma_wait3A_83 = arith.constant 0 : i32
      %dma_wait3A_84 = arith.constant 0 : i32
      %dma_wait3A_85 = tpu.memref_slice %arg13[%dma_wait3A_83, %dma_wait3A_84] : memref<10112x128xf32, #tpu.memory_space<vmem_shared>> -> memref<10112x128xf32, #tpu.memory_space<vmem_shared>>
      tpu.wait_indirect_dma semaphore(%arg17 : memref<!tpu.dma_semaphore, #tpu.memory_space<semaphore_mem>>) src(%arg11 : memref<80x128xf32, #tpu.memory_space<vmem>>) dst(%dma_wait3A_85 : memref<10112x128xf32, #tpu.memory_space<vmem_shared>>)
      %dma_start3A_86 = arith.constant 3 : i32
      %dma_start3A_87 = arith.constant 0 : i32
      %dma_start3A_88 = tpu.memref_slice %arg8[%dma_start3A_86, %dma_start3A_87] : memref<16x80xi32, #tpu.memory_space<vmem>> -> memref<1x80xi32, #tpu.memory_space<vmem>>
      %dma_start3A_89 = tpu.memref_squeeze %dma_start3A_88 : memref<1x80xi32, #tpu.memory_space<vmem>> -> memref<80xi32, #tpu.memory_space<vmem>>
      %dma_start3A_90 = arith.constant 0 : i32
      %dma_start3A_91 = arith.constant 0 : i32
      %dma_start3A_92 = tpu.memref_slice %arg4[%dma_start3A_90, %dma_start3A_91] : memref<10000x128xf32, #tpu.memory_space<hbm>> -> memref<10000x128xf32, #tpu.memory_space<hbm>>
      tpu.enqueue_indirect_dma source(%dma_start3A_92 : memref<10000x128xf32, #tpu.memory_space<hbm>>) target(%arg11 : memref<80x128xf32, #tpu.memory_space<vmem>>) offsets(%dma_start3A_89 : memref<80xi32, #tpu.memory_space<vmem>>) semaphore(%arg15 : memref<!tpu.dma_semaphore, #tpu.memory_space<semaphore_mem>>)
      %dma_wait3A_93 = arith.constant 2 : i32
      %dma_wait3A_94 = arith.constant 0 : i32
      %dma_wait3A_95 = tpu.memref_slice %arg8[%dma_wait3A_93, %dma_wait3A_94] : memref<16x80xi32, #tpu.memory_space<vmem>> -> memref<1x80xi32, #tpu.memory_space<vmem>>
      %dma_wait3A_96 = tpu.memref_squeeze %dma_wait3A_95 : memref<1x80xi32, #tpu.memory_space<vmem>> -> memref<80xi32, #tpu.memory_space<vmem>>
      %dma_wait3A_97 = arith.constant 0 : i32
      %dma_wait3A_98 = arith.constant 0 : i32
      %dma_wait3A_99 = tpu.memref_slice %arg4[%dma_wait3A_97, %dma_wait3A_98] : memref<10000x128xf32, #tpu.memory_space<hbm>> -> memref<10000x128xf32, #tpu.memory_space<hbm>>
      tpu.wait_indirect_dma semaphore(%arg14 : memref<!tpu.dma_semaphore, #tpu.memory_space<semaphore_mem>>) src(%dma_wait3A_99 : memref<10000x128xf32, #tpu.memory_space<hbm>>) dst(%arg10 : memref<80x128xf32, #tpu.memory_space<vmem>>)
      %dma_start3A_100 = arith.constant 2 : i32
      %dma_start3A_101 = arith.constant 0 : i32
      %dma_start3A_102 = tpu.memref_slice %arg9[%dma_start3A_100, %dma_start3A_101] : memref<16x80xi32, #tpu.memory_space<vmem>> -> memref<1x80xi32, #tpu.memory_space<vmem>>
      %dma_start3A_103 = tpu.memref_squeeze %dma_start3A_102 : memref<1x80xi32, #tpu.memory_space<vmem>> -> memref<80xi32, #tpu.memory_space<vmem>>
      %dma_start3A_104 = arith.constant 0 : i32
      %dma_start3A_105 = arith.constant 0 : i32
      %dma_start3A_106 = tpu.memref_slice %arg13[%dma_start3A_104, %dma_start3A_105] : memref<10112x128xf32, #tpu.memory_space<vmem_shared>> -> memref<10112x128xf32, #tpu.memory_space<vmem_shared>>
      tpu.enqueue_indirect_dma source(%arg10 : memref<80x128xf32, #tpu.memory_space<vmem>>) target(%dma_start3A_106 : memref<10112x128xf32, #tpu.memory_space<vmem_shared>>) offsets(%dma_start3A_103 : memref<80xi32, #tpu.memory_space<vmem>>) semaphore(%arg16 : memref<!tpu.dma_semaphore, #tpu.memory_space<semaphore_mem>>) {add = true}
      %dma_wait3A_107 = arith.constant 2 : i32
      %dma_wait3A_108 = arith.constant 0 : i32
      %dma_wait3A_109 = tpu.memref_slice %arg9[%dma_wait3A_107, %dma_wait3A_108] : memref<16x80xi32, #tpu.memory_space<vmem>> -> memref<1x80xi32, #tpu.memory_space<vmem>>
      %dma_wait3A_110 = tpu.memref_squeeze %dma_wait3A_109 : memref<1x80xi32, #tpu.memory_space<vmem>> -> memref<80xi32, #tpu.memory_space<vmem>>
      %dma_wait3A_111 = arith.constant 0 : i32
      %dma_wait3A_112 = arith.constant 0 : i32
      %dma_wait3A_113 = tpu.memref_slice %arg13[%dma_wait3A_111, %dma_wait3A_112] : memref<10112x128xf32, #tpu.memory_space<vmem_shared>> -> memref<10112x128xf32, #tpu.memory_space<vmem_shared>>
      tpu.wait_indirect_dma semaphore(%arg16 : memref<!tpu.dma_semaphore, #tpu.memory_space<semaphore_mem>>) src(%arg10 : memref<80x128xf32, #tpu.memory_space<vmem>>) dst(%dma_wait3A_113 : memref<10112x128xf32, #tpu.memory_space<vmem_shared>>)
      %dma_start3A_114 = arith.constant 4 : i32
      %dma_start3A_115 = arith.constant 0 : i32
      %dma_start3A_116 = tpu.memref_slice %arg8[%dma_start3A_114, %dma_start3A_115] : memref<16x80xi32, #tpu.memory_space<vmem>> -> memref<1x80xi32, #tpu.memory_space<vmem>>
      %dma_start3A_117 = tpu.memref_squeeze %dma_start3A_116 : memref<1x80xi32, #tpu.memory_space<vmem>> -> memref<80xi32, #tpu.memory_space<vmem>>
      %dma_start3A_118 = arith.constant 0 : i32
      %dma_start3A_119 = arith.constant 0 : i32
      %dma_start3A_120 = tpu.memref_slice %arg4[%dma_start3A_118, %dma_start3A_119] : memref<10000x128xf32, #tpu.memory_space<hbm>> -> memref<10000x128xf32, #tpu.memory_space<hbm>>
      tpu.enqueue_indirect_dma source(%dma_start3A_120 : memref<10000x128xf32, #tpu.memory_space<hbm>>) target(%arg10 : memref<80x128xf32, #tpu.memory_space<vmem>>) offsets(%dma_start3A_117 : memref<80xi32, #tpu.memory_space<vmem>>) semaphore(%arg14 : memref<!tpu.dma_semaphore, #tpu.memory_space<semaphore_mem>>)
      %dma_wait3A_121 = arith.constant 3 : i32
      %dma_wait3A_122 = arith.constant 0 : i32
      %dma_wait3A_123 = tpu.memref_slice %arg8[%dma_wait3A_121, %dma_wait3A_122] : memref<16x80xi32, #tpu.memory_space<vmem>> -> memref<1x80xi32, #tpu.memory_space<vmem>>
      %dma_wait3A_124 = tpu.memref_squeeze %dma_wait3A_123 : memref<1x80xi32, #tpu.memory_space<vmem>> -> memref<80xi32, #tpu.memory_space<vmem>>
      %dma_wait3A_125 = arith.constant 0 : i32
      %dma_wait3A_126 = arith.constant 0 : i32
      %dma_wait3A_127 = tpu.memref_slice %arg4[%dma_wait3A_125, %dma_wait3A_126] : memref<10000x128xf32, #tpu.memory_space<hbm>> -> memref<10000x128xf32, #tpu.memory_space<hbm>>
      tpu.wait_indirect_dma semaphore(%arg15 : memref<!tpu.dma_semaphore, #tpu.memory_space<semaphore_mem>>) src(%dma_wait3A_127 : memref<10000x128xf32, #tpu.memory_space<hbm>>) dst(%arg11 : memref<80x128xf32, #tpu.memory_space<vmem>>)
      %dma_start3A_128 = arith.constant 3 : i32
      %dma_start3A_129 = arith.constant 0 : i32
      %dma_start3A_130 = tpu.memref_slice %arg9[%dma_start3A_128, %dma_start3A_129] : memref<16x80xi32, #tpu.memory_space<vmem>> -> memref<1x80xi32, #tpu.memory_space<vmem>>
      %dma_start3A_131 = tpu.memref_squeeze %dma_start3A_130 : memref<1x80xi32, #tpu.memory_space<vmem>> -> memref<80xi32, #tpu.memory_space<vmem>>
      %dma_start3A_132 = arith.constant 0 : i32
      %dma_start3A_133 = arith.constant 0 : i32
      %dma_start3A_134 = tpu.memref_slice %arg13[%dma_start3A_132, %dma_start3A_133] : memref<10112x128xf32, #tpu.memory_space<vmem_shared>> -> memref<10112x128xf32, #tpu.memory_space<vmem_shared>>
      tpu.enqueue_indirect_dma source(%arg11 : memref<80x128xf32, #tpu.memory_space<vmem>>) target(%dma_start3A_134 : memref<10112x128xf32, #tpu.memory_space<vmem_shared>>) offsets(%dma_start3A_131 : memref<80xi32, #tpu.memory_space<vmem>>) semaphore(%arg17 : memref<!tpu.dma_semaphore, #tpu.memory_space<semaphore_mem>>) {add = true}
      %dma_wait3A_135 = arith.constant 3 : i32
      %dma_wait3A_136 = arith.constant 0 : i32
      %dma_wait3A_137 = tpu.memref_slice %arg9[%dma_wait3A_135, %dma_wait3A_136] : memref<16x80xi32, #tpu.memory_space<vmem>> -> memref<1x80xi32, #tpu.memory_space<vmem>>
      %dma_wait3A_138 = tpu.memref_squeeze %dma_wait3A_137 : memref<1x80xi32, #tpu.memory_space<vmem>> -> memref<80xi32, #tpu.memory_space<vmem>>
      %dma_wait3A_139 = arith.constant 0 : i32
      %dma_wait3A_140 = arith.constant 0 : i32
      %dma_wait3A_141 = tpu.memref_slice %arg13[%dma_wait3A_139, %dma_wait3A_140] : memref<10112x128xf32, #tpu.memory_space<vmem_shared>> -> memref<10112x128xf32, #tpu.memory_space<vmem_shared>>
      tpu.wait_indirect_dma semaphore(%arg17 : memref<!tpu.dma_semaphore, #tpu.memory_space<semaphore_mem>>) src(%arg11 : memref<80x128xf32, #tpu.memory_space<vmem>>) dst(%dma_wait3A_141 : memref<10112x128xf32, #tpu.memory_space<vmem_shared>>)
      %dma_start3A_142 = arith.constant 5 : i32
      %dma_start3A_143 = arith.constant 0 : i32
      %dma_start3A_144 = tpu.memref_slice %arg8[%dma_start3A_142, %dma_start3A_143] : memref<16x80xi32, #tpu.memory_space<vmem>> -> memref<1x80xi32, #tpu.memory_space<vmem>>
      %dma_start3A_145 = tpu.memref_squeeze %dma_start3A_144 : memref<1x80xi32, #tpu.memory_space<vmem>> -> memref<80xi32, #tpu.memory_space<vmem>>
      %dma_start3A_146 = arith.constant 0 : i32
      %dma_start3A_147 = arith.constant 0 : i32
      %dma_start3A_148 = tpu.memref_slice %arg4[%dma_start3A_146, %dma_start3A_147] : memref<10000x128xf32, #tpu.memory_space<hbm>> -> memref<10000x128xf32, #tpu.memory_space<hbm>>
      tpu.enqueue_indirect_dma source(%dma_start3A_148 : memref<10000x128xf32, #tpu.memory_space<hbm>>) target(%arg11 : memref<80x128xf32, #tpu.memory_space<vmem>>) offsets(%dma_start3A_145 : memref<80xi32, #tpu.memory_space<vmem>>) semaphore(%arg15 : memref<!tpu.dma_semaphore, #tpu.memory_space<semaphore_mem>>)
      %dma_wait3A_149 = arith.constant 4 : i32
      %dma_wait3A_150 = arith.constant 0 : i32
      %dma_wait3A_151 = tpu.memref_slice %arg8[%dma_wait3A_149, %dma_wait3A_150] : memref<16x80xi32, #tpu.memory_space<vmem>> -> memref<1x80xi32, #tpu.memory_space<vmem>>
      %dma_wait3A_152 = tpu.memref_squeeze %dma_wait3A_151 : memref<1x80xi32, #tpu.memory_space<vmem>> -> memref<80xi32, #tpu.memory_space<vmem>>
      %dma_wait3A_153 = arith.constant 0 : i32
      %dma_wait3A_154 = arith.constant 0 : i32
      %dma_wait3A_155 = tpu.memref_slice %arg4[%dma_wait3A_153, %dma_wait3A_154] : memref<10000x128xf32, #tpu.memory_space<hbm>> -> memref<10000x128xf32, #tpu.memory_space<hbm>>
      tpu.wait_indirect_dma semaphore(%arg14 : memref<!tpu.dma_semaphore, #tpu.memory_space<semaphore_mem>>) src(%dma_wait3A_155 : memref<10000x128xf32, #tpu.memory_space<hbm>>) dst(%arg10 : memref<80x128xf32, #tpu.memory_space<vmem>>)
      %dma_start3A_156 = arith.constant 4 : i32
      %dma_start3A_157 = arith.constant 0 : i32
      %dma_start3A_158 = tpu.memref_slice %arg9[%dma_start3A_156, %dma_start3A_157] : memref<16x80xi32, #tpu.memory_space<vmem>> -> memref<1x80xi32, #tpu.memory_space<vmem>>
      %dma_start3A_159 = tpu.memref_squeeze %dma_start3A_158 : memref<1x80xi32, #tpu.memory_space<vmem>> -> memref<80xi32, #tpu.memory_space<vmem>>
      %dma_start3A_160 = arith.constant 0 : i32
      %dma_start3A_161 = arith.constant 0 : i32
      %dma_start3A_162 = tpu.memref_slice %arg13[%dma_start3A_160, %dma_start3A_161] : memref<10112x128xf32, #tpu.memory_space<vmem_shared>> -> memref<10112x128xf32, #tpu.memory_space<vmem_shared>>
      tpu.enqueue_indirect_dma source(%arg10 : memref<80x128xf32, #tpu.memory_space<vmem>>) target(%dma_start3A_162 : memref<10112x128xf32, #tpu.memory_space<vmem_shared>>) offsets(%dma_start3A_159 : memref<80xi32, #tpu.memory_space<vmem>>) semaphore(%arg16 : memref<!tpu.dma_semaphore, #tpu.memory_space<semaphore_mem>>) {add = true}
      %dma_wait3A_163 = arith.constant 4 : i32
      %dma_wait3A_164 = arith.constant 0 : i32
      %dma_wait3A_165 = tpu.memref_slice %arg9[%dma_wait3A_163, %dma_wait3A_164] : memref<16x80xi32, #tpu.memory_space<vmem>> -> memref<1x80xi32, #tpu.memory_space<vmem>>
      %dma_wait3A_166 = tpu.memref_squeeze %dma_wait3A_165 : memref<1x80xi32, #tpu.memory_space<vmem>> -> memref<80xi32, #tpu.memory_space<vmem>>
      %dma_wait3A_167 = arith.constant 0 : i32
      %dma_wait3A_168 = arith.constant 0 : i32
      %dma_wait3A_169 = tpu.memref_slice %arg13[%dma_wait3A_167, %dma_wait3A_168] : memref<10112x128xf32, #tpu.memory_space<vmem_shared>> -> memref<10112x128xf32, #tpu.memory_space<vmem_shared>>
      tpu.wait_indirect_dma semaphore(%arg16 : memref<!tpu.dma_semaphore, #tpu.memory_space<semaphore_mem>>) src(%arg10 : memref<80x128xf32, #tpu.memory_space<vmem>>) dst(%dma_wait3A_169 : memref<10112x128xf32, #tpu.memory_space<vmem_shared>>)
      %dma_start3A_170 = arith.constant 6 : i32
      %dma_start3A_171 = arith.constant 0 : i32
      %dma_start3A_172 = tpu.memref_slice %arg8[%dma_start3A_170, %dma_start3A_171] : memref<16x80xi32, #tpu.memory_space<vmem>> -> memref<1x80xi32, #tpu.memory_space<vmem>>
      %dma_start3A_173 = tpu.memref_squeeze %dma_start3A_172 : memref<1x80xi32, #tpu.memory_space<vmem>> -> memref<80xi32, #tpu.memory_space<vmem>>
      %dma_start3A_174 = arith.constant 0 : i32
      %dma_start3A_175 = arith.constant 0 : i32
      %dma_start3A_176 = tpu.memref_slice %arg4[%dma_start3A_174, %dma_start3A_175] : memref<10000x128xf32, #tpu.memory_space<hbm>> -> memref<10000x128xf32, #tpu.memory_space<hbm>>
      tpu.enqueue_indirect_dma source(%dma_start3A_176 : memref<10000x128xf32, #tpu.memory_space<hbm>>) target(%arg10 : memref<80x128xf32, #tpu.memory_space<vmem>>) offsets(%dma_start3A_173 : memref<80xi32, #tpu.memory_space<vmem>>) semaphore(%arg14 : memref<!tpu.dma_semaphore, #tpu.memory_space<semaphore_mem>>)
      %dma_wait3A_177 = arith.constant 5 : i32
      %dma_wait3A_178 = arith.constant 0 : i32
      %dma_wait3A_179 = tpu.memref_slice %arg8[%dma_wait3A_177, %dma_wait3A_178] : memref<16x80xi32, #tpu.memory_space<vmem>> -> memref<1x80xi32, #tpu.memory_space<vmem>>
      %dma_wait3A_180 = tpu.memref_squeeze %dma_wait3A_179 : memref<1x80xi32, #tpu.memory_space<vmem>> -> memref<80xi32, #tpu.memory_space<vmem>>
      %dma_wait3A_181 = arith.constant 0 : i32
      %dma_wait3A_182 = arith.constant 0 : i32
      %dma_wait3A_183 = tpu.memref_slice %arg4[%dma_wait3A_181, %dma_wait3A_182] : memref<10000x128xf32, #tpu.memory_space<hbm>> -> memref<10000x128xf32, #tpu.memory_space<hbm>>
      tpu.wait_indirect_dma semaphore(%arg15 : memref<!tpu.dma_semaphore, #tpu.memory_space<semaphore_mem>>) src(%dma_wait3A_183 : memref<10000x128xf32, #tpu.memory_space<hbm>>) dst(%arg11 : memref<80x128xf32, #tpu.memory_space<vmem>>)
      %dma_start3A_184 = arith.constant 5 : i32
      %dma_start3A_185 = arith.constant 0 : i32
      %dma_start3A_186 = tpu.memref_slice %arg9[%dma_start3A_184, %dma_start3A_185] : memref<16x80xi32, #tpu.memory_space<vmem>> -> memref<1x80xi32, #tpu.memory_space<vmem>>
      %dma_start3A_187 = tpu.memref_squeeze %dma_start3A_186 : memref<1x80xi32, #tpu.memory_space<vmem>> -> memref<80xi32, #tpu.memory_space<vmem>>
      %dma_start3A_188 = arith.constant 0 : i32
      %dma_start3A_189 = arith.constant 0 : i32
      %dma_start3A_190 = tpu.memref_slice %arg13[%dma_start3A_188, %dma_start3A_189] : memref<10112x128xf32, #tpu.memory_space<vmem_shared>> -> memref<10112x128xf32, #tpu.memory_space<vmem_shared>>
      tpu.enqueue_indirect_dma source(%arg11 : memref<80x128xf32, #tpu.memory_space<vmem>>) target(%dma_start3A_190 : memref<10112x128xf32, #tpu.memory_space<vmem_shared>>) offsets(%dma_start3A_187 : memref<80xi32, #tpu.memory_space<vmem>>) semaphore(%arg17 : memref<!tpu.dma_semaphore, #tpu.memory_space<semaphore_mem>>) {add = true}
      %dma_wait3A_191 = arith.constant 5 : i32
      %dma_wait3A_192 = arith.constant 0 : i32
      %dma_wait3A_193 = tpu.memref_slice %arg9[%dma_wait3A_191, %dma_wait3A_192] : memref<16x80xi32, #tpu.memory_space<vmem>> -> memref<1x80xi32, #tpu.memory_space<vmem>>
      %dma_wait3A_194 = tpu.memref_squeeze %dma_wait3A_193 : memref<1x80xi32, #tpu.memory_space<vmem>> -> memref<80xi32, #tpu.memory_space<vmem>>
      %dma_wait3A_195 = arith.constant 0 : i32
      %dma_wait3A_196 = arith.constant 0 : i32
      %dma_wait3A_197 = tpu.memref_slice %arg13[%dma_wait3A_195, %dma_wait3A_196] : memref<10112x128xf32, #tpu.memory_space<vmem_shared>> -> memref<10112x128xf32, #tpu.memory_space<vmem_shared>>
      tpu.wait_indirect_dma semaphore(%arg17 : memref<!tpu.dma_semaphore, #tpu.memory_space<semaphore_mem>>) src(%arg11 : memref<80x128xf32, #tpu.memory_space<vmem>>) dst(%dma_wait3A_197 : memref<10112x128xf32, #tpu.memory_space<vmem_shared>>)
      %dma_start3A_198 = arith.constant 7 : i32
      %dma_start3A_199 = arith.constant 0 : i32
      %dma_start3A_200 = tpu.memref_slice %arg8[%dma_start3A_198, %dma_start3A_199] : memref<16x80xi32, #tpu.memory_space<vmem>> -> memref<1x80xi32, #tpu.memory_space<vmem>>
      %dma_start3A_201 = tpu.memref_squeeze %dma_start3A_200 : memref<1x80xi32, #tpu.memory_space<vmem>> -> memref<80xi32, #tpu.memory_space<vmem>>
      %dma_start3A_202 = arith.constant 0 : i32
      %dma_start3A_203 = arith.constant 0 : i32
      %dma_start3A_204 = tpu.memref_slice %arg4[%dma_start3A_202, %dma_start3A_203] : memref<10000x128xf32, #tpu.memory_space<hbm>> -> memref<10000x128xf32, #tpu.memory_space<hbm>>
      tpu.enqueue_indirect_dma source(%dma_start3A_204 : memref<10000x128xf32, #tpu.memory_space<hbm>>) target(%arg11 : memref<80x128xf32, #tpu.memory_space<vmem>>) offsets(%dma_start3A_201 : memref<80xi32, #tpu.memory_space<vmem>>) semaphore(%arg15 : memref<!tpu.dma_semaphore, #tpu.memory_space<semaphore_mem>>)
      %dma_wait3A_205 = arith.constant 6 : i32
      %dma_wait3A_206 = arith.constant 0 : i32
      %dma_wait3A_207 = tpu.memref_slice %arg8[%dma_wait3A_205, %dma_wait3A_206] : memref<16x80xi32, #tpu.memory_space<vmem>> -> memref<1x80xi32, #tpu.memory_space<vmem>>
      %dma_wait3A_208 = tpu.memref_squeeze %dma_wait3A_207 : memref<1x80xi32, #tpu.memory_space<vmem>> -> memref<80xi32, #tpu.memory_space<vmem>>
      %dma_wait3A_209 = arith.constant 0 : i32
      %dma_wait3A_210 = arith.constant 0 : i32
      %dma_wait3A_211 = tpu.memref_slice %arg4[%dma_wait3A_209, %dma_wait3A_210] : memref<10000x128xf32, #tpu.memory_space<hbm>> -> memref<10000x128xf32, #tpu.memory_space<hbm>>
      tpu.wait_indirect_dma semaphore(%arg14 : memref<!tpu.dma_semaphore, #tpu.memory_space<semaphore_mem>>) src(%dma_wait3A_211 : memref<10000x128xf32, #tpu.memory_space<hbm>>) dst(%arg10 : memref<80x128xf32, #tpu.memory_space<vmem>>)
      %dma_start3A_212 = arith.constant 6 : i32
      %dma_start3A_213 = arith.constant 0 : i32
      %dma_start3A_214 = tpu.memref_slice %arg9[%dma_start3A_212, %dma_start3A_213] : memref<16x80xi32, #tpu.memory_space<vmem>> -> memref<1x80xi32, #tpu.memory_space<vmem>>
      %dma_start3A_215 = tpu.memref_squeeze %dma_start3A_214 : memref<1x80xi32, #tpu.memory_space<vmem>> -> memref<80xi32, #tpu.memory_space<vmem>>
      %dma_start3A_216 = arith.constant 0 : i32
      %dma_start3A_217 = arith.constant 0 : i32
      %dma_start3A_218 = tpu.memref_slice %arg13[%dma_start3A_216, %dma_start3A_217] : memref<10112x128xf32, #tpu.memory_space<vmem_shared>> -> memref<10112x128xf32, #tpu.memory_space<vmem_shared>>
      tpu.enqueue_indirect_dma source(%arg10 : memref<80x128xf32, #tpu.memory_space<vmem>>) target(%dma_start3A_218 : memref<10112x128xf32, #tpu.memory_space<vmem_shared>>) offsets(%dma_start3A_215 : memref<80xi32, #tpu.memory_space<vmem>>) semaphore(%arg16 : memref<!tpu.dma_semaphore, #tpu.memory_space<semaphore_mem>>) {add = true}
      %dma_wait3A_219 = arith.constant 6 : i32
      %dma_wait3A_220 = arith.constant 0 : i32
      %dma_wait3A_221 = tpu.memref_slice %arg9[%dma_wait3A_219, %dma_wait3A_220] : memref<16x80xi32, #tpu.memory_space<vmem>> -> memref<1x80xi32, #tpu.memory_space<vmem>>
      %dma_wait3A_222 = tpu.memref_squeeze %dma_wait3A_221 : memref<1x80xi32, #tpu.memory_space<vmem>> -> memref<80xi32, #tpu.memory_space<vmem>>
      %dma_wait3A_223 = arith.constant 0 : i32
      %dma_wait3A_224 = arith.constant 0 : i32
      %dma_wait3A_225 = tpu.memref_slice %arg13[%dma_wait3A_223, %dma_wait3A_224] : memref<10112x128xf32, #tpu.memory_space<vmem_shared>> -> memref<10112x128xf32, #tpu.memory_space<vmem_shared>>
      tpu.wait_indirect_dma semaphore(%arg16 : memref<!tpu.dma_semaphore, #tpu.memory_space<semaphore_mem>>) src(%arg10 : memref<80x128xf32, #tpu.memory_space<vmem>>) dst(%dma_wait3A_225 : memref<10112x128xf32, #tpu.memory_space<vmem_shared>>)
      %dma_start3A_226 = arith.constant 8 : i32
      %dma_start3A_227 = arith.constant 0 : i32
      %dma_start3A_228 = tpu.memref_slice %arg8[%dma_start3A_226, %dma_start3A_227] : memref<16x80xi32, #tpu.memory_space<vmem>> -> memref<1x80xi32, #tpu.memory_space<vmem>>
      %dma_start3A_229 = tpu.memref_squeeze %dma_start3A_228 : memref<1x80xi32, #tpu.memory_space<vmem>> -> memref<80xi32, #tpu.memory_space<vmem>>
      %dma_start3A_230 = arith.constant 0 : i32
      %dma_start3A_231 = arith.constant 0 : i32
      %dma_start3A_232 = tpu.memref_slice %arg4[%dma_start3A_230, %dma_start3A_231] : memref<10000x128xf32, #tpu.memory_space<hbm>> -> memref<10000x128xf32, #tpu.memory_space<hbm>>
      tpu.enqueue_indirect_dma source(%dma_start3A_232 : memref<10000x128xf32, #tpu.memory_space<hbm>>) target(%arg10 : memref<80x128xf32, #tpu.memory_space<vmem>>) offsets(%dma_start3A_229 : memref<80xi32, #tpu.memory_space<vmem>>) semaphore(%arg14 : memref<!tpu.dma_semaphore, #tpu.memory_space<semaphore_mem>>)
      %dma_wait3A_233 = arith.constant 7 : i32
      %dma_wait3A_234 = arith.constant 0 : i32
      %dma_wait3A_235 = tpu.memref_slice %arg8[%dma_wait3A_233, %dma_wait3A_234] : memref<16x80xi32, #tpu.memory_space<vmem>> -> memref<1x80xi32, #tpu.memory_space<vmem>>
      %dma_wait3A_236 = tpu.memref_squeeze %dma_wait3A_235 : memref<1x80xi32, #tpu.memory_space<vmem>> -> memref<80xi32, #tpu.memory_space<vmem>>
      %dma_wait3A_237 = arith.constant 0 : i32
      %dma_wait3A_238 = arith.constant 0 : i32
      %dma_wait3A_239 = tpu.memref_slice %arg4[%dma_wait3A_237, %dma_wait3A_238] : memref<10000x128xf32, #tpu.memory_space<hbm>> -> memref<10000x128xf32, #tpu.memory_space<hbm>>
      tpu.wait_indirect_dma semaphore(%arg15 : memref<!tpu.dma_semaphore, #tpu.memory_space<semaphore_mem>>) src(%dma_wait3A_239 : memref<10000x128xf32, #tpu.memory_space<hbm>>) dst(%arg11 : memref<80x128xf32, #tpu.memory_space<vmem>>)
      %dma_start3A_240 = arith.constant 7 : i32
      %dma_start3A_241 = arith.constant 0 : i32
      %dma_start3A_242 = tpu.memref_slice %arg9[%dma_start3A_240, %dma_start3A_241] : memref<16x80xi32, #tpu.memory_space<vmem>> -> memref<1x80xi32, #tpu.memory_space<vmem>>
      %dma_start3A_243 = tpu.memref_squeeze %dma_start3A_242 : memref<1x80xi32, #tpu.memory_space<vmem>> -> memref<80xi32, #tpu.memory_space<vmem>>
      %dma_start3A_244 = arith.constant 0 : i32
      %dma_start3A_245 = arith.constant 0 : i32
      %dma_start3A_246 = tpu.memref_slice %arg13[%dma_start3A_244, %dma_start3A_245] : memref<10112x128xf32, #tpu.memory_space<vmem_shared>> -> memref<10112x128xf32, #tpu.memory_space<vmem_shared>>
      tpu.enqueue_indirect_dma source(%arg11 : memref<80x128xf32, #tpu.memory_space<vmem>>) target(%dma_start3A_246 : memref<10112x128xf32, #tpu.memory_space<vmem_shared>>) offsets(%dma_start3A_243 : memref<80xi32, #tpu.memory_space<vmem>>) semaphore(%arg17 : memref<!tpu.dma_semaphore, #tpu.memory_space<semaphore_mem>>) {add = true}
      %dma_wait3A_247 = arith.constant 7 : i32
      %dma_wait3A_248 = arith.constant 0 : i32
      %dma_wait3A_249 = tpu.memref_slice %arg9[%dma_wait3A_247, %dma_wait3A_248] : memref<16x80xi32, #tpu.memory_space<vmem>> -> memref<1x80xi32, #tpu.memory_space<vmem>>
      %dma_wait3A_250 = tpu.memref_squeeze %dma_wait3A_249 : memref<1x80xi32, #tpu.memory_space<vmem>> -> memref<80xi32, #tpu.memory_space<vmem>>
      %dma_wait3A_251 = arith.constant 0 : i32
      %dma_wait3A_252 = arith.constant 0 : i32
      %dma_wait3A_253 = tpu.memref_slice %arg13[%dma_wait3A_251, %dma_wait3A_252] : memref<10112x128xf32, #tpu.memory_space<vmem_shared>> -> memref<10112x128xf32, #tpu.memory_space<vmem_shared>>
      tpu.wait_indirect_dma semaphore(%arg17 : memref<!tpu.dma_semaphore, #tpu.memory_space<semaphore_mem>>) src(%arg11 : memref<80x128xf32, #tpu.memory_space<vmem>>) dst(%dma_wait3A_253 : memref<10112x128xf32, #tpu.memory_space<vmem_shared>>)
      %dma_start3A_254 = arith.constant 9 : i32
      %dma_start3A_255 = arith.constant 0 : i32
      %dma_start3A_256 = tpu.memref_slice %arg8[%dma_start3A_254, %dma_start3A_255] : memref<16x80xi32, #tpu.memory_space<vmem>> -> memref<1x80xi32, #tpu.memory_space<vmem>>
      %dma_start3A_257 = tpu.memref_squeeze %dma_start3A_256 : memref<1x80xi32, #tpu.memory_space<vmem>> -> memref<80xi32, #tpu.memory_space<vmem>>
      %dma_start3A_258 = arith.constant 0 : i32
      %dma_start3A_259 = arith.constant 0 : i32
      %dma_start3A_260 = tpu.memref_slice %arg4[%dma_start3A_258, %dma_start3A_259] : memref<10000x128xf32, #tpu.memory_space<hbm>> -> memref<10000x128xf32, #tpu.memory_space<hbm>>
      tpu.enqueue_indirect_dma source(%dma_start3A_260 : memref<10000x128xf32, #tpu.memory_space<hbm>>) target(%arg11 : memref<80x128xf32, #tpu.memory_space<vmem>>) offsets(%dma_start3A_257 : memref<80xi32, #tpu.memory_space<vmem>>) semaphore(%arg15 : memref<!tpu.dma_semaphore, #tpu.memory_space<semaphore_mem>>)
      %dma_wait3A_261 = arith.constant 8 : i32
      %dma_wait3A_262 = arith.constant 0 : i32
      %dma_wait3A_263 = tpu.memref_slice %arg8[%dma_wait3A_261, %dma_wait3A_262] : memref<16x80xi32, #tpu.memory_space<vmem>> -> memref<1x80xi32, #tpu.memory_space<vmem>>
      %dma_wait3A_264 = tpu.memref_squeeze %dma_wait3A_263 : memref<1x80xi32, #tpu.memory_space<vmem>> -> memref<80xi32, #tpu.memory_space<vmem>>
      %dma_wait3A_265 = arith.constant 0 : i32
      %dma_wait3A_266 = arith.constant 0 : i32
      %dma_wait3A_267 = tpu.memref_slice %arg4[%dma_wait3A_265, %dma_wait3A_266] : memref<10000x128xf32, #tpu.memory_space<hbm>> -> memref<10000x128xf32, #tpu.memory_space<hbm>>
      tpu.wait_indirect_dma semaphore(%arg14 : memref<!tpu.dma_semaphore, #tpu.memory_space<semaphore_mem>>) src(%dma_wait3A_267 : memref<10000x128xf32, #tpu.memory_space<hbm>>) dst(%arg10 : memref<80x128xf32, #tpu.memory_space<vmem>>)
      %dma_start3A_268 = arith.constant 8 : i32
      %dma_start3A_269 = arith.constant 0 : i32
      %dma_start3A_270 = tpu.memref_slice %arg9[%dma_start3A_268, %dma_start3A_269] : memref<16x80xi32, #tpu.memory_space<vmem>> -> memref<1x80xi32, #tpu.memory_space<vmem>>
      %dma_start3A_271 = tpu.memref_squeeze %dma_start3A_270 : memref<1x80xi32, #tpu.memory_space<vmem>> -> memref<80xi32, #tpu.memory_space<vmem>>
      %dma_start3A_272 = arith.constant 0 : i32
      %dma_start3A_273 = arith.constant 0 : i32
      %dma_start3A_274 = tpu.memref_slice %arg13[%dma_start3A_272, %dma_start3A_273] : memref<10112x128xf32, #tpu.memory_space<vmem_shared>> -> memref<10112x128xf32, #tpu.memory_space<vmem_shared>>
      tpu.enqueue_indirect_dma source(%arg10 : memref<80x128xf32, #tpu.memory_space<vmem>>) target(%dma_start3A_274 : memref<10112x128xf32, #tpu.memory_space<vmem_shared>>) offsets(%dma_start3A_271 : memref<80xi32, #tpu.memory_space<vmem>>) semaphore(%arg16 : memref<!tpu.dma_semaphore, #tpu.memory_space<semaphore_mem>>) {add = true}
      %dma_wait3A_275 = arith.constant 8 : i32
      %dma_wait3A_276 = arith.constant 0 : i32
      %dma_wait3A_277 = tpu.memref_slice %arg9[%dma_wait3A_275, %dma_wait3A_276] : memref<16x80xi32, #tpu.memory_space<vmem>> -> memref<1x80xi32, #tpu.memory_space<vmem>>
      %dma_wait3A_278 = tpu.memref_squeeze %dma_wait3A_277 : memref<1x80xi32, #tpu.memory_space<vmem>> -> memref<80xi32, #tpu.memory_space<vmem>>
      %dma_wait3A_279 = arith.constant 0 : i32
      %dma_wait3A_280 = arith.constant 0 : i32
      %dma_wait3A_281 = tpu.memref_slice %arg13[%dma_wait3A_279, %dma_wait3A_280] : memref<10112x128xf32, #tpu.memory_space<vmem_shared>> -> memref<10112x128xf32, #tpu.memory_space<vmem_shared>>
      tpu.wait_indirect_dma semaphore(%arg16 : memref<!tpu.dma_semaphore, #tpu.memory_space<semaphore_mem>>) src(%arg10 : memref<80x128xf32, #tpu.memory_space<vmem>>) dst(%dma_wait3A_281 : memref<10112x128xf32, #tpu.memory_space<vmem_shared>>)
      %dma_start3A_282 = arith.constant 10 : i32
      %dma_start3A_283 = arith.constant 0 : i32
      %dma_start3A_284 = tpu.memref_slice %arg8[%dma_start3A_282, %dma_start3A_283] : memref<16x80xi32, #tpu.memory_space<vmem>> -> memref<1x80xi32, #tpu.memory_space<vmem>>
      %dma_start3A_285 = tpu.memref_squeeze %dma_start3A_284 : memref<1x80xi32, #tpu.memory_space<vmem>> -> memref<80xi32, #tpu.memory_space<vmem>>
      %dma_start3A_286 = arith.constant 0 : i32
      %dma_start3A_287 = arith.constant 0 : i32
      %dma_start3A_288 = tpu.memref_slice %arg4[%dma_start3A_286, %dma_start3A_287] : memref<10000x128xf32, #tpu.memory_space<hbm>> -> memref<10000x128xf32, #tpu.memory_space<hbm>>
      tpu.enqueue_indirect_dma source(%dma_start3A_288 : memref<10000x128xf32, #tpu.memory_space<hbm>>) target(%arg10 : memref<80x128xf32, #tpu.memory_space<vmem>>) offsets(%dma_start3A_285 : memref<80xi32, #tpu.memory_space<vmem>>) semaphore(%arg14 : memref<!tpu.dma_semaphore, #tpu.memory_space<semaphore_mem>>)
      %dma_wait3A_289 = arith.constant 9 : i32
      %dma_wait3A_290 = arith.constant 0 : i32
      %dma_wait3A_291 = tpu.memref_slice %arg8[%dma_wait3A_289, %dma_wait3A_290] : memref<16x80xi32, #tpu.memory_space<vmem>> -> memref<1x80xi32, #tpu.memory_space<vmem>>
      %dma_wait3A_292 = tpu.memref_squeeze %dma_wait3A_291 : memref<1x80xi32, #tpu.memory_space<vmem>> -> memref<80xi32, #tpu.memory_space<vmem>>
      %dma_wait3A_293 = arith.constant 0 : i32
      %dma_wait3A_294 = arith.constant 0 : i32
      %dma_wait3A_295 = tpu.memref_slice %arg4[%dma_wait3A_293, %dma_wait3A_294] : memref<10000x128xf32, #tpu.memory_space<hbm>> -> memref<10000x128xf32, #tpu.memory_space<hbm>>
      tpu.wait_indirect_dma semaphore(%arg15 : memref<!tpu.dma_semaphore, #tpu.memory_space<semaphore_mem>>) src(%dma_wait3A_295 : memref<10000x128xf32, #tpu.memory_space<hbm>>) dst(%arg11 : memref<80x128xf32, #tpu.memory_space<vmem>>)
      %dma_start3A_296 = arith.constant 9 : i32
      %dma_start3A_297 = arith.constant 0 : i32
      %dma_start3A_298 = tpu.memref_slice %arg9[%dma_start3A_296, %dma_start3A_297] : memref<16x80xi32, #tpu.memory_space<vmem>> -> memref<1x80xi32, #tpu.memory_space<vmem>>
      %dma_start3A_299 = tpu.memref_squeeze %dma_start3A_298 : memref<1x80xi32, #tpu.memory_space<vmem>> -> memref<80xi32, #tpu.memory_space<vmem>>
      %dma_start3A_300 = arith.constant 0 : i32
      %dma_start3A_301 = arith.constant 0 : i32
      %dma_start3A_302 = tpu.memref_slice %arg13[%dma_start3A_300, %dma_start3A_301] : memref<10112x128xf32, #tpu.memory_space<vmem_shared>> -> memref<10112x128xf32, #tpu.memory_space<vmem_shared>>
      tpu.enqueue_indirect_dma source(%arg11 : memref<80x128xf32, #tpu.memory_space<vmem>>) target(%dma_start3A_302 : memref<10112x128xf32, #tpu.memory_space<vmem_shared>>) offsets(%dma_start3A_299 : memref<80xi32, #tpu.memory_space<vmem>>) semaphore(%arg17 : memref<!tpu.dma_semaphore, #tpu.memory_space<semaphore_mem>>) {add = true}
      %dma_wait3A_303 = arith.constant 9 : i32
      %dma_wait3A_304 = arith.constant 0 : i32
      %dma_wait3A_305 = tpu.memref_slice %arg9[%dma_wait3A_303, %dma_wait3A_304] : memref<16x80xi32, #tpu.memory_space<vmem>> -> memref<1x80xi32, #tpu.memory_space<vmem>>
      %dma_wait3A_306 = tpu.memref_squeeze %dma_wait3A_305 : memref<1x80xi32, #tpu.memory_space<vmem>> -> memref<80xi32, #tpu.memory_space<vmem>>
      %dma_wait3A_307 = arith.constant 0 : i32
      %dma_wait3A_308 = arith.constant 0 : i32
      %dma_wait3A_309 = tpu.memref_slice %arg13[%dma_wait3A_307, %dma_wait3A_308] : memref<10112x128xf32, #tpu.memory_space<vmem_shared>> -> memref<10112x128xf32, #tpu.memory_space<vmem_shared>>
      tpu.wait_indirect_dma semaphore(%arg17 : memref<!tpu.dma_semaphore, #tpu.memory_space<semaphore_mem>>) src(%arg11 : memref<80x128xf32, #tpu.memory_space<vmem>>) dst(%dma_wait3A_309 : memref<10112x128xf32, #tpu.memory_space<vmem_shared>>)
      %dma_start3A_310 = arith.constant 11 : i32
      %dma_start3A_311 = arith.constant 0 : i32
      %dma_start3A_312 = tpu.memref_slice %arg8[%dma_start3A_310, %dma_start3A_311] : memref<16x80xi32, #tpu.memory_space<vmem>> -> memref<1x80xi32, #tpu.memory_space<vmem>>
      %dma_start3A_313 = tpu.memref_squeeze %dma_start3A_312 : memref<1x80xi32, #tpu.memory_space<vmem>> -> memref<80xi32, #tpu.memory_space<vmem>>
      %dma_start3A_314 = arith.constant 0 : i32
      %dma_start3A_315 = arith.constant 0 : i32
      %dma_start3A_316 = tpu.memref_slice %arg4[%dma_start3A_314, %dma_start3A_315] : memref<10000x128xf32, #tpu.memory_space<hbm>> -> memref<10000x128xf32, #tpu.memory_space<hbm>>
      tpu.enqueue_indirect_dma source(%dma_start3A_316 : memref<10000x128xf32, #tpu.memory_space<hbm>>) target(%arg11 : memref<80x128xf32, #tpu.memory_space<vmem>>) offsets(%dma_start3A_313 : memref<80xi32, #tpu.memory_space<vmem>>) semaphore(%arg15 : memref<!tpu.dma_semaphore, #tpu.memory_space<semaphore_mem>>)
      %dma_wait3A_317 = arith.constant 10 : i32
      %dma_wait3A_318 = arith.constant 0 : i32
      %dma_wait3A_319 = tpu.memref_slice %arg8[%dma_wait3A_317, %dma_wait3A_318] : memref<16x80xi32, #tpu.memory_space<vmem>> -> memref<1x80xi32, #tpu.memory_space<vmem>>
      %dma_wait3A_320 = tpu.memref_squeeze %dma_wait3A_319 : memref<1x80xi32, #tpu.memory_space<vmem>> -> memref<80xi32, #tpu.memory_space<vmem>>
      %dma_wait3A_321 = arith.constant 0 : i32
      %dma_wait3A_322 = arith.constant 0 : i32
      %dma_wait3A_323 = tpu.memref_slice %arg4[%dma_wait3A_321, %dma_wait3A_322] : memref<10000x128xf32, #tpu.memory_space<hbm>> -> memref<10000x128xf32, #tpu.memory_space<hbm>>
      tpu.wait_indirect_dma semaphore(%arg14 : memref<!tpu.dma_semaphore, #tpu.memory_space<semaphore_mem>>) src(%dma_wait3A_323 : memref<10000x128xf32, #tpu.memory_space<hbm>>) dst(%arg10 : memref<80x128xf32, #tpu.memory_space<vmem>>)
      %dma_start3A_324 = arith.constant 10 : i32
      %dma_start3A_325 = arith.constant 0 : i32
      %dma_start3A_326 = tpu.memref_slice %arg9[%dma_start3A_324, %dma_start3A_325] : memref<16x80xi32, #tpu.memory_space<vmem>> -> memref<1x80xi32, #tpu.memory_space<vmem>>
      %dma_start3A_327 = tpu.memref_squeeze %dma_start3A_326 : memref<1x80xi32, #tpu.memory_space<vmem>> -> memref<80xi32, #tpu.memory_space<vmem>>
      %dma_start3A_328 = arith.constant 0 : i32
      %dma_start3A_329 = arith.constant 0 : i32
      %dma_start3A_330 = tpu.memref_slice %arg13[%dma_start3A_328, %dma_start3A_329] : memref<10112x128xf32, #tpu.memory_space<vmem_shared>> -> memref<10112x128xf32, #tpu.memory_space<vmem_shared>>
      tpu.enqueue_indirect_dma source(%arg10 : memref<80x128xf32, #tpu.memory_space<vmem>>) target(%dma_start3A_330 : memref<10112x128xf32, #tpu.memory_space<vmem_shared>>) offsets(%dma_start3A_327 : memref<80xi32, #tpu.memory_space<vmem>>) semaphore(%arg16 : memref<!tpu.dma_semaphore, #tpu.memory_space<semaphore_mem>>) {add = true}
      %dma_wait3A_331 = arith.constant 10 : i32
      %dma_wait3A_332 = arith.constant 0 : i32
      %dma_wait3A_333 = tpu.memref_slice %arg9[%dma_wait3A_331, %dma_wait3A_332] : memref<16x80xi32, #tpu.memory_space<vmem>> -> memref<1x80xi32, #tpu.memory_space<vmem>>
      %dma_wait3A_334 = tpu.memref_squeeze %dma_wait3A_333 : memref<1x80xi32, #tpu.memory_space<vmem>> -> memref<80xi32, #tpu.memory_space<vmem>>
      %dma_wait3A_335 = arith.constant 0 : i32
      %dma_wait3A_336 = arith.constant 0 : i32
      %dma_wait3A_337 = tpu.memref_slice %arg13[%dma_wait3A_335, %dma_wait3A_336] : memref<10112x128xf32, #tpu.memory_space<vmem_shared>> -> memref<10112x128xf32, #tpu.memory_space<vmem_shared>>
      tpu.wait_indirect_dma semaphore(%arg16 : memref<!tpu.dma_semaphore, #tpu.memory_space<semaphore_mem>>) src(%arg10 : memref<80x128xf32, #tpu.memory_space<vmem>>) dst(%dma_wait3A_337 : memref<10112x128xf32, #tpu.memory_space<vmem_shared>>)
      %dma_start3A_338 = arith.constant 12 : i32
      %dma_start3A_339 = arith.constant 0 : i32
      %dma_start3A_340 = tpu.memref_slice %arg8[%dma_start3A_338, %dma_start3A_339] : memref<16x80xi32, #tpu.memory_space<vmem>> -> memref<1x80xi32, #tpu.memory_space<vmem>>
      %dma_start3A_341 = tpu.memref_squeeze %dma_start3A_340 : memref<1x80xi32, #tpu.memory_space<vmem>> -> memref<80xi32, #tpu.memory_space<vmem>>
      %dma_start3A_342 = arith.constant 0 : i32
      %dma_start3A_343 = arith.constant 0 : i32
      %dma_start3A_344 = tpu.memref_slice %arg4[%dma_start3A_342, %dma_start3A_343] : memref<10000x128xf32, #tpu.memory_space<hbm>> -> memref<10000x128xf32, #tpu.memory_space<hbm>>
      tpu.enqueue_indirect_dma source(%dma_start3A_344 : memref<10000x128xf32, #tpu.memory_space<hbm>>) target(%arg10 : memref<80x128xf32, #tpu.memory_space<vmem>>) offsets(%dma_start3A_341 : memref<80xi32, #tpu.memory_space<vmem>>) semaphore(%arg14 : memref<!tpu.dma_semaphore, #tpu.memory_space<semaphore_mem>>)
      %dma_wait3A_345 = arith.constant 11 : i32
      %dma_wait3A_346 = arith.constant 0 : i32
      %dma_wait3A_347 = tpu.memref_slice %arg8[%dma_wait3A_345, %dma_wait3A_346] : memref<16x80xi32, #tpu.memory_space<vmem>> -> memref<1x80xi32, #tpu.memory_space<vmem>>
      %dma_wait3A_348 = tpu.memref_squeeze %dma_wait3A_347 : memref<1x80xi32, #tpu.memory_space<vmem>> -> memref<80xi32, #tpu.memory_space<vmem>>
      %dma_wait3A_349 = arith.constant 0 : i32
      %dma_wait3A_350 = arith.constant 0 : i32
      %dma_wait3A_351 = tpu.memref_slice %arg4[%dma_wait3A_349, %dma_wait3A_350] : memref<10000x128xf32, #tpu.memory_space<hbm>> -> memref<10000x128xf32, #tpu.memory_space<hbm>>
      tpu.wait_indirect_dma semaphore(%arg15 : memref<!tpu.dma_semaphore, #tpu.memory_space<semaphore_mem>>) src(%dma_wait3A_351 : memref<10000x128xf32, #tpu.memory_space<hbm>>) dst(%arg11 : memref<80x128xf32, #tpu.memory_space<vmem>>)
      %dma_start3A_352 = arith.constant 11 : i32
      %dma_start3A_353 = arith.constant 0 : i32
      %dma_start3A_354 = tpu.memref_slice %arg9[%dma_start3A_352, %dma_start3A_353] : memref<16x80xi32, #tpu.memory_space<vmem>> -> memref<1x80xi32, #tpu.memory_space<vmem>>
      %dma_start3A_355 = tpu.memref_squeeze %dma_start3A_354 : memref<1x80xi32, #tpu.memory_space<vmem>> -> memref<80xi32, #tpu.memory_space<vmem>>
      %dma_start3A_356 = arith.constant 0 : i32
      %dma_start3A_357 = arith.constant 0 : i32
      %dma_start3A_358 = tpu.memref_slice %arg13[%dma_start3A_356, %dma_start3A_357] : memref<10112x128xf32, #tpu.memory_space<vmem_shared>> -> memref<10112x128xf32, #tpu.memory_space<vmem_shared>>
      tpu.enqueue_indirect_dma source(%arg11 : memref<80x128xf32, #tpu.memory_space<vmem>>) target(%dma_start3A_358 : memref<10112x128xf32, #tpu.memory_space<vmem_shared>>) offsets(%dma_start3A_355 : memref<80xi32, #tpu.memory_space<vmem>>) semaphore(%arg17 : memref<!tpu.dma_semaphore, #tpu.memory_space<semaphore_mem>>) {add = true}
      %dma_wait3A_359 = arith.constant 11 : i32
      %dma_wait3A_360 = arith.constant 0 : i32
      %dma_wait3A_361 = tpu.memref_slice %arg9[%dma_wait3A_359, %dma_wait3A_360] : memref<16x80xi32, #tpu.memory_space<vmem>> -> memref<1x80xi32, #tpu.memory_space<vmem>>
      %dma_wait3A_362 = tpu.memref_squeeze %dma_wait3A_361 : memref<1x80xi32, #tpu.memory_space<vmem>> -> memref<80xi32, #tpu.memory_space<vmem>>
      %dma_wait3A_363 = arith.constant 0 : i32
      %dma_wait3A_364 = arith.constant 0 : i32
      %dma_wait3A_365 = tpu.memref_slice %arg13[%dma_wait3A_363, %dma_wait3A_364] : memref<10112x128xf32, #tpu.memory_space<vmem_shared>> -> memref<10112x128xf32, #tpu.memory_space<vmem_shared>>
      tpu.wait_indirect_dma semaphore(%arg17 : memref<!tpu.dma_semaphore, #tpu.memory_space<semaphore_mem>>) src(%arg11 : memref<80x128xf32, #tpu.memory_space<vmem>>) dst(%dma_wait3A_365 : memref<10112x128xf32, #tpu.memory_space<vmem_shared>>)
      %dma_start3A_366 = arith.constant 13 : i32
      %dma_start3A_367 = arith.constant 0 : i32
      %dma_start3A_368 = tpu.memref_slice %arg8[%dma_start3A_366, %dma_start3A_367] : memref<16x80xi32, #tpu.memory_space<vmem>> -> memref<1x80xi32, #tpu.memory_space<vmem>>
      %dma_start3A_369 = tpu.memref_squeeze %dma_start3A_368 : memref<1x80xi32, #tpu.memory_space<vmem>> -> memref<80xi32, #tpu.memory_space<vmem>>
      %dma_start3A_370 = arith.constant 0 : i32
      %dma_start3A_371 = arith.constant 0 : i32
      %dma_start3A_372 = tpu.memref_slice %arg4[%dma_start3A_370, %dma_start3A_371] : memref<10000x128xf32, #tpu.memory_space<hbm>> -> memref<10000x128xf32, #tpu.memory_space<hbm>>
      tpu.enqueue_indirect_dma source(%dma_start3A_372 : memref<10000x128xf32, #tpu.memory_space<hbm>>) target(%arg11 : memref<80x128xf32, #tpu.memory_space<vmem>>) offsets(%dma_start3A_369 : memref<80xi32, #tpu.memory_space<vmem>>) semaphore(%arg15 : memref<!tpu.dma_semaphore, #tpu.memory_space<semaphore_mem>>)
      %dma_wait3A_373 = arith.constant 12 : i32
      %dma_wait3A_374 = arith.constant 0 : i32
      %dma_wait3A_375 = tpu.memref_slice %arg8[%dma_wait3A_373, %dma_wait3A_374] : memref<16x80xi32, #tpu.memory_space<vmem>> -> memref<1x80xi32, #tpu.memory_space<vmem>>
      %dma_wait3A_376 = tpu.memref_squeeze %dma_wait3A_375 : memref<1x80xi32, #tpu.memory_space<vmem>> -> memref<80xi32, #tpu.memory_space<vmem>>
      %dma_wait3A_377 = arith.constant 0 : i32
      %dma_wait3A_378 = arith.constant 0 : i32
      %dma_wait3A_379 = tpu.memref_slice %arg4[%dma_wait3A_377, %dma_wait3A_378] : memref<10000x128xf32, #tpu.memory_space<hbm>> -> memref<10000x128xf32, #tpu.memory_space<hbm>>
      tpu.wait_indirect_dma semaphore(%arg14 : memref<!tpu.dma_semaphore, #tpu.memory_space<semaphore_mem>>) src(%dma_wait3A_379 : memref<10000x128xf32, #tpu.memory_space<hbm>>) dst(%arg10 : memref<80x128xf32, #tpu.memory_space<vmem>>)
      %dma_start3A_380 = arith.constant 12 : i32
      %dma_start3A_381 = arith.constant 0 : i32
      %dma_start3A_382 = tpu.memref_slice %arg9[%dma_start3A_380, %dma_start3A_381] : memref<16x80xi32, #tpu.memory_space<vmem>> -> memref<1x80xi32, #tpu.memory_space<vmem>>
      %dma_start3A_383 = tpu.memref_squeeze %dma_start3A_382 : memref<1x80xi32, #tpu.memory_space<vmem>> -> memref<80xi32, #tpu.memory_space<vmem>>
      %dma_start3A_384 = arith.constant 0 : i32
      %dma_start3A_385 = arith.constant 0 : i32
      %dma_start3A_386 = tpu.memref_slice %arg13[%dma_start3A_384, %dma_start3A_385] : memref<10112x128xf32, #tpu.memory_space<vmem_shared>> -> memref<10112x128xf32, #tpu.memory_space<vmem_shared>>
      tpu.enqueue_indirect_dma source(%arg10 : memref<80x128xf32, #tpu.memory_space<vmem>>) target(%dma_start3A_386 : memref<10112x128xf32, #tpu.memory_space<vmem_shared>>) offsets(%dma_start3A_383 : memref<80xi32, #tpu.memory_space<vmem>>) semaphore(%arg16 : memref<!tpu.dma_semaphore, #tpu.memory_space<semaphore_mem>>) {add = true}
      %dma_wait3A_387 = arith.constant 12 : i32
      %dma_wait3A_388 = arith.constant 0 : i32
      %dma_wait3A_389 = tpu.memref_slice %arg9[%dma_wait3A_387, %dma_wait3A_388] : memref<16x80xi32, #tpu.memory_space<vmem>> -> memref<1x80xi32, #tpu.memory_space<vmem>>
      %dma_wait3A_390 = tpu.memref_squeeze %dma_wait3A_389 : memref<1x80xi32, #tpu.memory_space<vmem>> -> memref<80xi32, #tpu.memory_space<vmem>>
      %dma_wait3A_391 = arith.constant 0 : i32
      %dma_wait3A_392 = arith.constant 0 : i32
      %dma_wait3A_393 = tpu.memref_slice %arg13[%dma_wait3A_391, %dma_wait3A_392] : memref<10112x128xf32, #tpu.memory_space<vmem_shared>> -> memref<10112x128xf32, #tpu.memory_space<vmem_shared>>
      tpu.wait_indirect_dma semaphore(%arg16 : memref<!tpu.dma_semaphore, #tpu.memory_space<semaphore_mem>>) src(%arg10 : memref<80x128xf32, #tpu.memory_space<vmem>>) dst(%dma_wait3A_393 : memref<10112x128xf32, #tpu.memory_space<vmem_shared>>)
      %dma_start3A_394 = arith.constant 14 : i32
      %dma_start3A_395 = arith.constant 0 : i32
      %dma_start3A_396 = tpu.memref_slice %arg8[%dma_start3A_394, %dma_start3A_395] : memref<16x80xi32, #tpu.memory_space<vmem>> -> memref<1x80xi32, #tpu.memory_space<vmem>>
      %dma_start3A_397 = tpu.memref_squeeze %dma_start3A_396 : memref<1x80xi32, #tpu.memory_space<vmem>> -> memref<80xi32, #tpu.memory_space<vmem>>
      %dma_start3A_398 = arith.constant 0 : i32
      %dma_start3A_399 = arith.constant 0 : i32
      %dma_start3A_400 = tpu.memref_slice %arg4[%dma_start3A_398, %dma_start3A_399] : memref<10000x128xf32, #tpu.memory_space<hbm>> -> memref<10000x128xf32, #tpu.memory_space<hbm>>
      tpu.enqueue_indirect_dma source(%dma_start3A_400 : memref<10000x128xf32, #tpu.memory_space<hbm>>) target(%arg10 : memref<80x128xf32, #tpu.memory_space<vmem>>) offsets(%dma_start3A_397 : memref<80xi32, #tpu.memory_space<vmem>>) semaphore(%arg14 : memref<!tpu.dma_semaphore, #tpu.memory_space<semaphore_mem>>)
      %dma_wait3A_401 = arith.constant 13 : i32
      %dma_wait3A_402 = arith.constant 0 : i32
      %dma_wait3A_403 = tpu.memref_slice %arg8[%dma_wait3A_401, %dma_wait3A_402] : memref<16x80xi32, #tpu.memory_space<vmem>> -> memref<1x80xi32, #tpu.memory_space<vmem>>
      %dma_wait3A_404 = tpu.memref_squeeze %dma_wait3A_403 : memref<1x80xi32, #tpu.memory_space<vmem>> -> memref<80xi32, #tpu.memory_space<vmem>>
      %dma_wait3A_405 = arith.constant 0 : i32
      %dma_wait3A_406 = arith.constant 0 : i32
      %dma_wait3A_407 = tpu.memref_slice %arg4[%dma_wait3A_405, %dma_wait3A_406] : memref<10000x128xf32, #tpu.memory_space<hbm>> -> memref<10000x128xf32, #tpu.memory_space<hbm>>
      tpu.wait_indirect_dma semaphore(%arg15 : memref<!tpu.dma_semaphore, #tpu.memory_space<semaphore_mem>>) src(%dma_wait3A_407 : memref<10000x128xf32, #tpu.memory_space<hbm>>) dst(%arg11 : memref<80x128xf32, #tpu.memory_space<vmem>>)
      %dma_start3A_408 = arith.constant 13 : i32
      %dma_start3A_409 = arith.constant 0 : i32
      %dma_start3A_410 = tpu.memref_slice %arg9[%dma_start3A_408, %dma_start3A_409] : memref<16x80xi32, #tpu.memory_space<vmem>> -> memref<1x80xi32, #tpu.memory_space<vmem>>
      %dma_start3A_411 = tpu.memref_squeeze %dma_start3A_410 : memref<1x80xi32, #tpu.memory_space<vmem>> -> memref<80xi32, #tpu.memory_space<vmem>>
      %dma_start3A_412 = arith.constant 0 : i32
      %dma_start3A_413 = arith.constant 0 : i32
      %dma_start3A_414 = tpu.memref_slice %arg13[%dma_start3A_412, %dma_start3A_413] : memref<10112x128xf32, #tpu.memory_space<vmem_shared>> -> memref<10112x128xf32, #tpu.memory_space<vmem_shared>>
      tpu.enqueue_indirect_dma source(%arg11 : memref<80x128xf32, #tpu.memory_space<vmem>>) target(%dma_start3A_414 : memref<10112x128xf32, #tpu.memory_space<vmem_shared>>) offsets(%dma_start3A_411 : memref<80xi32, #tpu.memory_space<vmem>>) semaphore(%arg17 : memref<!tpu.dma_semaphore, #tpu.memory_space<semaphore_mem>>) {add = true}
      %dma_wait3A_415 = arith.constant 13 : i32
      %dma_wait3A_416 = arith.constant 0 : i32
      %dma_wait3A_417 = tpu.memref_slice %arg9[%dma_wait3A_415, %dma_wait3A_416] : memref<16x80xi32, #tpu.memory_space<vmem>> -> memref<1x80xi32, #tpu.memory_space<vmem>>
      %dma_wait3A_418 = tpu.memref_squeeze %dma_wait3A_417 : memref<1x80xi32, #tpu.memory_space<vmem>> -> memref<80xi32, #tpu.memory_space<vmem>>
      %dma_wait3A_419 = arith.constant 0 : i32
      %dma_wait3A_420 = arith.constant 0 : i32
      %dma_wait3A_421 = tpu.memref_slice %arg13[%dma_wait3A_419, %dma_wait3A_420] : memref<10112x128xf32, #tpu.memory_space<vmem_shared>> -> memref<10112x128xf32, #tpu.memory_space<vmem_shared>>
      tpu.wait_indirect_dma semaphore(%arg17 : memref<!tpu.dma_semaphore, #tpu.memory_space<semaphore_mem>>) src(%arg11 : memref<80x128xf32, #tpu.memory_space<vmem>>) dst(%dma_wait3A_421 : memref<10112x128xf32, #tpu.memory_space<vmem_shared>>)
      %dma_start3A_422 = arith.constant 15 : i32
      %dma_start3A_423 = arith.constant 0 : i32
      %dma_start3A_424 = tpu.memref_slice %arg8[%dma_start3A_422, %dma_start3A_423] : memref<16x80xi32, #tpu.memory_space<vmem>> -> memref<1x80xi32, #tpu.memory_space<vmem>>
      %dma_start3A_425 = tpu.memref_squeeze %dma_start3A_424 : memref<1x80xi32, #tpu.memory_space<vmem>> -> memref<80xi32, #tpu.memory_space<vmem>>
      %dma_start3A_426 = arith.constant 0 : i32
      %dma_start3A_427 = arith.constant 0 : i32
      %dma_start3A_428 = tpu.memref_slice %arg4[%dma_start3A_426, %dma_start3A_427] : memref<10000x128xf32, #tpu.memory_space<hbm>> -> memref<10000x128xf32, #tpu.memory_space<hbm>>
      tpu.enqueue_indirect_dma source(%dma_start3A_428 : memref<10000x128xf32, #tpu.memory_space<hbm>>) target(%arg11 : memref<80x128xf32, #tpu.memory_space<vmem>>) offsets(%dma_start3A_425 : memref<80xi32, #tpu.memory_space<vmem>>) semaphore(%arg15 : memref<!tpu.dma_semaphore, #tpu.memory_space<semaphore_mem>>)
      %dma_wait3A_429 = arith.constant 14 : i32
      %dma_wait3A_430 = arith.constant 0 : i32
      %dma_wait3A_431 = tpu.memref_slice %arg8[%dma_wait3A_429, %dma_wait3A_430] : memref<16x80xi32, #tpu.memory_space<vmem>> -> memref<1x80xi32, #tpu.memory_space<vmem>>
      %dma_wait3A_432 = tpu.memref_squeeze %dma_wait3A_431 : memref<1x80xi32, #tpu.memory_space<vmem>> -> memref<80xi32, #tpu.memory_space<vmem>>
      %dma_wait3A_433 = arith.constant 0 : i32
      %dma_wait3A_434 = arith.constant 0 : i32
      %dma_wait3A_435 = tpu.memref_slice %arg4[%dma_wait3A_433, %dma_wait3A_434] : memref<10000x128xf32, #tpu.memory_space<hbm>> -> memref<10000x128xf32, #tpu.memory_space<hbm>>
      tpu.wait_indirect_dma semaphore(%arg14 : memref<!tpu.dma_semaphore, #tpu.memory_space<semaphore_mem>>) src(%dma_wait3A_435 : memref<10000x128xf32, #tpu.memory_space<hbm>>) dst(%arg10 : memref<80x128xf32, #tpu.memory_space<vmem>>)
      %dma_start3A_436 = arith.constant 14 : i32
      %dma_start3A_437 = arith.constant 0 : i32
      %dma_start3A_438 = tpu.memref_slice %arg9[%dma_start3A_436, %dma_start3A_437] : memref<16x80xi32, #tpu.memory_space<vmem>> -> memref<1x80xi32, #tpu.memory_space<vmem>>
      %dma_start3A_439 = tpu.memref_squeeze %dma_start3A_438 : memref<1x80xi32, #tpu.memory_space<vmem>> -> memref<80xi32, #tpu.memory_space<vmem>>
      %dma_start3A_440 = arith.constant 0 : i32
      %dma_start3A_441 = arith.constant 0 : i32
      %dma_start3A_442 = tpu.memref_slice %arg13[%dma_start3A_440, %dma_start3A_441] : memref<10112x128xf32, #tpu.memory_space<vmem_shared>> -> memref<10112x128xf32, #tpu.memory_space<vmem_shared>>
      tpu.enqueue_indirect_dma source(%arg10 : memref<80x128xf32, #tpu.memory_space<vmem>>) target(%dma_start3A_442 : memref<10112x128xf32, #tpu.memory_space<vmem_shared>>) offsets(%dma_start3A_439 : memref<80xi32, #tpu.memory_space<vmem>>) semaphore(%arg16 : memref<!tpu.dma_semaphore, #tpu.memory_space<semaphore_mem>>) {add = true}
      %dma_wait3A_443 = arith.constant 15 : i32
      %dma_wait3A_444 = arith.constant 0 : i32
      %dma_wait3A_445 = tpu.memref_slice %arg8[%dma_wait3A_443, %dma_wait3A_444] : memref<16x80xi32, #tpu.memory_space<vmem>> -> memref<1x80xi32, #tpu.memory_space<vmem>>
      %dma_wait3A_446 = tpu.memref_squeeze %dma_wait3A_445 : memref<1x80xi32, #tpu.memory_space<vmem>> -> memref<80xi32, #tpu.memory_space<vmem>>
      %dma_wait3A_447 = arith.constant 0 : i32
      %dma_wait3A_448 = arith.constant 0 : i32
      %dma_wait3A_449 = tpu.memref_slice %arg4[%dma_wait3A_447, %dma_wait3A_448] : memref<10000x128xf32, #tpu.memory_space<hbm>> -> memref<10000x128xf32, #tpu.memory_space<hbm>>
      tpu.wait_indirect_dma semaphore(%arg15 : memref<!tpu.dma_semaphore, #tpu.memory_space<semaphore_mem>>) src(%dma_wait3A_449 : memref<10000x128xf32, #tpu.memory_space<hbm>>) dst(%arg11 : memref<80x128xf32, #tpu.memory_space<vmem>>)
      %dma_start3A_450 = arith.constant 15 : i32
      %dma_start3A_451 = arith.constant 0 : i32
      %dma_start3A_452 = tpu.memref_slice %arg9[%dma_start3A_450, %dma_start3A_451] : memref<16x80xi32, #tpu.memory_space<vmem>> -> memref<1x80xi32, #tpu.memory_space<vmem>>
      %dma_start3A_453 = tpu.memref_squeeze %dma_start3A_452 : memref<1x80xi32, #tpu.memory_space<vmem>> -> memref<80xi32, #tpu.memory_space<vmem>>
      %dma_start3A_454 = arith.constant 0 : i32
      %dma_start3A_455 = arith.constant 0 : i32
      %dma_start3A_456 = tpu.memref_slice %arg13[%dma_start3A_454, %dma_start3A_455] : memref<10112x128xf32, #tpu.memory_space<vmem_shared>> -> memref<10112x128xf32, #tpu.memory_space<vmem_shared>>
      tpu.enqueue_indirect_dma source(%arg11 : memref<80x128xf32, #tpu.memory_space<vmem>>) target(%dma_start3A_456 : memref<10112x128xf32, #tpu.memory_space<vmem_shared>>) offsets(%dma_start3A_453 : memref<80xi32, #tpu.memory_space<vmem>>) semaphore(%arg17 : memref<!tpu.dma_semaphore, #tpu.memory_space<semaphore_mem>>) {add = true}
      %dma_wait3A_457 = arith.constant 14 : i32
      %dma_wait3A_458 = arith.constant 0 : i32
      %dma_wait3A_459 = tpu.memref_slice %arg9[%dma_wait3A_457, %dma_wait3A_458] : memref<16x80xi32, #tpu.memory_space<vmem>> -> memref<1x80xi32, #tpu.memory_space<vmem>>
      %dma_wait3A_460 = tpu.memref_squeeze %dma_wait3A_459 : memref<1x80xi32, #tpu.memory_space<vmem>> -> memref<80xi32, #tpu.memory_space<vmem>>
      %dma_wait3A_461 = arith.constant 0 : i32
      %dma_wait3A_462 = arith.constant 0 : i32
      %dma_wait3A_463 = tpu.memref_slice %arg13[%dma_wait3A_461, %dma_wait3A_462] : memref<10112x128xf32, #tpu.memory_space<vmem_shared>> -> memref<10112x128xf32, #tpu.memory_space<vmem_shared>>
      tpu.wait_indirect_dma semaphore(%arg16 : memref<!tpu.dma_semaphore, #tpu.memory_space<semaphore_mem>>) src(%arg10 : memref<80x128xf32, #tpu.memory_space<vmem>>) dst(%dma_wait3A_463 : memref<10112x128xf32, #tpu.memory_space<vmem_shared>>)
      %dma_wait3A_464 = arith.constant 15 : i32
      %dma_wait3A_465 = arith.constant 0 : i32
      %dma_wait3A_466 = tpu.memref_slice %arg9[%dma_wait3A_464, %dma_wait3A_465] : memref<16x80xi32, #tpu.memory_space<vmem>> -> memref<1x80xi32, #tpu.memory_space<vmem>>
      %dma_wait3A_467 = tpu.memref_squeeze %dma_wait3A_466 : memref<1x80xi32, #tpu.memory_space<vmem>> -> memref<80xi32, #tpu.memory_space<vmem>>
      %dma_wait3A_468 = arith.constant 0 : i32
      %dma_wait3A_469 = arith.constant 0 : i32
      %dma_wait3A_470 = tpu.memref_slice %arg13[%dma_wait3A_468, %dma_wait3A_469] : memref<10112x128xf32, #tpu.memory_space<vmem_shared>> -> memref<10112x128xf32, #tpu.memory_space<vmem_shared>>
      tpu.wait_indirect_dma semaphore(%arg17 : memref<!tpu.dma_semaphore, #tpu.memory_space<semaphore_mem>>) src(%arg11 : memref<80x128xf32, #tpu.memory_space<vmem>>) dst(%dma_wait3A_470 : memref<10112x128xf32, #tpu.memory_space<vmem_shared>>)
    }
    %scan3A_9 = arith.constant 8 : i32
    %barrier3A_10 = arith.constant 0 : index
    tpu.barrier barrier_id(%barrier3A_10)
    %mul3A_11 = arith.constant 624 : i32
    %mul3A_12 = arith.muli %arg1, %mul3A_11 : i32
    %mul3A_13 = arith.constant 10000 : i32
    %mul3A_14 = arith.muli %arg0, %mul3A_13 : i32
    %mul3A_15 = arith.constant 624 : i32
    %mul3A_16 = arith.muli %arg1, %mul3A_15 : i32
    %add3A_17 = arith.addi %mul3A_14, %mul3A_16 : i32
    "tpu.region"() ({
      %run_scoped3A = tpu.sem_alloc : memref<!tpu.dma_semaphore, #tpu.memory_space<semaphore_mem>>
      %dma_start3A = arith.constant 0 : i32
      %dma_start3A_20 = tpu.memref_slice %arg7[%add3A_17, %dma_start3A] : memref<20000x128xf32, #tpu.memory_space<hbm>> -> memref<624x128xf32, #tpu.memory_space<hbm>>
      %dma_start3A_21 = arith.constant 0 : i32
      %dma_start3A_22 = tpu.memref_slice %arg13[%mul3A_12, %dma_start3A_21] : memref<10112x128xf32, #tpu.memory_space<vmem_shared>> -> memref<624x128xf32, #tpu.memory_space<vmem_shared>>
      tpu.enqueue_dma source(%dma_start3A_22 : memref<624x128xf32, #tpu.memory_space<vmem_shared>>) target(%dma_start3A_20 : memref<624x128xf32, #tpu.memory_space<hbm>>) target_semaphore(%run_scoped3A : memref<!tpu.dma_semaphore, #tpu.memory_space<semaphore_mem>>)
      %dma_wait3A = arith.constant 0 : i32
      %dma_wait3A_23 = tpu.memref_slice %arg7[%add3A_17, %dma_wait3A] : memref<20000x128xf32, #tpu.memory_space<hbm>> -> memref<624x128xf32, #tpu.memory_space<hbm>>
      %dma_wait3A_24 = arith.constant 0 : i32
      %dma_wait3A_25 = tpu.memref_slice %arg13[%mul3A_12, %dma_wait3A_24] : memref<10112x128xf32, #tpu.memory_space<vmem_shared>> -> memref<624x128xf32, #tpu.memory_space<vmem_shared>>
      tpu.wait_dma2 semaphore(%run_scoped3A : memref<!tpu.dma_semaphore, #tpu.memory_space<semaphore_mem>>) src(%dma_wait3A_25 : memref<624x128xf32, #tpu.memory_space<vmem_shared>>) dst(%dma_wait3A_23 : memref<624x128xf32, #tpu.memory_space<hbm>>)
      tpu.yield
    }) : () -> ()
    %eq3A = arith.constant 15 : i32
    %eq3A_18 = arith.cmpi eq, %arg1, %eq3A : i32
    %convert_element_type3A = arith.extui %eq3A_18 : i1 to i32
    %cond3A = arith.constant 0 : i32
    %cond3A_19 = arith.cmpi ne, %convert_element_type3A, %cond3A : i32
    scf.if %cond3A_19 {
      %mul3A_20 = arith.constant 10000 : i32
      %mul3A_21 = arith.muli %arg0, %mul3A_20 : i32
      %add3A_22 = arith.constant 9984 : i32
      %add3A_23 = arith.addi %mul3A_21, %add3A_22 : i32
      "tpu.region"() ({
        %run_scoped3A = tpu.sem_alloc : memref<!tpu.dma_semaphore, #tpu.memory_space<semaphore_mem>>
        %dma_start3A = arith.constant 0 : i32
        %dma_start3A_24 = tpu.memref_slice %arg7[%add3A_23, %dma_start3A] : memref<20000x128xf32, #tpu.memory_space<hbm>> -> memref<16x128xf32, #tpu.memory_space<hbm>>
        %dma_start3A_25 = arith.constant 9984 : i32
        %dma_start3A_26 = arith.constant 0 : i32
        %dma_start3A_27 = tpu.memref_slice %arg13[%dma_start3A_25, %dma_start3A_26] : memref<10112x128xf32, #tpu.memory_space<vmem_shared>> -> memref<16x128xf32, #tpu.memory_space<vmem_shared>>
        tpu.enqueue_dma source(%dma_start3A_27 : memref<16x128xf32, #tpu.memory_space<vmem_shared>>) target(%dma_start3A_24 : memref<16x128xf32, #tpu.memory_space<hbm>>) target_semaphore(%run_scoped3A : memref<!tpu.dma_semaphore, #tpu.memory_space<semaphore_mem>>)
        %dma_wait3A = arith.constant 0 : i32
        %dma_wait3A_28 = tpu.memref_slice %arg7[%add3A_23, %dma_wait3A] : memref<20000x128xf32, #tpu.memory_space<hbm>> -> memref<16x128xf32, #tpu.memory_space<hbm>>
        %dma_wait3A_29 = arith.constant 9984 : i32
        %dma_wait3A_30 = arith.constant 0 : i32
        %dma_wait3A_31 = tpu.memref_slice %arg13[%dma_wait3A_29, %dma_wait3A_30] : memref<10112x128xf32, #tpu.memory_space<vmem_shared>> -> memref<16x128xf32, #tpu.memory_space<vmem_shared>>
        tpu.wait_dma2 semaphore(%run_scoped3A : memref<!tpu.dma_semaphore, #tpu.memory_space<semaphore_mem>>) src(%dma_wait3A_31 : memref<16x128xf32, #tpu.memory_space<vmem_shared>>) dst(%dma_wait3A_28 : memref<16x128xf32, #tpu.memory_space<hbm>>)
        tpu.yield
      }) : () -> ()
    } else {
    }
    return
  }
}

module attributes {stable_mosaic.version = 14 : i64} {
  func.func @tc_rcp(%arg0: memref<32x79x128xf32, #tpu.memory_space<vmem>>, %arg1: memref<79x128xf32, #tpu.memory_space<vmem>>) attributes {dimension_semantics = [], scalar_prefetch = 0 : i64, scratch_operands = 0 : i64, tpu.core_type = #tpu.core_type<tc>} {
    %get3A = arith.constant 0 : index
    %get3A_0 = arith.constant 0 : index
    %get3A_1 = arith.constant 0 : index
    %get3A_2 = vector.load %arg0[%get3A, %get3A_0, %get3A_1] : memref<32x79x128xf32, #tpu.memory_space<vmem>>, vector<32x79x128xf32>
    %reduce_sum3A = arith.constant dense<0.000000e+00> : vector<79x128xf32>
    %reduce_sum3A_3 = vector.multi_reduction <add>, %get3A_2, %reduce_sum3A [0] : vector<32x79x128xf32> to vector<79x128xf32>
    %max3A = arith.constant 1.000000e+00 : f32
    %max3A_4 = vector.broadcast %max3A : f32 to vector<79x128xf32>
    %max3A_5 = arith.maximumf %reduce_sum3A_3, %max3A_4 : vector<79x128xf32>
    %div3A = arith.constant 1.000000e+00 : f32
    %div3A_6 = vector.broadcast %div3A : f32 to vector<79x128xf32>
    %div3A_7 = arith.divf %div3A_6, %max3A_5 : vector<79x128xf32>
    %swap3A = arith.constant 0 : index
    %swap3A_8 = arith.constant 0 : index
    %swap3A_9 = vector.load %arg1[%swap3A, %swap3A_8] : memref<79x128xf32, #tpu.memory_space<vmem>>, vector<79x128xf32>
    tpu.vector_store %arg1[%swap3A, %swap3A_8], %div3A_7 {strides = array<i32>} : memref<79x128xf32, #tpu.memory_space<vmem>>, vector<79x128xf32>,
    return
  }
}

module attributes {stable_mosaic.version = 14 : i64} {
  func.func @tc_mid(%arg0: i32, %arg1: memref<1000x128xf32, #tpu.memory_space<vmem>>, %arg2: memref<2x1000x128xf32, #tpu.memory_space<vmem>>, %arg3: memref<1000x1xf32, #tpu.memory_space<vmem>>, %arg4: memref<128x128xf32, #tpu.memory_space<vmem>>, %arg5: memref<128x128xf32, #tpu.memory_space<vmem>>, %arg6: memref<1x128xf32, #tpu.memory_space<vmem>>, %arg7: memref<1000x128xf32, #tpu.memory_space<vmem>>) attributes {dimension_semantics = [#tpu.dimension_semantics<arbitrary>], iteration_bounds = array<i64: 10>, scalar_prefetch = 0 : i64, scratch_operands = 0 : i64, tpu.core_type = #tpu.core_type<tc>, window_params = [{transform_indices = @transform_0, window_bounds = array<i64: 1000, 128>}, {transform_indices = @transform_1, window_bounds = array<i64: 2, 1000, 128>}, {transform_indices = @transform_2, window_bounds = array<i64: 1000, 1>}, {pipeline_mode = #tpu.pipeline_mode<synchronous>, transform_indices = @transform_3, window_bounds = array<i64: 128, 128>}, {pipeline_mode = #tpu.pipeline_mode<synchronous>, transform_indices = @transform_4, window_bounds = array<i64: 128, 128>}, {pipeline_mode = #tpu.pipeline_mode<synchronous>, transform_indices = @transform_5, window_bounds = array<i64: 1, 128>}, {transform_indices = @transform_6, window_bounds = array<i64: 1000, 128>}]} {
    %get3A = arith.constant 0 : index
    %get3A_0 = arith.constant 0 : index
    %get3A_1 = arith.constant 0 : index
    %get3A_2 = vector.load %arg2[%get3A, %get3A_0, %get3A_1] : memref<2x1000x128xf32, #tpu.memory_space<vmem>>, vector<1x1000x128xf32>
    %get3A_3 = vector.shape_cast %get3A_2 : vector<1x1000x128xf32> to vector<1000x128xf32>
    %get3A_4 = arith.constant 1 : index
    %get3A_5 = arith.constant 0 : index
    %get3A_6 = arith.constant 0 : index
    %get3A_7 = vector.load %arg2[%get3A_4, %get3A_5, %get3A_6] : memref<2x1000x128xf32, #tpu.memory_space<vmem>>, vector<1x1000x128xf32>
    %get3A_8 = vector.shape_cast %get3A_7 : vector<1x1000x128xf32> to vector<1000x128xf32>
    %add3A = arith.addf %get3A_3, %get3A_8 : vector<1000x128xf32>
    %get3A_9 = arith.constant 0 : index
    %get3A_10 = arith.constant 0 : index
    %get3A_11 = vector.load %arg3[%get3A_9, %get3A_10] : memref<1000x1xf32, #tpu.memory_space<vmem>>, vector<1000x1xf32>
    %mul3A = vector.broadcast %get3A_11 : vector<1000x1xf32> to vector<1000x128xf32>
    %mul3A_12 = arith.mulf %add3A, %mul3A : vector<1000x128xf32>
    %get3A_13 = arith.constant 0 : index
    %get3A_14 = arith.constant 0 : index
    %get3A_15 = vector.load %arg1[%get3A_13, %get3A_14] : memref<1000x128xf32, #tpu.memory_space<vmem>>, vector<1000x128xf32>
    %get3A_16 = arith.constant 0 : index
    %get3A_17 = arith.constant 0 : index
    %get3A_18 = vector.load %arg4[%get3A_16, %get3A_17] : memref<128x128xf32, #tpu.memory_space<vmem>>, vector<128x128xf32>
    %dot_general3A = arith.constant dense<0.000000e+00> : vector<1000x128xf32>
    %dot_general3A_19 = tpu.matmul %get3A_15, %get3A_18, %dot_general3A {dimension_numbers = #tpu.dot_dimension_numbers<[1], [0], [0], [1], [0, 0, 1, 1], [], []>, transpose_lhs_hint = false} : vector<1000x128xf32>, vector<128x128xf32>, vector<1000x128xf32> -> vector<1000x128xf32>
    %get3A_20 = arith.constant 0 : index
    %get3A_21 = arith.constant 0 : index
    %get3A_22 = vector.load %arg5[%get3A_20, %get3A_21] : memref<128x128xf32, #tpu.memory_space<vmem>>, vector<128x128xf32>
    %dot_general3A_23 = arith.constant dense<0.000000e+00> : vector<1000x128xf32>
    %dot_general3A_24 = tpu.matmul %mul3A_12, %get3A_22, %dot_general3A_23 {dimension_numbers = #tpu.dot_dimension_numbers<[1], [0], [0], [1], [0, 0, 1, 1], [], []>, transpose_lhs_hint = false} : vector<1000x128xf32>, vector<128x128xf32>, vector<1000x128xf32> -> vector<1000x128xf32>
    %add3A_25 = arith.addf %dot_general3A_19, %dot_general3A_24 : vector<1000x128xf32>
    %get3A_26 = arith.constant 0 : index
    %get3A_27 = arith.constant 0 : index
    %get3A_28 = vector.load %arg6[%get3A_26, %get3A_27] : memref<1x128xf32, #tpu.memory_space<vmem>>, vector<1x128xf32>
    %add3A_29 = vector.broadcast %get3A_28 : vector<1x128xf32> to vector<1000x128xf32>
    %add3A_30 = arith.addf %add3A_25, %add3A_29 : vector<1000x128xf32>
    %max3A = arith.constant 0.000000e+00 : f32
    %max3A_31 = vector.broadcast %max3A : f32 to vector<1000x128xf32>
    %max3A_32 = arith.maximumf %add3A_30, %max3A_31 : vector<1000x128xf32>
    %swap3A = arith.constant 0 : index
    %swap3A_33 = arith.constant 0 : index
    %swap3A_34 = vector.load %arg7[%swap3A, %swap3A_33] : memref<1000x128xf32, #tpu.memory_space<vmem>>, vector<1000x128xf32>
    tpu.vector_store %arg7[%swap3A, %swap3A_33], %max3A_32 {strides = array<i32>} : memref<1000x128xf32, #tpu.memory_space<vmem>>, vector<1000x128xf32>,
    return
  }
  func.func @transform_0(%arg0: i32) -> (i32, i32) {
    %c0_i32 = arith.constant 0 : i32
    %c0_i32_0 = arith.constant 0 : i32
    return %arg0, %c0_i32 : i32, i32
  }
  func.func @transform_1(%arg0: i32) -> (i32, i32, i32) {
    %c0_i32 = arith.constant 0 : i32
    %c0_i32_0 = arith.constant 0 : i32
    %c0_i32_1 = arith.constant 0 : i32
    return %c0_i32, %arg0, %c0_i32_0 : i32, i32, i32
  }
  func.func @transform_2(%arg0: i32) -> (i32, i32) {
    %c0_i32 = arith.constant 0 : i32
    %c0_i32_0 = arith.constant 0 : i32
    return %arg0, %c0_i32 : i32, i32
  }
  func.func @transform_3(%arg0: i32) -> (i32, i32) {
    %c0_i32 = arith.constant 0 : i32
    %c0_i32_0 = arith.constant 0 : i32
    %c0_i32_1 = arith.constant 0 : i32
    return %c0_i32, %c0_i32_0 : i32, i32
  }
  func.func @transform_4(%arg0: i32) -> (i32, i32) {
    %c0_i32 = arith.constant 0 : i32
    %c0_i32_0 = arith.constant 0 : i32
    %c0_i32_1 = arith.constant 0 : i32
    return %c0_i32, %c0_i32_0 : i32, i32
  }
  func.func @transform_5(%arg0: i32) -> (i32, i32) {
    %c0_i32 = arith.constant 0 : i32
    %c0_i32_0 = arith.constant 0 : i32
    %c0_i32_1 = arith.constant 0 : i32
    return %c0_i32, %c0_i32_0 : i32, i32
  }
  func.func @transform_6(%arg0: i32) -> (i32, i32) {
    %c0_i32 = arith.constant 0 : i32
    %c0_i32_0 = arith.constant 0 : i32
    return %arg0, %c0_i32 : i32, i32
  }
}

module attributes {stable_mosaic.version = 14 : i64} {
  func.func @tc_final(%arg0: i32, %arg1: memref<1000x128xf32, #tpu.memory_space<vmem>>, %arg2: memref<2x1000x128xf32, #tpu.memory_space<vmem>>, %arg3: memref<1000x1xf32, #tpu.memory_space<vmem>>, %arg4: memref<128x40xf32, #tpu.memory_space<vmem>>, %arg5: memref<128x40xf32, #tpu.memory_space<vmem>>, %arg6: memref<1x40xf32, #tpu.memory_space<vmem>>, %arg7: memref<1000x40xf32, #tpu.memory_space<vmem>>) attributes {dimension_semantics = [#tpu.dimension_semantics<arbitrary>], iteration_bounds = array<i64: 10>, scalar_prefetch = 0 : i64, scratch_operands = 0 : i64, tpu.core_type = #tpu.core_type<tc>, window_params = [{transform_indices = @transform_0, window_bounds = array<i64: 1000, 128>}, {transform_indices = @transform_1, window_bounds = array<i64: 2, 1000, 128>}, {transform_indices = @transform_2, window_bounds = array<i64: 1000, 1>}, {pipeline_mode = #tpu.pipeline_mode<synchronous>, transform_indices = @transform_3, window_bounds = array<i64: 128, 40>}, {pipeline_mode = #tpu.pipeline_mode<synchronous>, transform_indices = @transform_4, window_bounds = array<i64: 128, 40>}, {pipeline_mode = #tpu.pipeline_mode<synchronous>, transform_indices = @transform_5, window_bounds = array<i64: 1, 40>}, {transform_indices = @transform_6, window_bounds = array<i64: 1000, 40>}]} {
    %get3A = arith.constant 0 : index
    %get3A_0 = arith.constant 0 : index
    %get3A_1 = arith.constant 0 : index
    %get3A_2 = vector.load %arg2[%get3A, %get3A_0, %get3A_1] : memref<2x1000x128xf32, #tpu.memory_space<vmem>>, vector<1x1000x128xf32>
    %get3A_3 = vector.shape_cast %get3A_2 : vector<1x1000x128xf32> to vector<1000x128xf32>
    %get3A_4 = arith.constant 1 : index
    %get3A_5 = arith.constant 0 : index
    %get3A_6 = arith.constant 0 : index
    %get3A_7 = vector.load %arg2[%get3A_4, %get3A_5, %get3A_6] : memref<2x1000x128xf32, #tpu.memory_space<vmem>>, vector<1x1000x128xf32>
    %get3A_8 = vector.shape_cast %get3A_7 : vector<1x1000x128xf32> to vector<1000x128xf32>
    %add3A = arith.addf %get3A_3, %get3A_8 : vector<1000x128xf32>
    %get3A_9 = arith.constant 0 : index
    %get3A_10 = arith.constant 0 : index
    %get3A_11 = vector.load %arg3[%get3A_9, %get3A_10] : memref<1000x1xf32, #tpu.memory_space<vmem>>, vector<1000x1xf32>
    %mul3A = vector.broadcast %get3A_11 : vector<1000x1xf32> to vector<1000x128xf32>
    %mul3A_12 = arith.mulf %add3A, %mul3A : vector<1000x128xf32>
    %get3A_13 = arith.constant 0 : index
    %get3A_14 = arith.constant 0 : index
    %get3A_15 = vector.load %arg1[%get3A_13, %get3A_14] : memref<1000x128xf32, #tpu.memory_space<vmem>>, vector<1000x128xf32>
    %get3A_16 = arith.constant 0 : index
    %get3A_17 = arith.constant 0 : index
    %get3A_18 = vector.load %arg4[%get3A_16, %get3A_17] : memref<128x40xf32, #tpu.memory_space<vmem>>, vector<128x40xf32>
    %dot_general3A = arith.constant dense<0.000000e+00> : vector<1000x40xf32>
    %dot_general3A_19 = tpu.matmul %get3A_15, %get3A_18, %dot_general3A {dimension_numbers = #tpu.dot_dimension_numbers<[1], [0], [0], [1], [0, 0, 1, 1], [], []>, transpose_lhs_hint = false} : vector<1000x128xf32>, vector<128x40xf32>, vector<1000x40xf32> -> vector<1000x40xf32>
    %get3A_20 = arith.constant 0 : index
    %get3A_21 = arith.constant 0 : index
    %get3A_22 = vector.load %arg5[%get3A_20, %get3A_21] : memref<128x40xf32, #tpu.memory_space<vmem>>, vector<128x40xf32>
    %dot_general3A_23 = arith.constant dense<0.000000e+00> : vector<1000x40xf32>
    %dot_general3A_24 = tpu.matmul %mul3A_12, %get3A_22, %dot_general3A_23 {dimension_numbers = #tpu.dot_dimension_numbers<[1], [0], [0], [1], [0, 0, 1, 1], [], []>, transpose_lhs_hint = false} : vector<1000x128xf32>, vector<128x40xf32>, vector<1000x40xf32> -> vector<1000x40xf32>
    %add3A_25 = arith.addf %dot_general3A_19, %dot_general3A_24 : vector<1000x40xf32>
    %get3A_26 = arith.constant 0 : index
    %get3A_27 = arith.constant 0 : index
    %get3A_28 = vector.load %arg6[%get3A_26, %get3A_27] : memref<1x40xf32, #tpu.memory_space<vmem>>, vector<1x40xf32>
    %add3A_29 = vector.broadcast %get3A_28 : vector<1x40xf32> to vector<1000x40xf32>
    %add3A_30 = arith.addf %add3A_25, %add3A_29 : vector<1000x40xf32>
    %swap3A = arith.constant 0 : index
    %swap3A_31 = arith.constant 0 : index
    %swap3A_32 = vector.load %arg7[%swap3A, %swap3A_31] : memref<1000x40xf32, #tpu.memory_space<vmem>>, vector<1000x40xf32>
    tpu.vector_store %arg7[%swap3A, %swap3A_31], %add3A_30 {strides = array<i32>} : memref<1000x40xf32, #tpu.memory_space<vmem>>, vector<1000x40xf32>,
    return
  }
  func.func @transform_0(%arg0: i32) -> (i32, i32) {
    %c0_i32 = arith.constant 0 : i32
    %c0_i32_0 = arith.constant 0 : i32
    return %arg0, %c0_i32 : i32, i32
  }
  func.func @transform_1(%arg0: i32) -> (i32, i32, i32) {
    %c0_i32 = arith.constant 0 : i32
    %c0_i32_0 = arith.constant 0 : i32
    %c0_i32_1 = arith.constant 0 : i32
    return %c0_i32, %arg0, %c0_i32_0 : i32, i32, i32
  }
  func.func @transform_2(%arg0: i32) -> (i32, i32) {
    %c0_i32 = arith.constant 0 : i32
    %c0_i32_0 = arith.constant 0 : i32
    return %arg0, %c0_i32 : i32, i32
  }
  func.func @transform_3(%arg0: i32) -> (i32, i32) {
    %c0_i32 = arith.constant 0 : i32
    %c0_i32_0 = arith.constant 0 : i32
    %c0_i32_1 = arith.constant 0 : i32
    return %c0_i32, %c0_i32_0 : i32, i32
  }
  func.func @transform_4(%arg0: i32) -> (i32, i32) {
    %c0_i32 = arith.constant 0 : i32
    %c0_i32_0 = arith.constant 0 : i32
    %c0_i32_1 = arith.constant 0 : i32
    return %c0_i32, %c0_i32_0 : i32, i32
  }
  func.func @transform_5(%arg0: i32) -> (i32, i32) {
    %c0_i32 = arith.constant 0 : i32
    %c0_i32_0 = arith.constant 0 : i32
    %c0_i32_1 = arith.constant 0 : i32
    return %c0_i32, %c0_i32_0 : i32, i32
  }
  func.func @transform_6(%arg0: i32) -> (i32, i32) {
    %c0_i32 = arith.constant 0 : i32
    %c0_i32_0 = arith.constant 0 : i32
    return %arg0, %c0_i32 : i32, i32
  }
}

</mosaic_0001>

<sc_bundles>
// kernel: sc_seg_sum_128.4.cloned.1.call-start
scs
__scs_entry_jumppad:
0x0: {  	(pc) =	sbr.rel $0x88, $3  }
0x1: {  	(tag) =	ssettag $0x0;
	lr =	simm.s32 $0x1  }
0x2: {  	[smem:$0x3F99] =	sst lr;
	_ =	strace $0xD0000000  }
0x3: {  	_ = 	snop  }
0x4: {  	_ = 	snop  }
0x5: {  	_ = 	snop  }
0x6: {  	_ = 	snop  }
0x7: {  	_ = 	snop  }
__scs_overlays_trampoline_lowered:
0x8: {  	[smem:$0x3FA8] =	sst s0  }
0x9: {  	[smem:$0x3FA9] =	sst s1  }
0xa: {  	[smem:$0x3FAA] =	sst s2  }
0xb: {  	[smem:$0x3FAB] =	sst s3  }
0xc: {  	[smem:$0x3FAC] =	sst s4  }
0xd: {  	[smem:$0x3FAD] =	sst s5  }
0xe: {  	[smem:$0x3FAE] =	sst s6  }
0xf: {  	[smem:$0x3FAF] =	sst s7  }
0x10: {  	[smem:$0x3FB0] =	sst s8  }
0x11: {  	[smem:$0x3FB1] =	sst s9;
	s0 =	simm.s32 @!p0 $0x0  }
0x12: {  	s1 =	sld [smem:$0x3F97];
	s0 =	simm.s32 @p0 $0x1  }
0x13: {  	[smem:$0x3FB2] =	sst s0;
	s0 =	simm.s32 @!p1 $0x0  }
0x14: {  	s2 =	sld [smem:$0x3F96];
	s0 =	simm.s32 @p1 $0x1  }
0x15: {  	[smem:$0x3FB3] =	sst s0;
	s0 =	simm.s32 @!p2 $0x0  }
0x16: {  	s3 =	sld [smem:$0x3FDB];
	s0 =	simm.s32 @p2 $0x1  }
0x17: {  	s4 =	simm.s32 $0x1BF5;
	[smem:$0x3FB5] =	sst s0  }
0x18: {  	s0 =	sld [smem:$0x3F98];
	_ =	swait.ge [sflag:s4], $0x0  }
0x19: {  	s7 =	sld [smem:$0x3F99]  }
0x1a: {  	s8 =	sadd.s32 $0xFFFFE003, lr  }
0x1b: {  	s9 =	sadd.s32 $0xFFFFFEF7, lr;
	s5 =	simm.s32 $0xFFFFFFFF;
	p2 =	slt.u32 s8, $0xFFFFF086  }
0x1c: {  	p1 =	slt.u32 s9, $0xF7A;
	s5 =	simm.s32 @!p2 $0x0  }
0x1d: {  	s5 =	simm.s32 @p1 $0x1;
	p0 =	seq.s32 s7, s2  }
0x1e: {  	s7 =	smul.u32 @!p0 $0xF7A, s2;
	p2 =	seq.s32 @!p0 s5, $0x0  }
0x1f: {  	s9 =	smul.u32 $0xF7A, s1;
	s8 =	simm.s32 @!p0 $0x1BF5;
	p2 =	por !p2, p0  }
0x20: {  	[sflag:s8] =	ssyncset.s32 @!p0 $0xFFFFF086;
	s6 =	sadd.s32 @!p0 s3, s7;
	s7 =	simm.s32 @!p0 $0x108  }
0x21: {  	s3 =	sadd.s32 s3, s9;
	s6 =	sadd.s32 @!p0 $0x88, s6;
	s7 =	simm.s32 @p2 $0x1082  }
0x22: {  	[simem:s7], [sflag:s8] =	dma.local @!p0 [hbm:s6], $0xF7A  }
0x23: {  	s9 =	sor.u32 $0xD0000000, s2;
	s6 =	simm.s32 $0x108;
	_ =	swait.ge @!p0 [sflag:s8], $0x0  }
0x24: {  	s3 =	sadd.s32 $0x88, s3;
	s6 =	simm.s32 @!p1 $0x1082;
	[sflag:s4] =	ssyncset.s32 $0xFFFFF086  }
0x25: {  	[simem:s6], [sflag:s4] =	dma.local [hbm:s3], $0xF7A  }
0x26: {  	[smem:$0x3F99] =	sst s1;
	(tag) =	ssettag s2;
	_ =	strace s9  }
0x27: {  	s1 =	sld [smem:$0x3FA9]  }
0x28: {  	s2 =	sld [smem:$0x3FAA]  }
0x29: {  	s4 =	sld [smem:$0x3FAC]  }
0x2a: {  	p0 =	seq.s32 s5, $0x0;
	s5 =	sld [smem:$0x3FAD]  }
0x2b: {  	s6 =	sld [smem:$0x3FAE]  }
0x2c: {  	s7 =	sld [smem:$0x3FAF]  }
0x2d: {  	s3 =	simm.s32 $0x108;
	s8 =	sld [smem:$0x3FB0]  }
0x2e: {  	s3 =	simm.s32 @!p0 $0x1082;
	s9 =	sld [smem:$0x3FB1]  }
0x2f: {  	lr =	sadd.s32 s0, s3;
	s0 =	sld [smem:$0x3FA8]  }
0x30: {  	s3 =	sld [smem:$0x3FAB]  }
0x31: {  	[smem:$0x3FB4] =	sst s10  }
0x32: {  	s10 =	sld [smem:$0x3FB2];
	_ =	sdelay $0x3  }
0x33: {  	p0 =	seq.s32 s10, $0x1;
	s10 =	sld [smem:$0x3FB4];
	_ =	sdelay $0x3  }
0x34: {  	[smem:$0x3FB4] =	sst s10  }
0x35: {  	s10 =	sld [smem:$0x3FB3];
	_ =	sdelay $0x3  }
0x36: {  	p1 =	seq.s32 s10, $0x1;
	s10 =	sld [smem:$0x3FB4];
	_ =	sdelay $0x3  }
0x37: {  	[smem:$0x3FB4] =	sst s10  }
0x38: {  	s10 =	sld [smem:$0x3FB5]  }
0x39: {  	_ = 	snop;
	(pc) =	sbr.ind lr, $3  }
0x3a: {  	_ = 	snop  }
0x3b: {  	_ = 	snop  }
0x3c: {  	p2 =	seq.s32 s10, $0x1;
	s10 =	sld [smem:$0x3FB4]  }
0x3d: {  	_ =	shalt  }
0x3e: {  	_ =	shalt  }
0x3f: {  	_ =	shalt  }
0x40: {  	_ =	shalt  }
0x41: {  	_ =	shalt  }
0x42: {  	_ =	shalt  }
0x43: {  	_ =	shalt  }
0x44: {  	_ =	shalt  }
0x45: {  	_ =	shalt  }
0x46: {  	_ =	shalt  }
0x47: {  	_ =	shalt  }
0x48: {  	_ =	shalt  }
0x49: {  	_ =	shalt  }
0x4a: {  	_ =	shalt  }
0x4b: {  	_ =	shalt  }
0x4c: {  	_ =	shalt  }
0x4d: {  	_ =	shalt  }
0x4e: {  	_ =	shalt  }
0x4f: {  	_ =	shalt  }
0x50: {  	_ =	shalt  }
0x51: {  	_ =	shalt  }
0x52: {  	_ =	shalt  }
0x53: {  	_ =	shalt  }
0x54: {  	_ =	shalt  }
0x55: {  	_ =	shalt  }
0x56: {  	_ =	shalt  }
0x57: {  	_ =	shalt  }
0x58: {  	_ =	shalt  }
0x59: {  	_ =	shalt  }
0x5a: {  	_ =	shalt  }
0x5b: {  	_ =	shalt  }
0x5c: {  	_ =	shalt  }
0x5d: {  	_ =	shalt  }
0x5e: {  	_ =	shalt  }
0x5f: {  	_ =	shalt  }
0x60: {  	_ =	shalt  }
0x61: {  	_ =	shalt  }
0x62: {  	_ =	shalt  }
0x63: {  	_ =	shalt  }
0x64: {  	_ =	shalt  }
0x65: {  	_ =	shalt  }
0x66: {  	_ =	shalt  }
0x67: {  	_ =	shalt  }
0x68: {  	_ =	shalt  }
0x69: {  	_ =	shalt  }
0x6a: {  	_ =	shalt  }
0x6b: {  	_ =	shalt  }
0x6c: {  	_ =	shalt  }
0x6d: {  	_ =	shalt  }
0x6e: {  	_ =	shalt  }
0x6f: {  	_ =	shalt  }
0x70: {  	_ =	shalt  }
0x71: {  	_ =	shalt  }
0x72: {  	_ =	shalt  }
0x73: {  	_ =	shalt  }
0x74: {  	_ =	shalt  }
0x75: {  	_ =	shalt  }
0x76: {  	_ =	shalt  }
0x77: {  	_ =	shalt  }
0x78: {  	_ =	shalt  }
0x79: {  	_ =	shalt  }
0x7a: {  	_ =	shalt  }
0x7b: {  	_ =	shalt  }
0x7c: {  	_ =	shalt  }
0x7d: {  	_ =	shalt  }
0x7e: {  	_ =	shalt  }
0x7f: {  	_ =	shalt  }
0x80: {  	_ =	shalt  }
0x81: {  	_ =	shalt  }
0x82: {  	_ =	shalt  }
0x83: {  	_ =	shalt  }
0x84: {  	_ =	shalt  }
0x85: {  	_ =	shalt  }
0x86: {  	_ =	shalt  }
0x87: {  	_ =	shalt  }
.Lfunc_end0:
.L_simem_size_0:
called_computation_lowered:
.L_overlay_start_0:
0x88: {  	s2 =	sld [smem:$0x3FD9]  }
0x89: {  	s3 =	sld [smem:$0x3FFE];
	_ =	sdelay $0x1  }
0x8a: {  	s1 =	srdreg.scid  }
0x8b: {  	s0 =	sand.u32 $0x1, s1  }
0x8c: {  	s17 =	sshll.u32 s0, $0xA;
	s2 =	sadd.s32 s3, s2  }
0x8d: {  	s2 =	sadd.s32 s2, s17  }
0x8e: {  	[smem:$0x3FC0] =	sst s2  }
0x8f: {  	_ = 	snop  }
0x90: {  	s2 =	sld [smem:$0x3FC9]  }
0x91: {  	s18 =	sld [smem:$0x3FD0];
	(tm) =	ssettm $0x1  }
0x92: {  	s4 =	sld [smem:$0x3FFB];
	_ =	sdelay $0x3  }
0x93: {  	_ =	strace s4  }
0x94: {  	s4 =	sld [smem:$0x3FFC];
	_ =	sdelay $0x3  }
0x95: {  	_ =	strace s4  }
0x96: {  	s4 =	sld [smem:$0x3FFD];
	_ =	sdelay $0x3  }
0x97: {  	_ =	strace s4  }
0x98: {  	_ =	strace $0x8FFFFFFF  }
0x99: {  	s19 =	sld [smem:$0x3FDB];
	_ =	sdelay $0x1  }
0x9a: {  	s5 =	simm.s32 $_scs_section_size  }
0x9b: {  	s6 =	simm.s32 $_size__tile_overlayer_lowered;
	s7 =	simm.s32 $_tile_overlayer_lowered  }
0x9c: {  	s22 =	simm.s32 $0x1BFF;
	s21 =	sshll.u32 s7, $0x1;
	s4 =	sadd.s32 s5, s19  }
0x9d: {  	s8 =	simm.s32 $0x0;
	s20 =	sshll.u32 s6, $0x1;
	s6 =	sadd.s32 s21, s4  }
0x9e: {  	[timem:s8], [sflag:s22] =	dma.local [hbm:s6], s20  }
0x9f: {  	_ =	swait.ge [sflag:s22], s20  }
0xa0: {  	s5 =	ssub.s32 $0x0, s20;
	[sflag:s22] =	ssyncset.done $0x0  }
0xa1: {  	[sflag:s22] =	ssyncadd.s32 s5;
	_ =	sdelay $0x1  }
0xa2: {  	s23 =	simm.s32 $0x1B8B  }
0xa3: {  	_ =	swait.ge [sflag:s23], $0x1  }
0xa4: {  	[sflag:s23] =	ssyncset.done $0x0  }
0xa5: {  	s25 =	simm.s32 $0x1B8E;
	s24 =	sld [smem:$0x3FFE];
	[sflag:s23] =	ssyncadd.s32 $0xFFFFFFFF  }
0xa6: {  	s26 =	simm.s32 $execute0_lowered;
	[smem:$0x3FD2] =	sst s25  }
0xa7: {  	s6 =	sshll.u32 s26, $0x1;
	_ =	strace $0x80000046;
	[dreg:$0x1] =	wrdreg $0xFFFFFFFF  }
0xa8: {  	s28 =	simm.s32 $_size_execute0_lowered;
	s4 =	sadd.s32 s4, s6;
	[dreg:$0x0] =	wrdreg $0x0  }
0xa9: {  	s6 =	sshll.u32 s28, $0x1;
	[dreg:$0x2] =	wrdreg s4  }
0xaa: {  	[dreg:$0x3] =	wrdreg s6  }
0xab: {  	[dreg:$0x4] =	wrdreg $0xC0  }
0xac: {  	_ =	task [dreg:s8], $0x5FFFF  }
0xad: {  	[dreg:$0x1] =	wrdreg $0xFFFFFFFF  }
0xae: {  	[dreg:$0x0] =	wrdreg $0x60  }
0xaf: {  	[dreg:$0x2] =	wrdreg s24  }
0xb0: {  	[dreg:$0x3] =	wrdreg s2  }
0xb1: {  	[dreg:$0x4] =	wrdreg s18  }
0xb2: {  	[dreg:$0x5] =	wrdreg $0x88000  }
0xb3: {  	[dreg:$0x6] =	wrdreg $0x9  }
0xb4: {  	_ =	task.clear_ibuf [dreg:s8], $0x7FFFF;
	_ =	strace $0x90000046  }
0xb5: {  	s29 =	simm.s32 $0x9;
	_ =	strace $0x80000048  }
0xb6: {  	_ =	swait.ge [sflag:s29], $0x1  }
0xb7: {  	[sflag:s29] =	ssyncadd.s32 $0xFFFFFFFF  }
0xb8: {  	_ =	strace $0x90000048  }
0xb9: {  	_ =	sfence  }
0xba: {  	s30 =	sld [smem:$0x0];
	_ =	sdelay $0x2  }
0xbb: {  	s31 =	sshll.u32 s1, $0xD;
	s1 =	sshrl.u32 s1, $0x2  }
0xbc: {  	s3 =	sand.u32 $0x4000, s31;
	s1 =	sadd.s32 s1, s30  }
0xbd: {  	s0 =	sor.u32 s3, s0;
	s1 =	sshll.u32 s1, $0x11  }
0xbe: {  	s0 =	sor.u32 s1, s0  }
0xbf: {  	s0 =	sadd.s32 $0x8F2B, s0  }
0xc0: {  	[sflag:s0] =	ssyncadd.remote.s32 $0x1  }
0xc1: {  	_ =	sfence.sel $0xFFFF  }
0xc2: {  	[dreg:$0x0] =	wrdreg $0xFFFFFFFF;
	(pc) =	sbr.abs _section_cstart, $3  }
0xc3: {  	[dreg:$0x1] =	wrdreg $0xFFFFFFFF  }
0xc4: {  	_ =	task.clear_ibuf [dreg:s8], $0x2FFFF;
	_ =	strace $0x9FFFFFFF  }
0xc5: {  	(tm) =	ssettm $0x7FFFFFFF  }
tec
execute0_lowered:
.L_overlay_start_1:
0x0: {  	(tag) =	ssettag $0x1  }
0x1: {  	s0 =	rddreg [dreg:$0x0]  }
0x2: {  	s1 =	rddreg [dreg:$0x1]  }
0x3: {  	s3 =	rddreg [dreg:$0x2]  }
0x4: {  	s2 =	rddreg [dreg:$0x3]  }
0x5: {  	s5 =	srdreg.scid;
	s4 =	simm.s32 $0x0;
	s24 =	stileid.u32  }
0x6: {  	s21 =	simm.s32 $0x80;
	s22 =	simm.s32 $0x100;
	s23 =	simm.s32 $0x880  }
0x7: {  	s26 =	simm.s32 $0x180;
	s16 =	simm.s32 $0x280;
	s28 =	simm.s32 $0xC80  }
0x8: {  	s29 =	simm.s32 $0x580;
	s30 =	simm.s32 $0xD00;
	s7 =	smul.u32 $0x2780, s24  }
0x9: {  	s31 =	simm.s32 $0x600;
	s5 =	sand.u32 $0x1, s5;
	s10 =	smul.u32 $0x4F000, s24  }
0xa: {  	[smem:$0x7FF] =	sst s4;
	s8 =	sadd.s32 $0x49800, s0;
	s11 =	smul.u32 $0x4E000, s24  }
0xb: {  	s13 =	sshll.u32 s24, $0x6;
	_ =	strace $0x80000047;
	[dreg:$0x17] =	wrdreg s8  }
0xc: {  	s14 =	smul.u32 $0x2700, s24;
	s19 =	sshll.u32 s24, $0xB;
	[dreg:$0x7] =	wrdreg s21  }
0xd: {  	p0 =	sne.s32 s24, $0xF;
	s6 =	sshll.u32 s5, $0xF;
	[dreg:$0x8] =	wrdreg s22  }
0xe: {  	s17 =	ssub.s32 $0x2, s5;
	s12 =	smul.u32 $0x27100, s5;
	[dreg:$0x9] =	wrdreg s23  }
0xf: {  	s18 =	sshll.u32 s5, $0x4;
	s5 =	smul.u32 $0x138800, s5;
	[dreg:$0xa] =	wrdreg s26  }
0x10: {  	[dreg:$0xe] =	wrdreg s16;
	s16 =	simm.s32 $0x50;
	s21 =	simm.s32 $0xB00  }
0x11: {  	s22 =	simm.s32 $0x400;
	s23 =	simm.s32 $0xB80;
	s6 =	sadd.s32 s6, s0  }
0x12: {  	s7 =	sadd.s32 s7, s0;
	s0 =	sadd.s32 $0x49E00, s0;
	[dreg:$0x13] =	wrdreg s21  }
0x13: {  	s9 =	sshrl.u32 s17, $0x1;
	s10 =	sshrl.u32 s10, $0x2;
	[dreg:$0x14] =	wrdreg s22  }
0x14: {  	s11 =	sshrl.u32 s11, $0x2;
	[dreg:$0x15] =	wrdreg s23;
	s21 =	simm.s32 $0x2  }
0x15: {  	s22 =	simm.s32 $0x4;
	s23 =	simm.s32 $0xC00;
	s8 =	ssub.s32 s17, s9  }
0x16: {  	s9 =	sor.u32 s24, s18;
	s10 =	sadd.s32 s10, s2;
	s7 =	sadd.s32 $0x22000, s7  }
0x17: {  	s12 =	sadd.s32 s14, s12;
	s6 =	sadd.s32 s19, s6;
	s11 =	sadd.s32 s11, s2  }
0x18: {  	s5 =	sshrl.u32 s5, $0x3;
	s14 =	simm.s32 $0x980;
	s17 =	simm.s32 $0xA00  }
0x19: {  	s18 =	simm.s32 $0x300;
	s19 =	simm.s32 $0xA80;
	[dreg:$0x18] =	wrdreg s7  }
0x1a: {  	s7 =	sor.u32 $0x1C05, s13;
	s12 =	sadd.s32 s0, s12;
	[dreg:$0xd] =	wrdreg s14  }
0x1b: {  	s20 =	sadd.s32 $0x12000, s6;
	s6 =	sadd.s32 $0x2000, s6;
	[dreg:$0xf] =	wrdreg s17  }
0x1c: {  	s0 =	sadd.s32 s0, s5;
	s25 =	smul.u32 $0x500, s9;
	[dreg:$0x10] =	wrdreg s18  }
0x1d: {  	s5 =	simm.s32 $0x900;
	s9 =	simm.s32 $0x200;
	[dreg:$0x11] =	wrdreg s19  }
0x1e: {  	s13 =	smax.u32 s8, $0x1;
	s15 =	sshrl.u32 s10, $0x3;
	[dreg:$0x19] =	wrdreg s12  }
0x1f: {  	s14 =	simm.s32 $0x6000;
	s17 =	simm.s32 $0x1000;
	[dreg:$0x5] =	wrdreg s20  }
0x20: {  	s18 =	simm.s32 $0x3800;
	s19 =	simm.s32 $0x1;
	[dreg:$0x6] =	wrdreg s6  }
0x21: {  	s26 =	sshrl.u32 s11, $0x3;
	s8 =	simm.s32 $0xE80;
	[dreg:$0xb] =	wrdreg s5  }
0x22: {  	s10 =	simm.s32 $0xF00;
	s11 =	simm.s32 $0xF80;
	[dreg:$0x1c] =	wrdreg s13  }
0x23: {  	s12 =	sadd.s32 $0x138000, s2;
	s0 =	sadd.s32 $0x27000, s0;
	[dreg:$0xc] =	wrdreg s9  }
0x24: {  	[dreg:$0x1d] =	wrdreg s15;
	s13 =	simm.s32 $0x5;
	s15 =	simm.s32 $0x800  }
0x25: {  	s20 =	simm.s32 $0x380;
	[dreg:$0x1e] =	wrdreg s26;
	s26 =	simm.s32 $0x500  }
0x26: {  	s5 =	simm.s32 $0xE00;
	s6 =	simm.s32 $0x700;
	[dreg:$0x1a] =	wrdreg s0  }
0x27: {  	s9 =	simm.s32 $0x780;
	s3 =	sadd.s32 s3, s25;
	[dreg:$0x12] =	wrdreg s20  }
0x28: {  	s20 =	simm.s32 $0x3;
	s25 =	simm.s32 $0x480;
	[dreg:$0x1b] =	wrdreg s3  }
0x29: {  	s0 =	sshrl.u32 @!p0 s12, $0x3;
	s12 =	simm.s32 $0x0;
	[dreg:$0x16] =	wrdreg s25  }
0x2a: {  	v0 =	vimm.f32 $1.000000000e+00;
	[dreg:$0x1f] =	wrdreg s0;
	s0 =	simm.s32 $0xD80;
	s3 =	simm.s32 $0x680  }
.LBB2_1:
0x2b: {  	s24 =	rddreg [dreg:$0x18]  }
0x2c: {  	s25 =	rddreg [dreg:$0x1d]  }
0x2d: {  	[spmem:s25], [sflag:s7] =	dma.local [hbm:s24], $0x2780  }
0x2e: {  	_ =	swait.ge [sflag:s13], $0x2780  }
0x2f: {  	[sflag:s13] =	ssyncset.done $0x0  }
0x30: {  	s25 =	rddreg [dreg:$0x17];
	[sflag:s13] =	ssyncadd.s32 $0xFFFFD880  }
0x31: {  	[tilespmem:s14], [sflag:$0x5] =	stream.linear.gather [hbm4b:s25+s4], $0x2780, $0x38;
	[tilespmem:$0x1C400] =	vst v63  }
0x32: {  	_ =	swait.ge [sflag:s13], $0x2780  }
0x33: {  	[sflag:s13] =	ssyncset.done $0x0  }
0x34: {  	[sflag:s13] =	ssyncadd.s32 $0xFFFFD880  }
0x35: {  	s24 =	simm.s32 $0x0;
	[bflag:$0x0] =	sbarrier.arrive $0xFFFF  }
.LBB2_2:
0x36: {  	s25 =	rddreg [dreg:$0x6]  }
0x37: {  	s25 =	sadd.s32 s24, s25  }
0x38: {  	[tilespmem:s4], [sflag:$0x5] =	stream.linear.gather [hbm4b:s25+s4], $0x800, $0x38;
	[tilespmem:$0x1C400] =	vst v63  }
0x39: {  	_ =	swait.ge [sflag:s13], $0x800  }
0x3a: {  	s25 =	rddreg [dreg:$0x5];
	[sflag:s13] =	ssyncset.done $0x0  }
0x3b: {  	[sflag:s13] =	ssyncadd.s32 $0xFFFFF800;
	s25 =	sadd.s32 s24, s25  }
0x3c: {  	[tilespmem:s15], [sflag:$0x5] =	stream.linear.gather [hbm4b:s25+s4], $0x800, $0x38;
	[tilespmem:$0x1C400] =	vst v63  }
0x3d: {  	_ =	swait.ge [sflag:s13], $0x800  }
0x3e: {  	[sflag:s13] =	ssyncset.done $0x0  }
0x3f: {  	[sflag:s13] =	ssyncadd.s32 $0xFFFFF800  }
0x40: {  	[tilespmem:s17], [sflag:$0x1] =	stream.indirect.gather [hbm4b:s1+s16], $0x80, s4, s16, $0xb8;
	[tilespmem:$0x1C400] =	vst v63  }
0x41: {  	s25 =	rddreg [dreg:$0x7]  }
0x42: {  	[tilespmem:s18], [sflag:$0x2] =	stream.indirect.gather [hbm4b:s1+s16], $0x80, s25, s16, $0xb8;
	[tilespmem:$0x1C400] =	vst v63  }
0x43: {  	_ =	swait.ge [sflag:s19], $0x2800  }
0x44: {  	[sflag:s19] =	ssyncset.done $0x0  }
0x45: {  	[sflag:s19] =	ssyncadd.s32 $0xFFFFD800  }
0x46: {  	[spmem:s2] =	stream.indirect.scatter.add.f32 [tilespmem:s17], [sflag:$0x3], $0x80, s15, s16, $0xb8;
	[tilespmem:$0x1C400] =	vst v63  }
0x47: {  	v1 =	vld [tilespmem:$0x800];
	_ =	sdelay $0x7  }
0x48: {  	[tilespmem:v1+s14+$0x0] =	vst.idx.add.f32.msk $0xffff, v0  }
0x49: {  	v1 =	vld [tilespmem:$0x810];
	_ =	sdelay $0x7  }
0x4a: {  	[tilespmem:v1+s14+$0x0] =	vst.idx.add.f32.msk $0xffff, v0  }
0x4b: {  	v1 =	vld [tilespmem:$0x820];
	_ =	sdelay $0x7  }
0x4c: {  	[tilespmem:v1+s14+$0x0] =	vst.idx.add.f32.msk $0xffff, v0  }
0x4d: {  	v1 =	vld [tilespmem:$0x830];
	_ =	sdelay $0x7  }
0x4e: {  	[tilespmem:v1+s14+$0x0] =	vst.idx.add.f32.msk $0xffff, v0  }
0x4f: {  	v1 =	vld [tilespmem:$0x840];
	_ =	sdelay $0x7  }
0x50: {  	[tilespmem:v1+s14+$0x0] =	vst.idx.add.f32.msk $0xffff, v0  }
0x51: {  	_ =	swait.ge [sflag:s20], $0x2800  }
0x52: {  	[sflag:s20] =	ssyncset.done $0x0  }
0x53: {  	s25 =	rddreg [dreg:$0x8];
	[sflag:s20] =	ssyncadd.s32 $0xFFFFD800  }
0x54: {  	[tilespmem:s17], [sflag:$0x1] =	stream.indirect.gather [hbm4b:s1+s16], $0x80, s25, s16, $0xb8;
	[tilespmem:$0x1C400] =	vst v63  }
0x55: {  	_ =	swait.ge [sflag:s21], $0x2800  }
0x56: {  	[sflag:s21] =	ssyncset.done $0x0  }
0x57: {  	s25 =	rddreg [dreg:$0x9];
	[sflag:s21] =	ssyncadd.s32 $0xFFFFD800  }
0x58: {  	[spmem:s2] =	stream.indirect.scatter.add.f32 [tilespmem:s18], [sflag:$0x4], $0x80, s25, s16, $0xb8;
	[tilespmem:$0x1C400] =	vst v63  }
0x59: {  	v1 =	vld [tilespmem:$0x880];
	_ =	sdelay $0x7  }
0x5a: {  	[tilespmem:v1+s14+$0x0] =	vst.idx.add.f32.msk $0xffff, v0  }
0x5b: {  	v1 =	vld [tilespmem:$0x890];
	_ =	sdelay $0x7  }
0x5c: {  	[tilespmem:v1+s14+$0x0] =	vst.idx.add.f32.msk $0xffff, v0  }
0x5d: {  	v1 =	vld [tilespmem:$0x8A0];
	_ =	sdelay $0x7  }
0x5e: {  	[tilespmem:v1+s14+$0x0] =	vst.idx.add.f32.msk $0xffff, v0  }
0x5f: {  	v1 =	vld [tilespmem:$0x8B0];
	_ =	sdelay $0x7  }
0x60: {  	[tilespmem:v1+s14+$0x0] =	vst.idx.add.f32.msk $0xffff, v0  }
0x61: {  	v1 =	vld [tilespmem:$0x8C0];
	_ =	sdelay $0x7  }
0x62: {  	[tilespmem:v1+s14+$0x0] =	vst.idx.add.f32.msk $0xffff, v0  }
0x63: {  	_ =	swait.ge [sflag:s22], $0x2800  }
0x64: {  	[sflag:s22] =	ssyncset.done $0x0  }
0x65: {  	s25 =	rddreg [dreg:$0xa];
	[sflag:s22] =	ssyncadd.s32 $0xFFFFD800  }
0x66: {  	[tilespmem:s18], [sflag:$0x2] =	stream.indirect.gather [hbm4b:s1+s16], $0x80, s25, s16, $0xb8;
	[tilespmem:$0x1C400] =	vst v63  }
0x67: {  	_ =	swait.ge [sflag:s19], $0x2800  }
0x68: {  	[sflag:s19] =	ssyncset.done $0x0  }
0x69: {  	s25 =	rddreg [dreg:$0xb];
	[sflag:s19] =	ssyncadd.s32 $0xFFFFD800  }
0x6a: {  	[spmem:s2] =	stream.indirect.scatter.add.f32 [tilespmem:s17], [sflag:$0x3], $0x80, s25, s16, $0xb8;
	[tilespmem:$0x1C400] =	vst v63  }
0x6b: {  	v1 =	vld [tilespmem:$0x900];
	_ =	sdelay $0x7  }
0x6c: {  	[tilespmem:v1+s14+$0x0] =	vst.idx.add.f32.msk $0xffff, v0  }
0x6d: {  	v1 =	vld [tilespmem:$0x910];
	_ =	sdelay $0x7  }
0x6e: {  	[tilespmem:v1+s14+$0x0] =	vst.idx.add.f32.msk $0xffff, v0  }
0x6f: {  	v1 =	vld [tilespmem:$0x920];
	_ =	sdelay $0x7  }
0x70: {  	[tilespmem:v1+s14+$0x0] =	vst.idx.add.f32.msk $0xffff, v0  }
0x71: {  	v1 =	vld [tilespmem:$0x930];
	_ =	sdelay $0x7  }
0x72: {  	[tilespmem:v1+s14+$0x0] =	vst.idx.add.f32.msk $0xffff, v0  }
0x73: {  	v1 =	vld [tilespmem:$0x940];
	_ =	sdelay $0x7  }
0x74: {  	[tilespmem:v1+s14+$0x0] =	vst.idx.add.f32.msk $0xffff, v0  }
0x75: {  	_ =	swait.ge [sflag:s20], $0x2800  }
0x76: {  	[sflag:s20] =	ssyncset.done $0x0  }
0x77: {  	s25 =	rddreg [dreg:$0xc];
	[sflag:s20] =	ssyncadd.s32 $0xFFFFD800  }
0x78: {  	[tilespmem:s17], [sflag:$0x1] =	stream.indirect.gather [hbm4b:s1+s16], $0x80, s25, s16, $0xb8;
	[tilespmem:$0x1C400] =	vst v63  }
0x79: {  	_ =	swait.ge [sflag:s21], $0x2800  }
0x7a: {  	[sflag:s21] =	ssyncset.done $0x0  }
0x7b: {  	s25 =	rddreg [dreg:$0xd];
	[sflag:s21] =	ssyncadd.s32 $0xFFFFD800  }
0x7c: {  	[spmem:s2] =	stream.indirect.scatter.add.f32 [tilespmem:s18], [sflag:$0x4], $0x80, s25, s16, $0xb8;
	[tilespmem:$0x1C400] =	vst v63  }
0x7d: {  	v1 =	vld [tilespmem:$0x980];
	_ =	sdelay $0x7  }
0x7e: {  	[tilespmem:v1+s14+$0x0] =	vst.idx.add.f32.msk $0xffff, v0  }
0x7f: {  	v1 =	vld [tilespmem:$0x990];
	_ =	sdelay $0x7  }
0x80: {  	[tilespmem:v1+s14+$0x0] =	vst.idx.add.f32.msk $0xffff, v0  }
0x81: {  	v1 =	vld [tilespmem:$0x9A0];
	_ =	sdelay $0x7  }
0x82: {  	[tilespmem:v1+s14+$0x0] =	vst.idx.add.f32.msk $0xffff, v0  }
0x83: {  	v1 =	vld [tilespmem:$0x9B0];
	_ =	sdelay $0x7  }
0x84: {  	[tilespmem:v1+s14+$0x0] =	vst.idx.add.f32.msk $0xffff, v0  }
0x85: {  	v1 =	vld [tilespmem:$0x9C0];
	_ =	sdelay $0x7  }
0x86: {  	[tilespmem:v1+s14+$0x0] =	vst.idx.add.f32.msk $0xffff, v0  }
0x87: {  	_ =	swait.ge [sflag:s22], $0x2800  }
0x88: {  	[sflag:s22] =	ssyncset.done $0x0  }
0x89: {  	s25 =	rddreg [dreg:$0xe];
	[sflag:s22] =	ssyncadd.s32 $0xFFFFD800  }
0x8a: {  	[tilespmem:s18], [sflag:$0x2] =	stream.indirect.gather [hbm4b:s1+s16], $0x80, s25, s16, $0xb8;
	[tilespmem:$0x1C400] =	vst v63  }
0x8b: {  	_ =	swait.ge [sflag:s19], $0x2800  }
0x8c: {  	[sflag:s19] =	ssyncset.done $0x0  }
0x8d: {  	s25 =	rddreg [dreg:$0xf];
	[sflag:s19] =	ssyncadd.s32 $0xFFFFD800  }
0x8e: {  	[spmem:s2] =	stream.indirect.scatter.add.f32 [tilespmem:s17], [sflag:$0x3], $0x80, s25, s16, $0xb8;
	[tilespmem:$0x1C400] =	vst v63  }
0x8f: {  	v1 =	vld [tilespmem:$0xA00];
	_ =	sdelay $0x7  }
0x90: {  	[tilespmem:v1+s14+$0x0] =	vst.idx.add.f32.msk $0xffff, v0  }
0x91: {  	v1 =	vld [tilespmem:$0xA10];
	_ =	sdelay $0x7  }
0x92: {  	[tilespmem:v1+s14+$0x0] =	vst.idx.add.f32.msk $0xffff, v0  }
0x93: {  	v1 =	vld [tilespmem:$0xA20];
	_ =	sdelay $0x7  }
0x94: {  	[tilespmem:v1+s14+$0x0] =	vst.idx.add.f32.msk $0xffff, v0  }
0x95: {  	v1 =	vld [tilespmem:$0xA30];
	_ =	sdelay $0x7  }
0x96: {  	[tilespmem:v1+s14+$0x0] =	vst.idx.add.f32.msk $0xffff, v0  }
0x97: {  	v1 =	vld [tilespmem:$0xA40];
	_ =	sdelay $0x7  }
0x98: {  	[tilespmem:v1+s14+$0x0] =	vst.idx.add.f32.msk $0xffff, v0  }
0x99: {  	_ =	swait.ge [sflag:s20], $0x2800  }
0x9a: {  	[sflag:s20] =	ssyncset.done $0x0  }
0x9b: {  	s25 =	rddreg [dreg:$0x10];
	[sflag:s20] =	ssyncadd.s32 $0xFFFFD800  }
0x9c: {  	[tilespmem:s17], [sflag:$0x1] =	stream.indirect.gather [hbm4b:s1+s16], $0x80, s25, s16, $0xb8;
	[tilespmem:$0x1C400] =	vst v63  }
0x9d: {  	_ =	swait.ge [sflag:s21], $0x2800  }
0x9e: {  	[sflag:s21] =	ssyncset.done $0x0  }
0x9f: {  	s25 =	rddreg [dreg:$0x11];
	[sflag:s21] =	ssyncadd.s32 $0xFFFFD800  }
0xa0: {  	[spmem:s2] =	stream.indirect.scatter.add.f32 [tilespmem:s18], [sflag:$0x4], $0x80, s25, s16, $0xb8;
	[tilespmem:$0x1C400] =	vst v63  }
0xa1: {  	v1 =	vld [tilespmem:$0xA80];
	_ =	sdelay $0x7  }
0xa2: {  	[tilespmem:v1+s14+$0x0] =	vst.idx.add.f32.msk $0xffff, v0  }
0xa3: {  	v1 =	vld [tilespmem:$0xA90];
	_ =	sdelay $0x7  }
0xa4: {  	[tilespmem:v1+s14+$0x0] =	vst.idx.add.f32.msk $0xffff, v0  }
0xa5: {  	v1 =	vld [tilespmem:$0xAA0];
	_ =	sdelay $0x7  }
0xa6: {  	[tilespmem:v1+s14+$0x0] =	vst.idx.add.f32.msk $0xffff, v0  }
0xa7: {  	v1 =	vld [tilespmem:$0xAB0];
	_ =	sdelay $0x7  }
0xa8: {  	[tilespmem:v1+s14+$0x0] =	vst.idx.add.f32.msk $0xffff, v0  }
0xa9: {  	v1 =	vld [tilespmem:$0xAC0];
	_ =	sdelay $0x7  }
0xaa: {  	[tilespmem:v1+s14+$0x0] =	vst.idx.add.f32.msk $0xffff, v0  }
0xab: {  	_ =	swait.ge [sflag:s22], $0x2800  }
0xac: {  	[sflag:s22] =	ssyncset.done $0x0  }
0xad: {  	s25 =	rddreg [dreg:$0x12];
	[sflag:s22] =	ssyncadd.s32 $0xFFFFD800  }
0xae: {  	[tilespmem:s18], [sflag:$0x2] =	stream.indirect.gather [hbm4b:s1+s16], $0x80, s25, s16, $0xb8;
	[tilespmem:$0x1C400] =	vst v63  }
0xaf: {  	_ =	swait.ge [sflag:s19], $0x2800  }
0xb0: {  	[sflag:s19] =	ssyncset.done $0x0  }
0xb1: {  	s25 =	rddreg [dreg:$0x13];
	[sflag:s19] =	ssyncadd.s32 $0xFFFFD800  }
0xb2: {  	[spmem:s2] =	stream.indirect.scatter.add.f32 [tilespmem:s17], [sflag:$0x3], $0x80, s25, s16, $0xb8;
	[tilespmem:$0x1C400] =	vst v63  }
0xb3: {  	v1 =	vld [tilespmem:$0xB00];
	_ =	sdelay $0x7  }
0xb4: {  	[tilespmem:v1+s14+$0x0] =	vst.idx.add.f32.msk $0xffff, v0  }
0xb5: {  	v1 =	vld [tilespmem:$0xB10];
	_ =	sdelay $0x7  }
0xb6: {  	[tilespmem:v1+s14+$0x0] =	vst.idx.add.f32.msk $0xffff, v0  }
0xb7: {  	v1 =	vld [tilespmem:$0xB20];
	_ =	sdelay $0x7  }
0xb8: {  	[tilespmem:v1+s14+$0x0] =	vst.idx.add.f32.msk $0xffff, v0  }
0xb9: {  	v1 =	vld [tilespmem:$0xB30];
	_ =	sdelay $0x7  }
0xba: {  	[tilespmem:v1+s14+$0x0] =	vst.idx.add.f32.msk $0xffff, v0  }
0xbb: {  	v1 =	vld [tilespmem:$0xB40];
	_ =	sdelay $0x7  }
0xbc: {  	[tilespmem:v1+s14+$0x0] =	vst.idx.add.f32.msk $0xffff, v0  }
0xbd: {  	_ =	swait.ge [sflag:s20], $0x2800  }
0xbe: {  	[sflag:s20] =	ssyncset.done $0x0  }
0xbf: {  	s25 =	rddreg [dreg:$0x14];
	[sflag:s20] =	ssyncadd.s32 $0xFFFFD800  }
0xc0: {  	[tilespmem:s17], [sflag:$0x1] =	stream.indirect.gather [hbm4b:s1+s16], $0x80, s25, s16, $0xb8;
	[tilespmem:$0x1C400] =	vst v63  }
0xc1: {  	_ =	swait.ge [sflag:s21], $0x2800  }
0xc2: {  	[sflag:s21] =	ssyncset.done $0x0  }
0xc3: {  	s25 =	rddreg [dreg:$0x15];
	[sflag:s21] =	ssyncadd.s32 $0xFFFFD800  }
0xc4: {  	[spmem:s2] =	stream.indirect.scatter.add.f32 [tilespmem:s18], [sflag:$0x4], $0x80, s25, s16, $0xb8;
	[tilespmem:$0x1C400] =	vst v63  }
0xc5: {  	v1 =	vld [tilespmem:$0xB80];
	_ =	sdelay $0x7  }
0xc6: {  	[tilespmem:v1+s14+$0x0] =	vst.idx.add.f32.msk $0xffff, v0  }
0xc7: {  	v1 =	vld [tilespmem:$0xB90];
	_ =	sdelay $0x7  }
0xc8: {  	[tilespmem:v1+s14+$0x0] =	vst.idx.add.f32.msk $0xffff, v0  }
0xc9: {  	v1 =	vld [tilespmem:$0xBA0];
	_ =	sdelay $0x7  }
0xca: {  	[tilespmem:v1+s14+$0x0] =	vst.idx.add.f32.msk $0xffff, v0  }
0xcb: {  	v1 =	vld [tilespmem:$0xBB0];
	_ =	sdelay $0x7  }
0xcc: {  	[tilespmem:v1+s14+$0x0] =	vst.idx.add.f32.msk $0xffff, v0  }
0xcd: {  	v1 =	vld [tilespmem:$0xBC0];
	_ =	sdelay $0x7  }
0xce: {  	[tilespmem:v1+s14+$0x0] =	vst.idx.add.f32.msk $0xffff, v0  }
0xcf: {  	_ =	swait.ge [sflag:s22], $0x2800  }
0xd0: {  	[sflag:s22] =	ssyncset.done $0x0  }
0xd1: {  	s25 =	rddreg [dreg:$0x16];
	[sflag:s22] =	ssyncadd.s32 $0xFFFFD800  }
0xd2: {  	[tilespmem:s18], [sflag:$0x2] =	stream.indirect.gather [hbm4b:s1+s16], $0x80, s25, s16, $0xb8;
	[tilespmem:$0x1C400] =	vst v63  }
0xd3: {  	_ =	swait.ge [sflag:s19], $0x2800  }
0xd4: {  	[sflag:s19] =	ssyncset.done $0x0  }
0xd5: {  	[sflag:s19] =	ssyncadd.s32 $0xFFFFD800  }
0xd6: {  	[spmem:s2] =	stream.indirect.scatter.add.f32 [tilespmem:s17], [sflag:$0x3], $0x80, s23, s16, $0xb8;
	[tilespmem:$0x1C400] =	vst v63  }
0xd7: {  	v1 =	vld [tilespmem:$0xC00];
	_ =	sdelay $0x7  }
0xd8: {  	[tilespmem:v1+s14+$0x0] =	vst.idx.add.f32.msk $0xffff, v0  }
0xd9: {  	v1 =	vld [tilespmem:$0xC10];
	_ =	sdelay $0x7  }
0xda: {  	[tilespmem:v1+s14+$0x0] =	vst.idx.add.f32.msk $0xffff, v0  }
0xdb: {  	v1 =	vld [tilespmem:$0xC20];
	_ =	sdelay $0x7  }
0xdc: {  	[tilespmem:v1+s14+$0x0] =	vst.idx.add.f32.msk $0xffff, v0  }
0xdd: {  	v1 =	vld [tilespmem:$0xC30];
	_ =	sdelay $0x7  }
0xde: {  	[tilespmem:v1+s14+$0x0] =	vst.idx.add.f32.msk $0xffff, v0  }
0xdf: {  	v1 =	vld [tilespmem:$0xC40];
	_ =	sdelay $0x7  }
0xe0: {  	[tilespmem:v1+s14+$0x0] =	vst.idx.add.f32.msk $0xffff, v0  }
0xe1: {  	_ =	swait.ge [sflag:s20], $0x2800  }
0xe2: {  	[sflag:s20] =	ssyncset.done $0x0  }
0xe3: {  	[sflag:s20] =	ssyncadd.s32 $0xFFFFD800  }
0xe4: {  	[tilespmem:s17], [sflag:$0x1] =	stream.indirect.gather [hbm4b:s1+s16], $0x80, s26, s16, $0xb8;
	[tilespmem:$0x1C400] =	vst v63  }
0xe5: {  	_ =	swait.ge [sflag:s21], $0x2800  }
0xe6: {  	[sflag:s21] =	ssyncset.done $0x0  }
0xe7: {  	[sflag:s21] =	ssyncadd.s32 $0xFFFFD800  }
0xe8: {  	[spmem:s2] =	stream.indirect.scatter.add.f32 [tilespmem:s18], [sflag:$0x4], $0x80, s28, s16, $0xb8;
	[tilespmem:$0x1C400] =	vst v63  }
0xe9: {  	v1 =	vld [tilespmem:$0xC80];
	_ =	sdelay $0x7  }
0xea: {  	[tilespmem:v1+s14+$0x0] =	vst.idx.add.f32.msk $0xffff, v0  }
0xeb: {  	v1 =	vld [tilespmem:$0xC90];
	_ =	sdelay $0x7  }
0xec: {  	[tilespmem:v1+s14+$0x0] =	vst.idx.add.f32.msk $0xffff, v0  }
0xed: {  	v1 =	vld [tilespmem:$0xCA0];
	_ =	sdelay $0x7  }
0xee: {  	[tilespmem:v1+s14+$0x0] =	vst.idx.add.f32.msk $0xffff, v0  }
0xef: {  	v1 =	vld [tilespmem:$0xCB0];
	_ =	sdelay $0x7  }
0xf0: {  	[tilespmem:v1+s14+$0x0] =	vst.idx.add.f32.msk $0xffff, v0  }
0xf1: {  	v1 =	vld [tilespmem:$0xCC0];
	_ =	sdelay $0x7  }
0xf2: {  	[tilespmem:v1+s14+$0x0] =	vst.idx.add.f32.msk $0xffff, v0  }
0xf3: {  	_ =	swait.ge [sflag:s22], $0x2800  }
0xf4: {  	[sflag:s22] =	ssyncset.done $0x0  }
0xf5: {  	[sflag:s22] =	ssyncadd.s32 $0xFFFFD800  }
0xf6: {  	[tilespmem:s18], [sflag:$0x2] =	stream.indirect.gather [hbm4b:s1+s16], $0x80, s29, s16, $0xb8;
	[tilespmem:$0x1C400] =	vst v63  }
0xf7: {  	_ =	swait.ge [sflag:s19], $0x2800  }
0xf8: {  	[sflag:s19] =	ssyncset.done $0x0  }
0xf9: {  	[sflag:s19] =	ssyncadd.s32 $0xFFFFD800  }
0xfa: {  	[spmem:s2] =	stream.indirect.scatter.add.f32 [tilespmem:s17], [sflag:$0x3], $0x80, s30, s16, $0xb8;
	[tilespmem:$0x1C400] =	vst v63  }
0xfb: {  	v1 =	vld [tilespmem:$0xD00];
	_ =	sdelay $0x7  }
0xfc: {  	[tilespmem:v1+s14+$0x0] =	vst.idx.add.f32.msk $0xffff, v0  }
0xfd: {  	v1 =	vld [tilespmem:$0xD10];
	_ =	sdelay $0x7  }
0xfe: {  	[tilespmem:v1+s14+$0x0] =	vst.idx.add.f32.msk $0xffff, v0  }
0xff: {  	v1 =	vld [tilespmem:$0xD20];
	_ =	sdelay $0x7  }
0x100: {  	[tilespmem:v1+s14+$0x0] =	vst.idx.add.f32.msk $0xffff, v0  }
0x101: {  	v1 =	vld [tilespmem:$0xD30];
	_ =	sdelay $0x7  }
0x102: {  	[tilespmem:v1+s14+$0x0] =	vst.idx.add.f32.msk $0xffff, v0  }
0x103: {  	v1 =	vld [tilespmem:$0xD40];
	_ =	sdelay $0x7  }
0x104: {  	[tilespmem:v1+s14+$0x0] =	vst.idx.add.f32.msk $0xffff, v0  }
0x105: {  	_ =	swait.ge [sflag:s20], $0x2800  }
0x106: {  	[sflag:s20] =	ssyncset.done $0x0  }
0x107: {  	[sflag:s20] =	ssyncadd.s32 $0xFFFFD800  }
0x108: {  	[tilespmem:s17], [sflag:$0x1] =	stream.indirect.gather [hbm4b:s1+s16], $0x80, s31, s16, $0xb8;
	[tilespmem:$0x1C400] =	vst v63  }
0x109: {  	_ =	swait.ge [sflag:s21], $0x2800  }
0x10a: {  	[sflag:s21] =	ssyncset.done $0x0  }
0x10b: {  	[sflag:s21] =	ssyncadd.s32 $0xFFFFD800  }
0x10c: {  	[spmem:s2] =	stream.indirect.scatter.add.f32 [tilespmem:s18], [sflag:$0x4], $0x80, s0, s16, $0xb8;
	[tilespmem:$0x1C400] =	vst v63  }
0x10d: {  	v1 =	vld [tilespmem:$0xD80];
	_ =	sdelay $0x7  }
0x10e: {  	[tilespmem:v1+s14+$0x0] =	vst.idx.add.f32.msk $0xffff, v0  }
0x10f: {  	v1 =	vld [tilespmem:$0xD90];
	_ =	sdelay $0x7  }
0x110: {  	[tilespmem:v1+s14+$0x0] =	vst.idx.add.f32.msk $0xffff, v0  }
0x111: {  	v1 =	vld [tilespmem:$0xDA0];
	_ =	sdelay $0x7  }
0x112: {  	[tilespmem:v1+s14+$0x0] =	vst.idx.add.f32.msk $0xffff, v0  }
0x113: {  	v1 =	vld [tilespmem:$0xDB0];
	_ =	sdelay $0x7  }
0x114: {  	[tilespmem:v1+s14+$0x0] =	vst.idx.add.f32.msk $0xffff, v0  }
0x115: {  	v1 =	vld [tilespmem:$0xDC0];
	_ =	sdelay $0x7  }
0x116: {  	[tilespmem:v1+s14+$0x0] =	vst.idx.add.f32.msk $0xffff, v0  }
0x117: {  	_ =	swait.ge [sflag:s22], $0x2800  }
0x118: {  	[sflag:s22] =	ssyncset.done $0x0  }
0x119: {  	[sflag:s22] =	ssyncadd.s32 $0xFFFFD800  }
0x11a: {  	[tilespmem:s18], [sflag:$0x2] =	stream.indirect.gather [hbm4b:s1+s16], $0x80, s3, s16, $0xb8;
	[tilespmem:$0x1C400] =	vst v63  }
0x11b: {  	_ =	swait.ge [sflag:s19], $0x2800  }
0x11c: {  	[sflag:s19] =	ssyncset.done $0x0  }
0x11d: {  	[sflag:s19] =	ssyncadd.s32 $0xFFFFD800  }
0x11e: {  	[spmem:s2] =	stream.indirect.scatter.add.f32 [tilespmem:s17], [sflag:$0x3], $0x80, s5, s16, $0xb8;
	[tilespmem:$0x1C400] =	vst v63  }
0x11f: {  	v1 =	vld [tilespmem:$0xE00];
	_ =	sdelay $0x7  }
0x120: {  	[tilespmem:v1+s14+$0x0] =	vst.idx.add.f32.msk $0xffff, v0  }
0x121: {  	v1 =	vld [tilespmem:$0xE10];
	_ =	sdelay $0x7  }
0x122: {  	[tilespmem:v1+s14+$0x0] =	vst.idx.add.f32.msk $0xffff, v0  }
0x123: {  	v1 =	vld [tilespmem:$0xE20];
	_ =	sdelay $0x7  }
0x124: {  	[tilespmem:v1+s14+$0x0] =	vst.idx.add.f32.msk $0xffff, v0  }
0x125: {  	v1 =	vld [tilespmem:$0xE30];
	_ =	sdelay $0x7  }
0x126: {  	[tilespmem:v1+s14+$0x0] =	vst.idx.add.f32.msk $0xffff, v0  }
0x127: {  	v1 =	vld [tilespmem:$0xE40];
	_ =	sdelay $0x7  }
0x128: {  	[tilespmem:v1+s14+$0x0] =	vst.idx.add.f32.msk $0xffff, v0  }
0x129: {  	_ =	swait.ge [sflag:s20], $0x2800  }
0x12a: {  	[sflag:s20] =	ssyncset.done $0x0  }
0x12b: {  	[sflag:s20] =	ssyncadd.s32 $0xFFFFD800  }
0x12c: {  	[tilespmem:s17], [sflag:$0x1] =	stream.indirect.gather [hbm4b:s1+s16], $0x80, s6, s16, $0xb8;
	[tilespmem:$0x1C400] =	vst v63  }
0x12d: {  	_ =	swait.ge [sflag:s21], $0x2800  }
0x12e: {  	[sflag:s21] =	ssyncset.done $0x0  }
0x12f: {  	[sflag:s21] =	ssyncadd.s32 $0xFFFFD800  }
0x130: {  	[spmem:s2] =	stream.indirect.scatter.add.f32 [tilespmem:s18], [sflag:$0x4], $0x80, s8, s16, $0xb8;
	[tilespmem:$0x1C400] =	vst v63  }
0x131: {  	v1 =	vld [tilespmem:$0xE80];
	_ =	sdelay $0x7  }
0x132: {  	[tilespmem:v1+s14+$0x0] =	vst.idx.add.f32.msk $0xffff, v0  }
0x133: {  	v1 =	vld [tilespmem:$0xE90];
	_ =	sdelay $0x7  }
0x134: {  	[tilespmem:v1+s14+$0x0] =	vst.idx.add.f32.msk $0xffff, v0  }
0x135: {  	v1 =	vld [tilespmem:$0xEA0];
	_ =	sdelay $0x7  }
0x136: {  	[tilespmem:v1+s14+$0x0] =	vst.idx.add.f32.msk $0xffff, v0  }
0x137: {  	v1 =	vld [tilespmem:$0xEB0];
	_ =	sdelay $0x7  }
0x138: {  	[tilespmem:v1+s14+$0x0] =	vst.idx.add.f32.msk $0xffff, v0  }
0x139: {  	v1 =	vld [tilespmem:$0xEC0];
	_ =	sdelay $0x7  }
0x13a: {  	[tilespmem:v1+s14+$0x0] =	vst.idx.add.f32.msk $0xffff, v0  }
0x13b: {  	_ =	swait.ge [sflag:s22], $0x2800  }
0x13c: {  	[sflag:s22] =	ssyncset.done $0x0  }
0x13d: {  	[sflag:s22] =	ssyncadd.s32 $0xFFFFD800  }
0x13e: {  	[tilespmem:s18], [sflag:$0x2] =	stream.indirect.gather [hbm4b:s1+s16], $0x80, s9, s16, $0xb8;
	[tilespmem:$0x1C400] =	vst v63  }
0x13f: {  	_ =	swait.ge [sflag:s19], $0x2800  }
0x140: {  	[sflag:s19] =	ssyncset.done $0x0  }
0x141: {  	[sflag:s19] =	ssyncadd.s32 $0xFFFFD800  }
0x142: {  	[spmem:s2] =	stream.indirect.scatter.add.f32 [tilespmem:s17], [sflag:$0x3], $0x80, s10, s16, $0xb8;
	[tilespmem:$0x1C400] =	vst v63  }
0x143: {  	v1 =	vld [tilespmem:$0xF00];
	_ =	sdelay $0x7  }
0x144: {  	[tilespmem:v1+s14+$0x0] =	vst.idx.add.f32.msk $0xffff, v0  }
0x145: {  	v1 =	vld [tilespmem:$0xF10];
	_ =	sdelay $0x7  }
0x146: {  	[tilespmem:v1+s14+$0x0] =	vst.idx.add.f32.msk $0xffff, v0  }
0x147: {  	v1 =	vld [tilespmem:$0xF20];
	_ =	sdelay $0x7  }
0x148: {  	[tilespmem:v1+s14+$0x0] =	vst.idx.add.f32.msk $0xffff, v0  }
0x149: {  	v1 =	vld [tilespmem:$0xF30];
	_ =	sdelay $0x7  }
0x14a: {  	[tilespmem:v1+s14+$0x0] =	vst.idx.add.f32.msk $0xffff, v0  }
0x14b: {  	v1 =	vld [tilespmem:$0xF40];
	_ =	sdelay $0x7  }
0x14c: {  	[tilespmem:v1+s14+$0x0] =	vst.idx.add.f32.msk $0xffff, v0  }
0x14d: {  	_ =	swait.ge [sflag:s21], $0x2800  }
0x14e: {  	[sflag:s21] =	ssyncset.done $0x0  }
0x14f: {  	[sflag:s21] =	ssyncadd.s32 $0xFFFFD800  }
0x150: {  	[spmem:s2] =	stream.indirect.scatter.add.f32 [tilespmem:s18], [sflag:$0x4], $0x80, s11, s16, $0xb8;
	[tilespmem:$0x1C400] =	vst v63  }
0x151: {  	v1 =	vld [tilespmem:$0xF80];
	_ =	sdelay $0x7  }
0x152: {  	[tilespmem:v1+s14+$0x0] =	vst.idx.add.f32.msk $0xffff, v0  }
0x153: {  	v1 =	vld [tilespmem:$0xF90];
	_ =	sdelay $0x7  }
0x154: {  	[tilespmem:v1+s14+$0x0] =	vst.idx.add.f32.msk $0xffff, v0  }
0x155: {  	v1 =	vld [tilespmem:$0xFA0];
	_ =	sdelay $0x7  }
0x156: {  	[tilespmem:v1+s14+$0x0] =	vst.idx.add.f32.msk $0xffff, v0  }
0x157: {  	v1 =	vld [tilespmem:$0xFB0];
	_ =	sdelay $0x7  }
0x158: {  	[tilespmem:v1+s14+$0x0] =	vst.idx.add.f32.msk $0xffff, v0  }
0x159: {  	v1 =	vld [tilespmem:$0xFC0];
	_ =	sdelay $0x7  }
0x15a: {  	[tilespmem:v1+s14+$0x0] =	vst.idx.add.f32.msk $0xffff, v0  }
0x15b: {  	p1 =	sne.s32 s24, $0x700;
	_ =	swait.ge [sflag:s20], $0x2800  }
.Ltmp0:
0x15c: {  	[sflag:s20] =	ssyncset.done $0x0;
	(pc) =	sbr.rel @p1 .LBB2_2-.Ltmp0, $4  }
0x15d: {  	[sflag:s20] =	ssyncadd.s32 $0xFFFFD800  }
0x15e: {  	_ =	swait.ge [sflag:s22], $0x2800  }
0x15f: {  	[sflag:s22] =	ssyncset.done $0x0  }
0x160: {  	s24 =	sadd.s32 $0x100, s24;
	[sflag:s22] =	ssyncadd.s32 $0xFFFFD800  }
0x161: {  	[bflag:$0x0] =	sbarrier.arrive $0xFFFF  }
0x162: {  	s24 =	rddreg [dreg:$0x19]  }
0x163: {  	s25 =	rddreg [dreg:$0x1e]  }
0x164: {  	[hbm:s24], [sflag:s7] =	dma.local [spmem:s25], $0x2700  }
0x165: {  	_ =	swait.ge [sflag:s13], $0x2700  }
0x166: {  	[sflag:s13] =	ssyncset.done $0x0;
	s24 =	rddreg [dreg:$0x1a]  }
0x167: {  	s25 =	rddreg [dreg:$0x1f];
	[sflag:s13] =	ssyncadd.s32 $0xFFFFD900  }
0x168: {  	[hbm:s24], [sflag:s7] =	dma.local @!p0 [spmem:s25], $0x100  }
0x169: {  	s24 =	simm.s32 @!p0 $0x5  }
0x16a: {  	_ =	swait.ge @!p0 [sflag:s24], $0x100  }
0x16b: {  	[sflag:s24] =	ssyncset.done @!p0 $0x0  }
0x16c: {  	s25 =	rddreg [dreg:$0x1b];
	[sflag:s24] =	ssyncadd.s32 @!p0 $0xFFFFFF00  }
0x16d: {  	[hbm4b:s25+s4] =	stream.linear.scatter [tilespmem:s14], [sflag:$0x5], $0x2780, $0x38;
	[tilespmem:$0x1C400] =	vst v63  }
0x16e: {  	_ =	swait.ge [sflag:s13], $0x2780  }
0x16f: {  	s12 =	sadd.s32 $0x1, s12;
	s25 =	rddreg [dreg:$0x1c]  }
0x170: {  	p1 =	sne.s32 s12, s25  }
.Ltmp1:
0x171: {  	_ = 	snop;
	(pc) =	sbr.rel @p1 .LBB2_1-.Ltmp1, $3  }
0x172: {  	_ =	sdelay $0x1  }
0x173: {  	[sflag:s13] =	ssyncset.done $0x0  }
0x174: {  	[sflag:s13] =	ssyncadd.s32 $0xFFFFD880  }
0x175: {  	_ =	sfence.sel $0x180000  }
0x176: {  	[bflag:$0x0] =	sbarrier.arrive $0xFFFF  }
0x177: {  	_ =	strace $0x90000047  }
0x178: {  	s0 =	stileid.u32;
	[bflag:$0x2] =	sbarrier.arrive $0xFFFF  }
0x179: {  	p0 =	sne.s32 s0, $0x0;
	s0 =	rddreg [dreg:$0x4]  }
0x17a: {  	s0 =	sadd.s32 @!p0 $0x100000, s0  }
0x17b: {  	[sflag:s0] =	ssyncadd.tile.s32 @!p0 $0x1;
	_ =	shalt  }
.Lfunc_end2:
_tile_overlayer_lowered:
.L_overlay_start_2:
0x17c: {  	(tag) =	ssettag $0x2  }
0x17d: {  	s0 =	rddreg [dreg:$0x0];
	s2 =	stileid.u32  }
0x17e: {  	s1 =	rddreg [dreg:$0x1];
	p0 =	sne.s32 s2, $0x0  }
0x17f: {  	s3 =	rddreg [dreg:$0x2];
	[bflag:$0x3] =	sbarrier.arrive $0xFFFF;
	s2 =	simm.s32 @!p0 $0x1C05  }
0x180: {  	[timem:s3], [sflag:s2] =	dma.local @!p0 [hbm:s0], s1  }
0x181: {  	s0 =	simm.s32 @!p0 $0x5  }
0x182: {  	_ =	swait.ge @!p0 [sflag:s0], s1  }
0x183: {  	s1 =	ssub.s32 @!p0 $0x0, s1;
	[sflag:s0] =	ssyncset.done @!p0 $0x0  }
0x184: {  	[sflag:s0] =	ssyncadd.s32 @!p0 s1  }
0x185: {  	[bflag:$0x3] =	sbarrier.arrive $0xFFFF  }
0x186: {  	_ =	shalt  }

// kernel: sc_seg_sum_128.7.cloned.1.call-start
scs
__scs_entry_jumppad:
0x0: {  	(pc) =	sbr.rel $0x88, $3  }
0x1: {  	(tag) =	ssettag $0x0;
	lr =	simm.s32 $0x1  }
0x2: {  	[smem:$0x3F99] =	sst lr;
	_ =	strace $0xD0000000  }
0x3: {  	_ = 	snop  }
0x4: {  	_ = 	snop  }
0x5: {  	_ = 	snop  }
0x6: {  	_ = 	snop  }
0x7: {  	_ = 	snop  }
__scs_overlays_trampoline_lowered:
0x8: {  	[smem:$0x3FA8] =	sst s0  }
0x9: {  	[smem:$0x3FA9] =	sst s1  }
0xa: {  	[smem:$0x3FAA] =	sst s2  }
0xb: {  	[smem:$0x3FAB] =	sst s3  }
0xc: {  	[smem:$0x3FAC] =	sst s4  }
0xd: {  	[smem:$0x3FAD] =	sst s5  }
0xe: {  	[smem:$0x3FAE] =	sst s6  }
0xf: {  	[smem:$0x3FAF] =	sst s7  }
0x10: {  	[smem:$0x3FB0] =	sst s8  }
0x11: {  	[smem:$0x3FB1] =	sst s9;
	s0 =	simm.s32 @!p0 $0x0  }
0x12: {  	s1 =	sld [smem:$0x3F97];
	s0 =	simm.s32 @p0 $0x1  }
0x13: {  	[smem:$0x3FB2] =	sst s0;
	s0 =	simm.s32 @!p1 $0x0  }
0x14: {  	s2 =	sld [smem:$0x3F96];
	s0 =	simm.s32 @p1 $0x1  }
0x15: {  	[smem:$0x3FB3] =	sst s0;
	s0 =	simm.s32 @!p2 $0x0  }
0x16: {  	s3 =	sld [smem:$0x3FDB];
	s0 =	simm.s32 @p2 $0x1  }
0x17: {  	s4 =	simm.s32 $0x1BF5;
	[smem:$0x3FB5] =	sst s0  }
0x18: {  	s0 =	sld [smem:$0x3F98];
	_ =	swait.ge [sflag:s4], $0x0  }
0x19: {  	s7 =	sld [smem:$0x3F99]  }
0x1a: {  	s8 =	sadd.s32 $0xFFFFE003, lr  }
0x1b: {  	s9 =	sadd.s32 $0xFFFFFEF7, lr;
	s5 =	simm.s32 $0xFFFFFFFF;
	p2 =	slt.u32 s8, $0xFFFFF086  }
0x1c: {  	p1 =	slt.u32 s9, $0xF7A;
	s5 =	simm.s32 @!p2 $0x0  }
0x1d: {  	s5 =	simm.s32 @p1 $0x1;
	p0 =	seq.s32 s7, s2  }
0x1e: {  	s7 =	smul.u32 @!p0 $0xF7A, s2;
	p2 =	seq.s32 @!p0 s5, $0x0  }
0x1f: {  	s9 =	smul.u32 $0xF7A, s1;
	s8 =	simm.s32 @!p0 $0x1BF5;
	p2 =	por !p2, p0  }
0x20: {  	[sflag:s8] =	ssyncset.s32 @!p0 $0xFFFFF086;
	s6 =	sadd.s32 @!p0 s3, s7;
	s7 =	simm.s32 @!p0 $0x108  }
0x21: {  	s3 =	sadd.s32 s3, s9;
	s6 =	sadd.s32 @!p0 $0x88, s6;
	s7 =	simm.s32 @p2 $0x1082  }
0x22: {  	[simem:s7], [sflag:s8] =	dma.local @!p0 [hbm:s6], $0xF7A  }
0x23: {  	s9 =	sor.u32 $0xD0000000, s2;
	s6 =	simm.s32 $0x108;
	_ =	swait.ge @!p0 [sflag:s8], $0x0  }
0x24: {  	s3 =	sadd.s32 $0x88, s3;
	s6 =	simm.s32 @!p1 $0x1082;
	[sflag:s4] =	ssyncset.s32 $0xFFFFF086  }
0x25: {  	[simem:s6], [sflag:s4] =	dma.local [hbm:s3], $0xF7A  }
0x26: {  	[smem:$0x3F99] =	sst s1;
	(tag) =	ssettag s2;
	_ =	strace s9  }
0x27: {  	s1 =	sld [smem:$0x3FA9]  }
0x28: {  	s2 =	sld [smem:$0x3FAA]  }
0x29: {  	s4 =	sld [smem:$0x3FAC]  }
0x2a: {  	p0 =	seq.s32 s5, $0x0;
	s5 =	sld [smem:$0x3FAD]  }
0x2b: {  	s6 =	sld [smem:$0x3FAE]  }
0x2c: {  	s7 =	sld [smem:$0x3FAF]  }
0x2d: {  	s3 =	simm.s32 $0x108;
	s8 =	sld [smem:$0x3FB0]  }
0x2e: {  	s3 =	simm.s32 @!p0 $0x1082;
	s9 =	sld [smem:$0x3FB1]  }
0x2f: {  	lr =	sadd.s32 s0, s3;
	s0 =	sld [smem:$0x3FA8]  }
0x30: {  	s3 =	sld [smem:$0x3FAB]  }
0x31: {  	[smem:$0x3FB4] =	sst s10  }
0x32: {  	s10 =	sld [smem:$0x3FB2];
	_ =	sdelay $0x3  }
0x33: {  	p0 =	seq.s32 s10, $0x1;
	s10 =	sld [smem:$0x3FB4];
	_ =	sdelay $0x3  }
0x34: {  	[smem:$0x3FB4] =	sst s10  }
0x35: {  	s10 =	sld [smem:$0x3FB3];
	_ =	sdelay $0x3  }
0x36: {  	p1 =	seq.s32 s10, $0x1;
	s10 =	sld [smem:$0x3FB4];
	_ =	sdelay $0x3  }
0x37: {  	[smem:$0x3FB4] =	sst s10  }
0x38: {  	s10 =	sld [smem:$0x3FB5]  }
0x39: {  	_ = 	snop;
	(pc) =	sbr.ind lr, $3  }
0x3a: {  	_ = 	snop  }
0x3b: {  	_ = 	snop  }
0x3c: {  	p2 =	seq.s32 s10, $0x1;
	s10 =	sld [smem:$0x3FB4]  }
0x3d: {  	_ =	shalt  }
0x3e: {  	_ =	shalt  }
0x3f: {  	_ =	shalt  }
0x40: {  	_ =	shalt  }
0x41: {  	_ =	shalt  }
0x42: {  	_ =	shalt  }
0x43: {  	_ =	shalt  }
0x44: {  	_ =	shalt  }
0x45: {  	_ =	shalt  }
0x46: {  	_ =	shalt  }
0x47: {  	_ =	shalt  }
0x48: {  	_ =	shalt  }
0x49: {  	_ =	shalt  }
0x4a: {  	_ =	shalt  }
0x4b: {  	_ =	shalt  }
0x4c: {  	_ =	shalt  }
0x4d: {  	_ =	shalt  }
0x4e: {  	_ =	shalt  }
0x4f: {  	_ =	shalt  }
0x50: {  	_ =	shalt  }
0x51: {  	_ =	shalt  }
0x52: {  	_ =	shalt  }
0x53: {  	_ =	shalt  }
0x54: {  	_ =	shalt  }
0x55: {  	_ =	shalt  }
0x56: {  	_ =	shalt  }
0x57: {  	_ =	shalt  }
0x58: {  	_ =	shalt  }
0x59: {  	_ =	shalt  }
0x5a: {  	_ =	shalt  }
0x5b: {  	_ =	shalt  }
0x5c: {  	_ =	shalt  }
0x5d: {  	_ =	shalt  }
0x5e: {  	_ =	shalt  }
0x5f: {  	_ =	shalt  }
0x60: {  	_ =	shalt  }
0x61: {  	_ =	shalt  }
0x62: {  	_ =	shalt  }
0x63: {  	_ =	shalt  }
0x64: {  	_ =	shalt  }
0x65: {  	_ =	shalt  }
0x66: {  	_ =	shalt  }
0x67: {  	_ =	shalt  }
0x68: {  	_ =	shalt  }
0x69: {  	_ =	shalt  }
0x6a: {  	_ =	shalt  }
0x6b: {  	_ =	shalt  }
0x6c: {  	_ =	shalt  }
0x6d: {  	_ =	shalt  }
0x6e: {  	_ =	shalt  }
0x6f: {  	_ =	shalt  }
0x70: {  	_ =	shalt  }
0x71: {  	_ =	shalt  }
0x72: {  	_ =	shalt  }
0x73: {  	_ =	shalt  }
0x74: {  	_ =	shalt  }
0x75: {  	_ =	shalt  }
0x76: {  	_ =	shalt  }
0x77: {  	_ =	shalt  }
0x78: {  	_ =	shalt  }
0x79: {  	_ =	shalt  }
0x7a: {  	_ =	shalt  }
0x7b: {  	_ =	shalt  }
0x7c: {  	_ =	shalt  }
0x7d: {  	_ =	shalt  }
0x7e: {  	_ =	shalt  }
0x7f: {  	_ =	shalt  }
0x80: {  	_ =	shalt  }
0x81: {  	_ =	shalt  }
0x82: {  	_ =	shalt  }
0x83: {  	_ =	shalt  }
0x84: {  	_ =	shalt  }
0x85: {  	_ =	shalt  }
0x86: {  	_ =	shalt  }
0x87: {  	_ =	shalt  }
.Lfunc_end0:
.L_simem_size_0:
called_computation.1_lowered:
.L_overlay_start_0:
0x88: {  	s2 =	sld [smem:$0x3FD9]  }
0x89: {  	s3 =	sld [smem:$0x3FFE];
	_ =	sdelay $0x1  }
0x8a: {  	s1 =	srdreg.scid  }
0x8b: {  	s0 =	sand.u32 $0x1, s1  }
0x8c: {  	s16 =	sshll.u32 s0, $0xA;
	s2 =	sadd.s32 s3, s2  }
0x8d: {  	s2 =	sadd.s32 s2, s16  }
0x8e: {  	[smem:$0x3FC0] =	sst s2  }
0x8f: {  	_ = 	snop  }
0x90: {  	(tm) =	ssettm $0x1  }
0x91: {  	s17 =	sld [smem:$0x3FFB];
	_ =	sdelay $0x3  }
0x92: {  	_ =	strace s17  }
0x93: {  	s2 =	sld [smem:$0x3FFC];
	_ =	sdelay $0x3  }
0x94: {  	_ =	strace s2  }
0x95: {  	s2 =	sld [smem:$0x3FFD];
	_ =	sdelay $0x3  }
0x96: {  	_ =	strace s2  }
0x97: {  	_ =	strace $0x8FFFFFFF  }
0x98: {  	s18 =	sld [smem:$0x3FDB];
	_ =	sdelay $0x1  }
0x99: {  	s19 =	simm.s32 $_scs_section_size  }
0x9a: {  	s4 =	simm.s32 $_size__tile_overlayer_lowered;
	s5 =	simm.s32 $_tile_overlayer_lowered  }
0x9b: {  	s22 =	simm.s32 $0x1BFF;
	s21 =	sshll.u32 s5, $0x1;
	s2 =	sadd.s32 s19, s18  }
0x9c: {  	s6 =	simm.s32 $0x0;
	s20 =	sshll.u32 s4, $0x1;
	s4 =	sadd.s32 s21, s2  }
0x9d: {  	[timem:s6], [sflag:s22] =	dma.local [hbm:s4], s20  }
0x9e: {  	_ =	swait.ge [sflag:s22], s20  }
0x9f: {  	s3 =	ssub.s32 $0x0, s20;
	[sflag:s22] =	ssyncset.done $0x0  }
0xa0: {  	[sflag:s22] =	ssyncadd.s32 s3;
	_ =	sdelay $0x1  }
0xa1: {  	s23 =	simm.s32 $0x1B8B  }
0xa2: {  	_ =	swait.ge [sflag:s23], $0x1  }
0xa3: {  	[sflag:s23] =	ssyncset.done $0x0  }
0xa4: {  	s25 =	simm.s32 $0x1B8E;
	s24 =	sld [smem:$0x3FFE];
	[sflag:s23] =	ssyncadd.s32 $0xFFFFFFFF  }
0xa5: {  	s26 =	simm.s32 $execute0_lowered;
	[smem:$0x3FD2] =	sst s25  }
0xa6: {  	s4 =	sshll.u32 s26, $0x1;
	_ =	strace $0x80000049;
	[dreg:$0x1] =	wrdreg $0xFFFFFFFF  }
0xa7: {  	s28 =	simm.s32 $_size_execute0_lowered;
	s2 =	sadd.s32 s2, s4;
	[dreg:$0x0] =	wrdreg $0x0  }
0xa8: {  	s4 =	sshll.u32 s28, $0x1;
	[dreg:$0x2] =	wrdreg s2  }
0xa9: {  	[dreg:$0x3] =	wrdreg s4  }
0xaa: {  	[dreg:$0x4] =	wrdreg $0xC0  }
0xab: {  	_ =	task [dreg:s6], $0x5FFFF  }
0xac: {  	[dreg:$0x1] =	wrdreg $0xFFFFFFFF  }
0xad: {  	[dreg:$0x0] =	wrdreg $0x60  }
0xae: {  	[dreg:$0x2] =	wrdreg s24  }
0xaf: {  	[dreg:$0x3] =	wrdreg $0x60000  }
0xb0: {  	[dreg:$0x4] =	wrdreg $0x9  }
0xb1: {  	_ =	task.clear_ibuf [dreg:s6], $0x5FFFF;
	_ =	strace $0x90000049  }
0xb2: {  	s29 =	simm.s32 $0x9;
	_ =	strace $0x8000004B  }
0xb3: {  	_ =	swait.ge [sflag:s29], $0x1  }
0xb4: {  	[sflag:s29] =	ssyncadd.s32 $0xFFFFFFFF  }
0xb5: {  	_ =	strace $0x9000004B  }
0xb6: {  	_ =	sfence  }
0xb7: {  	s30 =	sld [smem:$0x0];
	_ =	sdelay $0x2  }
0xb8: {  	s31 =	sshll.u32 s1, $0xD;
	s1 =	sshrl.u32 s1, $0x2  }
0xb9: {  	s3 =	sand.u32 $0x4000, s31;
	s1 =	sadd.s32 s1, s30  }
0xba: {  	s0 =	sor.u32 s3, s0;
	s1 =	sshll.u32 s1, $0x11  }
0xbb: {  	s0 =	sor.u32 s1, s0  }
0xbc: {  	s0 =	sadd.s32 $0x8F2B, s0  }
0xbd: {  	[sflag:s0] =	ssyncadd.remote.s32 $0x1  }
0xbe: {  	_ =	sfence.sel $0xFFFF  }
0xbf: {  	[dreg:$0x0] =	wrdreg $0xFFFFFFFF;
	(pc) =	sbr.abs _section_cstart, $3  }
0xc0: {  	[dreg:$0x1] =	wrdreg $0xFFFFFFFF  }
0xc1: {  	_ =	task.clear_ibuf [dreg:s6], $0x2FFFF;
	_ =	strace $0x9FFFFFFF  }
0xc2: {  	(tm) =	ssettm $0x7FFFFFFF  }
0xc3: {  	_ =	shalt  }
tec
execute0_lowered:
.L_overlay_start_1:
0x0: {  	(tag) =	ssettag $0x1  }
0x1: {  	s0 =	rddreg [dreg:$0x0]  }
0x2: {  	s1 =	rddreg [dreg:$0x1];
	s2 =	srdreg.scid;
	s3 =	simm.s32 $0x0  }
0x3: {  	s23 =	stileid.u32;
	s22 =	simm.s32 $0x80;
	s25 =	simm.s32 $0x100  }
0x4: {  	s26 =	simm.s32 $0x880;
	s13 =	simm.s32 $0x200;
	s15 =	simm.s32 $0x980  }
0x5: {  	s16 =	simm.s32 $0x280;
	s17 =	simm.s32 $0xA00;
	s18 =	simm.s32 $0x300  }
0x6: {  	s28 =	simm.s32 $0xD00;
	s29 =	simm.s32 $0x600;
	s30 =	simm.s32 $0xD80  }
0x7: {  	s31 =	simm.s32 $0x680;
	[smem:$0x7FF] =	sst s3;
	s6 =	smul.u32 $0x2780, s23  }
0x8: {  	s8 =	smul.u32 $0x4F000, s23;
	_ =	strace $0x8000004A;
	[dreg:$0x5] =	wrdreg s22  }
0x9: {  	s2 =	sand.u32 $0x1, s2;
	s19 =	smul.u32 $0x4E000, s23;
	[dreg:$0x6] =	wrdreg s25  }
0xa: {  	s10 =	sshll.u32 s23, $0x6;
	s11 =	sshll.u32 s23, $0xB;
	[dreg:$0x7] =	wrdreg s26  }
0xb: {  	s12 =	smul.u32 $0x2700, s23;
	p0 =	sne.s32 s23, $0xF;
	[dreg:$0xa] =	wrdreg s13  }
0xc: {  	s23 =	simm.s32 $0xC80;
	s4 =	sshll.u32 s2, $0xF;
	[dreg:$0xb] =	wrdreg s15  }
0xd: {  	s7 =	ssub.s32 $0x2, s2;
	s20 =	smul.u32 $0x27100, s2;
	[dreg:$0xc] =	wrdreg s16  }
0xe: {  	s24 =	sor.u32 $0x1C05, s10;
	s2 =	smul.u32 $0x138800, s2;
	[dreg:$0xd] =	wrdreg s17  }
0xf: {  	s10 =	simm.s32 $0x180;
	s13 =	simm.s32 $0x50;
	[dreg:$0xe] =	wrdreg s18  }
0x10: {  	s15 =	simm.s32 $0x3800;
	s16 =	simm.s32 $0x1;
	s17 =	simm.s32 $0x3  }
0x11: {  	s22 =	simm.s32 $0x400;
	s18 =	simm.s32 $0x2;
	s25 =	simm.s32 $0xB80  }
0x12: {  	s5 =	sadd.s32 s4, s0;
	s4 =	sadd.s32 $0x49E00, s0;
	[dreg:$0x8] =	wrdreg s10  }
0x13: {  	s6 =	sadd.s32 s6, s0;
	s0 =	sadd.s32 $0x71000, s0;
	[dreg:$0x12] =	wrdreg s22  }
0x14: {  	s9 =	sshrl.u32 s7, $0x1;
	s8 =	sshrl.u32 s8, $0x2;
	[dreg:$0x13] =	wrdreg s25  }
0x15: {  	s22 =	simm.s32 $0x500;
	s25 =	simm.s32 $0x0;
	[dreg:$0x15] =	wrdreg s24  }
0x16: {  	s7 =	ssub.s32 s7, s9;
	s8 =	sadd.s32 s8, s1;
	s6 =	sadd.s32 $0x22000, s6  }
0x17: {  	s9 =	sshrl.u32 s19, $0x2;
	s5 =	sadd.s32 s11, s5;
	s2 =	sshrl.u32 s2, $0x3  }
0x18: {  	s11 =	simm.s32 $0x900;
	s19 =	simm.s32 $0xA80;
	[dreg:$0x14] =	wrdreg s6  }
0x19: {  	s9 =	sadd.s32 s9, s1;
	s6 =	sadd.s32 s12, s20;
	s21 =	sadd.s32 $0x12000, s5  }
0x1a: {  	s5 =	sadd.s32 $0x2000, s5;
	s12 =	smax.u32 s7, $0x1;
	[dreg:$0x9] =	wrdreg s11  }
0x1b: {  	s14 =	sshrl.u32 s8, $0x3;
	s11 =	simm.s32 $0x5;
	[dreg:$0xf] =	wrdreg s19  }
0x1c: {  	s20 =	simm.s32 $0x380;
	s19 =	simm.s32 $0x4;
	[dreg:$0x3] =	wrdreg s21  }
0x1d: {  	s7 =	simm.s32 $0x780;
	s8 =	simm.s32 $0xF00;
	[dreg:$0x4] =	wrdreg s5  }
0x1e: {  	s6 =	sadd.s32 s0, s6;
	s0 =	sadd.s32 s0, s2;
	[dreg:$0x18] =	wrdreg s12  }
0x1f: {  	[dreg:$0x19] =	wrdreg s14;
	s12 =	simm.s32 $0x800;
	s14 =	simm.s32 $0x1000  }
0x20: {  	[dreg:$0x10] =	wrdreg s20;
	s21 =	simm.s32 $0xB00;
	s20 =	simm.s32 $0x480  }
0x21: {  	s26 =	sshrl.u32 s9, $0x3;
	s2 =	simm.s32 $0x700;
	[dreg:$0x16] =	wrdreg s6  }
0x22: {  	s5 =	simm.s32 $0xE80;
	s9 =	simm.s32 $0xF80;
	[dreg:$0x11] =	wrdreg s21  }
0x23: {  	s6 =	sadd.s32 $0x138000, s1;
	s0 =	sadd.s32 $0x27000, s0;
	[dreg:$0x1a] =	wrdreg s26  }
0x24: {  	s21 =	simm.s32 $0xC00;
	[dreg:$0x17] =	wrdreg s0;
	s0 =	sshrl.u32 @!p0 s6, $0x3  }
0x25: {  	s26 =	simm.s32 $0x580;
	[dreg:$0x1b] =	wrdreg s0;
	s0 =	simm.s32 $0xE00  }
.LBB2_1:
0x26: {  	[dreg:$0x1c] =	wrdreg s25  }
0x27: {  	s6 =	rddreg [dreg:$0x14]  }
0x28: {  	s10 =	rddreg [dreg:$0x19]  }
0x29: {  	[spmem:s10], [sflag:s24] =	dma.local [hbm:s6], $0x2780  }
0x2a: {  	_ =	swait.ge [sflag:s11], $0x2780  }
0x2b: {  	[sflag:s11] =	ssyncset.done $0x0  }
0x2c: {  	[sflag:s11] =	ssyncadd.s32 $0xFFFFD880  }
0x2d: {  	[bflag:$0x0] =	sbarrier.arrive $0xFFFF  }
0x2e: {  	s24 =	rddreg [dreg:$0x4]  }
0x2f: {  	s6 =	sadd.s32 $0x0, s24  }
0x30: {  	[tilespmem:s3], [sflag:$0x5] =	stream.linear.gather [hbm4b:s6+s3], $0x800, $0x38;
	[tilespmem:$0x19C00] =	vst v63  }
0x31: {  	_ =	swait.ge [sflag:s11], $0x800  }
0x32: {  	s25 =	rddreg [dreg:$0x3];
	[sflag:s11] =	ssyncset.done $0x0  }
0x33: {  	[sflag:s11] =	ssyncadd.s32 $0xFFFFF800;
	s6 =	sadd.s32 $0x0, s25  }
0x34: {  	[tilespmem:s12], [sflag:$0x5] =	stream.linear.gather [hbm4b:s6+s3], $0x800, $0x38;
	[tilespmem:$0x19C00] =	vst v63  }
0x35: {  	_ =	swait.ge [sflag:s11], $0x800  }
0x36: {  	[sflag:s11] =	ssyncset.done $0x0  }
0x37: {  	[sflag:s11] =	ssyncadd.s32 $0xFFFFF800  }
0x38: {  	[tilespmem:s14], [sflag:$0x1] =	stream.indirect.gather [hbm4b:s4+s13], $0x80, s3, s13, $0xb8;
	[tilespmem:$0x19C00] =	vst v63  }
0x39: {  	s10 =	rddreg [dreg:$0x5]  }
0x3a: {  	[tilespmem:s15], [sflag:$0x2] =	stream.indirect.gather [hbm4b:s4+s13], $0x80, s10, s13, $0xb8;
	[tilespmem:$0x19C00] =	vst v63  }
0x3b: {  	_ =	swait.ge [sflag:s16], $0x2800  }
0x3c: {  	[sflag:s16] =	ssyncset.done $0x0  }
0x3d: {  	[sflag:s16] =	ssyncadd.s32 $0xFFFFD800  }
0x3e: {  	[spmem:s1] =	stream.indirect.scatter.add.f32 [tilespmem:s14], [sflag:$0x3], $0x80, s12, s13, $0xb8;
	[tilespmem:$0x19C00] =	vst v63  }
0x3f: {  	_ =	swait.ge [sflag:s17], $0x2800  }
0x40: {  	[sflag:s17] =	ssyncset.done $0x0  }
0x41: {  	s24 =	rddreg [dreg:$0x6];
	[sflag:s17] =	ssyncadd.s32 $0xFFFFD800  }
0x42: {  	[tilespmem:s14], [sflag:$0x1] =	stream.indirect.gather [hbm4b:s4+s13], $0x80, s24, s13, $0xb8;
	[tilespmem:$0x19C00] =	vst v63  }
0x43: {  	_ =	swait.ge [sflag:s18], $0x2800  }
0x44: {  	[sflag:s18] =	ssyncset.done $0x0  }
0x45: {  	s25 =	rddreg [dreg:$0x7];
	[sflag:s18] =	ssyncadd.s32 $0xFFFFD800  }
0x46: {  	[spmem:s1] =	stream.indirect.scatter.add.f32 [tilespmem:s15], [sflag:$0x4], $0x80, s25, s13, $0xb8;
	[tilespmem:$0x19C00] =	vst v63  }
0x47: {  	_ =	swait.ge [sflag:s19], $0x2800  }
0x48: {  	[sflag:s19] =	ssyncset.done $0x0  }
0x49: {  	s10 =	rddreg [dreg:$0x8];
	[sflag:s19] =	ssyncadd.s32 $0xFFFFD800  }
0x4a: {  	[tilespmem:s15], [sflag:$0x2] =	stream.indirect.gather [hbm4b:s4+s13], $0x80, s10, s13, $0xb8;
	[tilespmem:$0x19C00] =	vst v63  }
0x4b: {  	_ =	swait.ge [sflag:s16], $0x2800  }
0x4c: {  	[sflag:s16] =	ssyncset.done $0x0  }
0x4d: {  	s24 =	rddreg [dreg:$0x9];
	[sflag:s16] =	ssyncadd.s32 $0xFFFFD800  }
0x4e: {  	[spmem:s1] =	stream.indirect.scatter.add.f32 [tilespmem:s14], [sflag:$0x3], $0x80, s24, s13, $0xb8;
	[tilespmem:$0x19C00] =	vst v63  }
0x4f: {  	_ =	swait.ge [sflag:s17], $0x2800  }
0x50: {  	[sflag:s17] =	ssyncset.done $0x0  }
0x51: {  	s25 =	rddreg [dreg:$0xa];
	[sflag:s17] =	ssyncadd.s32 $0xFFFFD800  }
0x52: {  	[tilespmem:s14], [sflag:$0x1] =	stream.indirect.gather [hbm4b:s4+s13], $0x80, s25, s13, $0xb8;
	[tilespmem:$0x19C00] =	vst v63  }
0x53: {  	_ =	swait.ge [sflag:s18], $0x2800  }
0x54: {  	[sflag:s18] =	ssyncset.done $0x0  }
0x55: {  	s10 =	rddreg [dreg:$0xb];
	[sflag:s18] =	ssyncadd.s32 $0xFFFFD800  }
0x56: {  	[spmem:s1] =	stream.indirect.scatter.add.f32 [tilespmem:s15], [sflag:$0x4], $0x80, s10, s13, $0xb8;
	[tilespmem:$0x19C00] =	vst v63  }
0x57: {  	_ =	swait.ge [sflag:s19], $0x2800  }
0x58: {  	[sflag:s19] =	ssyncset.done $0x0  }
0x59: {  	s24 =	rddreg [dreg:$0xc];
	[sflag:s19] =	ssyncadd.s32 $0xFFFFD800  }
0x5a: {  	[tilespmem:s15], [sflag:$0x2] =	stream.indirect.gather [hbm4b:s4+s13], $0x80, s24, s13, $0xb8;
	[tilespmem:$0x19C00] =	vst v63  }
0x5b: {  	_ =	swait.ge [sflag:s16], $0x2800  }
0x5c: {  	[sflag:s16] =	ssyncset.done $0x0  }
0x5d: {  	s25 =	rddreg [dreg:$0xd];
	[sflag:s16] =	ssyncadd.s32 $0xFFFFD800  }
0x5e: {  	[spmem:s1] =	stream.indirect.scatter.add.f32 [tilespmem:s14], [sflag:$0x3], $0x80, s25, s13, $0xb8;
	[tilespmem:$0x19C00] =	vst v63  }
0x5f: {  	_ =	swait.ge [sflag:s17], $0x2800  }
0x60: {  	[sflag:s17] =	ssyncset.done $0x0  }
0x61: {  	s10 =	rddreg [dreg:$0xe];
	[sflag:s17] =	ssyncadd.s32 $0xFFFFD800  }
0x62: {  	[tilespmem:s14], [sflag:$0x1] =	stream.indirect.gather [hbm4b:s4+s13], $0x80, s10, s13, $0xb8;
	[tilespmem:$0x19C00] =	vst v63  }
0x63: {  	_ =	swait.ge [sflag:s18], $0x2800  }
0x64: {  	[sflag:s18] =	ssyncset.done $0x0  }
0x65: {  	s24 =	rddreg [dreg:$0xf];
	[sflag:s18] =	ssyncadd.s32 $0xFFFFD800  }
0x66: {  	[spmem:s1] =	stream.indirect.scatter.add.f32 [tilespmem:s15], [sflag:$0x4], $0x80, s24, s13, $0xb8;
	[tilespmem:$0x19C00] =	vst v63  }
0x67: {  	_ =	swait.ge [sflag:s19], $0x2800  }
0x68: {  	[sflag:s19] =	ssyncset.done $0x0  }
0x69: {  	s25 =	rddreg [dreg:$0x10];
	[sflag:s19] =	ssyncadd.s32 $0xFFFFD800  }
0x6a: {  	[tilespmem:s15], [sflag:$0x2] =	stream.indirect.gather [hbm4b:s4+s13], $0x80, s25, s13, $0xb8;
	[tilespmem:$0x19C00] =	vst v63  }
0x6b: {  	_ =	swait.ge [sflag:s16], $0x2800  }
0x6c: {  	[sflag:s16] =	ssyncset.done $0x0  }
0x6d: {  	s10 =	rddreg [dreg:$0x11];
	[sflag:s16] =	ssyncadd.s32 $0xFFFFD800  }
0x6e: {  	[spmem:s1] =	stream.indirect.scatter.add.f32 [tilespmem:s14], [sflag:$0x3], $0x80, s10, s13, $0xb8;
	[tilespmem:$0x19C00] =	vst v63  }
0x6f: {  	_ =	swait.ge [sflag:s17], $0x2800  }
0x70: {  	[sflag:s17] =	ssyncset.done $0x0  }
0x71: {  	s24 =	rddreg [dreg:$0x12];
	[sflag:s17] =	ssyncadd.s32 $0xFFFFD800  }
0x72: {  	[tilespmem:s14], [sflag:$0x1] =	stream.indirect.gather [hbm4b:s4+s13], $0x80, s24, s13, $0xb8;
	[tilespmem:$0x19C00] =	vst v63  }
0x73: {  	_ =	swait.ge [sflag:s18], $0x2800  }
0x74: {  	[sflag:s18] =	ssyncset.done $0x0  }
0x75: {  	s25 =	rddreg [dreg:$0x13];
	[sflag:s18] =	ssyncadd.s32 $0xFFFFD800  }
0x76: {  	[spmem:s1] =	stream.indirect.scatter.add.f32 [tilespmem:s15], [sflag:$0x4], $0x80, s25, s13, $0xb8;
	[tilespmem:$0x19C00] =	vst v63  }
0x77: {  	_ =	swait.ge [sflag:s19], $0x2800  }
0x78: {  	[sflag:s19] =	ssyncset.done $0x0  }
0x79: {  	[sflag:s19] =	ssyncadd.s32 $0xFFFFD800  }
0x7a: {  	[tilespmem:s15], [sflag:$0x2] =	stream.indirect.gather [hbm4b:s4+s13], $0x80, s20, s13, $0xb8;
	[tilespmem:$0x19C00] =	vst v63  }
0x7b: {  	_ =	swait.ge [sflag:s16], $0x2800  }
0x7c: {  	[sflag:s16] =	ssyncset.done $0x0  }
0x7d: {  	[sflag:s16] =	ssyncadd.s32 $0xFFFFD800  }
0x7e: {  	[spmem:s1] =	stream.indirect.scatter.add.f32 [tilespmem:s14], [sflag:$0x3], $0x80, s21, s13, $0xb8;
	[tilespmem:$0x19C00] =	vst v63  }
0x7f: {  	_ =	swait.ge [sflag:s17], $0x2800  }
0x80: {  	[sflag:s17] =	ssyncset.done $0x0  }
0x81: {  	[sflag:s17] =	ssyncadd.s32 $0xFFFFD800  }
0x82: {  	[tilespmem:s14], [sflag:$0x1] =	stream.indirect.gather [hbm4b:s4+s13], $0x80, s22, s13, $0xb8;
	[tilespmem:$0x19C00] =	vst v63  }
0x83: {  	_ =	swait.ge [sflag:s18], $0x2800  }
0x84: {  	[sflag:s18] =	ssyncset.done $0x0  }
0x85: {  	[sflag:s18] =	ssyncadd.s32 $0xFFFFD800  }
0x86: {  	[spmem:s1] =	stream.indirect.scatter.add.f32 [tilespmem:s15], [sflag:$0x4], $0x80, s23, s13, $0xb8;
	[tilespmem:$0x19C00] =	vst v63  }
0x87: {  	_ =	swait.ge [sflag:s19], $0x2800  }
0x88: {  	[sflag:s19] =	ssyncset.done $0x0  }
0x89: {  	[sflag:s19] =	ssyncadd.s32 $0xFFFFD800  }
0x8a: {  	[tilespmem:s15], [sflag:$0x2] =	stream.indirect.gather [hbm4b:s4+s13], $0x80, s26, s13, $0xb8;
	[tilespmem:$0x19C00] =	vst v63  }
0x8b: {  	_ =	swait.ge [sflag:s16], $0x2800  }
0x8c: {  	[sflag:s16] =	ssyncset.done $0x0  }
0x8d: {  	[sflag:s16] =	ssyncadd.s32 $0xFFFFD800  }
0x8e: {  	[spmem:s1] =	stream.indirect.scatter.add.f32 [tilespmem:s14], [sflag:$0x3], $0x80, s28, s13, $0xb8;
	[tilespmem:$0x19C00] =	vst v63  }
0x8f: {  	_ =	swait.ge [sflag:s17], $0x2800  }
0x90: {  	[sflag:s17] =	ssyncset.done $0x0  }
0x91: {  	[sflag:s17] =	ssyncadd.s32 $0xFFFFD800  }
0x92: {  	[tilespmem:s14], [sflag:$0x1] =	stream.indirect.gather [hbm4b:s4+s13], $0x80, s29, s13, $0xb8;
	[tilespmem:$0x19C00] =	vst v63  }
0x93: {  	_ =	swait.ge [sflag:s18], $0x2800  }
0x94: {  	[sflag:s18] =	ssyncset.done $0x0  }
0x95: {  	[sflag:s18] =	ssyncadd.s32 $0xFFFFD800  }
0x96: {  	[spmem:s1] =	stream.indirect.scatter.add.f32 [tilespmem:s15], [sflag:$0x4], $0x80, s30, s13, $0xb8;
	[tilespmem:$0x19C00] =	vst v63  }
0x97: {  	_ =	swait.ge [sflag:s19], $0x2800  }
0x98: {  	[sflag:s19] =	ssyncset.done $0x0  }
0x99: {  	[sflag:s19] =	ssyncadd.s32 $0xFFFFD800  }
0x9a: {  	[tilespmem:s15], [sflag:$0x2] =	stream.indirect.gather [hbm4b:s4+s13], $0x80, s31, s13, $0xb8;
	[tilespmem:$0x19C00] =	vst v63  }
0x9b: {  	_ =	swait.ge [sflag:s16], $0x2800  }
0x9c: {  	[sflag:s16] =	ssyncset.done $0x0  }
0x9d: {  	[sflag:s16] =	ssyncadd.s32 $0xFFFFD800  }
0x9e: {  	[spmem:s1] =	stream.indirect.scatter.add.f32 [tilespmem:s14], [sflag:$0x3], $0x80, s0, s13, $0xb8;
	[tilespmem:$0x19C00] =	vst v63  }
0x9f: {  	_ =	swait.ge [sflag:s17], $0x2800  }
0xa0: {  	[sflag:s17] =	ssyncset.done $0x0  }
0xa1: {  	[sflag:s17] =	ssyncadd.s32 $0xFFFFD800  }
0xa2: {  	[tilespmem:s14], [sflag:$0x1] =	stream.indirect.gather [hbm4b:s4+s13], $0x80, s2, s13, $0xb8;
	[tilespmem:$0x19C00] =	vst v63  }
0xa3: {  	_ =	swait.ge [sflag:s18], $0x2800  }
0xa4: {  	[sflag:s18] =	ssyncset.done $0x0  }
0xa5: {  	[sflag:s18] =	ssyncadd.s32 $0xFFFFD800  }
0xa6: {  	[spmem:s1] =	stream.indirect.scatter.add.f32 [tilespmem:s15], [sflag:$0x4], $0x80, s5, s13, $0xb8;
	[tilespmem:$0x19C00] =	vst v63  }
0xa7: {  	_ =	swait.ge [sflag:s19], $0x2800  }
0xa8: {  	[sflag:s19] =	ssyncset.done $0x0  }
0xa9: {  	[sflag:s19] =	ssyncadd.s32 $0xFFFFD800  }
0xaa: {  	[tilespmem:s15], [sflag:$0x2] =	stream.indirect.gather [hbm4b:s4+s13], $0x80, s7, s13, $0xb8;
	[tilespmem:$0x19C00] =	vst v63  }
0xab: {  	_ =	swait.ge [sflag:s16], $0x2800  }
0xac: {  	[sflag:s16] =	ssyncset.done $0x0  }
0xad: {  	[sflag:s16] =	ssyncadd.s32 $0xFFFFD800  }
0xae: {  	[spmem:s1] =	stream.indirect.scatter.add.f32 [tilespmem:s14], [sflag:$0x3], $0x80, s8, s13, $0xb8;
	[tilespmem:$0x19C00] =	vst v63  }
0xaf: {  	_ =	swait.ge [sflag:s18], $0x2800  }
0xb0: {  	[sflag:s18] =	ssyncset.done $0x0  }
0xb1: {  	[sflag:s18] =	ssyncadd.s32 $0xFFFFD800  }
0xb2: {  	[spmem:s1] =	stream.indirect.scatter.add.f32 [tilespmem:s15], [sflag:$0x4], $0x80, s9, s13, $0xb8;
	[tilespmem:$0x19C00] =	vst v63  }
0xb3: {  	_ =	swait.ge [sflag:s17], $0x2800  }
0xb4: {  	[sflag:s17] =	ssyncset.done $0x0  }
0xb5: {  	[sflag:s17] =	ssyncadd.s32 $0xFFFFD800  }
0xb6: {  	s24 =	simm.s32 $0x100;
	_ =	swait.ge [sflag:s19], $0x2800  }
0xb7: {  	s25 =	simm.s32 $0x200;
	s6 =	rddreg [dreg:$0x4];
	[sflag:s19] =	ssyncset.done $0x0  }
.LBB2_2:
0xb8: {  	[sflag:s19] =	ssyncadd.s32 $0xFFFFD800;
	s6 =	sadd.s32 s24, s6  }
0xb9: {  	[tilespmem:s3], [sflag:$0x5] =	stream.linear.gather [hbm4b:s6+s3], $0x800, $0x38;
	[tilespmem:$0x19C00] =	vst v63  }
0xba: {  	_ =	swait.ge [sflag:s11], $0x800  }
0xbb: {  	s6 =	rddreg [dreg:$0x3];
	[sflag:s11] =	ssyncset.done $0x0  }
0xbc: {  	[sflag:s11] =	ssyncadd.s32 $0xFFFFF800;
	s6 =	sadd.s32 s24, s6  }
0xbd: {  	[tilespmem:s12], [sflag:$0x5] =	stream.linear.gather [hbm4b:s6+s3], $0x800, $0x38;
	[tilespmem:$0x19C00] =	vst v63  }
0xbe: {  	_ =	swait.ge [sflag:s11], $0x800  }
0xbf: {  	[sflag:s11] =	ssyncset.done $0x0  }
0xc0: {  	s10 =	smov.u32 s25;
	[sflag:s11] =	ssyncadd.s32 $0xFFFFF800  }
0xc1: {  	[tilespmem:s14], [sflag:$0x1] =	stream.indirect.gather [hbm4b:s4+s13], $0x80, s3, s13, $0xb8;
	[tilespmem:$0x19C00] =	vst v63  }
0xc2: {  	s24 =	smov.u32 s10;
	s10 =	rddreg [dreg:$0x5]  }
0xc3: {  	[tilespmem:s15], [sflag:$0x2] =	stream.indirect.gather [hbm4b:s4+s13], $0x80, s10, s13, $0xb8;
	[tilespmem:$0x19C00] =	vst v63  }
0xc4: {  	_ =	swait.ge [sflag:s16], $0x2800  }
0xc5: {  	[sflag:s16] =	ssyncset.done $0x0  }
0xc6: {  	[sflag:s16] =	ssyncadd.s32 $0xFFFFD800  }
0xc7: {  	[spmem:s1] =	stream.indirect.scatter.add.f32 [tilespmem:s14], [sflag:$0x3], $0x80, s12, s13, $0xb8;
	[tilespmem:$0x19C00] =	vst v63  }
0xc8: {  	_ =	swait.ge [sflag:s17], $0x2800  }
0xc9: {  	[sflag:s17] =	ssyncset.done $0x0  }
0xca: {  	s10 =	rddreg [dreg:$0x6];
	[sflag:s17] =	ssyncadd.s32 $0xFFFFD800  }
0xcb: {  	[tilespmem:s14], [sflag:$0x1] =	stream.indirect.gather [hbm4b:s4+s13], $0x80, s10, s13, $0xb8;
	[tilespmem:$0x19C00] =	vst v63  }
0xcc: {  	_ =	swait.ge [sflag:s18], $0x2800  }
0xcd: {  	[sflag:s18] =	ssyncset.done $0x0  }
0xce: {  	s10 =	rddreg [dreg:$0x7];
	[sflag:s18] =	ssyncadd.s32 $0xFFFFD800  }
0xcf: {  	[spmem:s1] =	stream.indirect.scatter.add.f32 [tilespmem:s15], [sflag:$0x4], $0x80, s10, s13, $0xb8;
	[tilespmem:$0x19C00] =	vst v63  }
0xd0: {  	_ =	swait.ge [sflag:s19], $0x2800  }
0xd1: {  	[sflag:s19] =	ssyncset.done $0x0  }
0xd2: {  	s10 =	rddreg [dreg:$0x8];
	[sflag:s19] =	ssyncadd.s32 $0xFFFFD800  }
0xd3: {  	[tilespmem:s15], [sflag:$0x2] =	stream.indirect.gather [hbm4b:s4+s13], $0x80, s10, s13, $0xb8;
	[tilespmem:$0x19C00] =	vst v63  }
0xd4: {  	_ =	swait.ge [sflag:s16], $0x2800  }
0xd5: {  	[sflag:s16] =	ssyncset.done $0x0  }
0xd6: {  	s10 =	rddreg [dreg:$0x9];
	[sflag:s16] =	ssyncadd.s32 $0xFFFFD800  }
0xd7: {  	[spmem:s1] =	stream.indirect.scatter.add.f32 [tilespmem:s14], [sflag:$0x3], $0x80, s10, s13, $0xb8;
	[tilespmem:$0x19C00] =	vst v63  }
0xd8: {  	_ =	swait.ge [sflag:s17], $0x2800  }
0xd9: {  	[sflag:s17] =	ssyncset.done $0x0  }
0xda: {  	s10 =	rddreg [dreg:$0xa];
	[sflag:s17] =	ssyncadd.s32 $0xFFFFD800  }
0xdb: {  	[tilespmem:s14], [sflag:$0x1] =	stream.indirect.gather [hbm4b:s4+s13], $0x80, s10, s13, $0xb8;
	[tilespmem:$0x19C00] =	vst v63  }
0xdc: {  	_ =	swait.ge [sflag:s18], $0x2800  }
0xdd: {  	[sflag:s18] =	ssyncset.done $0x0  }
0xde: {  	s10 =	rddreg [dreg:$0xb];
	[sflag:s18] =	ssyncadd.s32 $0xFFFFD800  }
0xdf: {  	[spmem:s1] =	stream.indirect.scatter.add.f32 [tilespmem:s15], [sflag:$0x4], $0x80, s10, s13, $0xb8;
	[tilespmem:$0x19C00] =	vst v63  }
0xe0: {  	_ =	swait.ge [sflag:s19], $0x2800  }
0xe1: {  	[sflag:s19] =	ssyncset.done $0x0  }
0xe2: {  	s10 =	rddreg [dreg:$0xc];
	[sflag:s19] =	ssyncadd.s32 $0xFFFFD800  }
0xe3: {  	[tilespmem:s15], [sflag:$0x2] =	stream.indirect.gather [hbm4b:s4+s13], $0x80, s10, s13, $0xb8;
	[tilespmem:$0x19C00] =	vst v63  }
0xe4: {  	_ =	swait.ge [sflag:s16], $0x2800  }
0xe5: {  	[sflag:s16] =	ssyncset.done $0x0  }
0xe6: {  	s10 =	rddreg [dreg:$0xd];
	[sflag:s16] =	ssyncadd.s32 $0xFFFFD800  }
0xe7: {  	[spmem:s1] =	stream.indirect.scatter.add.f32 [tilespmem:s14], [sflag:$0x3], $0x80, s10, s13, $0xb8;
	[tilespmem:$0x19C00] =	vst v63  }
0xe8: {  	_ =	swait.ge [sflag:s17], $0x2800  }
0xe9: {  	[sflag:s17] =	ssyncset.done $0x0  }
0xea: {  	s10 =	rddreg [dreg:$0xe];
	[sflag:s17] =	ssyncadd.s32 $0xFFFFD800  }
0xeb: {  	[tilespmem:s14], [sflag:$0x1] =	stream.indirect.gather [hbm4b:s4+s13], $0x80, s10, s13, $0xb8;
	[tilespmem:$0x19C00] =	vst v63  }
0xec: {  	_ =	swait.ge [sflag:s18], $0x2800  }
0xed: {  	[sflag:s18] =	ssyncset.done $0x0  }
0xee: {  	s10 =	rddreg [dreg:$0xf];
	[sflag:s18] =	ssyncadd.s32 $0xFFFFD800  }
0xef: {  	[spmem:s1] =	stream.indirect.scatter.add.f32 [tilespmem:s15], [sflag:$0x4], $0x80, s10, s13, $0xb8;
	[tilespmem:$0x19C00] =	vst v63  }
0xf0: {  	_ =	swait.ge [sflag:s19], $0x2800  }
0xf1: {  	[sflag:s19] =	ssyncset.done $0x0  }
0xf2: {  	s10 =	rddreg [dreg:$0x10];
	[sflag:s19] =	ssyncadd.s32 $0xFFFFD800  }
0xf3: {  	[tilespmem:s15], [sflag:$0x2] =	stream.indirect.gather [hbm4b:s4+s13], $0x80, s10, s13, $0xb8;
	[tilespmem:$0x19C00] =	vst v63  }
0xf4: {  	_ =	swait.ge [sflag:s16], $0x2800  }
0xf5: {  	[sflag:s16] =	ssyncset.done $0x0  }
0xf6: {  	s10 =	rddreg [dreg:$0x11];
	[sflag:s16] =	ssyncadd.s32 $0xFFFFD800  }
0xf7: {  	[spmem:s1] =	stream.indirect.scatter.add.f32 [tilespmem:s14], [sflag:$0x3], $0x80, s10, s13, $0xb8;
	[tilespmem:$0x19C00] =	vst v63  }
0xf8: {  	_ =	swait.ge [sflag:s17], $0x2800  }
0xf9: {  	[sflag:s17] =	ssyncset.done $0x0  }
0xfa: {  	s10 =	rddreg [dreg:$0x12];
	[sflag:s17] =	ssyncadd.s32 $0xFFFFD800  }
0xfb: {  	[tilespmem:s14], [sflag:$0x1] =	stream.indirect.gather [hbm4b:s4+s13], $0x80, s10, s13, $0xb8;
	[tilespmem:$0x19C00] =	vst v63  }
0xfc: {  	_ =	swait.ge [sflag:s18], $0x2800  }
0xfd: {  	[sflag:s18] =	ssyncset.done $0x0  }
0xfe: {  	s10 =	rddreg [dreg:$0x13];
	[sflag:s18] =	ssyncadd.s32 $0xFFFFD800  }
0xff: {  	[spmem:s1] =	stream.indirect.scatter.add.f32 [tilespmem:s15], [sflag:$0x4], $0x80, s10, s13, $0xb8;
	[tilespmem:$0x19C00] =	vst v63  }
0x100: {  	_ =	swait.ge [sflag:s19], $0x2800  }
0x101: {  	[sflag:s19] =	ssyncset.done $0x0  }
0x102: {  	[sflag:s19] =	ssyncadd.s32 $0xFFFFD800  }
0x103: {  	[tilespmem:s15], [sflag:$0x2] =	stream.indirect.gather [hbm4b:s4+s13], $0x80, s20, s13, $0xb8;
	[tilespmem:$0x19C00] =	vst v63  }
0x104: {  	_ =	swait.ge [sflag:s16], $0x2800  }
0x105: {  	[sflag:s16] =	ssyncset.done $0x0  }
0x106: {  	[sflag:s16] =	ssyncadd.s32 $0xFFFFD800  }
0x107: {  	[spmem:s1] =	stream.indirect.scatter.add.f32 [tilespmem:s14], [sflag:$0x3], $0x80, s21, s13, $0xb8;
	[tilespmem:$0x19C00] =	vst v63  }
0x108: {  	_ =	swait.ge [sflag:s17], $0x2800  }
0x109: {  	[sflag:s17] =	ssyncset.done $0x0  }
0x10a: {  	[sflag:s17] =	ssyncadd.s32 $0xFFFFD800  }
0x10b: {  	[tilespmem:s14], [sflag:$0x1] =	stream.indirect.gather [hbm4b:s4+s13], $0x80, s22, s13, $0xb8;
	[tilespmem:$0x19C00] =	vst v63  }
0x10c: {  	_ =	swait.ge [sflag:s18], $0x2800  }
0x10d: {  	[sflag:s18] =	ssyncset.done $0x0  }
0x10e: {  	[sflag:s18] =	ssyncadd.s32 $0xFFFFD800  }
0x10f: {  	[spmem:s1] =	stream.indirect.scatter.add.f32 [tilespmem:s15], [sflag:$0x4], $0x80, s23, s13, $0xb8;
	[tilespmem:$0x19C00] =	vst v63  }
0x110: {  	_ =	swait.ge [sflag:s19], $0x2800  }
0x111: {  	[sflag:s19] =	ssyncset.done $0x0  }
0x112: {  	[sflag:s19] =	ssyncadd.s32 $0xFFFFD800  }
0x113: {  	[tilespmem:s15], [sflag:$0x2] =	stream.indirect.gather [hbm4b:s4+s13], $0x80, s26, s13, $0xb8;
	[tilespmem:$0x19C00] =	vst v63  }
0x114: {  	_ =	swait.ge [sflag:s16], $0x2800  }
0x115: {  	[sflag:s16] =	ssyncset.done $0x0  }
0x116: {  	[sflag:s16] =	ssyncadd.s32 $0xFFFFD800  }
0x117: {  	[spmem:s1] =	stream.indirect.scatter.add.f32 [tilespmem:s14], [sflag:$0x3], $0x80, s28, s13, $0xb8;
	[tilespmem:$0x19C00] =	vst v63  }
0x118: {  	_ =	swait.ge [sflag:s17], $0x2800  }
0x119: {  	[sflag:s17] =	ssyncset.done $0x0  }
0x11a: {  	[sflag:s17] =	ssyncadd.s32 $0xFFFFD800  }
0x11b: {  	[tilespmem:s14], [sflag:$0x1] =	stream.indirect.gather [hbm4b:s4+s13], $0x80, s29, s13, $0xb8;
	[tilespmem:$0x19C00] =	vst v63  }
0x11c: {  	_ =	swait.ge [sflag:s18], $0x2800  }
0x11d: {  	[sflag:s18] =	ssyncset.done $0x0  }
0x11e: {  	[sflag:s18] =	ssyncadd.s32 $0xFFFFD800  }
0x11f: {  	[spmem:s1] =	stream.indirect.scatter.add.f32 [tilespmem:s15], [sflag:$0x4], $0x80, s30, s13, $0xb8;
	[tilespmem:$0x19C00] =	vst v63  }
0x120: {  	_ =	swait.ge [sflag:s19], $0x2800  }
0x121: {  	[sflag:s19] =	ssyncset.done $0x0  }
0x122: {  	[sflag:s19] =	ssyncadd.s32 $0xFFFFD800  }
0x123: {  	[tilespmem:s15], [sflag:$0x2] =	stream.indirect.gather [hbm4b:s4+s13], $0x80, s31, s13, $0xb8;
	[tilespmem:$0x19C00] =	vst v63  }
0x124: {  	_ =	swait.ge [sflag:s16], $0x2800  }
0x125: {  	[sflag:s16] =	ssyncset.done $0x0  }
0x126: {  	[sflag:s16] =	ssyncadd.s32 $0xFFFFD800  }
0x127: {  	[spmem:s1] =	stream.indirect.scatter.add.f32 [tilespmem:s14], [sflag:$0x3], $0x80, s0, s13, $0xb8;
	[tilespmem:$0x19C00] =	vst v63  }
0x128: {  	_ =	swait.ge [sflag:s17], $0x2800  }
0x129: {  	[sflag:s17] =	ssyncset.done $0x0  }
0x12a: {  	[sflag:s17] =	ssyncadd.s32 $0xFFFFD800  }
0x12b: {  	[tilespmem:s14], [sflag:$0x1] =	stream.indirect.gather [hbm4b:s4+s13], $0x80, s2, s13, $0xb8;
	[tilespmem:$0x19C00] =	vst v63  }
0x12c: {  	_ =	swait.ge [sflag:s18], $0x2800  }
0x12d: {  	[sflag:s18] =	ssyncset.done $0x0  }
0x12e: {  	[sflag:s18] =	ssyncadd.s32 $0xFFFFD800  }
0x12f: {  	[spmem:s1] =	stream.indirect.scatter.add.f32 [tilespmem:s15], [sflag:$0x4], $0x80, s5, s13, $0xb8;
	[tilespmem:$0x19C00] =	vst v63  }
0x130: {  	_ =	swait.ge [sflag:s19], $0x2800  }
0x131: {  	[sflag:s19] =	ssyncset.done $0x0  }
0x132: {  	[sflag:s19] =	ssyncadd.s32 $0xFFFFD800  }
0x133: {  	[tilespmem:s15], [sflag:$0x2] =	stream.indirect.gather [hbm4b:s4+s13], $0x80, s7, s13, $0xb8;
	[tilespmem:$0x19C00] =	vst v63  }
0x134: {  	_ =	swait.ge [sflag:s16], $0x2800  }
0x135: {  	[sflag:s16] =	ssyncset.done $0x0  }
0x136: {  	[sflag:s16] =	ssyncadd.s32 $0xFFFFD800  }
0x137: {  	[spmem:s1] =	stream.indirect.scatter.add.f32 [tilespmem:s14], [sflag:$0x3], $0x80, s8, s13, $0xb8;
	[tilespmem:$0x19C00] =	vst v63  }
0x138: {  	_ =	swait.ge [sflag:s18], $0x2800  }
0x139: {  	[sflag:s18] =	ssyncset.done $0x0  }
0x13a: {  	p1 =	sne.s32 s25, $0x700;
	[sflag:s18] =	ssyncadd.s32 $0xFFFFD800  }
0x13b: {  	[spmem:s1] =	stream.indirect.scatter.add.f32 [tilespmem:s15], [sflag:$0x4], $0x80, s9, s13, $0xb8;
	[tilespmem:$0x19C00] =	vst v63  }
.Ltmp0:
0x13c: {  	_ =	swait.ge [sflag:s17], $0x2800;
	(pc) =	sbr.rel @p1 .LBB2_2-.Ltmp0, $4  }
0x13d: {  	[sflag:s17] =	ssyncset.done $0x0  }
0x13e: {  	[sflag:s17] =	ssyncadd.s32 $0xFFFFD800  }
0x13f: {  	_ =	swait.ge [sflag:s19], $0x2800  }
0x140: {  	s25 =	sadd.s32 $0x100, s25;
	s6 =	rddreg [dreg:$0x4];
	[sflag:s19] =	ssyncset.done $0x0  }
0x141: {  	[sflag:s19] =	ssyncadd.s32 $0xFFFFD800;
	s6 =	sadd.s32 s24, s6  }
0x142: {  	[tilespmem:s3], [sflag:$0x5] =	stream.linear.gather [hbm4b:s6+s3], $0x800, $0x38;
	[tilespmem:$0x19C00] =	vst v63  }
0x143: {  	_ =	swait.ge [sflag:s11], $0x800  }
0x144: {  	s10 =	rddreg [dreg:$0x3];
	[sflag:s11] =	ssyncset.done $0x0  }
0x145: {  	s6 =	sadd.s32 s24, s10;
	[sflag:s11] =	ssyncadd.s32 $0xFFFFF800  }
0x146: {  	[tilespmem:s12], [sflag:$0x5] =	stream.linear.gather [hbm4b:s6+s3], $0x800, $0x38;
	[tilespmem:$0x19C00] =	vst v63  }
0x147: {  	_ =	swait.ge [sflag:s11], $0x800  }
0x148: {  	[sflag:s11] =	ssyncset.done $0x0  }
0x149: {  	[sflag:s11] =	ssyncadd.s32 $0xFFFFF800  }
0x14a: {  	[tilespmem:s14], [sflag:$0x1] =	stream.indirect.gather [hbm4b:s4+s13], $0x80, s3, s13, $0xb8;
	[tilespmem:$0x19C00] =	vst v63  }
0x14b: {  	s25 =	rddreg [dreg:$0x5]  }
0x14c: {  	[tilespmem:s15], [sflag:$0x2] =	stream.indirect.gather [hbm4b:s4+s13], $0x80, s25, s13, $0xb8;
	[tilespmem:$0x19C00] =	vst v63  }
0x14d: {  	_ =	swait.ge [sflag:s16], $0x2800  }
0x14e: {  	[sflag:s16] =	ssyncset.done $0x0  }
0x14f: {  	[sflag:s16] =	ssyncadd.s32 $0xFFFFD800  }
0x150: {  	[spmem:s1] =	stream.indirect.scatter.add.f32 [tilespmem:s14], [sflag:$0x3], $0x80, s12, s13, $0xb8;
	[tilespmem:$0x19C00] =	vst v63  }
0x151: {  	_ =	swait.ge [sflag:s17], $0x2800  }
0x152: {  	[sflag:s17] =	ssyncset.done $0x0  }
0x153: {  	s10 =	rddreg [dreg:$0x6];
	[sflag:s17] =	ssyncadd.s32 $0xFFFFD800  }
0x154: {  	[tilespmem:s14], [sflag:$0x1] =	stream.indirect.gather [hbm4b:s4+s13], $0x80, s10, s13, $0xb8;
	[tilespmem:$0x19C00] =	vst v63  }
0x155: {  	_ =	swait.ge [sflag:s18], $0x2800  }
0x156: {  	[sflag:s18] =	ssyncset.done $0x0  }
0x157: {  	s24 =	rddreg [dreg:$0x7];
	[sflag:s18] =	ssyncadd.s32 $0xFFFFD800  }
0x158: {  	[spmem:s1] =	stream.indirect.scatter.add.f32 [tilespmem:s15], [sflag:$0x4], $0x80, s24, s13, $0xb8;
	[tilespmem:$0x19C00] =	vst v63  }
0x159: {  	_ =	swait.ge [sflag:s19], $0x2800  }
0x15a: {  	[sflag:s19] =	ssyncset.done $0x0  }
0x15b: {  	s25 =	rddreg [dreg:$0x8];
	[sflag:s19] =	ssyncadd.s32 $0xFFFFD800  }
0x15c: {  	[tilespmem:s15], [sflag:$0x2] =	stream.indirect.gather [hbm4b:s4+s13], $0x80, s25, s13, $0xb8;
	[tilespmem:$0x19C00] =	vst v63  }
0x15d: {  	_ =	swait.ge [sflag:s16], $0x2800  }
0x15e: {  	[sflag:s16] =	ssyncset.done $0x0  }
0x15f: {  	s10 =	rddreg [dreg:$0x9];
	[sflag:s16] =	ssyncadd.s32 $0xFFFFD800  }
0x160: {  	[spmem:s1] =	stream.indirect.scatter.add.f32 [tilespmem:s14], [sflag:$0x3], $0x80, s10, s13, $0xb8;
	[tilespmem:$0x19C00] =	vst v63  }
0x161: {  	_ =	swait.ge [sflag:s17], $0x2800  }
0x162: {  	[sflag:s17] =	ssyncset.done $0x0  }
0x163: {  	s24 =	rddreg [dreg:$0xa];
	[sflag:s17] =	ssyncadd.s32 $0xFFFFD800  }
0x164: {  	[tilespmem:s14], [sflag:$0x1] =	stream.indirect.gather [hbm4b:s4+s13], $0x80, s24, s13, $0xb8;
	[tilespmem:$0x19C00] =	vst v63  }
0x165: {  	_ =	swait.ge [sflag:s18], $0x2800  }
0x166: {  	[sflag:s18] =	ssyncset.done $0x0  }
0x167: {  	s25 =	rddreg [dreg:$0xb];
	[sflag:s18] =	ssyncadd.s32 $0xFFFFD800  }
0x168: {  	[spmem:s1] =	stream.indirect.scatter.add.f32 [tilespmem:s15], [sflag:$0x4], $0x80, s25, s13, $0xb8;
	[tilespmem:$0x19C00] =	vst v63  }
0x169: {  	_ =	swait.ge [sflag:s19], $0x2800  }
0x16a: {  	[sflag:s19] =	ssyncset.done $0x0  }
0x16b: {  	s10 =	rddreg [dreg:$0xc];
	[sflag:s19] =	ssyncadd.s32 $0xFFFFD800  }
0x16c: {  	[tilespmem:s15], [sflag:$0x2] =	stream.indirect.gather [hbm4b:s4+s13], $0x80, s10, s13, $0xb8;
	[tilespmem:$0x19C00] =	vst v63  }
0x16d: {  	_ =	swait.ge [sflag:s16], $0x2800  }
0x16e: {  	[sflag:s16] =	ssyncset.done $0x0  }
0x16f: {  	s24 =	rddreg [dreg:$0xd];
	[sflag:s16] =	ssyncadd.s32 $0xFFFFD800  }
0x170: {  	[spmem:s1] =	stream.indirect.scatter.add.f32 [tilespmem:s14], [sflag:$0x3], $0x80, s24, s13, $0xb8;
	[tilespmem:$0x19C00] =	vst v63  }
0x171: {  	_ =	swait.ge [sflag:s17], $0x2800  }
0x172: {  	[sflag:s17] =	ssyncset.done $0x0  }
0x173: {  	s25 =	rddreg [dreg:$0xe];
	[sflag:s17] =	ssyncadd.s32 $0xFFFFD800  }
0x174: {  	[tilespmem:s14], [sflag:$0x1] =	stream.indirect.gather [hbm4b:s4+s13], $0x80, s25, s13, $0xb8;
	[tilespmem:$0x19C00] =	vst v63  }
0x175: {  	_ =	swait.ge [sflag:s18], $0x2800  }
0x176: {  	[sflag:s18] =	ssyncset.done $0x0  }
0x177: {  	s10 =	rddreg [dreg:$0xf];
	[sflag:s18] =	ssyncadd.s32 $0xFFFFD800  }
0x178: {  	[spmem:s1] =	stream.indirect.scatter.add.f32 [tilespmem:s15], [sflag:$0x4], $0x80, s10, s13, $0xb8;
	[tilespmem:$0x19C00] =	vst v63  }
0x179: {  	_ =	swait.ge [sflag:s19], $0x2800  }
0x17a: {  	[sflag:s19] =	ssyncset.done $0x0  }
0x17b: {  	s24 =	rddreg [dreg:$0x10];
	[sflag:s19] =	ssyncadd.s32 $0xFFFFD800  }
0x17c: {  	[tilespmem:s15], [sflag:$0x2] =	stream.indirect.gather [hbm4b:s4+s13], $0x80, s24, s13, $0xb8;
	[tilespmem:$0x19C00] =	vst v63  }
0x17d: {  	_ =	swait.ge [sflag:s16], $0x2800  }
0x17e: {  	[sflag:s16] =	ssyncset.done $0x0  }
0x17f: {  	s25 =	rddreg [dreg:$0x11];
	[sflag:s16] =	ssyncadd.s32 $0xFFFFD800  }
0x180: {  	[spmem:s1] =	stream.indirect.scatter.add.f32 [tilespmem:s14], [sflag:$0x3], $0x80, s25, s13, $0xb8;
	[tilespmem:$0x19C00] =	vst v63  }
0x181: {  	_ =	swait.ge [sflag:s17], $0x2800  }
0x182: {  	[sflag:s17] =	ssyncset.done $0x0  }
0x183: {  	s10 =	rddreg [dreg:$0x12];
	[sflag:s17] =	ssyncadd.s32 $0xFFFFD800  }
0x184: {  	[tilespmem:s14], [sflag:$0x1] =	stream.indirect.gather [hbm4b:s4+s13], $0x80, s10, s13, $0xb8;
	[tilespmem:$0x19C00] =	vst v63  }
0x185: {  	_ =	swait.ge [sflag:s18], $0x2800  }
0x186: {  	[sflag:s18] =	ssyncset.done $0x0  }
0x187: {  	s24 =	rddreg [dreg:$0x13];
	[sflag:s18] =	ssyncadd.s32 $0xFFFFD800  }
0x188: {  	[spmem:s1] =	stream.indirect.scatter.add.f32 [tilespmem:s15], [sflag:$0x4], $0x80, s24, s13, $0xb8;
	[tilespmem:$0x19C00] =	vst v63  }
0x189: {  	_ =	swait.ge [sflag:s19], $0x2800  }
0x18a: {  	[sflag:s19] =	ssyncset.done $0x0  }
0x18b: {  	[sflag:s19] =	ssyncadd.s32 $0xFFFFD800  }
0x18c: {  	[tilespmem:s15], [sflag:$0x2] =	stream.indirect.gather [hbm4b:s4+s13], $0x80, s20, s13, $0xb8;
	[tilespmem:$0x19C00] =	vst v63  }
0x18d: {  	_ =	swait.ge [sflag:s16], $0x2800  }
0x18e: {  	[sflag:s16] =	ssyncset.done $0x0  }
0x18f: {  	[sflag:s16] =	ssyncadd.s32 $0xFFFFD800  }
0x190: {  	[spmem:s1] =	stream.indirect.scatter.add.f32 [tilespmem:s14], [sflag:$0x3], $0x80, s21, s13, $0xb8;
	[tilespmem:$0x19C00] =	vst v63  }
0x191: {  	_ =	swait.ge [sflag:s17], $0x2800  }
0x192: {  	[sflag:s17] =	ssyncset.done $0x0  }
0x193: {  	[sflag:s17] =	ssyncadd.s32 $0xFFFFD800  }
0x194: {  	[tilespmem:s14], [sflag:$0x1] =	stream.indirect.gather [hbm4b:s4+s13], $0x80, s22, s13, $0xb8;
	[tilespmem:$0x19C00] =	vst v63  }
0x195: {  	_ =	swait.ge [sflag:s18], $0x2800  }
0x196: {  	[sflag:s18] =	ssyncset.done $0x0  }
0x197: {  	[sflag:s18] =	ssyncadd.s32 $0xFFFFD800  }
0x198: {  	[spmem:s1] =	stream.indirect.scatter.add.f32 [tilespmem:s15], [sflag:$0x4], $0x80, s23, s13, $0xb8;
	[tilespmem:$0x19C00] =	vst v63  }
0x199: {  	_ =	swait.ge [sflag:s19], $0x2800  }
0x19a: {  	[sflag:s19] =	ssyncset.done $0x0  }
0x19b: {  	[sflag:s19] =	ssyncadd.s32 $0xFFFFD800  }
0x19c: {  	[tilespmem:s15], [sflag:$0x2] =	stream.indirect.gather [hbm4b:s4+s13], $0x80, s26, s13, $0xb8;
	[tilespmem:$0x19C00] =	vst v63  }
0x19d: {  	_ =	swait.ge [sflag:s16], $0x2800  }
0x19e: {  	[sflag:s16] =	ssyncset.done $0x0  }
0x19f: {  	[sflag:s16] =	ssyncadd.s32 $0xFFFFD800  }
0x1a0: {  	[spmem:s1] =	stream.indirect.scatter.add.f32 [tilespmem:s14], [sflag:$0x3], $0x80, s28, s13, $0xb8;
	[tilespmem:$0x19C00] =	vst v63  }
0x1a1: {  	_ =	swait.ge [sflag:s17], $0x2800  }
0x1a2: {  	[sflag:s17] =	ssyncset.done $0x0  }
0x1a3: {  	[sflag:s17] =	ssyncadd.s32 $0xFFFFD800  }
0x1a4: {  	[tilespmem:s14], [sflag:$0x1] =	stream.indirect.gather [hbm4b:s4+s13], $0x80, s29, s13, $0xb8;
	[tilespmem:$0x19C00] =	vst v63  }
0x1a5: {  	_ =	swait.ge [sflag:s18], $0x2800  }
0x1a6: {  	[sflag:s18] =	ssyncset.done $0x0  }
0x1a7: {  	[sflag:s18] =	ssyncadd.s32 $0xFFFFD800  }
0x1a8: {  	[spmem:s1] =	stream.indirect.scatter.add.f32 [tilespmem:s15], [sflag:$0x4], $0x80, s30, s13, $0xb8;
	[tilespmem:$0x19C00] =	vst v63  }
0x1a9: {  	_ =	swait.ge [sflag:s19], $0x2800  }
0x1aa: {  	[sflag:s19] =	ssyncset.done $0x0  }
0x1ab: {  	[sflag:s19] =	ssyncadd.s32 $0xFFFFD800  }
0x1ac: {  	[tilespmem:s15], [sflag:$0x2] =	stream.indirect.gather [hbm4b:s4+s13], $0x80, s31, s13, $0xb8;
	[tilespmem:$0x19C00] =	vst v63  }
0x1ad: {  	_ =	swait.ge [sflag:s16], $0x2800  }
0x1ae: {  	[sflag:s16] =	ssyncset.done $0x0  }
0x1af: {  	[sflag:s16] =	ssyncadd.s32 $0xFFFFD800  }
0x1b0: {  	[spmem:s1] =	stream.indirect.scatter.add.f32 [tilespmem:s14], [sflag:$0x3], $0x80, s0, s13, $0xb8;
	[tilespmem:$0x19C00] =	vst v63  }
0x1b1: {  	_ =	swait.ge [sflag:s17], $0x2800  }
0x1b2: {  	[sflag:s17] =	ssyncset.done $0x0  }
0x1b3: {  	[sflag:s17] =	ssyncadd.s32 $0xFFFFD800  }
0x1b4: {  	[tilespmem:s14], [sflag:$0x1] =	stream.indirect.gather [hbm4b:s4+s13], $0x80, s2, s13, $0xb8;
	[tilespmem:$0x19C00] =	vst v63  }
0x1b5: {  	_ =	swait.ge [sflag:s18], $0x2800  }
0x1b6: {  	[sflag:s18] =	ssyncset.done $0x0  }
0x1b7: {  	[sflag:s18] =	ssyncadd.s32 $0xFFFFD800  }
0x1b8: {  	[spmem:s1] =	stream.indirect.scatter.add.f32 [tilespmem:s15], [sflag:$0x4], $0x80, s5, s13, $0xb8;
	[tilespmem:$0x19C00] =	vst v63  }
0x1b9: {  	_ =	swait.ge [sflag:s19], $0x2800  }
0x1ba: {  	[sflag:s19] =	ssyncset.done $0x0  }
0x1bb: {  	[sflag:s19] =	ssyncadd.s32 $0xFFFFD800  }
0x1bc: {  	[tilespmem:s15], [sflag:$0x2] =	stream.indirect.gather [hbm4b:s4+s13], $0x80, s7, s13, $0xb8;
	[tilespmem:$0x19C00] =	vst v63  }
0x1bd: {  	_ =	swait.ge [sflag:s16], $0x2800  }
0x1be: {  	[sflag:s16] =	ssyncset.done $0x0  }
0x1bf: {  	[sflag:s16] =	ssyncadd.s32 $0xFFFFD800  }
0x1c0: {  	[spmem:s1] =	stream.indirect.scatter.add.f32 [tilespmem:s14], [sflag:$0x3], $0x80, s8, s13, $0xb8;
	[tilespmem:$0x19C00] =	vst v63  }
0x1c1: {  	_ =	swait.ge [sflag:s18], $0x2800  }
0x1c2: {  	[sflag:s18] =	ssyncset.done $0x0  }
0x1c3: {  	[sflag:s18] =	ssyncadd.s32 $0xFFFFD800  }
0x1c4: {  	[spmem:s1] =	stream.indirect.scatter.add.f32 [tilespmem:s15], [sflag:$0x4], $0x80, s9, s13, $0xb8;
	[tilespmem:$0x19C00] =	vst v63  }
0x1c5: {  	_ =	swait.ge [sflag:s17], $0x2800  }
0x1c6: {  	[sflag:s17] =	ssyncset.done $0x0  }
0x1c7: {  	[sflag:s17] =	ssyncadd.s32 $0xFFFFD800  }
0x1c8: {  	_ =	swait.ge [sflag:s19], $0x2800  }
0x1c9: {  	[sflag:s19] =	ssyncset.done $0x0  }
0x1ca: {  	[sflag:s19] =	ssyncadd.s32 $0xFFFFD800  }
0x1cb: {  	[bflag:$0x0] =	sbarrier.arrive $0xFFFF  }
0x1cc: {  	s24 =	rddreg [dreg:$0x15]  }
0x1cd: {  	s25 =	rddreg [dreg:$0x16]  }
0x1ce: {  	s10 =	rddreg [dreg:$0x1a]  }
0x1cf: {  	[hbm:s25], [sflag:s24] =	dma.local [spmem:s10], $0x2700  }
0x1d0: {  	_ =	swait.ge [sflag:s11], $0x2700  }
0x1d1: {  	[sflag:s11] =	ssyncset.done $0x0;
	s6 =	rddreg [dreg:$0x17]  }
0x1d2: {  	s10 =	rddreg [dreg:$0x1b];
	[sflag:s11] =	ssyncadd.s32 $0xFFFFD900  }
0x1d3: {  	[hbm:s6], [sflag:s24] =	dma.local @!p0 [spmem:s10], $0x100  }
0x1d4: {  	s6 =	simm.s32 @!p0 $0x5  }
0x1d5: {  	_ =	swait.ge @!p0 [sflag:s6], $0x100  }
0x1d6: {  	s25 =	rddreg [dreg:$0x1c]  }
0x1d7: {  	s10 =	rddreg [dreg:$0x18];
	s25 =	sadd.s32 $0x1, s25  }
0x1d8: {  	p1 =	sne.s32 s25, s10  }
.Ltmp1:
0x1d9: {  	_ = 	snop;
	(pc) =	sbr.rel @p1 .LBB2_1-.Ltmp1, $3  }
0x1da: {  	_ =	sdelay $0x1  }
0x1db: {  	[sflag:s6] =	ssyncset.done @!p0 $0x0  }
0x1dc: {  	[sflag:s6] =	ssyncadd.s32 @!p0 $0xFFFFFF00  }
0x1dd: {  	_ =	sfence.sel $0x180000  }
0x1de: {  	[bflag:$0x0] =	sbarrier.arrive $0xFFFF  }
0x1df: {  	_ =	strace $0x9000004A  }
0x1e0: {  	s0 =	stileid.u32;
	[bflag:$0x2] =	sbarrier.arrive $0xFFFF  }
0x1e1: {  	p0 =	sne.s32 s0, $0x0;
	s0 =	rddreg [dreg:$0x2]  }
0x1e2: {  	s0 =	sadd.s32 @!p0 $0x100000, s0  }
0x1e3: {  	[sflag:s0] =	ssyncadd.tile.s32 @!p0 $0x1;
	_ =	shalt  }
.Lfunc_end2:
_tile_overlayer_lowered:
.L_overlay_start_2:
0x1e4: {  	(tag) =	ssettag $0x2  }
0x1e5: {  	s0 =	rddreg [dreg:$0x0];
	s2 =	stileid.u32  }
0x1e6: {  	s1 =	rddreg [dreg:$0x1];
	p0 =	sne.s32 s2, $0x0  }
0x1e7: {  	s3 =	rddreg [dreg:$0x2];
	[bflag:$0x3] =	sbarrier.arrive $0xFFFF;
	s2 =	simm.s32 @!p0 $0x1C05  }
0x1e8: {  	[timem:s3], [sflag:s2] =	dma.local @!p0 [hbm:s0], s1  }
0x1e9: {  	s0 =	simm.s32 @!p0 $0x5  }
0x1ea: {  	_ =	swait.ge @!p0 [sflag:s0], s1  }
0x1eb: {  	s1 =	ssub.s32 @!p0 $0x0, s1;
	[sflag:s0] =	ssyncset.done @!p0 $0x0  }
0x1ec: {  	[sflag:s0] =	ssyncadd.s32 @!p0 s1  }
0x1ed: {  	[bflag:$0x3] =	sbarrier.arrive $0xFFFF  }
0x1ee: {  	_ =	shalt  }

</sc_bundles>
